<compile_context>
chip_gen: v7x
topology: tpu7x:2x2x1
jax: 0.10.2.dev20260603
libtpu: 0.0.44.dev20260713+nightly
codegen_flags: <defaults>
</compile_context>

<pallas_src>
import functools

import jax
import jax.numpy as jnp
from jax import lax
from jax.experimental import pallas as pl
from jax.experimental.pallas import tpu as pltpu
from jax.experimental.pallas import tpu_sc as plsc

_B = 16
_K = 128
_LANES = 16
_NEG_INF_BITS = -8388608



def _sim_body(n_rows, tile_n, x1_ref, x2_ref, w_ref, b_ref, batch_ref,
              o_ref, cnt_ref):
    dims = (((1,), (0,)), ((), ()))
    e1 = lax.dot_general(x1_ref[...], w_ref[...], dims,
                         preferred_element_type=jnp.float32) + b_ref[...]
    e2 = lax.dot_general(x2_ref[...], w_ref[...], dims,
                         preferred_element_type=jnp.float32) + b_ref[...]
    s = e1 - e2 + 1e-6
    val = jnp.sqrt(jnp.sum(s * s, axis=1, keepdims=True))
    row0 = pl.program_id(0) * tile_n
    rid = row0 + lax.broadcasted_iota(jnp.int32, (tile_n, 1), 0)
    o_ref[...] = jnp.where(rid < n_rows, val, 0.0)
    @pl.when(pl.program_id(0) == 0)
    def _init():
        cnt_ref[...] = jnp.zeros_like(cnt_ref)
    b = jnp.where(rid < n_rows, batch_ref[...], _B)
    gid = lax.broadcasted_iota(jnp.int32, (1, _B), 1)
    cmp = (b == gid).astype(jnp.int32)
    cnt_ref[...] = cnt_ref[...] + jnp.sum(cmp, axis=0, keepdims=True)


def _pairwise_sim(x1, x2, w_emb, b_emb, batch32, tile_n=1024):
    n, d = x1.shape
    n_tiles = pl.cdiv(n, tile_n)
    n_pad = n_tiles * tile_n
    sim2d, counts = pl.pallas_call(
        functools.partial(_sim_body, n, tile_n),
        grid=(n_tiles,),
        in_specs=[
            pl.BlockSpec((tile_n, d), lambda i: (i, 0)),
            pl.BlockSpec((tile_n, d), lambda i: (i, 0)),
            pl.BlockSpec((d, d), lambda i: (0, 0)),
            pl.BlockSpec((1, d), lambda i: (0, 0)),
            pl.BlockSpec((tile_n, 1), lambda i: (i, 0)),
        ],
        out_specs=[
            pl.BlockSpec((tile_n, 1), lambda i: (i, 0)),
            pl.BlockSpec((1, _B), lambda i: (0, 0)),
        ],
        out_shape=[
            jax.ShapeDtypeStruct((n_pad, 1), jnp.float32),
            jax.ShapeDtypeStruct((1, _B), jnp.int32),
        ],
    )(x1, x2, w_emb, b_emb.reshape(1, d), batch32.reshape(n, 1))
    return sim2d.reshape(n_pad), counts.reshape(_B)



def _sc_topk_body(n_pad, sim_hbm, cnt_hbm, out_hbm,
                  sim_v, cnt_v, out_v, key_v):
    c = lax.axis_index("c")
    s = lax.axis_index("s")
    g = s * 2 + c

    @pl.when(g < _B)
    def _work():
        pltpu.sync_copy(sim_hbm, sim_v)
        pltpu.sync_copy(cnt_hbm, cnt_v)

        lanes = lax.iota(jnp.int32, _LANES)
        cnt = cnt_v[...]
        en_vec = plsc.cumsum(cnt)
        st_vec = en_vec - cnt
        start = jnp.int32(0)
        end = jnp.int32(0)
        for l in range(_B):
            start = jnp.where(g == l, st_vec[l], start)
            end = jnp.where(g == l, en_vec[l], end)
        n_g = end - start
        t0 = start // _LANES
        nv = (end + _LANES - 1) // _LANES - t0

        def compact(j, carry):
            base = (t0 + j) * _LANES
            k = plsc.bitcast(sim_v[pl.ds(base, _LANES)], jnp.int32)
            gl = lanes + base
            m = (gl >= start) & (gl < end)
            key_v[pl.ds(j * _LANES, _LANES)] = jnp.where(m, k, -1)
            return carry
        lax.fori_loop(0, nv, compact, 0)

        def count_ge(th):
            thv = jnp.full((_LANES,), th, dtype=jnp.int32)
            def cb(j, acc):
                kv = key_v[pl.ds(j * _LANES, _LANES)]
                return acc + plsc.all_reduce_population_count(kv >= thv)
            acc = lax.fori_loop(0, nv, cb, jnp.zeros((_LANES,), jnp.int32))
            return acc[0]

        def bs(i, lohi):
            lo, hi = lohi
            mid = lo + ((hi - lo) // 2) + ((hi - lo) & 1)
            pred = count_ge(mid) >= _K
            return (jnp.where(pred, mid, lo), jnp.where(pred, hi, mid - 1))
        v_k, _ = lax.fori_loop(0, 31, bs, (jnp.int32(0), jnp.int32(0x7FFFFFFF)))

        small = n_g < _K
        ext_th = jnp.where(small, jnp.int32(0), v_k + 1)
        fill_bits = jnp.where(small, _NEG_INF_BITS, v_k)
        fill_v = plsc.bitcast(jnp.full((_LANES,), fill_bits, dtype=jnp.int32),
                              jnp.float32)
        for r in range(_K // _LANES):
            out_v[pl.ds(r * _LANES, _LANES)] = fill_v

        thv = jnp.full((_LANES,), ext_th, dtype=jnp.int32)
        def extract(j, off):
            kv = key_v[pl.ds(j * _LANES, _LANES)]
            m = kv >= thv
            cum = plsc.cumsum(m.astype(jnp.int32))
            pos = off + cum - 1
            plsc.store_scatter(out_v, [pos], plsc.bitcast(kv, jnp.float32),
                               mask=m)
            return off + plsc.all_reduce_population_count(m)[0]
        lax.fori_loop(0, nv, extract, jnp.int32(0))

        pltpu.sync_copy(out_v, out_hbm.at[g])


def _sc_topk(sim, counts):
    n_pad = sim.shape[0]
    mesh = plsc.VectorSubcoreMesh(core_axis_name="c", subcore_axis_name="s")
    return pl.kernel(
        functools.partial(_sc_topk_body, n_pad),
        out_type=jax.ShapeDtypeStruct((_B, _K), jnp.float32),
        mesh=mesh,
        scratch_types=[
            pltpu.VMEM((n_pad,), jnp.float32),
            pltpu.VMEM((_LANES,), jnp.int32),
            pltpu.VMEM((_K,), jnp.float32),
            pltpu.VMEM((n_pad,), jnp.int32),
        ],
        compiler_params=pltpu.CompilerParams(needs_layout_passes=False),
    )(sim, counts)



def _mlp_body(cand_ref, w1_ref, b1_ref, w2_ref, b2_ref, o_ref):
    x = cand_ref[...]
    lane = lax.broadcasted_iota(jnp.int32, (_B, _K), 1)
    rank = jnp.zeros((_B, _K), jnp.int32)
    rv = x
    for d in range(1, _K):
        rv = jnp.roll(rv, -1, axis=1)
        gt = rv > x
        tie = (rv == x) & (lane >= _K - d)
        rank = rank + jnp.where(gt | tie, 1, 0)
    xs = jnp.where(rank == lane, x, 0.0)
    rv, rk = x, rank
    for d in range(1, _K):
        rv = jnp.roll(rv, -1, axis=1)
        rk = jnp.roll(rk, -1, axis=1)
        xs = xs + jnp.where(rk == lane, rv, 0.0)
    h = jnp.maximum(
        lax.dot_general(xs, w1_ref[...], (((1,), (0,)), ((), ())),
                        preferred_element_type=jnp.float32) + b1_ref[...], 0.0)
    o_ref[...] = lax.dot_general(h, w2_ref[...], (((1,), (0,)), ((), ())),
                                 preferred_element_type=jnp.float32) + b2_ref[...]


def _sort_mlp(cand, w1, b1, w2, b2):
    return pl.pallas_call(
        _mlp_body,
        out_shape=jax.ShapeDtypeStruct((_B, 1), jnp.float32),
    )(cand, w1, b1.reshape(1, -1), w2, b2.reshape(1, 1))



def kernel(x1, x2, batch, W_emb, b_emb, W1, b1, W2, b2):
    batch32 = batch.astype(jnp.int32)
    sim, counts = _pairwise_sim(x1, x2, W_emb, b_emb, batch32)
    cand = _sc_topk(sim, counts)
    return _sort_mlp(cand, W1, b1, W2, b2)

# --- scband reference (transcript-rebuilt; emitter-appended) ---
"""Pipeline reference for scband-graph-siamese-34548716929332 (READ-ONLY COPY).

The authoritative reference and input builder live on the scoring server;
editing this copy changes nothing except your own understanding.
"""

import jax, jax.numpy as jnp
import numpy as np

N = 50000
D = 512
B = 16
K = 128
H = 16


def setup_inputs(seed: int = 0) -> dict:
    key = jax.random.key(seed)
    ks = jax.random.split(key, 8)
    x1 = jax.random.normal(ks[0], (N, D), dtype=jnp.float32)
    x2 = jax.random.normal(ks[1], (N, D), dtype=jnp.float32)
    batch = jnp.sort(jax.random.randint(ks[2], (N,), 0, B)).astype(jnp.int64)
    W_emb = jax.random.normal(ks[3], (D, D), dtype=jnp.float32) / np.sqrt(D)
    b_emb = jnp.zeros((D,), dtype=jnp.float32)
    W1 = jax.random.normal(ks[4], (K, H), dtype=jnp.float32) / np.sqrt(K)
    b1 = jnp.zeros((H,), dtype=jnp.float32)
    W2 = jax.random.normal(ks[5], (H, 1), dtype=jnp.float32) / np.sqrt(H)
    b2 = jnp.zeros((1,), dtype=jnp.float32)
    return {"x1": x1, "x2": x2, "batch": batch, "W_emb": W_emb, "b_emb": b_emb, "W1": W1, "b1": b1, "W2": W2, "b2": b2}


def reference(x1, x2, batch, W_emb, b_emb, W1, b1, W2, b2):
    # embedding applied to each graph's node features (shared weights)
    e1 = x1 @ W_emb + b_emb
    e2 = x2 @ W_emb + b_emb
    # nn.PairwiseDistance(p=2, eps=1e-6): ||x1 - x2 + eps||_2 per node
    sim = jnp.sqrt(jnp.sum((e1 - e2 + 1e-6) ** 2, axis=1))  # [N]
    # per-graph top-k over node similarities (batch ids define graph membership)
    tops = []
    for g in range(B):
        masked = jnp.where(batch == g, sim, -jnp.inf)
        tv, _ = jax.lax.top_k(masked, K)
        tops.append(tv)
    x = jnp.stack(tops, axis=0)  # [B, K], matches torch.cat(...).t()
    # MLP(nlinear=2, in=K, hidden=H, out=1), dropout=0 (eval)
    h = jnp.maximum(x @ W1 + b1, 0.0)
    out = h @ W2 + b2  # [B, 1]
    return out

if __name__ == "__main__":
    import jax
    _d = setup_inputs()
    print(jax.jit(kernel)(*tuple(_d.values())))

</pallas_src>

<mosaic_0001>
#map = affine_map<(d0, d1) -> (0)>
#map1 = affine_map<(d0, d1) -> (0, 0)>
module attributes {stable_mosaic.version = 14 : i64} {
  func.func @_sc_topk_body(%arg0: i32, %arg1: i32, %arg2: memref<50176xf32, #tpu.memory_space<hbm>>, %arg3: memref<16xi32, #tpu.memory_space<hbm>>, %arg4: memref<16x128xf32, #tpu.memory_space<hbm>>, %arg5: memref<50176xf32, #tpu.memory_space<vmem>>, %arg6: memref<16xi32, #tpu.memory_space<vmem>>, %arg7: memref<128xf32, #tpu.memory_space<vmem>>, %arg8: memref<50176xi32, #tpu.memory_space<vmem>>) attributes {dimension_semantics = [#tpu.dimension_semantics<core_parallel>, #tpu.dimension_semantics<subcore_parallel>], iteration_bounds = array<i64: 2, 16>, scalar_prefetch = 0 : i64, scratch_operands = 4 : i64, tpu.core_type = #tpu.core_type<sc_vector_subcore>, window_params = [{transform_indices = #map}, {transform_indices = #map}, {transform_indices = #map1}]} {
    %mul3A = arith.constant 2 : i32
    %mul3A_0 = arith.muli %arg1, %mul3A : i32
    %add3A = arith.addi %mul3A_0, %arg0 : i32
    %lt3A = arith.constant 16 : i32
    %lt3A_1 = arith.cmpi slt, %add3A, %lt3A : i32
    %convert_element_type3A = arith.extui %lt3A_1 : i1 to i32
    %cond3A = arith.constant 0 : i32
    %cond3A_2 = arith.cmpi ne, %convert_element_type3A, %cond3A : i32
    scf.if %cond3A_2 {
      "tpu.region"() ({
        %run_scoped3A = tpu.sem_alloc : memref<!tpu.dma_semaphore, #tpu.memory_space<semaphore_mem>>
        tpu.enqueue_dma source(%arg2 : memref<50176xf32, #tpu.memory_space<hbm>>) target(%arg5 : memref<50176xf32, #tpu.memory_space<vmem>>) target_semaphore(%run_scoped3A : memref<!tpu.dma_semaphore, #tpu.memory_space<semaphore_mem>>)
        tpu.wait_dma2 semaphore(%run_scoped3A : memref<!tpu.dma_semaphore, #tpu.memory_space<semaphore_mem>>) src(%arg2 : memref<50176xf32, #tpu.memory_space<hbm>>) dst(%arg5 : memref<50176xf32, #tpu.memory_space<vmem>>)
        tpu.yield
      }) : () -> ()
      "tpu.region"() ({
        %run_scoped3A = tpu.sem_alloc : memref<!tpu.dma_semaphore, #tpu.memory_space<semaphore_mem>>
        tpu.enqueue_dma source(%arg3 : memref<16xi32, #tpu.memory_space<hbm>>) target(%arg6 : memref<16xi32, #tpu.memory_space<vmem>>) target_semaphore(%run_scoped3A : memref<!tpu.dma_semaphore, #tpu.memory_space<semaphore_mem>>)
        tpu.wait_dma2 semaphore(%run_scoped3A : memref<!tpu.dma_semaphore, #tpu.memory_space<semaphore_mem>>) src(%arg3 : memref<16xi32, #tpu.memory_space<hbm>>) dst(%arg6 : memref<16xi32, #tpu.memory_space<vmem>>)
        tpu.yield
      }) : () -> ()
      %iota3A = tpu.iota {dimensions = array<i32: 0>} : vector<16xi32>
      %get3A = arith.constant 0 : index
      %get3A_3 = tpu.vector_load %arg6[%get3A] {strides = array<i32>} : memref<16xi32, #tpu.memory_space<vmem>>, vector<16xi32>,
      %broadcast_in_dim3A = arith.constant true
      %broadcast_in_dim3A_4 = vector.broadcast %broadcast_in_dim3A : i1 to vector<16xi1>
      %masked_cumsum3A = tpu.scan <sum>, %get3A_3 masked %broadcast_in_dim3A_4 : vector<16xi32>, vector<16xi1> -> vector<16xi32>
      %sub3A = arith.subi %masked_cumsum3A, %get3A_3 : vector<16xi32>
      %eq3A = arith.constant 0 : i32
      %eq3A_5 = arith.cmpi eq, %add3A, %eq3A : i32
      %slice3A = vector.extract_strided_slice %sub3A {offsets = [0], sizes = [1], strides = [1]} : vector<16xi32> to vector<1xi32>
      %squeeze3A = vector.extract %slice3A[0] : i32 from vector<1xi32>
      %jit3A = arith.constant 0 : i32
      %select_n3A = arith.select %eq3A_5, %squeeze3A, %jit3A : i32
      %eq3A_6 = arith.constant 0 : i32
      %eq3A_7 = arith.cmpi eq, %add3A, %eq3A_6 : i32
      %slice3A_8 = vector.extract_strided_slice %masked_cumsum3A {offsets = [0], sizes = [1], strides = [1]} : vector<16xi32> to vector<1xi32>
      %squeeze3A_9 = vector.extract %slice3A_8[0] : i32 from vector<1xi32>
      %jit3A_10 = arith.constant 0 : i32
      %select_n3A_11 = arith.select %eq3A_7, %squeeze3A_9, %jit3A_10 : i32
      %eq3A_12 = arith.constant 1 : i32
      %eq3A_13 = arith.cmpi eq, %add3A, %eq3A_12 : i32
      %slice3A_14 = vector.extract_strided_slice %sub3A {offsets = [1], sizes = [1], strides = [1]} : vector<16xi32> to vector<1xi32>
      %squeeze3A_15 = vector.extract %slice3A_14[0] : i32 from vector<1xi32>
      %select_n3A_16 = arith.select %eq3A_13, %squeeze3A_15, %select_n3A : i32
      %eq3A_17 = arith.constant 1 : i32
      %eq3A_18 = arith.cmpi eq, %add3A, %eq3A_17 : i32
      %slice3A_19 = vector.extract_strided_slice %masked_cumsum3A {offsets = [1], sizes = [1], strides = [1]} : vector<16xi32> to vector<1xi32>
      %squeeze3A_20 = vector.extract %slice3A_19[0] : i32 from vector<1xi32>
      %select_n3A_21 = arith.select %eq3A_18, %squeeze3A_20, %select_n3A_11 : i32
      %eq3A_22 = arith.constant 2 : i32
      %eq3A_23 = arith.cmpi eq, %add3A, %eq3A_22 : i32
      %slice3A_24 = vector.extract_strided_slice %sub3A {offsets = [2], sizes = [1], strides = [1]} : vector<16xi32> to vector<1xi32>
      %squeeze3A_25 = vector.extract %slice3A_24[0] : i32 from vector<1xi32>
      %select_n3A_26 = arith.select %eq3A_23, %squeeze3A_25, %select_n3A_16 : i32
      %eq3A_27 = arith.constant 2 : i32
      %eq3A_28 = arith.cmpi eq, %add3A, %eq3A_27 : i32
      %slice3A_29 = vector.extract_strided_slice %masked_cumsum3A {offsets = [2], sizes = [1], strides = [1]} : vector<16xi32> to vector<1xi32>
      %squeeze3A_30 = vector.extract %slice3A_29[0] : i32 from vector<1xi32>
      %select_n3A_31 = arith.select %eq3A_28, %squeeze3A_30, %select_n3A_21 : i32
      %eq3A_32 = arith.constant 3 : i32
      %eq3A_33 = arith.cmpi eq, %add3A, %eq3A_32 : i32
      %slice3A_34 = vector.extract_strided_slice %sub3A {offsets = [3], sizes = [1], strides = [1]} : vector<16xi32> to vector<1xi32>
      %squeeze3A_35 = vector.extract %slice3A_34[0] : i32 from vector<1xi32>
      %select_n3A_36 = arith.select %eq3A_33, %squeeze3A_35, %select_n3A_26 : i32
      %eq3A_37 = arith.constant 3 : i32
      %eq3A_38 = arith.cmpi eq, %add3A, %eq3A_37 : i32
      %slice3A_39 = vector.extract_strided_slice %masked_cumsum3A {offsets = [3], sizes = [1], strides = [1]} : vector<16xi32> to vector<1xi32>
      %squeeze3A_40 = vector.extract %slice3A_39[0] : i32 from vector<1xi32>
      %select_n3A_41 = arith.select %eq3A_38, %squeeze3A_40, %select_n3A_31 : i32
      %eq3A_42 = arith.constant 4 : i32
      %eq3A_43 = arith.cmpi eq, %add3A, %eq3A_42 : i32
      %slice3A_44 = vector.extract_strided_slice %sub3A {offsets = [4], sizes = [1], strides = [1]} : vector<16xi32> to vector<1xi32>
      %squeeze3A_45 = vector.extract %slice3A_44[0] : i32 from vector<1xi32>
      %select_n3A_46 = arith.select %eq3A_43, %squeeze3A_45, %select_n3A_36 : i32
      %eq3A_47 = arith.constant 4 : i32
      %eq3A_48 = arith.cmpi eq, %add3A, %eq3A_47 : i32
      %slice3A_49 = vector.extract_strided_slice %masked_cumsum3A {offsets = [4], sizes = [1], strides = [1]} : vector<16xi32> to vector<1xi32>
      %squeeze3A_50 = vector.extract %slice3A_49[0] : i32 from vector<1xi32>
      %select_n3A_51 = arith.select %eq3A_48, %squeeze3A_50, %select_n3A_41 : i32
      %eq3A_52 = arith.constant 5 : i32
      %eq3A_53 = arith.cmpi eq, %add3A, %eq3A_52 : i32
      %slice3A_54 = vector.extract_strided_slice %sub3A {offsets = [5], sizes = [1], strides = [1]} : vector<16xi32> to vector<1xi32>
      %squeeze3A_55 = vector.extract %slice3A_54[0] : i32 from vector<1xi32>
      %select_n3A_56 = arith.select %eq3A_53, %squeeze3A_55, %select_n3A_46 : i32
      %eq3A_57 = arith.constant 5 : i32
      %eq3A_58 = arith.cmpi eq, %add3A, %eq3A_57 : i32
      %slice3A_59 = vector.extract_strided_slice %masked_cumsum3A {offsets = [5], sizes = [1], strides = [1]} : vector<16xi32> to vector<1xi32>
      %squeeze3A_60 = vector.extract %slice3A_59[0] : i32 from vector<1xi32>
      %select_n3A_61 = arith.select %eq3A_58, %squeeze3A_60, %select_n3A_51 : i32
      %eq3A_62 = arith.constant 6 : i32
      %eq3A_63 = arith.cmpi eq, %add3A, %eq3A_62 : i32
      %slice3A_64 = vector.extract_strided_slice %sub3A {offsets = [6], sizes = [1], strides = [1]} : vector<16xi32> to vector<1xi32>
      %squeeze3A_65 = vector.extract %slice3A_64[0] : i32 from vector<1xi32>
      %select_n3A_66 = arith.select %eq3A_63, %squeeze3A_65, %select_n3A_56 : i32
      %eq3A_67 = arith.constant 6 : i32
      %eq3A_68 = arith.cmpi eq, %add3A, %eq3A_67 : i32
      %slice3A_69 = vector.extract_strided_slice %masked_cumsum3A {offsets = [6], sizes = [1], strides = [1]} : vector<16xi32> to vector<1xi32>
      %squeeze3A_70 = vector.extract %slice3A_69[0] : i32 from vector<1xi32>
      %select_n3A_71 = arith.select %eq3A_68, %squeeze3A_70, %select_n3A_61 : i32
      %eq3A_72 = arith.constant 7 : i32
      %eq3A_73 = arith.cmpi eq, %add3A, %eq3A_72 : i32
      %slice3A_74 = vector.extract_strided_slice %sub3A {offsets = [7], sizes = [1], strides = [1]} : vector<16xi32> to vector<1xi32>
      %squeeze3A_75 = vector.extract %slice3A_74[0] : i32 from vector<1xi32>
      %select_n3A_76 = arith.select %eq3A_73, %squeeze3A_75, %select_n3A_66 : i32
      %eq3A_77 = arith.constant 7 : i32
      %eq3A_78 = arith.cmpi eq, %add3A, %eq3A_77 : i32
      %slice3A_79 = vector.extract_strided_slice %masked_cumsum3A {offsets = [7], sizes = [1], strides = [1]} : vector<16xi32> to vector<1xi32>
      %squeeze3A_80 = vector.extract %slice3A_79[0] : i32 from vector<1xi32>
      %select_n3A_81 = arith.select %eq3A_78, %squeeze3A_80, %select_n3A_71 : i32
      %eq3A_82 = arith.constant 8 : i32
      %eq3A_83 = arith.cmpi eq, %add3A, %eq3A_82 : i32
      %slice3A_84 = vector.extract_strided_slice %sub3A {offsets = [8], sizes = [1], strides = [1]} : vector<16xi32> to vector<1xi32>
      %squeeze3A_85 = vector.extract %slice3A_84[0] : i32 from vector<1xi32>
      %select_n3A_86 = arith.select %eq3A_83, %squeeze3A_85, %select_n3A_76 : i32
      %eq3A_87 = arith.constant 8 : i32
      %eq3A_88 = arith.cmpi eq, %add3A, %eq3A_87 : i32
      %slice3A_89 = vector.extract_strided_slice %masked_cumsum3A {offsets = [8], sizes = [1], strides = [1]} : vector<16xi32> to vector<1xi32>
      %squeeze3A_90 = vector.extract %slice3A_89[0] : i32 from vector<1xi32>
      %select_n3A_91 = arith.select %eq3A_88, %squeeze3A_90, %select_n3A_81 : i32
      %eq3A_92 = arith.constant 9 : i32
      %eq3A_93 = arith.cmpi eq, %add3A, %eq3A_92 : i32
      %slice3A_94 = vector.extract_strided_slice %sub3A {offsets = [9], sizes = [1], strides = [1]} : vector<16xi32> to vector<1xi32>
      %squeeze3A_95 = vector.extract %slice3A_94[0] : i32 from vector<1xi32>
      %select_n3A_96 = arith.select %eq3A_93, %squeeze3A_95, %select_n3A_86 : i32
      %eq3A_97 = arith.constant 9 : i32
      %eq3A_98 = arith.cmpi eq, %add3A, %eq3A_97 : i32
      %slice3A_99 = vector.extract_strided_slice %masked_cumsum3A {offsets = [9], sizes = [1], strides = [1]} : vector<16xi32> to vector<1xi32>
      %squeeze3A_100 = vector.extract %slice3A_99[0] : i32 from vector<1xi32>
      %select_n3A_101 = arith.select %eq3A_98, %squeeze3A_100, %select_n3A_91 : i32
      %eq3A_102 = arith.constant 10 : i32
      %eq3A_103 = arith.cmpi eq, %add3A, %eq3A_102 : i32
      %slice3A_104 = vector.extract_strided_slice %sub3A {offsets = [10], sizes = [1], strides = [1]} : vector<16xi32> to vector<1xi32>
      %squeeze3A_105 = vector.extract %slice3A_104[0] : i32 from vector<1xi32>
      %select_n3A_106 = arith.select %eq3A_103, %squeeze3A_105, %select_n3A_96 : i32
      %eq3A_107 = arith.constant 10 : i32
      %eq3A_108 = arith.cmpi eq, %add3A, %eq3A_107 : i32
      %slice3A_109 = vector.extract_strided_slice %masked_cumsum3A {offsets = [10], sizes = [1], strides = [1]} : vector<16xi32> to vector<1xi32>
      %squeeze3A_110 = vector.extract %slice3A_109[0] : i32 from vector<1xi32>
      %select_n3A_111 = arith.select %eq3A_108, %squeeze3A_110, %select_n3A_101 : i32
      %eq3A_112 = arith.constant 11 : i32
      %eq3A_113 = arith.cmpi eq, %add3A, %eq3A_112 : i32
      %slice3A_114 = vector.extract_strided_slice %sub3A {offsets = [11], sizes = [1], strides = [1]} : vector<16xi32> to vector<1xi32>
      %squeeze3A_115 = vector.extract %slice3A_114[0] : i32 from vector<1xi32>
      %select_n3A_116 = arith.select %eq3A_113, %squeeze3A_115, %select_n3A_106 : i32
      %eq3A_117 = arith.constant 11 : i32
      %eq3A_118 = arith.cmpi eq, %add3A, %eq3A_117 : i32
      %slice3A_119 = vector.extract_strided_slice %masked_cumsum3A {offsets = [11], sizes = [1], strides = [1]} : vector<16xi32> to vector<1xi32>
      %squeeze3A_120 = vector.extract %slice3A_119[0] : i32 from vector<1xi32>
      %select_n3A_121 = arith.select %eq3A_118, %squeeze3A_120, %select_n3A_111 : i32
      %eq3A_122 = arith.constant 12 : i32
      %eq3A_123 = arith.cmpi eq, %add3A, %eq3A_122 : i32
      %slice3A_124 = vector.extract_strided_slice %sub3A {offsets = [12], sizes = [1], strides = [1]} : vector<16xi32> to vector<1xi32>
      %squeeze3A_125 = vector.extract %slice3A_124[0] : i32 from vector<1xi32>
      %select_n3A_126 = arith.select %eq3A_123, %squeeze3A_125, %select_n3A_116 : i32
      %eq3A_127 = arith.constant 12 : i32
      %eq3A_128 = arith.cmpi eq, %add3A, %eq3A_127 : i32
      %slice3A_129 = vector.extract_strided_slice %masked_cumsum3A {offsets = [12], sizes = [1], strides = [1]} : vector<16xi32> to vector<1xi32>
      %squeeze3A_130 = vector.extract %slice3A_129[0] : i32 from vector<1xi32>
      %select_n3A_131 = arith.select %eq3A_128, %squeeze3A_130, %select_n3A_121 : i32
      %eq3A_132 = arith.constant 13 : i32
      %eq3A_133 = arith.cmpi eq, %add3A, %eq3A_132 : i32
      %slice3A_134 = vector.extract_strided_slice %sub3A {offsets = [13], sizes = [1], strides = [1]} : vector<16xi32> to vector<1xi32>
      %squeeze3A_135 = vector.extract %slice3A_134[0] : i32 from vector<1xi32>
      %select_n3A_136 = arith.select %eq3A_133, %squeeze3A_135, %select_n3A_126 : i32
      %eq3A_137 = arith.constant 13 : i32
      %eq3A_138 = arith.cmpi eq, %add3A, %eq3A_137 : i32
      %slice3A_139 = vector.extract_strided_slice %masked_cumsum3A {offsets = [13], sizes = [1], strides = [1]} : vector<16xi32> to vector<1xi32>
      %squeeze3A_140 = vector.extract %slice3A_139[0] : i32 from vector<1xi32>
      %select_n3A_141 = arith.select %eq3A_138, %squeeze3A_140, %select_n3A_131 : i32
      %eq3A_142 = arith.constant 14 : i32
      %eq3A_143 = arith.cmpi eq, %add3A, %eq3A_142 : i32
      %slice3A_144 = vector.extract_strided_slice %sub3A {offsets = [14], sizes = [1], strides = [1]} : vector<16xi32> to vector<1xi32>
      %squeeze3A_145 = vector.extract %slice3A_144[0] : i32 from vector<1xi32>
      %select_n3A_146 = arith.select %eq3A_143, %squeeze3A_145, %select_n3A_136 : i32
      %eq3A_147 = arith.constant 14 : i32
      %eq3A_148 = arith.cmpi eq, %add3A, %eq3A_147 : i32
      %slice3A_149 = vector.extract_strided_slice %masked_cumsum3A {offsets = [14], sizes = [1], strides = [1]} : vector<16xi32> to vector<1xi32>
      %squeeze3A_150 = vector.extract %slice3A_149[0] : i32 from vector<1xi32>
      %select_n3A_151 = arith.select %eq3A_148, %squeeze3A_150, %select_n3A_141 : i32
      %eq3A_152 = arith.constant 15 : i32
      %eq3A_153 = arith.cmpi eq, %add3A, %eq3A_152 : i32
      %slice3A_154 = vector.extract_strided_slice %sub3A {offsets = [15], sizes = [1], strides = [1]} : vector<16xi32> to vector<1xi32>
      %squeeze3A_155 = vector.extract %slice3A_154[0] : i32 from vector<1xi32>
      %select_n3A_156 = arith.select %eq3A_153, %squeeze3A_155, %select_n3A_146 : i32
      %eq3A_157 = arith.constant 15 : i32
      %eq3A_158 = arith.cmpi eq, %add3A, %eq3A_157 : i32
      %slice3A_159 = vector.extract_strided_slice %masked_cumsum3A {offsets = [15], sizes = [1], strides = [1]} : vector<16xi32> to vector<1xi32>
      %squeeze3A_160 = vector.extract %slice3A_159[0] : i32 from vector<1xi32>
      %select_n3A_161 = arith.select %eq3A_158, %squeeze3A_160, %select_n3A_151 : i32
      %sub3A_162 = arith.subi %select_n3A_161, %select_n3A_156 : i32
      %jit3A_163 = arith.constant 16 : i32
      %div3A = arith.divsi %select_n3A_156, %jit3A_163 : i32
      %sign3A = arith.constant 0 : i32
      %sign3A_164 = arith.cmpi sgt, %select_n3A_156, %sign3A : i32
      %sign3A_165 = arith.extui %sign3A_164 : i1 to i32
      %sign3A_166 = arith.constant 0 : i32
      %sign3A_167 = arith.cmpi slt, %select_n3A_156, %sign3A_166 : i32
      %sign3A_168 = arith.extui %sign3A_167 : i1 to i32
      %sign3A_169 = arith.subi %sign3A_165, %sign3A_168 : i32
      %sign3A_170 = arith.constant 0 : i32
      %sign3A_171 = arith.cmpi sgt, %jit3A_163, %sign3A_170 : i32
      %sign3A_172 = arith.extui %sign3A_171 : i1 to i32
      %sign3A_173 = arith.constant 0 : i32
      %sign3A_174 = arith.cmpi slt, %jit3A_163, %sign3A_173 : i32
      %sign3A_175 = arith.extui %sign3A_174 : i1 to i32
      %sign3A_176 = arith.subi %sign3A_172, %sign3A_175 : i32
      %ne3A = arith.cmpi ne, %sign3A_169, %sign3A_176 : i32
      %rem3A = arith.remsi %select_n3A_156, %jit3A_163 : i32
      %ne3A_177 = arith.constant 0 : i32
      %ne3A_178 = arith.cmpi ne, %rem3A, %ne3A_177 : i32
      %and3A = arith.andi %ne3A, %ne3A_178 : i1
      %sub3A_179 = arith.constant 1 : i32
      %sub3A_180 = arith.subi %div3A, %sub3A_179 : i32
      %select_n3A_181 = arith.select %and3A, %sub3A_180, %div3A : i32
      %add3A_182 = arith.constant 16 : i32
      %add3A_183 = arith.addi %select_n3A_161, %add3A_182 : i32
      %sub3A_184 = arith.constant 1 : i32
      %sub3A_185 = arith.subi %add3A_183, %sub3A_184 : i32
      %jit3A_186 = arith.constant 16 : i32
      %div3A_187 = arith.divsi %sub3A_185, %jit3A_186 : i32
      %sign3A_188 = arith.constant 0 : i32
      %sign3A_189 = arith.cmpi sgt, %sub3A_185, %sign3A_188 : i32
      %sign3A_190 = arith.extui %sign3A_189 : i1 to i32
      %sign3A_191 = arith.constant 0 : i32
      %sign3A_192 = arith.cmpi slt, %sub3A_185, %sign3A_191 : i32
      %sign3A_193 = arith.extui %sign3A_192 : i1 to i32
      %sign3A_194 = arith.subi %sign3A_190, %sign3A_193 : i32
      %sign3A_195 = arith.constant 0 : i32
      %sign3A_196 = arith.cmpi sgt, %jit3A_186, %sign3A_195 : i32
      %sign3A_197 = arith.extui %sign3A_196 : i1 to i32
      %sign3A_198 = arith.constant 0 : i32
      %sign3A_199 = arith.cmpi slt, %jit3A_186, %sign3A_198 : i32
      %sign3A_200 = arith.extui %sign3A_199 : i1 to i32
      %sign3A_201 = arith.subi %sign3A_197, %sign3A_200 : i32
      %ne3A_202 = arith.cmpi ne, %sign3A_194, %sign3A_201 : i32
      %rem3A_203 = arith.remsi %sub3A_185, %jit3A_186 : i32
      %ne3A_204 = arith.constant 0 : i32
      %ne3A_205 = arith.cmpi ne, %rem3A_203, %ne3A_204 : i32
      %and3A_206 = arith.andi %ne3A_202, %ne3A_205 : i1
      %sub3A_207 = arith.constant 1 : i32
      %sub3A_208 = arith.subi %div3A_187, %sub3A_207 : i32
      %select_n3A_209 = arith.select %and3A_206, %sub3A_208, %div3A_187 : i32
      %sub3A_210 = arith.subi %select_n3A_209, %select_n3A_181 : i32
      %while3A = arith.constant 0 : i32
      %while3A_211 = arith.constant 0 : i32
      %while3A_212 = arith.subi %sub3A_210, %while3A_211 : i32
      %while3A_213 = arith.addi %while3A_211, %while3A_212 : i32
      %while3A_214 = arith.constant 1 : i32
      %while3A_215 = arith.divsi %while3A_212, %while3A_214 : i32
      %while3A_216 = arith.muli %while3A_215, %while3A_214 : i32
      %while3A_217 = arith.addi %while3A_211, %while3A_216 : i32
      %while3A_218 = arith.constant 1 : i32
      scf.for %while3A_264 = %while3A_211 to %while3A_217 step %while3A_218  : i32 {
        %add3A_265 = arith.addi %select_n3A_181, %while3A_264 : i32
        %mul3A_266 = arith.constant 16 : i32
        %mul3A_267 = arith.muli %add3A_265, %mul3A_266 : i32
        %get3A_268 = arith.index_cast %mul3A_267 : i32 to index
        %get3A_269 = tpu.vector_load %arg5[%get3A_268] {strides = array<i32>} : memref<50176xf32, #tpu.memory_space<vmem>>, vector<16xf32>,
        %bitcast3A_270 = vector.bitcast %get3A_269 : vector<16xf32> to vector<16xi32>
        %add3A_271 = vector.broadcast %mul3A_267 : i32 to vector<16xi32>
        %add3A_272 = arith.addi %iota3A, %add3A_271 : vector<16xi32>
        %ge3A = vector.broadcast %select_n3A_156 : i32 to vector<16xi32>
        %ge3A_273 = arith.cmpi sge, %add3A_272, %ge3A : vector<16xi32>
        %lt3A_274 = vector.broadcast %select_n3A_161 : i32 to vector<16xi32>
        %lt3A_275 = arith.cmpi slt, %add3A_272, %lt3A_274 : vector<16xi32>
        %and3A_276 = arith.andi %ge3A_273, %lt3A_275 : vector<16xi1>
        %jit3A_277 = arith.constant -1 : i32
        %broadcast_in_dim3A_278 = vector.broadcast %jit3A_277 : i32 to vector<16xi32>
        %select_n3A_279 = arith.select %and3A_276, %bitcast3A_270, %broadcast_in_dim3A_278 : vector<16xi1>, vector<16xi32>
        %mul3A_280 = arith.constant 16 : i32
        %mul3A_281 = arith.muli %while3A_264, %mul3A_280 : i32
        %swap3A_282 = arith.index_cast %mul3A_281 : i32 to index
        %swap3A_283 = tpu.vector_load %arg8[%swap3A_282] {strides = array<i32>} : memref<50176xi32, #tpu.memory_space<vmem>>, vector<16xi32>,
        tpu.vector_store %arg8[%swap3A_282], %select_n3A_279 {strides = array<i32>} : memref<50176xi32, #tpu.memory_space<vmem>>, vector<16xi32>,
      }
      %while3A_219 = arith.constant 1 : i32
      scf.for %while3A_264 = %while3A_217 to %while3A_213 step %while3A_219  : i32 {
        %add3A_265 = arith.addi %select_n3A_181, %while3A_264 : i32
        %mul3A_266 = arith.constant 16 : i32
        %mul3A_267 = arith.muli %add3A_265, %mul3A_266 : i32
        %get3A_268 = arith.index_cast %mul3A_267 : i32 to index
        %get3A_269 = tpu.vector_load %arg5[%get3A_268] {strides = array<i32>} : memref<50176xf32, #tpu.memory_space<vmem>>, vector<16xf32>,
        %bitcast3A_270 = vector.bitcast %get3A_269 : vector<16xf32> to vector<16xi32>
        %add3A_271 = vector.broadcast %mul3A_267 : i32 to vector<16xi32>
        %add3A_272 = arith.addi %iota3A, %add3A_271 : vector<16xi32>
        %ge3A = vector.broadcast %select_n3A_156 : i32 to vector<16xi32>
        %ge3A_273 = arith.cmpi sge, %add3A_272, %ge3A : vector<16xi32>
        %lt3A_274 = vector.broadcast %select_n3A_161 : i32 to vector<16xi32>
        %lt3A_275 = arith.cmpi slt, %add3A_272, %lt3A_274 : vector<16xi32>
        %and3A_276 = arith.andi %ge3A_273, %lt3A_275 : vector<16xi1>
        %jit3A_277 = arith.constant -1 : i32
        %broadcast_in_dim3A_278 = vector.broadcast %jit3A_277 : i32 to vector<16xi32>
        %select_n3A_279 = arith.select %and3A_276, %bitcast3A_270, %broadcast_in_dim3A_278 : vector<16xi1>, vector<16xi32>
        %mul3A_280 = arith.constant 16 : i32
        %mul3A_281 = arith.muli %while3A_264, %mul3A_280 : i32
        %swap3A_282 = arith.index_cast %mul3A_281 : i32 to index
        %swap3A_283 = tpu.vector_load %arg8[%swap3A_282] {strides = array<i32>} : memref<50176xi32, #tpu.memory_space<vmem>>, vector<16xi32>,
        tpu.vector_store %arg8[%swap3A_282], %select_n3A_279 {strides = array<i32>} : memref<50176xi32, #tpu.memory_space<vmem>>, vector<16xi32>,
      }
      %scan3A = arith.constant 0 : i32
      %scan3A_220 = arith.constant 2147483647 : i32
      %scan3A_221 = arith.constant 0 : i32
      %scan3A_222 = arith.constant 31 : i32
      %scan3A_223 = arith.addi %scan3A_221, %scan3A_222 : i32
      %scan3A_224 = arith.constant 1 : i32
      %scan3A_225:2 = scf.for %scan3A_264 = %scan3A_221 to %scan3A_223 step %scan3A_224 iter_args(%scan3A_265 = %scan3A, %scan3A_266 = %scan3A_220) -> (i32, i32)  : i32 {
        %sub3A_267 = arith.subi %scan3A_266, %scan3A_265 : i32
        %jit3A_268 = arith.constant 2 : i32
        %div3A_269 = arith.divsi %sub3A_267, %jit3A_268 : i32
        %sign3A_270 = arith.constant 0 : i32
        %sign3A_271 = arith.cmpi sgt, %sub3A_267, %sign3A_270 : i32
        %sign3A_272 = arith.extui %sign3A_271 : i1 to i32
        %sign3A_273 = arith.constant 0 : i32
        %sign3A_274 = arith.cmpi slt, %sub3A_267, %sign3A_273 : i32
        %sign3A_275 = arith.extui %sign3A_274 : i1 to i32
        %sign3A_276 = arith.subi %sign3A_272, %sign3A_275 : i32
        %sign3A_277 = arith.constant 0 : i32
        %sign3A_278 = arith.cmpi sgt, %jit3A_268, %sign3A_277 : i32
        %sign3A_279 = arith.extui %sign3A_278 : i1 to i32
        %sign3A_280 = arith.constant 0 : i32
        %sign3A_281 = arith.cmpi slt, %jit3A_268, %sign3A_280 : i32
        %sign3A_282 = arith.extui %sign3A_281 : i1 to i32
        %sign3A_283 = arith.subi %sign3A_279, %sign3A_282 : i32
        %ne3A_284 = arith.cmpi ne, %sign3A_276, %sign3A_283 : i32
        %rem3A_285 = arith.remsi %sub3A_267, %jit3A_268 : i32
        %ne3A_286 = arith.constant 0 : i32
        %ne3A_287 = arith.cmpi ne, %rem3A_285, %ne3A_286 : i32
        %and3A_288 = arith.andi %ne3A_284, %ne3A_287 : i1
        %sub3A_289 = arith.constant 1 : i32
        %sub3A_290 = arith.subi %div3A_269, %sub3A_289 : i32
        %select_n3A_291 = arith.select %and3A_288, %sub3A_290, %div3A_269 : i32
        %add3A_292 = arith.addi %scan3A_265, %select_n3A_291 : i32
        %sub3A_293 = arith.subi %scan3A_266, %scan3A_265 : i32
        %and3A_294 = arith.constant 1 : i32
        %and3A_295 = arith.andi %sub3A_293, %and3A_294 : i32
        %add3A_296 = arith.addi %add3A_292, %and3A_295 : i32
        %broadcast_in_dim3A_297 = vector.broadcast %add3A_296 : i32 to vector<16xi32>
        %broadcast_in_dim3A_298 = arith.constant 0 : i32
        %broadcast_in_dim3A_299 = vector.broadcast %broadcast_in_dim3A_298 : i32 to vector<16xi32>
        %while3A_300 = arith.constant 0 : i32
        %while3A_301 = arith.subi %sub3A_210, %while3A_300 : i32
        %while3A_302 = arith.addi %while3A_300, %while3A_301 : i32
        %while3A_303 = arith.constant 1 : i32
        %while3A_304 = arith.divsi %while3A_301, %while3A_303 : i32
        %while3A_305 = arith.muli %while3A_304, %while3A_303 : i32
        %while3A_306 = arith.addi %while3A_300, %while3A_305 : i32
        %while3A_307 = arith.constant 1 : i32
        %while3A_308 = scf.for %while3A_318 = %while3A_300 to %while3A_306 step %while3A_307 iter_args(%while3A_319 = %broadcast_in_dim3A_299) -> (vector<16xi32>)  : i32 {
          %mul3A_320 = arith.constant 16 : i32
          %mul3A_321 = arith.muli %while3A_318, %mul3A_320 : i32
          %get3A_322 = arith.index_cast %mul3A_321 : i32 to index
          %get3A_323 = tpu.vector_load %arg8[%get3A_322] {strides = array<i32>} : memref<50176xi32, #tpu.memory_space<vmem>>, vector<16xi32>,
          %ge3A_324 = arith.cmpi sge, %get3A_323, %broadcast_in_dim3A_297 : vector<16xi32>
          %all_reduce_population_count3A = tpu.all_reduce %ge3A_324 {dim = 0 : i64, kind = #tpu.reduction_kind<sum>} : vector<16xi1> -> vector<16xi32>
          %add3A_325 = arith.addi %while3A_319, %all_reduce_population_count3A : vector<16xi32>
          scf.yield %add3A_325 : vector<16xi32>
        }
        %while3A_309 = arith.constant 1 : i32
        %while3A_310 = scf.for %while3A_318 = %while3A_306 to %while3A_302 step %while3A_309 iter_args(%while3A_319 = %while3A_308) -> (vector<16xi32>)  : i32 {
          %mul3A_320 = arith.constant 16 : i32
          %mul3A_321 = arith.muli %while3A_318, %mul3A_320 : i32
          %get3A_322 = arith.index_cast %mul3A_321 : i32 to index
          %get3A_323 = tpu.vector_load %arg8[%get3A_322] {strides = array<i32>} : memref<50176xi32, #tpu.memory_space<vmem>>, vector<16xi32>,
          %ge3A_324 = arith.cmpi sge, %get3A_323, %broadcast_in_dim3A_297 : vector<16xi32>
          %all_reduce_population_count3A = tpu.all_reduce %ge3A_324 {dim = 0 : i64, kind = #tpu.reduction_kind<sum>} : vector<16xi1> -> vector<16xi32>
          %add3A_325 = arith.addi %while3A_319, %all_reduce_population_count3A : vector<16xi32>
          scf.yield %add3A_325 : vector<16xi32>
        }
        %slice3A_311 = vector.extract_strided_slice %while3A_310 {offsets = [0], sizes = [1], strides = [1]} : vector<16xi32> to vector<1xi32>
        %squeeze3A_312 = vector.extract %slice3A_311[0] : i32 from vector<1xi32>
        %ge3A = arith.constant 128 : i32
        %ge3A_313 = arith.cmpi sge, %squeeze3A_312, %ge3A : i32
        %select_n3A_314 = arith.select %ge3A_313, %add3A_296, %scan3A_265 : i32
        %sub3A_315 = arith.constant 1 : i32
        %sub3A_316 = arith.subi %add3A_296, %sub3A_315 : i32
        %select_n3A_317 = arith.select %ge3A_313, %scan3A_266, %sub3A_316 : i32
        scf.yield %select_n3A_314, %select_n3A_317 : i32, i32
      }
      %scan3A_226 = arith.constant 31 : i32
      %lt3A_227 = arith.constant 128 : i32
      %lt3A_228 = arith.cmpi slt, %sub3A_162, %lt3A_227 : i32
      %add3A_229 = arith.constant 1 : i32
      %add3A_230 = arith.addi %scan3A_225#0, %add3A_229 : i32
      %jit3A_231 = arith.constant 0 : i32
      %select_n3A_232 = arith.select %lt3A_228, %jit3A_231, %add3A_230 : i32
      %jit3A_233 = arith.constant -8388608 : i32
      %select_n3A_234 = arith.select %lt3A_228, %jit3A_233, %scan3A_225#0 : i32
      %broadcast_in_dim3A_235 = vector.broadcast %select_n3A_234 : i32 to vector<16xi32>
      %bitcast3A = vector.bitcast %broadcast_in_dim3A_235 : vector<16xi32> to vector<16xf32>
      %swap3A = arith.constant 0 : index
      %swap3A_236 = tpu.vector_load %arg7[%swap3A] {strides = array<i32>} : memref<128xf32, #tpu.memory_space<vmem>>, vector<16xf32>,
      tpu.vector_store %arg7[%swap3A], %bitcast3A {strides = array<i32>} : memref<128xf32, #tpu.memory_space<vmem>>, vector<16xf32>,
      %swap3A_237 = arith.constant 16 : index
      %swap3A_238 = tpu.vector_load %arg7[%swap3A_237] {strides = array<i32>} : memref<128xf32, #tpu.memory_space<vmem>>, vector<16xf32>,
      tpu.vector_store %arg7[%swap3A_237], %bitcast3A {strides = array<i32>} : memref<128xf32, #tpu.memory_space<vmem>>, vector<16xf32>,
      %swap3A_239 = arith.constant 32 : index
      %swap3A_240 = tpu.vector_load %arg7[%swap3A_239] {strides = array<i32>} : memref<128xf32, #tpu.memory_space<vmem>>, vector<16xf32>,
      tpu.vector_store %arg7[%swap3A_239], %bitcast3A {strides = array<i32>} : memref<128xf32, #tpu.memory_space<vmem>>, vector<16xf32>,
      %swap3A_241 = arith.constant 48 : index
      %swap3A_242 = tpu.vector_load %arg7[%swap3A_241] {strides = array<i32>} : memref<128xf32, #tpu.memory_space<vmem>>, vector<16xf32>,
      tpu.vector_store %arg7[%swap3A_241], %bitcast3A {strides = array<i32>} : memref<128xf32, #tpu.memory_space<vmem>>, vector<16xf32>,
      %swap3A_243 = arith.constant 64 : index
      %swap3A_244 = tpu.vector_load %arg7[%swap3A_243] {strides = array<i32>} : memref<128xf32, #tpu.memory_space<vmem>>, vector<16xf32>,
      tpu.vector_store %arg7[%swap3A_243], %bitcast3A {strides = array<i32>} : memref<128xf32, #tpu.memory_space<vmem>>, vector<16xf32>,
      %swap3A_245 = arith.constant 80 : index
      %swap3A_246 = tpu.vector_load %arg7[%swap3A_245] {strides = array<i32>} : memref<128xf32, #tpu.memory_space<vmem>>, vector<16xf32>,
      tpu.vector_store %arg7[%swap3A_245], %bitcast3A {strides = array<i32>} : memref<128xf32, #tpu.memory_space<vmem>>, vector<16xf32>,
      %swap3A_247 = arith.constant 96 : index
      %swap3A_248 = tpu.vector_load %arg7[%swap3A_247] {strides = array<i32>} : memref<128xf32, #tpu.memory_space<vmem>>, vector<16xf32>,
      tpu.vector_store %arg7[%swap3A_247], %bitcast3A {strides = array<i32>} : memref<128xf32, #tpu.memory_space<vmem>>, vector<16xf32>,
      %swap3A_249 = arith.constant 112 : index
      %swap3A_250 = tpu.vector_load %arg7[%swap3A_249] {strides = array<i32>} : memref<128xf32, #tpu.memory_space<vmem>>, vector<16xf32>,
      tpu.vector_store %arg7[%swap3A_249], %bitcast3A {strides = array<i32>} : memref<128xf32, #tpu.memory_space<vmem>>, vector<16xf32>,
      %broadcast_in_dim3A_251 = vector.broadcast %select_n3A_232 : i32 to vector<16xi32>
      %while3A_252 = arith.constant 0 : i32
      %while3A_253 = arith.constant 0 : i32
      %while3A_254 = arith.subi %sub3A_210, %while3A_252 : i32
      %while3A_255 = arith.addi %while3A_252, %while3A_254 : i32
      %while3A_256 = arith.constant 1 : i32
      %while3A_257 = arith.divsi %while3A_254, %while3A_256 : i32
      %while3A_258 = arith.muli %while3A_257, %while3A_256 : i32
      %while3A_259 = arith.addi %while3A_252, %while3A_258 : i32
      %while3A_260 = arith.constant 1 : i32
      %while3A_261 = scf.for %while3A_264 = %while3A_252 to %while3A_259 step %while3A_260 iter_args(%while3A_265 = %while3A_253) -> (i32)  : i32 {
        %mul3A_266 = arith.constant 16 : i32
        %mul3A_267 = arith.muli %while3A_264, %mul3A_266 : i32
        %get3A_268 = arith.index_cast %mul3A_267 : i32 to index
        %get3A_269 = tpu.vector_load %arg8[%get3A_268] {strides = array<i32>} : memref<50176xi32, #tpu.memory_space<vmem>>, vector<16xi32>,
        %ge3A = arith.cmpi sge, %get3A_269, %broadcast_in_dim3A_251 : vector<16xi32>
        %convert_element_type3A_270 = arith.extui %ge3A : vector<16xi1> to vector<16xi32>
        %broadcast_in_dim3A_271 = arith.constant true
        %broadcast_in_dim3A_272 = vector.broadcast %broadcast_in_dim3A_271 : i1 to vector<16xi1>
        %masked_cumsum3A_273 = tpu.scan <sum>, %convert_element_type3A_270 masked %broadcast_in_dim3A_272 : vector<16xi32>, vector<16xi1> -> vector<16xi32>
        %add3A_274 = vector.broadcast %while3A_265 : i32 to vector<16xi32>
        %add3A_275 = arith.addi %add3A_274, %masked_cumsum3A_273 : vector<16xi32>
        %sub3A_276 = arith.constant 1 : i32
        %sub3A_277 = vector.broadcast %sub3A_276 : i32 to vector<16xi32>
        %sub3A_278 = arith.subi %add3A_275, %sub3A_277 : vector<16xi32>
        %bitcast3A_279 = vector.bitcast %get3A_269 : vector<16xi32> to vector<16xf32>
        tpu.vector_store_idx %arg7[%sub3A_278], %bitcast3A_279 masked %ge3A : memref<128xf32, #tpu.memory_space<vmem>>[vector<16xi32>], vector<16xf32>, vector<16xi1>
        %all_reduce_population_count3A = tpu.all_reduce %ge3A {dim = 0 : i64, kind = #tpu.reduction_kind<sum>} : vector<16xi1> -> vector<16xi32>
        %slice3A_280 = vector.extract_strided_slice %all_reduce_population_count3A {offsets = [0], sizes = [1], strides = [1]} : vector<16xi32> to vector<1xi32>
        %squeeze3A_281 = vector.extract %slice3A_280[0] : i32 from vector<1xi32>
        %add3A_282 = arith.addi %while3A_265, %squeeze3A_281 : i32
        scf.yield %add3A_282 : i32
      }
      %while3A_262 = arith.constant 1 : i32
      %while3A_263 = scf.for %while3A_264 = %while3A_259 to %while3A_255 step %while3A_262 iter_args(%while3A_265 = %while3A_261) -> (i32)  : i32 {
        %mul3A_266 = arith.constant 16 : i32
        %mul3A_267 = arith.muli %while3A_264, %mul3A_266 : i32
        %get3A_268 = arith.index_cast %mul3A_267 : i32 to index
        %get3A_269 = tpu.vector_load %arg8[%get3A_268] {strides = array<i32>} : memref<50176xi32, #tpu.memory_space<vmem>>, vector<16xi32>,
        %ge3A = arith.cmpi sge, %get3A_269, %broadcast_in_dim3A_251 : vector<16xi32>
        %convert_element_type3A_270 = arith.extui %ge3A : vector<16xi1> to vector<16xi32>
        %broadcast_in_dim3A_271 = arith.constant true
        %broadcast_in_dim3A_272 = vector.broadcast %broadcast_in_dim3A_271 : i1 to vector<16xi1>
        %masked_cumsum3A_273 = tpu.scan <sum>, %convert_element_type3A_270 masked %broadcast_in_dim3A_272 : vector<16xi32>, vector<16xi1> -> vector<16xi32>
        %add3A_274 = vector.broadcast %while3A_265 : i32 to vector<16xi32>
        %add3A_275 = arith.addi %add3A_274, %masked_cumsum3A_273 : vector<16xi32>
        %sub3A_276 = arith.constant 1 : i32
        %sub3A_277 = vector.broadcast %sub3A_276 : i32 to vector<16xi32>
        %sub3A_278 = arith.subi %add3A_275, %sub3A_277 : vector<16xi32>
        %bitcast3A_279 = vector.bitcast %get3A_269 : vector<16xi32> to vector<16xf32>
        tpu.vector_store_idx %arg7[%sub3A_278], %bitcast3A_279 masked %ge3A : memref<128xf32, #tpu.memory_space<vmem>>[vector<16xi32>], vector<16xf32>, vector<16xi1>
        %all_reduce_population_count3A = tpu.all_reduce %ge3A {dim = 0 : i64, kind = #tpu.reduction_kind<sum>} : vector<16xi1> -> vector<16xi32>
        %slice3A_280 = vector.extract_strided_slice %all_reduce_population_count3A {offsets = [0], sizes = [1], strides = [1]} : vector<16xi32> to vector<1xi32>
        %squeeze3A_281 = vector.extract %slice3A_280[0] : i32 from vector<1xi32>
        %add3A_282 = arith.addi %while3A_265, %squeeze3A_281 : i32
        scf.yield %add3A_282 : i32
      }
      "tpu.region"() ({
        %run_scoped3A = tpu.sem_alloc : memref<!tpu.dma_semaphore, #tpu.memory_space<semaphore_mem>>
        %dma_start3A = arith.constant 0 : i32
        %dma_start3A_264 = tpu.memref_slice %arg4[%add3A, %dma_start3A] : memref<16x128xf32, #tpu.memory_space<hbm>> -> memref<1x128xf32, #tpu.memory_space<hbm>>
        %dma_start3A_265 = tpu.memref_squeeze %dma_start3A_264 : memref<1x128xf32, #tpu.memory_space<hbm>> -> memref<128xf32, #tpu.memory_space<hbm>>
        %dma_start3A_266 = arith.constant 0 : i32
        %dma_start3A_267 = tpu.memref_slice %arg4[%add3A, %dma_start3A_266] : memref<16x128xf32, #tpu.memory_space<hbm>> -> memref<1x128xf32, #tpu.memory_space<hbm>>
        %dma_start3A_268 = tpu.memref_squeeze %dma_start3A_267 : memref<1x128xf32, #tpu.memory_space<hbm>> -> memref<128xf32, #tpu.memory_space<hbm>>
        tpu.enqueue_dma source(%arg7 : memref<128xf32, #tpu.memory_space<vmem>>) target(%dma_start3A_268 : memref<128xf32, #tpu.memory_space<hbm>>) target_semaphore(%run_scoped3A : memref<!tpu.dma_semaphore, #tpu.memory_space<semaphore_mem>>)
        %dma_wait3A = arith.constant 0 : i32
        %dma_wait3A_269 = tpu.memref_slice %arg4[%add3A, %dma_wait3A] : memref<16x128xf32, #tpu.memory_space<hbm>> -> memref<1x128xf32, #tpu.memory_space<hbm>>
        %dma_wait3A_270 = tpu.memref_squeeze %dma_wait3A_269 : memref<1x128xf32, #tpu.memory_space<hbm>> -> memref<128xf32, #tpu.memory_space<hbm>>
        %dma_wait3A_271 = arith.constant 0 : i32
        %dma_wait3A_272 = tpu.memref_slice %arg4[%add3A, %dma_wait3A_271] : memref<16x128xf32, #tpu.memory_space<hbm>> -> memref<1x128xf32, #tpu.memory_space<hbm>>
        %dma_wait3A_273 = tpu.memref_squeeze %dma_wait3A_272 : memref<1x128xf32, #tpu.memory_space<hbm>> -> memref<128xf32, #tpu.memory_space<hbm>>
        tpu.wait_dma2 semaphore(%run_scoped3A : memref<!tpu.dma_semaphore, #tpu.memory_space<semaphore_mem>>) src(%arg7 : memref<128xf32, #tpu.memory_space<vmem>>) dst(%dma_wait3A_273 : memref<128xf32, #tpu.memory_space<hbm>>)
        tpu.yield
      }) : () -> ()
    } else {
    }
    return
  }
}

module attributes {stable_mosaic.version = 14 : i64} {
  func.func @_sim_body(%arg0: i32, %arg1: memref<1024x512xf32, #tpu.memory_space<vmem>>, %arg2: memref<1024x512xf32, #tpu.memory_space<vmem>>, %arg3: memref<512x512xf32, #tpu.memory_space<vmem>>, %arg4: memref<1x512xf32, #tpu.memory_space<vmem>>, %arg5: memref<1024x1xi32, #tpu.memory_space<vmem>>, %arg6: memref<1024x1xf32, #tpu.memory_space<vmem>>, %arg7: memref<1x16xi32, #tpu.memory_space<vmem>>) attributes {dimension_semantics = [#tpu.dimension_semantics<arbitrary>], iteration_bounds = array<i64: 49>, scalar_prefetch = 0 : i64, scratch_operands = 0 : i64, tpu.core_type = #tpu.core_type<tc>, window_params = [{transform_indices = @transform_0, window_bounds = array<i64: 1024, 512>}, {transform_indices = @transform_1, window_bounds = array<i64: 1024, 512>}, {pipeline_mode = #tpu.pipeline_mode<synchronous>, transform_indices = @transform_2, window_bounds = array<i64: 512, 512>}, {pipeline_mode = #tpu.pipeline_mode<synchronous>, transform_indices = @transform_3, window_bounds = array<i64: 1, 512>}, {transform_indices = @transform_4, window_bounds = array<i64: 1024, 1>}, {transform_indices = @transform_5, window_bounds = array<i64: 1024, 1>}, {pipeline_mode = #tpu.pipeline_mode<synchronous>, transform_indices = @transform_6, window_bounds = array<i64: 1, 16>}]} {
    %get3A = arith.constant 0 : index
    %get3A_0 = arith.constant 0 : index
    %get3A_1 = vector.load %arg1[%get3A, %get3A_0] : memref<1024x512xf32, #tpu.memory_space<vmem>>, vector<1024x512xf32>
    %get3A_2 = arith.constant 0 : index
    %get3A_3 = arith.constant 0 : index
    %get3A_4 = vector.load %arg3[%get3A_2, %get3A_3] : memref<512x512xf32, #tpu.memory_space<vmem>>, vector<512x512xf32>
    %dot_general3A = arith.constant dense<0.000000e+00> : vector<1024x512xf32>
    %dot_general3A_5 = tpu.matmul %get3A_1, %get3A_4, %dot_general3A {dimension_numbers = #tpu.dot_dimension_numbers<[1], [0], [0], [1], [0, 0, 1, 1], [], []>, transpose_lhs_hint = false} : vector<1024x512xf32>, vector<512x512xf32>, vector<1024x512xf32> -> vector<1024x512xf32>
    %get3A_6 = arith.constant 0 : index
    %get3A_7 = arith.constant 0 : index
    %get3A_8 = vector.load %arg4[%get3A_6, %get3A_7] : memref<1x512xf32, #tpu.memory_space<vmem>>, vector<1x512xf32>
    %add3A = vector.broadcast %get3A_8 : vector<1x512xf32> to vector<1024x512xf32>
    %add3A_9 = arith.addf %dot_general3A_5, %add3A : vector<1024x512xf32>
    %get3A_10 = arith.constant 0 : index
    %get3A_11 = arith.constant 0 : index
    %get3A_12 = vector.load %arg2[%get3A_10, %get3A_11] : memref<1024x512xf32, #tpu.memory_space<vmem>>, vector<1024x512xf32>
    %get3A_13 = arith.constant 0 : index
    %get3A_14 = arith.constant 0 : index
    %get3A_15 = vector.load %arg3[%get3A_13, %get3A_14] : memref<512x512xf32, #tpu.memory_space<vmem>>, vector<512x512xf32>
    %dot_general3A_16 = arith.constant dense<0.000000e+00> : vector<1024x512xf32>
    %dot_general3A_17 = tpu.matmul %get3A_12, %get3A_15, %dot_general3A_16 {dimension_numbers = #tpu.dot_dimension_numbers<[1], [0], [0], [1], [0, 0, 1, 1], [], []>, transpose_lhs_hint = false} : vector<1024x512xf32>, vector<512x512xf32>, vector<1024x512xf32> -> vector<1024x512xf32>
    %get3A_18 = arith.constant 0 : index
    %get3A_19 = arith.constant 0 : index
    %get3A_20 = vector.load %arg4[%get3A_18, %get3A_19] : memref<1x512xf32, #tpu.memory_space<vmem>>, vector<1x512xf32>
    %add3A_21 = vector.broadcast %get3A_20 : vector<1x512xf32> to vector<1024x512xf32>
    %add3A_22 = arith.addf %dot_general3A_17, %add3A_21 : vector<1024x512xf32>
    %sub3A = arith.subf %add3A_9, %add3A_22 : vector<1024x512xf32>
    %add3A_23 = arith.constant 9.99999997E-7 : f32
    %add3A_24 = vector.broadcast %add3A_23 : f32 to vector<1024x512xf32>
    %add3A_25 = arith.addf %sub3A, %add3A_24 : vector<1024x512xf32>
    %mul3A = arith.mulf %add3A_25, %add3A_25 : vector<1024x512xf32>
    %reduce_sum3A = arith.constant dense<0.000000e+00> : vector<1024xf32>
    %reduce_sum3A_26 = vector.multi_reduction <add>, %mul3A, %reduce_sum3A [1] : vector<1024x512xf32> to vector<1024xf32>
    %broadcast_in_dim3A = vector.shape_cast %reduce_sum3A_26 : vector<1024xf32> to vector<1024x1xf32>
    %sqrt3A = math.sqrt %broadcast_in_dim3A : vector<1024x1xf32>
    %mul3A_27 = arith.constant 1024 : i32
    %mul3A_28 = arith.muli %arg0, %mul3A_27 : i32
    %iota3A = tpu.iota {dimensions = array<i32: 0>} : vector<1024x1xi32>
    %add3A_29 = vector.broadcast %mul3A_28 : i32 to vector<1024x1xi32>
    %add3A_30 = arith.addi %add3A_29, %iota3A : vector<1024x1xi32>
    %lt3A = arith.constant 50000 : i32
    %lt3A_31 = vector.broadcast %lt3A : i32 to vector<1024x1xi32>
    %lt3A_32 = arith.cmpi slt, %add3A_30, %lt3A_31 : vector<1024x1xi32>
    %jit3A = arith.constant 0.000000e+00 : f32
    %broadcast_in_dim3A_33 = vector.broadcast %jit3A : f32 to vector<1024x1xf32>
    %select_n3A = arith.select %lt3A_32, %sqrt3A, %broadcast_in_dim3A_33 : vector<1024x1xi1>, vector<1024x1xf32>
    %swap3A = arith.constant 0 : index
    %swap3A_34 = arith.constant 0 : index
    %swap3A_35 = vector.load %arg6[%swap3A, %swap3A_34] : memref<1024x1xf32, #tpu.memory_space<vmem>>, vector<1024x1xf32>
    tpu.vector_store %arg6[%swap3A, %swap3A_34], %select_n3A {strides = array<i32>} : memref<1024x1xf32, #tpu.memory_space<vmem>>, vector<1024x1xf32>,
    %eq3A = arith.constant 0 : i32
    %eq3A_36 = arith.cmpi eq, %arg0, %eq3A : i32
    %convert_element_type3A = arith.extui %eq3A_36 : i1 to i32
    %cond3A = arith.constant 0 : i32
    %cond3A_37 = arith.cmpi ne, %convert_element_type3A, %cond3A : i32
    scf.if %cond3A_37 {
      %broadcast_in_dim3A_62 = arith.constant 0 : i32
      %broadcast_in_dim3A_63 = vector.broadcast %broadcast_in_dim3A_62 : i32 to vector<1x16xi32>
      %swap3A_64 = arith.constant 0 : index
      %swap3A_65 = arith.constant 0 : index
      %swap3A_66 = vector.load %arg7[%swap3A_64, %swap3A_65] : memref<1x16xi32, #tpu.memory_space<vmem>>, vector<1x16xi32>
      tpu.vector_store %arg7[%swap3A_64, %swap3A_65], %broadcast_in_dim3A_63 {strides = array<i32>} : memref<1x16xi32, #tpu.memory_space<vmem>>, vector<1x16xi32>,
    } else {
    }
    %lt3A_38 = arith.constant 50000 : i32
    %lt3A_39 = vector.broadcast %lt3A_38 : i32 to vector<1024x1xi32>
    %lt3A_40 = arith.cmpi slt, %add3A_30, %lt3A_39 : vector<1024x1xi32>
    %get3A_41 = arith.constant 0 : index
    %get3A_42 = arith.constant 0 : index
    %get3A_43 = vector.load %arg5[%get3A_41, %get3A_42] : memref<1024x1xi32, #tpu.memory_space<vmem>>, vector<1024x1xi32>
    %jit3A_44 = arith.constant 16 : i32
    %broadcast_in_dim3A_45 = vector.broadcast %jit3A_44 : i32 to vector<1024x1xi32>
    %select_n3A_46 = arith.select %lt3A_40, %get3A_43, %broadcast_in_dim3A_45 : vector<1024x1xi1>, vector<1024x1xi32>
    %iota3A_47 = tpu.iota {dimensions = array<i32: 1>} : vector<1x16xi32>
    %eq3A_48 = vector.broadcast %select_n3A_46 : vector<1024x1xi32> to vector<1024x16xi32>
    %eq3A_49 = vector.broadcast %iota3A_47 : vector<1x16xi32> to vector<1024x16xi32>
    %eq3A_50 = arith.cmpi eq, %eq3A_48, %eq3A_49 : vector<1024x16xi32>
    %convert_element_type3A_51 = arith.extui %eq3A_50 : vector<1024x16xi1> to vector<1024x16xi32>
    %get3A_52 = arith.constant 0 : index
    %get3A_53 = arith.constant 0 : index
    %get3A_54 = vector.load %arg7[%get3A_52, %get3A_53] : memref<1x16xi32, #tpu.memory_space<vmem>>, vector<1x16xi32>
    %reduce_sum3A_55 = arith.constant dense<0> : vector<16xi32>
    %reduce_sum3A_56 = vector.multi_reduction <add>, %convert_element_type3A_51, %reduce_sum3A_55 [0] : vector<1024x16xi32> to vector<16xi32>
    %broadcast_in_dim3A_57 = vector.shape_cast %reduce_sum3A_56 : vector<16xi32> to vector<1x16xi32>
    %add3A_58 = arith.addi %get3A_54, %broadcast_in_dim3A_57 : vector<1x16xi32>
    %swap3A_59 = arith.constant 0 : index
    %swap3A_60 = arith.constant 0 : index
    %swap3A_61 = vector.load %arg7[%swap3A_59, %swap3A_60] : memref<1x16xi32, #tpu.memory_space<vmem>>, vector<1x16xi32>
    tpu.vector_store %arg7[%swap3A_59, %swap3A_60], %add3A_58 {strides = array<i32>} : memref<1x16xi32, #tpu.memory_space<vmem>>, vector<1x16xi32>,
    return
  }
  func.func @transform_0(%arg0: i32) -> (i32, i32) {
    %c0_i32 = arith.constant 0 : i32
    %c0_i32_0 = arith.constant 0 : i32
    return %arg0, %c0_i32 : i32, i32
  }
  func.func @transform_1(%arg0: i32) -> (i32, i32) {
    %c0_i32 = arith.constant 0 : i32
    %c0_i32_0 = arith.constant 0 : i32
    return %arg0, %c0_i32 : i32, i32
  }
  func.func @transform_2(%arg0: i32) -> (i32, i32) {
    %c0_i32 = arith.constant 0 : i32
    %c0_i32_0 = arith.constant 0 : i32
    %c0_i32_1 = arith.constant 0 : i32
    return %c0_i32, %c0_i32_0 : i32, i32
  }
  func.func @transform_3(%arg0: i32) -> (i32, i32) {
    %c0_i32 = arith.constant 0 : i32
    %c0_i32_0 = arith.constant 0 : i32
    %c0_i32_1 = arith.constant 0 : i32
    return %c0_i32, %c0_i32_0 : i32, i32
  }
  func.func @transform_4(%arg0: i32) -> (i32, i32) {
    %c0_i32 = arith.constant 0 : i32
    %c0_i32_0 = arith.constant 0 : i32
    return %arg0, %c0_i32 : i32, i32
  }
  func.func @transform_5(%arg0: i32) -> (i32, i32) {
    %c0_i32 = arith.constant 0 : i32
    %c0_i32_0 = arith.constant 0 : i32
    return %arg0, %c0_i32 : i32, i32
  }
  func.func @transform_6(%arg0: i32) -> (i32, i32) {
    %c0_i32 = arith.constant 0 : i32
    %c0_i32_0 = arith.constant 0 : i32
    %c0_i32_1 = arith.constant 0 : i32
    return %c0_i32, %c0_i32_0 : i32, i32
  }
}

module attributes {stable_mosaic.version = 14 : i64} {
  func.func @_mlp_body(%arg0: memref<16x128xf32, #tpu.memory_space<vmem>>, %arg1: memref<128x16xf32, #tpu.memory_space<vmem>>, %arg2: memref<1x16xf32, #tpu.memory_space<vmem>>, %arg3: memref<16x1xf32, #tpu.memory_space<vmem>>, %arg4: memref<1x1xf32, #tpu.memory_space<vmem>>, %arg5: memref<16x1xf32, #tpu.memory_space<vmem>>) attributes {dimension_semantics = [], scalar_prefetch = 0 : i64, scratch_operands = 0 : i64, tpu.core_type = #tpu.core_type<tc>} {
    %get3A = arith.constant 0 : index
    %get3A_0 = arith.constant 0 : index
    %get3A_1 = vector.load %arg0[%get3A, %get3A_0] : memref<16x128xf32, #tpu.memory_space<vmem>>, vector<16x128xf32>
    %iota3A = tpu.iota {dimensions = array<i32: 1>} : vector<16x128xi32>
    %broadcast_in_dim3A = arith.constant 0 : i32
    %broadcast_in_dim3A_2 = vector.broadcast %broadcast_in_dim3A : i32 to vector<16x128xi32>
    %slice3A = vector.extract_strided_slice %get3A_1 {offsets = [0, 1], sizes = [16, 127], strides = [1, 1]} : vector<16x128xf32> to vector<16x127xf32>
    %slice3A_3 = vector.extract_strided_slice %get3A_1 {offsets = [0, 0], sizes = [16, 1], strides = [1, 1]} : vector<16x128xf32> to vector<16x1xf32>
    %concatenate3A = tpu.concatenate %slice3A, %slice3A_3 in 1 : vector<16x127xf32>, vector<16x1xf32> -> vector<16x128xf32>
    %gt3A = arith.cmpf ogt, %concatenate3A, %get3A_1 : vector<16x128xf32>
    %eq3A = arith.cmpf oeq, %concatenate3A, %get3A_1 : vector<16x128xf32>
    %ge3A = arith.constant 127 : i32
    %ge3A_4 = vector.broadcast %ge3A : i32 to vector<16x128xi32>
    %ge3A_5 = arith.cmpi sge, %iota3A, %ge3A_4 : vector<16x128xi32>
    %and3A = arith.andi %eq3A, %ge3A_5 : vector<16x128xi1>
    %or3A = arith.ori %gt3A, %and3A : vector<16x128xi1>
    %jit3A = arith.constant 1 : i32
    %jit3A_6 = arith.constant 0 : i32
    %broadcast_in_dim3A_7 = vector.broadcast %jit3A : i32 to vector<16x128xi32>
    %broadcast_in_dim3A_8 = vector.broadcast %jit3A_6 : i32 to vector<16x128xi32>
    %select_n3A = arith.select %or3A, %broadcast_in_dim3A_7, %broadcast_in_dim3A_8 : vector<16x128xi1>, vector<16x128xi32>
    %add3A = arith.addi %broadcast_in_dim3A_2, %select_n3A : vector<16x128xi32>
    %slice3A_9 = vector.extract_strided_slice %concatenate3A {offsets = [0, 1], sizes = [16, 127], strides = [1, 1]} : vector<16x128xf32> to vector<16x127xf32>
    %slice3A_10 = vector.extract_strided_slice %concatenate3A {offsets = [0, 0], sizes = [16, 1], strides = [1, 1]} : vector<16x128xf32> to vector<16x1xf32>
    %concatenate3A_11 = tpu.concatenate %slice3A_9, %slice3A_10 in 1 : vector<16x127xf32>, vector<16x1xf32> -> vector<16x128xf32>
    %gt3A_12 = arith.cmpf ogt, %concatenate3A_11, %get3A_1 : vector<16x128xf32>
    %eq3A_13 = arith.cmpf oeq, %concatenate3A_11, %get3A_1 : vector<16x128xf32>
    %ge3A_14 = arith.constant 126 : i32
    %ge3A_15 = vector.broadcast %ge3A_14 : i32 to vector<16x128xi32>
    %ge3A_16 = arith.cmpi sge, %iota3A, %ge3A_15 : vector<16x128xi32>
    %and3A_17 = arith.andi %eq3A_13, %ge3A_16 : vector<16x128xi1>
    %or3A_18 = arith.ori %gt3A_12, %and3A_17 : vector<16x128xi1>
    %jit3A_19 = arith.constant 1 : i32
    %jit3A_20 = arith.constant 0 : i32
    %broadcast_in_dim3A_21 = vector.broadcast %jit3A_19 : i32 to vector<16x128xi32>
    %broadcast_in_dim3A_22 = vector.broadcast %jit3A_20 : i32 to vector<16x128xi32>
    %select_n3A_23 = arith.select %or3A_18, %broadcast_in_dim3A_21, %broadcast_in_dim3A_22 : vector<16x128xi1>, vector<16x128xi32>
    %add3A_24 = arith.addi %add3A, %select_n3A_23 : vector<16x128xi32>
    %slice3A_25 = vector.extract_strided_slice %concatenate3A_11 {offsets = [0, 1], sizes = [16, 127], strides = [1, 1]} : vector<16x128xf32> to vector<16x127xf32>
    %slice3A_26 = vector.extract_strided_slice %concatenate3A_11 {offsets = [0, 0], sizes = [16, 1], strides = [1, 1]} : vector<16x128xf32> to vector<16x1xf32>
    %concatenate3A_27 = tpu.concatenate %slice3A_25, %slice3A_26 in 1 : vector<16x127xf32>, vector<16x1xf32> -> vector<16x128xf32>
    %gt3A_28 = arith.cmpf ogt, %concatenate3A_27, %get3A_1 : vector<16x128xf32>
    %eq3A_29 = arith.cmpf oeq, %concatenate3A_27, %get3A_1 : vector<16x128xf32>
    %ge3A_30 = arith.constant 125 : i32
    %ge3A_31 = vector.broadcast %ge3A_30 : i32 to vector<16x128xi32>
    %ge3A_32 = arith.cmpi sge, %iota3A, %ge3A_31 : vector<16x128xi32>
    %and3A_33 = arith.andi %eq3A_29, %ge3A_32 : vector<16x128xi1>
    %or3A_34 = arith.ori %gt3A_28, %and3A_33 : vector<16x128xi1>
    %jit3A_35 = arith.constant 1 : i32
    %jit3A_36 = arith.constant 0 : i32
    %broadcast_in_dim3A_37 = vector.broadcast %jit3A_35 : i32 to vector<16x128xi32>
    %broadcast_in_dim3A_38 = vector.broadcast %jit3A_36 : i32 to vector<16x128xi32>
    %select_n3A_39 = arith.select %or3A_34, %broadcast_in_dim3A_37, %broadcast_in_dim3A_38 : vector<16x128xi1>, vector<16x128xi32>
    %add3A_40 = arith.addi %add3A_24, %select_n3A_39 : vector<16x128xi32>
    %slice3A_41 = vector.extract_strided_slice %concatenate3A_27 {offsets = [0, 1], sizes = [16, 127], strides = [1, 1]} : vector<16x128xf32> to vector<16x127xf32>
    %slice3A_42 = vector.extract_strided_slice %concatenate3A_27 {offsets = [0, 0], sizes = [16, 1], strides = [1, 1]} : vector<16x128xf32> to vector<16x1xf32>
    %concatenate3A_43 = tpu.concatenate %slice3A_41, %slice3A_42 in 1 : vector<16x127xf32>, vector<16x1xf32> -> vector<16x128xf32>
    %gt3A_44 = arith.cmpf ogt, %concatenate3A_43, %get3A_1 : vector<16x128xf32>
    %eq3A_45 = arith.cmpf oeq, %concatenate3A_43, %get3A_1 : vector<16x128xf32>
    %ge3A_46 = arith.constant 124 : i32
    %ge3A_47 = vector.broadcast %ge3A_46 : i32 to vector<16x128xi32>
    %ge3A_48 = arith.cmpi sge, %iota3A, %ge3A_47 : vector<16x128xi32>
    %and3A_49 = arith.andi %eq3A_45, %ge3A_48 : vector<16x128xi1>
    %or3A_50 = arith.ori %gt3A_44, %and3A_49 : vector<16x128xi1>
    %jit3A_51 = arith.constant 1 : i32
    %jit3A_52 = arith.constant 0 : i32
    %broadcast_in_dim3A_53 = vector.broadcast %jit3A_51 : i32 to vector<16x128xi32>
    %broadcast_in_dim3A_54 = vector.broadcast %jit3A_52 : i32 to vector<16x128xi32>
    %select_n3A_55 = arith.select %or3A_50, %broadcast_in_dim3A_53, %broadcast_in_dim3A_54 : vector<16x128xi1>, vector<16x128xi32>
    %add3A_56 = arith.addi %add3A_40, %select_n3A_55 : vector<16x128xi32>
    %slice3A_57 = vector.extract_strided_slice %concatenate3A_43 {offsets = [0, 1], sizes = [16, 127], strides = [1, 1]} : vector<16x128xf32> to vector<16x127xf32>
    %slice3A_58 = vector.extract_strided_slice %concatenate3A_43 {offsets = [0, 0], sizes = [16, 1], strides = [1, 1]} : vector<16x128xf32> to vector<16x1xf32>
    %concatenate3A_59 = tpu.concatenate %slice3A_57, %slice3A_58 in 1 : vector<16x127xf32>, vector<16x1xf32> -> vector<16x128xf32>
    %gt3A_60 = arith.cmpf ogt, %concatenate3A_59, %get3A_1 : vector<16x128xf32>
    %eq3A_61 = arith.cmpf oeq, %concatenate3A_59, %get3A_1 : vector<16x128xf32>
    %ge3A_62 = arith.constant 123 : i32
    %ge3A_63 = vector.broadcast %ge3A_62 : i32 to vector<16x128xi32>
    %ge3A_64 = arith.cmpi sge, %iota3A, %ge3A_63 : vector<16x128xi32>
    %and3A_65 = arith.andi %eq3A_61, %ge3A_64 : vector<16x128xi1>
    %or3A_66 = arith.ori %gt3A_60, %and3A_65 : vector<16x128xi1>
    %jit3A_67 = arith.constant 1 : i32
    %jit3A_68 = arith.constant 0 : i32
    %broadcast_in_dim3A_69 = vector.broadcast %jit3A_67 : i32 to vector<16x128xi32>
    %broadcast_in_dim3A_70 = vector.broadcast %jit3A_68 : i32 to vector<16x128xi32>
    %select_n3A_71 = arith.select %or3A_66, %broadcast_in_dim3A_69, %broadcast_in_dim3A_70 : vector<16x128xi1>, vector<16x128xi32>
    %add3A_72 = arith.addi %add3A_56, %select_n3A_71 : vector<16x128xi32>
    %slice3A_73 = vector.extract_strided_slice %concatenate3A_59 {offsets = [0, 1], sizes = [16, 127], strides = [1, 1]} : vector<16x128xf32> to vector<16x127xf32>
    %slice3A_74 = vector.extract_strided_slice %concatenate3A_59 {offsets = [0, 0], sizes = [16, 1], strides = [1, 1]} : vector<16x128xf32> to vector<16x1xf32>
    %concatenate3A_75 = tpu.concatenate %slice3A_73, %slice3A_74 in 1 : vector<16x127xf32>, vector<16x1xf32> -> vector<16x128xf32>
    %gt3A_76 = arith.cmpf ogt, %concatenate3A_75, %get3A_1 : vector<16x128xf32>
    %eq3A_77 = arith.cmpf oeq, %concatenate3A_75, %get3A_1 : vector<16x128xf32>
    %ge3A_78 = arith.constant 122 : i32
    %ge3A_79 = vector.broadcast %ge3A_78 : i32 to vector<16x128xi32>
    %ge3A_80 = arith.cmpi sge, %iota3A, %ge3A_79 : vector<16x128xi32>
    %and3A_81 = arith.andi %eq3A_77, %ge3A_80 : vector<16x128xi1>
    %or3A_82 = arith.ori %gt3A_76, %and3A_81 : vector<16x128xi1>
    %jit3A_83 = arith.constant 1 : i32
    %jit3A_84 = arith.constant 0 : i32
    %broadcast_in_dim3A_85 = vector.broadcast %jit3A_83 : i32 to vector<16x128xi32>
    %broadcast_in_dim3A_86 = vector.broadcast %jit3A_84 : i32 to vector<16x128xi32>
    %select_n3A_87 = arith.select %or3A_82, %broadcast_in_dim3A_85, %broadcast_in_dim3A_86 : vector<16x128xi1>, vector<16x128xi32>
    %add3A_88 = arith.addi %add3A_72, %select_n3A_87 : vector<16x128xi32>
    %slice3A_89 = vector.extract_strided_slice %concatenate3A_75 {offsets = [0, 1], sizes = [16, 127], strides = [1, 1]} : vector<16x128xf32> to vector<16x127xf32>
    %slice3A_90 = vector.extract_strided_slice %concatenate3A_75 {offsets = [0, 0], sizes = [16, 1], strides = [1, 1]} : vector<16x128xf32> to vector<16x1xf32>
    %concatenate3A_91 = tpu.concatenate %slice3A_89, %slice3A_90 in 1 : vector<16x127xf32>, vector<16x1xf32> -> vector<16x128xf32>
    %gt3A_92 = arith.cmpf ogt, %concatenate3A_91, %get3A_1 : vector<16x128xf32>
    %eq3A_93 = arith.cmpf oeq, %concatenate3A_91, %get3A_1 : vector<16x128xf32>
    %ge3A_94 = arith.constant 121 : i32
    %ge3A_95 = vector.broadcast %ge3A_94 : i32 to vector<16x128xi32>
    %ge3A_96 = arith.cmpi sge, %iota3A, %ge3A_95 : vector<16x128xi32>
    %and3A_97 = arith.andi %eq3A_93, %ge3A_96 : vector<16x128xi1>
    %or3A_98 = arith.ori %gt3A_92, %and3A_97 : vector<16x128xi1>
    %jit3A_99 = arith.constant 1 : i32
    %jit3A_100 = arith.constant 0 : i32
    %broadcast_in_dim3A_101 = vector.broadcast %jit3A_99 : i32 to vector<16x128xi32>
    %broadcast_in_dim3A_102 = vector.broadcast %jit3A_100 : i32 to vector<16x128xi32>
    %select_n3A_103 = arith.select %or3A_98, %broadcast_in_dim3A_101, %broadcast_in_dim3A_102 : vector<16x128xi1>, vector<16x128xi32>
    %add3A_104 = arith.addi %add3A_88, %select_n3A_103 : vector<16x128xi32>
    %slice3A_105 = vector.extract_strided_slice %concatenate3A_91 {offsets = [0, 1], sizes = [16, 127], strides = [1, 1]} : vector<16x128xf32> to vector<16x127xf32>
    %slice3A_106 = vector.extract_strided_slice %concatenate3A_91 {offsets = [0, 0], sizes = [16, 1], strides = [1, 1]} : vector<16x128xf32> to vector<16x1xf32>
    %concatenate3A_107 = tpu.concatenate %slice3A_105, %slice3A_106 in 1 : vector<16x127xf32>, vector<16x1xf32> -> vector<16x128xf32>
    %gt3A_108 = arith.cmpf ogt, %concatenate3A_107, %get3A_1 : vector<16x128xf32>
    %eq3A_109 = arith.cmpf oeq, %concatenate3A_107, %get3A_1 : vector<16x128xf32>
    %ge3A_110 = arith.constant 120 : i32
    %ge3A_111 = vector.broadcast %ge3A_110 : i32 to vector<16x128xi32>
    %ge3A_112 = arith.cmpi sge, %iota3A, %ge3A_111 : vector<16x128xi32>
    %and3A_113 = arith.andi %eq3A_109, %ge3A_112 : vector<16x128xi1>
    %or3A_114 = arith.ori %gt3A_108, %and3A_113 : vector<16x128xi1>
    %jit3A_115 = arith.constant 1 : i32
    %jit3A_116 = arith.constant 0 : i32
    %broadcast_in_dim3A_117 = vector.broadcast %jit3A_115 : i32 to vector<16x128xi32>
    %broadcast_in_dim3A_118 = vector.broadcast %jit3A_116 : i32 to vector<16x128xi32>
    %select_n3A_119 = arith.select %or3A_114, %broadcast_in_dim3A_117, %broadcast_in_dim3A_118 : vector<16x128xi1>, vector<16x128xi32>
    %add3A_120 = arith.addi %add3A_104, %select_n3A_119 : vector<16x128xi32>
    %slice3A_121 = vector.extract_strided_slice %concatenate3A_107 {offsets = [0, 1], sizes = [16, 127], strides = [1, 1]} : vector<16x128xf32> to vector<16x127xf32>
    %slice3A_122 = vector.extract_strided_slice %concatenate3A_107 {offsets = [0, 0], sizes = [16, 1], strides = [1, 1]} : vector<16x128xf32> to vector<16x1xf32>
    %concatenate3A_123 = tpu.concatenate %slice3A_121, %slice3A_122 in 1 : vector<16x127xf32>, vector<16x1xf32> -> vector<16x128xf32>
    %gt3A_124 = arith.cmpf ogt, %concatenate3A_123, %get3A_1 : vector<16x128xf32>
    %eq3A_125 = arith.cmpf oeq, %concatenate3A_123, %get3A_1 : vector<16x128xf32>
    %ge3A_126 = arith.constant 119 : i32
    %ge3A_127 = vector.broadcast %ge3A_126 : i32 to vector<16x128xi32>
    %ge3A_128 = arith.cmpi sge, %iota3A, %ge3A_127 : vector<16x128xi32>
    %and3A_129 = arith.andi %eq3A_125, %ge3A_128 : vector<16x128xi1>
    %or3A_130 = arith.ori %gt3A_124, %and3A_129 : vector<16x128xi1>
    %jit3A_131 = arith.constant 1 : i32
    %jit3A_132 = arith.constant 0 : i32
    %broadcast_in_dim3A_133 = vector.broadcast %jit3A_131 : i32 to vector<16x128xi32>
    %broadcast_in_dim3A_134 = vector.broadcast %jit3A_132 : i32 to vector<16x128xi32>
    %select_n3A_135 = arith.select %or3A_130, %broadcast_in_dim3A_133, %broadcast_in_dim3A_134 : vector<16x128xi1>, vector<16x128xi32>
    %add3A_136 = arith.addi %add3A_120, %select_n3A_135 : vector<16x128xi32>
    %slice3A_137 = vector.extract_strided_slice %concatenate3A_123 {offsets = [0, 1], sizes = [16, 127], strides = [1, 1]} : vector<16x128xf32> to vector<16x127xf32>
    %slice3A_138 = vector.extract_strided_slice %concatenate3A_123 {offsets = [0, 0], sizes = [16, 1], strides = [1, 1]} : vector<16x128xf32> to vector<16x1xf32>
    %concatenate3A_139 = tpu.concatenate %slice3A_137, %slice3A_138 in 1 : vector<16x127xf32>, vector<16x1xf32> -> vector<16x128xf32>
    %gt3A_140 = arith.cmpf ogt, %concatenate3A_139, %get3A_1 : vector<16x128xf32>
    %eq3A_141 = arith.cmpf oeq, %concatenate3A_139, %get3A_1 : vector<16x128xf32>
    %ge3A_142 = arith.constant 118 : i32
    %ge3A_143 = vector.broadcast %ge3A_142 : i32 to vector<16x128xi32>
    %ge3A_144 = arith.cmpi sge, %iota3A, %ge3A_143 : vector<16x128xi32>
    %and3A_145 = arith.andi %eq3A_141, %ge3A_144 : vector<16x128xi1>
    %or3A_146 = arith.ori %gt3A_140, %and3A_145 : vector<16x128xi1>
    %jit3A_147 = arith.constant 1 : i32
    %jit3A_148 = arith.constant 0 : i32
    %broadcast_in_dim3A_149 = vector.broadcast %jit3A_147 : i32 to vector<16x128xi32>
    %broadcast_in_dim3A_150 = vector.broadcast %jit3A_148 : i32 to vector<16x128xi32>
    %select_n3A_151 = arith.select %or3A_146, %broadcast_in_dim3A_149, %broadcast_in_dim3A_150 : vector<16x128xi1>, vector<16x128xi32>
    %add3A_152 = arith.addi %add3A_136, %select_n3A_151 : vector<16x128xi32>
    %slice3A_153 = vector.extract_strided_slice %concatenate3A_139 {offsets = [0, 1], sizes = [16, 127], strides = [1, 1]} : vector<16x128xf32> to vector<16x127xf32>
    %slice3A_154 = vector.extract_strided_slice %concatenate3A_139 {offsets = [0, 0], sizes = [16, 1], strides = [1, 1]} : vector<16x128xf32> to vector<16x1xf32>
    %concatenate3A_155 = tpu.concatenate %slice3A_153, %slice3A_154 in 1 : vector<16x127xf32>, vector<16x1xf32> -> vector<16x128xf32>
    %gt3A_156 = arith.cmpf ogt, %concatenate3A_155, %get3A_1 : vector<16x128xf32>
    %eq3A_157 = arith.cmpf oeq, %concatenate3A_155, %get3A_1 : vector<16x128xf32>
    %ge3A_158 = arith.constant 117 : i32
    %ge3A_159 = vector.broadcast %ge3A_158 : i32 to vector<16x128xi32>
    %ge3A_160 = arith.cmpi sge, %iota3A, %ge3A_159 : vector<16x128xi32>
    %and3A_161 = arith.andi %eq3A_157, %ge3A_160 : vector<16x128xi1>
    %or3A_162 = arith.ori %gt3A_156, %and3A_161 : vector<16x128xi1>
    %jit3A_163 = arith.constant 1 : i32
    %jit3A_164 = arith.constant 0 : i32
    %broadcast_in_dim3A_165 = vector.broadcast %jit3A_163 : i32 to vector<16x128xi32>
    %broadcast_in_dim3A_166 = vector.broadcast %jit3A_164 : i32 to vector<16x128xi32>
    %select_n3A_167 = arith.select %or3A_162, %broadcast_in_dim3A_165, %broadcast_in_dim3A_166 : vector<16x128xi1>, vector<16x128xi32>
    %add3A_168 = arith.addi %add3A_152, %select_n3A_167 : vector<16x128xi32>
    %slice3A_169 = vector.extract_strided_slice %concatenate3A_155 {offsets = [0, 1], sizes = [16, 127], strides = [1, 1]} : vector<16x128xf32> to vector<16x127xf32>
    %slice3A_170 = vector.extract_strided_slice %concatenate3A_155 {offsets = [0, 0], sizes = [16, 1], strides = [1, 1]} : vector<16x128xf32> to vector<16x1xf32>
    %concatenate3A_171 = tpu.concatenate %slice3A_169, %slice3A_170 in 1 : vector<16x127xf32>, vector<16x1xf32> -> vector<16x128xf32>
    %gt3A_172 = arith.cmpf ogt, %concatenate3A_171, %get3A_1 : vector<16x128xf32>
    %eq3A_173 = arith.cmpf oeq, %concatenate3A_171, %get3A_1 : vector<16x128xf32>
    %ge3A_174 = arith.constant 116 : i32
    %ge3A_175 = vector.broadcast %ge3A_174 : i32 to vector<16x128xi32>
    %ge3A_176 = arith.cmpi sge, %iota3A, %ge3A_175 : vector<16x128xi32>
    %and3A_177 = arith.andi %eq3A_173, %ge3A_176 : vector<16x128xi1>
    %or3A_178 = arith.ori %gt3A_172, %and3A_177 : vector<16x128xi1>
    %jit3A_179 = arith.constant 1 : i32
    %jit3A_180 = arith.constant 0 : i32
    %broadcast_in_dim3A_181 = vector.broadcast %jit3A_179 : i32 to vector<16x128xi32>
    %broadcast_in_dim3A_182 = vector.broadcast %jit3A_180 : i32 to vector<16x128xi32>
    %select_n3A_183 = arith.select %or3A_178, %broadcast_in_dim3A_181, %broadcast_in_dim3A_182 : vector<16x128xi1>, vector<16x128xi32>
    %add3A_184 = arith.addi %add3A_168, %select_n3A_183 : vector<16x128xi32>
    %slice3A_185 = vector.extract_strided_slice %concatenate3A_171 {offsets = [0, 1], sizes = [16, 127], strides = [1, 1]} : vector<16x128xf32> to vector<16x127xf32>
    %slice3A_186 = vector.extract_strided_slice %concatenate3A_171 {offsets = [0, 0], sizes = [16, 1], strides = [1, 1]} : vector<16x128xf32> to vector<16x1xf32>
    %concatenate3A_187 = tpu.concatenate %slice3A_185, %slice3A_186 in 1 : vector<16x127xf32>, vector<16x1xf32> -> vector<16x128xf32>
    %gt3A_188 = arith.cmpf ogt, %concatenate3A_187, %get3A_1 : vector<16x128xf32>
    %eq3A_189 = arith.cmpf oeq, %concatenate3A_187, %get3A_1 : vector<16x128xf32>
    %ge3A_190 = arith.constant 115 : i32
    %ge3A_191 = vector.broadcast %ge3A_190 : i32 to vector<16x128xi32>
    %ge3A_192 = arith.cmpi sge, %iota3A, %ge3A_191 : vector<16x128xi32>
    %and3A_193 = arith.andi %eq3A_189, %ge3A_192 : vector<16x128xi1>
    %or3A_194 = arith.ori %gt3A_188, %and3A_193 : vector<16x128xi1>
    %jit3A_195 = arith.constant 1 : i32
    %jit3A_196 = arith.constant 0 : i32
    %broadcast_in_dim3A_197 = vector.broadcast %jit3A_195 : i32 to vector<16x128xi32>
    %broadcast_in_dim3A_198 = vector.broadcast %jit3A_196 : i32 to vector<16x128xi32>
    %select_n3A_199 = arith.select %or3A_194, %broadcast_in_dim3A_197, %broadcast_in_dim3A_198 : vector<16x128xi1>, vector<16x128xi32>
    %add3A_200 = arith.addi %add3A_184, %select_n3A_199 : vector<16x128xi32>
    %slice3A_201 = vector.extract_strided_slice %concatenate3A_187 {offsets = [0, 1], sizes = [16, 127], strides = [1, 1]} : vector<16x128xf32> to vector<16x127xf32>
    %slice3A_202 = vector.extract_strided_slice %concatenate3A_187 {offsets = [0, 0], sizes = [16, 1], strides = [1, 1]} : vector<16x128xf32> to vector<16x1xf32>
    %concatenate3A_203 = tpu.concatenate %slice3A_201, %slice3A_202 in 1 : vector<16x127xf32>, vector<16x1xf32> -> vector<16x128xf32>
    %gt3A_204 = arith.cmpf ogt, %concatenate3A_203, %get3A_1 : vector<16x128xf32>
    %eq3A_205 = arith.cmpf oeq, %concatenate3A_203, %get3A_1 : vector<16x128xf32>
    %ge3A_206 = arith.constant 114 : i32
    %ge3A_207 = vector.broadcast %ge3A_206 : i32 to vector<16x128xi32>
    %ge3A_208 = arith.cmpi sge, %iota3A, %ge3A_207 : vector<16x128xi32>
    %and3A_209 = arith.andi %eq3A_205, %ge3A_208 : vector<16x128xi1>
    %or3A_210 = arith.ori %gt3A_204, %and3A_209 : vector<16x128xi1>
    %jit3A_211 = arith.constant 1 : i32
    %jit3A_212 = arith.constant 0 : i32
    %broadcast_in_dim3A_213 = vector.broadcast %jit3A_211 : i32 to vector<16x128xi32>
    %broadcast_in_dim3A_214 = vector.broadcast %jit3A_212 : i32 to vector<16x128xi32>
    %select_n3A_215 = arith.select %or3A_210, %broadcast_in_dim3A_213, %broadcast_in_dim3A_214 : vector<16x128xi1>, vector<16x128xi32>
    %add3A_216 = arith.addi %add3A_200, %select_n3A_215 : vector<16x128xi32>
    %slice3A_217 = vector.extract_strided_slice %concatenate3A_203 {offsets = [0, 1], sizes = [16, 127], strides = [1, 1]} : vector<16x128xf32> to vector<16x127xf32>
    %slice3A_218 = vector.extract_strided_slice %concatenate3A_203 {offsets = [0, 0], sizes = [16, 1], strides = [1, 1]} : vector<16x128xf32> to vector<16x1xf32>
    %concatenate3A_219 = tpu.concatenate %slice3A_217, %slice3A_218 in 1 : vector<16x127xf32>, vector<16x1xf32> -> vector<16x128xf32>
    %gt3A_220 = arith.cmpf ogt, %concatenate3A_219, %get3A_1 : vector<16x128xf32>
    %eq3A_221 = arith.cmpf oeq, %concatenate3A_219, %get3A_1 : vector<16x128xf32>
    %ge3A_222 = arith.constant 113 : i32
    %ge3A_223 = vector.broadcast %ge3A_222 : i32 to vector<16x128xi32>
    %ge3A_224 = arith.cmpi sge, %iota3A, %ge3A_223 : vector<16x128xi32>
    %and3A_225 = arith.andi %eq3A_221, %ge3A_224 : vector<16x128xi1>
    %or3A_226 = arith.ori %gt3A_220, %and3A_225 : vector<16x128xi1>
    %jit3A_227 = arith.constant 1 : i32
    %jit3A_228 = arith.constant 0 : i32
    %broadcast_in_dim3A_229 = vector.broadcast %jit3A_227 : i32 to vector<16x128xi32>
    %broadcast_in_dim3A_230 = vector.broadcast %jit3A_228 : i32 to vector<16x128xi32>
    %select_n3A_231 = arith.select %or3A_226, %broadcast_in_dim3A_229, %broadcast_in_dim3A_230 : vector<16x128xi1>, vector<16x128xi32>
    %add3A_232 = arith.addi %add3A_216, %select_n3A_231 : vector<16x128xi32>
    %slice3A_233 = vector.extract_strided_slice %concatenate3A_219 {offsets = [0, 1], sizes = [16, 127], strides = [1, 1]} : vector<16x128xf32> to vector<16x127xf32>
    %slice3A_234 = vector.extract_strided_slice %concatenate3A_219 {offsets = [0, 0], sizes = [16, 1], strides = [1, 1]} : vector<16x128xf32> to vector<16x1xf32>
    %concatenate3A_235 = tpu.concatenate %slice3A_233, %slice3A_234 in 1 : vector<16x127xf32>, vector<16x1xf32> -> vector<16x128xf32>
    %gt3A_236 = arith.cmpf ogt, %concatenate3A_235, %get3A_1 : vector<16x128xf32>
    %eq3A_237 = arith.cmpf oeq, %concatenate3A_235, %get3A_1 : vector<16x128xf32>
    %ge3A_238 = arith.constant 112 : i32
    %ge3A_239 = vector.broadcast %ge3A_238 : i32 to vector<16x128xi32>
    %ge3A_240 = arith.cmpi sge, %iota3A, %ge3A_239 : vector<16x128xi32>
    %and3A_241 = arith.andi %eq3A_237, %ge3A_240 : vector<16x128xi1>
    %or3A_242 = arith.ori %gt3A_236, %and3A_241 : vector<16x128xi1>
    %jit3A_243 = arith.constant 1 : i32
    %jit3A_244 = arith.constant 0 : i32
    %broadcast_in_dim3A_245 = vector.broadcast %jit3A_243 : i32 to vector<16x128xi32>
    %broadcast_in_dim3A_246 = vector.broadcast %jit3A_244 : i32 to vector<16x128xi32>
    %select_n3A_247 = arith.select %or3A_242, %broadcast_in_dim3A_245, %broadcast_in_dim3A_246 : vector<16x128xi1>, vector<16x128xi32>
    %add3A_248 = arith.addi %add3A_232, %select_n3A_247 : vector<16x128xi32>
    %slice3A_249 = vector.extract_strided_slice %concatenate3A_235 {offsets = [0, 1], sizes = [16, 127], strides = [1, 1]} : vector<16x128xf32> to vector<16x127xf32>
    %slice3A_250 = vector.extract_strided_slice %concatenate3A_235 {offsets = [0, 0], sizes = [16, 1], strides = [1, 1]} : vector<16x128xf32> to vector<16x1xf32>
    %concatenate3A_251 = tpu.concatenate %slice3A_249, %slice3A_250 in 1 : vector<16x127xf32>, vector<16x1xf32> -> vector<16x128xf32>
    %gt3A_252 = arith.cmpf ogt, %concatenate3A_251, %get3A_1 : vector<16x128xf32>
    %eq3A_253 = arith.cmpf oeq, %concatenate3A_251, %get3A_1 : vector<16x128xf32>
    %ge3A_254 = arith.constant 111 : i32
    %ge3A_255 = vector.broadcast %ge3A_254 : i32 to vector<16x128xi32>
    %ge3A_256 = arith.cmpi sge, %iota3A, %ge3A_255 : vector<16x128xi32>
    %and3A_257 = arith.andi %eq3A_253, %ge3A_256 : vector<16x128xi1>
    %or3A_258 = arith.ori %gt3A_252, %and3A_257 : vector<16x128xi1>
    %jit3A_259 = arith.constant 1 : i32
    %jit3A_260 = arith.constant 0 : i32
    %broadcast_in_dim3A_261 = vector.broadcast %jit3A_259 : i32 to vector<16x128xi32>
    %broadcast_in_dim3A_262 = vector.broadcast %jit3A_260 : i32 to vector<16x128xi32>
    %select_n3A_263 = arith.select %or3A_258, %broadcast_in_dim3A_261, %broadcast_in_dim3A_262 : vector<16x128xi1>, vector<16x128xi32>
    %add3A_264 = arith.addi %add3A_248, %select_n3A_263 : vector<16x128xi32>
    %slice3A_265 = vector.extract_strided_slice %concatenate3A_251 {offsets = [0, 1], sizes = [16, 127], strides = [1, 1]} : vector<16x128xf32> to vector<16x127xf32>
    %slice3A_266 = vector.extract_strided_slice %concatenate3A_251 {offsets = [0, 0], sizes = [16, 1], strides = [1, 1]} : vector<16x128xf32> to vector<16x1xf32>
    %concatenate3A_267 = tpu.concatenate %slice3A_265, %slice3A_266 in 1 : vector<16x127xf32>, vector<16x1xf32> -> vector<16x128xf32>
    %gt3A_268 = arith.cmpf ogt, %concatenate3A_267, %get3A_1 : vector<16x128xf32>
    %eq3A_269 = arith.cmpf oeq, %concatenate3A_267, %get3A_1 : vector<16x128xf32>
    %ge3A_270 = arith.constant 110 : i32
    %ge3A_271 = vector.broadcast %ge3A_270 : i32 to vector<16x128xi32>
    %ge3A_272 = arith.cmpi sge, %iota3A, %ge3A_271 : vector<16x128xi32>
    %and3A_273 = arith.andi %eq3A_269, %ge3A_272 : vector<16x128xi1>
    %or3A_274 = arith.ori %gt3A_268, %and3A_273 : vector<16x128xi1>
    %jit3A_275 = arith.constant 1 : i32
    %jit3A_276 = arith.constant 0 : i32
    %broadcast_in_dim3A_277 = vector.broadcast %jit3A_275 : i32 to vector<16x128xi32>
    %broadcast_in_dim3A_278 = vector.broadcast %jit3A_276 : i32 to vector<16x128xi32>
    %select_n3A_279 = arith.select %or3A_274, %broadcast_in_dim3A_277, %broadcast_in_dim3A_278 : vector<16x128xi1>, vector<16x128xi32>
    %add3A_280 = arith.addi %add3A_264, %select_n3A_279 : vector<16x128xi32>
    %slice3A_281 = vector.extract_strided_slice %concatenate3A_267 {offsets = [0, 1], sizes = [16, 127], strides = [1, 1]} : vector<16x128xf32> to vector<16x127xf32>
    %slice3A_282 = vector.extract_strided_slice %concatenate3A_267 {offsets = [0, 0], sizes = [16, 1], strides = [1, 1]} : vector<16x128xf32> to vector<16x1xf32>
    %concatenate3A_283 = tpu.concatenate %slice3A_281, %slice3A_282 in 1 : vector<16x127xf32>, vector<16x1xf32> -> vector<16x128xf32>
    %gt3A_284 = arith.cmpf ogt, %concatenate3A_283, %get3A_1 : vector<16x128xf32>
    %eq3A_285 = arith.cmpf oeq, %concatenate3A_283, %get3A_1 : vector<16x128xf32>
    %ge3A_286 = arith.constant 109 : i32
    %ge3A_287 = vector.broadcast %ge3A_286 : i32 to vector<16x128xi32>
    %ge3A_288 = arith.cmpi sge, %iota3A, %ge3A_287 : vector<16x128xi32>
    %and3A_289 = arith.andi %eq3A_285, %ge3A_288 : vector<16x128xi1>
    %or3A_290 = arith.ori %gt3A_284, %and3A_289 : vector<16x128xi1>
    %jit3A_291 = arith.constant 1 : i32
    %jit3A_292 = arith.constant 0 : i32
    %broadcast_in_dim3A_293 = vector.broadcast %jit3A_291 : i32 to vector<16x128xi32>
    %broadcast_in_dim3A_294 = vector.broadcast %jit3A_292 : i32 to vector<16x128xi32>
    %select_n3A_295 = arith.select %or3A_290, %broadcast_in_dim3A_293, %broadcast_in_dim3A_294 : vector<16x128xi1>, vector<16x128xi32>
    %add3A_296 = arith.addi %add3A_280, %select_n3A_295 : vector<16x128xi32>
    %slice3A_297 = vector.extract_strided_slice %concatenate3A_283 {offsets = [0, 1], sizes = [16, 127], strides = [1, 1]} : vector<16x128xf32> to vector<16x127xf32>
    %slice3A_298 = vector.extract_strided_slice %concatenate3A_283 {offsets = [0, 0], sizes = [16, 1], strides = [1, 1]} : vector<16x128xf32> to vector<16x1xf32>
    %concatenate3A_299 = tpu.concatenate %slice3A_297, %slice3A_298 in 1 : vector<16x127xf32>, vector<16x1xf32> -> vector<16x128xf32>
    %gt3A_300 = arith.cmpf ogt, %concatenate3A_299, %get3A_1 : vector<16x128xf32>
    %eq3A_301 = arith.cmpf oeq, %concatenate3A_299, %get3A_1 : vector<16x128xf32>
    %ge3A_302 = arith.constant 108 : i32
    %ge3A_303 = vector.broadcast %ge3A_302 : i32 to vector<16x128xi32>
    %ge3A_304 = arith.cmpi sge, %iota3A, %ge3A_303 : vector<16x128xi32>
    %and3A_305 = arith.andi %eq3A_301, %ge3A_304 : vector<16x128xi1>
    %or3A_306 = arith.ori %gt3A_300, %and3A_305 : vector<16x128xi1>
    %jit3A_307 = arith.constant 1 : i32
    %jit3A_308 = arith.constant 0 : i32
    %broadcast_in_dim3A_309 = vector.broadcast %jit3A_307 : i32 to vector<16x128xi32>
    %broadcast_in_dim3A_310 = vector.broadcast %jit3A_308 : i32 to vector<16x128xi32>
    %select_n3A_311 = arith.select %or3A_306, %broadcast_in_dim3A_309, %broadcast_in_dim3A_310 : vector<16x128xi1>, vector<16x128xi32>
    %add3A_312 = arith.addi %add3A_296, %select_n3A_311 : vector<16x128xi32>
    %slice3A_313 = vector.extract_strided_slice %concatenate3A_299 {offsets = [0, 1], sizes = [16, 127], strides = [1, 1]} : vector<16x128xf32> to vector<16x127xf32>
    %slice3A_314 = vector.extract_strided_slice %concatenate3A_299 {offsets = [0, 0], sizes = [16, 1], strides = [1, 1]} : vector<16x128xf32> to vector<16x1xf32>
    %concatenate3A_315 = tpu.concatenate %slice3A_313, %slice3A_314 in 1 : vector<16x127xf32>, vector<16x1xf32> -> vector<16x128xf32>
    %gt3A_316 = arith.cmpf ogt, %concatenate3A_315, %get3A_1 : vector<16x128xf32>
    %eq3A_317 = arith.cmpf oeq, %concatenate3A_315, %get3A_1 : vector<16x128xf32>
    %ge3A_318 = arith.constant 107 : i32
    %ge3A_319 = vector.broadcast %ge3A_318 : i32 to vector<16x128xi32>
    %ge3A_320 = arith.cmpi sge, %iota3A, %ge3A_319 : vector<16x128xi32>
    %and3A_321 = arith.andi %eq3A_317, %ge3A_320 : vector<16x128xi1>
    %or3A_322 = arith.ori %gt3A_316, %and3A_321 : vector<16x128xi1>
    %jit3A_323 = arith.constant 1 : i32
    %jit3A_324 = arith.constant 0 : i32
    %broadcast_in_dim3A_325 = vector.broadcast %jit3A_323 : i32 to vector<16x128xi32>
    %broadcast_in_dim3A_326 = vector.broadcast %jit3A_324 : i32 to vector<16x128xi32>
    %select_n3A_327 = arith.select %or3A_322, %broadcast_in_dim3A_325, %broadcast_in_dim3A_326 : vector<16x128xi1>, vector<16x128xi32>
    %add3A_328 = arith.addi %add3A_312, %select_n3A_327 : vector<16x128xi32>
    %slice3A_329 = vector.extract_strided_slice %concatenate3A_315 {offsets = [0, 1], sizes = [16, 127], strides = [1, 1]} : vector<16x128xf32> to vector<16x127xf32>
    %slice3A_330 = vector.extract_strided_slice %concatenate3A_315 {offsets = [0, 0], sizes = [16, 1], strides = [1, 1]} : vector<16x128xf32> to vector<16x1xf32>
    %concatenate3A_331 = tpu.concatenate %slice3A_329, %slice3A_330 in 1 : vector<16x127xf32>, vector<16x1xf32> -> vector<16x128xf32>
    %gt3A_332 = arith.cmpf ogt, %concatenate3A_331, %get3A_1 : vector<16x128xf32>
    %eq3A_333 = arith.cmpf oeq, %concatenate3A_331, %get3A_1 : vector<16x128xf32>
    %ge3A_334 = arith.constant 106 : i32
    %ge3A_335 = vector.broadcast %ge3A_334 : i32 to vector<16x128xi32>
    %ge3A_336 = arith.cmpi sge, %iota3A, %ge3A_335 : vector<16x128xi32>
    %and3A_337 = arith.andi %eq3A_333, %ge3A_336 : vector<16x128xi1>
    %or3A_338 = arith.ori %gt3A_332, %and3A_337 : vector<16x128xi1>
    %jit3A_339 = arith.constant 1 : i32
    %jit3A_340 = arith.constant 0 : i32
    %broadcast_in_dim3A_341 = vector.broadcast %jit3A_339 : i32 to vector<16x128xi32>
    %broadcast_in_dim3A_342 = vector.broadcast %jit3A_340 : i32 to vector<16x128xi32>
    %select_n3A_343 = arith.select %or3A_338, %broadcast_in_dim3A_341, %broadcast_in_dim3A_342 : vector<16x128xi1>, vector<16x128xi32>
    %add3A_344 = arith.addi %add3A_328, %select_n3A_343 : vector<16x128xi32>
    %slice3A_345 = vector.extract_strided_slice %concatenate3A_331 {offsets = [0, 1], sizes = [16, 127], strides = [1, 1]} : vector<16x128xf32> to vector<16x127xf32>
    %slice3A_346 = vector.extract_strided_slice %concatenate3A_331 {offsets = [0, 0], sizes = [16, 1], strides = [1, 1]} : vector<16x128xf32> to vector<16x1xf32>
    %concatenate3A_347 = tpu.concatenate %slice3A_345, %slice3A_346 in 1 : vector<16x127xf32>, vector<16x1xf32> -> vector<16x128xf32>
    %gt3A_348 = arith.cmpf ogt, %concatenate3A_347, %get3A_1 : vector<16x128xf32>
    %eq3A_349 = arith.cmpf oeq, %concatenate3A_347, %get3A_1 : vector<16x128xf32>
    %ge3A_350 = arith.constant 105 : i32
    %ge3A_351 = vector.broadcast %ge3A_350 : i32 to vector<16x128xi32>
    %ge3A_352 = arith.cmpi sge, %iota3A, %ge3A_351 : vector<16x128xi32>
    %and3A_353 = arith.andi %eq3A_349, %ge3A_352 : vector<16x128xi1>
    %or3A_354 = arith.ori %gt3A_348, %and3A_353 : vector<16x128xi1>
    %jit3A_355 = arith.constant 1 : i32
    %jit3A_356 = arith.constant 0 : i32
    %broadcast_in_dim3A_357 = vector.broadcast %jit3A_355 : i32 to vector<16x128xi32>
    %broadcast_in_dim3A_358 = vector.broadcast %jit3A_356 : i32 to vector<16x128xi32>
    %select_n3A_359 = arith.select %or3A_354, %broadcast_in_dim3A_357, %broadcast_in_dim3A_358 : vector<16x128xi1>, vector<16x128xi32>
    %add3A_360 = arith.addi %add3A_344, %select_n3A_359 : vector<16x128xi32>
    %slice3A_361 = vector.extract_strided_slice %concatenate3A_347 {offsets = [0, 1], sizes = [16, 127], strides = [1, 1]} : vector<16x128xf32> to vector<16x127xf32>
    %slice3A_362 = vector.extract_strided_slice %concatenate3A_347 {offsets = [0, 0], sizes = [16, 1], strides = [1, 1]} : vector<16x128xf32> to vector<16x1xf32>
    %concatenate3A_363 = tpu.concatenate %slice3A_361, %slice3A_362 in 1 : vector<16x127xf32>, vector<16x1xf32> -> vector<16x128xf32>
    %gt3A_364 = arith.cmpf ogt, %concatenate3A_363, %get3A_1 : vector<16x128xf32>
    %eq3A_365 = arith.cmpf oeq, %concatenate3A_363, %get3A_1 : vector<16x128xf32>
    %ge3A_366 = arith.constant 104 : i32
    %ge3A_367 = vector.broadcast %ge3A_366 : i32 to vector<16x128xi32>
    %ge3A_368 = arith.cmpi sge, %iota3A, %ge3A_367 : vector<16x128xi32>
    %and3A_369 = arith.andi %eq3A_365, %ge3A_368 : vector<16x128xi1>
    %or3A_370 = arith.ori %gt3A_364, %and3A_369 : vector<16x128xi1>
    %jit3A_371 = arith.constant 1 : i32
    %jit3A_372 = arith.constant 0 : i32
    %broadcast_in_dim3A_373 = vector.broadcast %jit3A_371 : i32 to vector<16x128xi32>
    %broadcast_in_dim3A_374 = vector.broadcast %jit3A_372 : i32 to vector<16x128xi32>
    %select_n3A_375 = arith.select %or3A_370, %broadcast_in_dim3A_373, %broadcast_in_dim3A_374 : vector<16x128xi1>, vector<16x128xi32>
    %add3A_376 = arith.addi %add3A_360, %select_n3A_375 : vector<16x128xi32>
    %slice3A_377 = vector.extract_strided_slice %concatenate3A_363 {offsets = [0, 1], sizes = [16, 127], strides = [1, 1]} : vector<16x128xf32> to vector<16x127xf32>
    %slice3A_378 = vector.extract_strided_slice %concatenate3A_363 {offsets = [0, 0], sizes = [16, 1], strides = [1, 1]} : vector<16x128xf32> to vector<16x1xf32>
    %concatenate3A_379 = tpu.concatenate %slice3A_377, %slice3A_378 in 1 : vector<16x127xf32>, vector<16x1xf32> -> vector<16x128xf32>
    %gt3A_380 = arith.cmpf ogt, %concatenate3A_379, %get3A_1 : vector<16x128xf32>
    %eq3A_381 = arith.cmpf oeq, %concatenate3A_379, %get3A_1 : vector<16x128xf32>
    %ge3A_382 = arith.constant 103 : i32
    %ge3A_383 = vector.broadcast %ge3A_382 : i32 to vector<16x128xi32>
    %ge3A_384 = arith.cmpi sge, %iota3A, %ge3A_383 : vector<16x128xi32>
    %and3A_385 = arith.andi %eq3A_381, %ge3A_384 : vector<16x128xi1>
    %or3A_386 = arith.ori %gt3A_380, %and3A_385 : vector<16x128xi1>
    %jit3A_387 = arith.constant 1 : i32
    %jit3A_388 = arith.constant 0 : i32
    %broadcast_in_dim3A_389 = vector.broadcast %jit3A_387 : i32 to vector<16x128xi32>
    %broadcast_in_dim3A_390 = vector.broadcast %jit3A_388 : i32 to vector<16x128xi32>
    %select_n3A_391 = arith.select %or3A_386, %broadcast_in_dim3A_389, %broadcast_in_dim3A_390 : vector<16x128xi1>, vector<16x128xi32>
    %add3A_392 = arith.addi %add3A_376, %select_n3A_391 : vector<16x128xi32>
    %slice3A_393 = vector.extract_strided_slice %concatenate3A_379 {offsets = [0, 1], sizes = [16, 127], strides = [1, 1]} : vector<16x128xf32> to vector<16x127xf32>
    %slice3A_394 = vector.extract_strided_slice %concatenate3A_379 {offsets = [0, 0], sizes = [16, 1], strides = [1, 1]} : vector<16x128xf32> to vector<16x1xf32>
    %concatenate3A_395 = tpu.concatenate %slice3A_393, %slice3A_394 in 1 : vector<16x127xf32>, vector<16x1xf32> -> vector<16x128xf32>
    %gt3A_396 = arith.cmpf ogt, %concatenate3A_395, %get3A_1 : vector<16x128xf32>
    %eq3A_397 = arith.cmpf oeq, %concatenate3A_395, %get3A_1 : vector<16x128xf32>
    %ge3A_398 = arith.constant 102 : i32
    %ge3A_399 = vector.broadcast %ge3A_398 : i32 to vector<16x128xi32>
    %ge3A_400 = arith.cmpi sge, %iota3A, %ge3A_399 : vector<16x128xi32>
    %and3A_401 = arith.andi %eq3A_397, %ge3A_400 : vector<16x128xi1>
    %or3A_402 = arith.ori %gt3A_396, %and3A_401 : vector<16x128xi1>
    %jit3A_403 = arith.constant 1 : i32
    %jit3A_404 = arith.constant 0 : i32
    %broadcast_in_dim3A_405 = vector.broadcast %jit3A_403 : i32 to vector<16x128xi32>
    %broadcast_in_dim3A_406 = vector.broadcast %jit3A_404 : i32 to vector<16x128xi32>
    %select_n3A_407 = arith.select %or3A_402, %broadcast_in_dim3A_405, %broadcast_in_dim3A_406 : vector<16x128xi1>, vector<16x128xi32>
    %add3A_408 = arith.addi %add3A_392, %select_n3A_407 : vector<16x128xi32>
    %slice3A_409 = vector.extract_strided_slice %concatenate3A_395 {offsets = [0, 1], sizes = [16, 127], strides = [1, 1]} : vector<16x128xf32> to vector<16x127xf32>
    %slice3A_410 = vector.extract_strided_slice %concatenate3A_395 {offsets = [0, 0], sizes = [16, 1], strides = [1, 1]} : vector<16x128xf32> to vector<16x1xf32>
    %concatenate3A_411 = tpu.concatenate %slice3A_409, %slice3A_410 in 1 : vector<16x127xf32>, vector<16x1xf32> -> vector<16x128xf32>
    %gt3A_412 = arith.cmpf ogt, %concatenate3A_411, %get3A_1 : vector<16x128xf32>
    %eq3A_413 = arith.cmpf oeq, %concatenate3A_411, %get3A_1 : vector<16x128xf32>
    %ge3A_414 = arith.constant 101 : i32
    %ge3A_415 = vector.broadcast %ge3A_414 : i32 to vector<16x128xi32>
    %ge3A_416 = arith.cmpi sge, %iota3A, %ge3A_415 : vector<16x128xi32>
    %and3A_417 = arith.andi %eq3A_413, %ge3A_416 : vector<16x128xi1>
    %or3A_418 = arith.ori %gt3A_412, %and3A_417 : vector<16x128xi1>
    %jit3A_419 = arith.constant 1 : i32
    %jit3A_420 = arith.constant 0 : i32
    %broadcast_in_dim3A_421 = vector.broadcast %jit3A_419 : i32 to vector<16x128xi32>
    %broadcast_in_dim3A_422 = vector.broadcast %jit3A_420 : i32 to vector<16x128xi32>
    %select_n3A_423 = arith.select %or3A_418, %broadcast_in_dim3A_421, %broadcast_in_dim3A_422 : vector<16x128xi1>, vector<16x128xi32>
    %add3A_424 = arith.addi %add3A_408, %select_n3A_423 : vector<16x128xi32>
    %slice3A_425 = vector.extract_strided_slice %concatenate3A_411 {offsets = [0, 1], sizes = [16, 127], strides = [1, 1]} : vector<16x128xf32> to vector<16x127xf32>
    %slice3A_426 = vector.extract_strided_slice %concatenate3A_411 {offsets = [0, 0], sizes = [16, 1], strides = [1, 1]} : vector<16x128xf32> to vector<16x1xf32>
    %concatenate3A_427 = tpu.concatenate %slice3A_425, %slice3A_426 in 1 : vector<16x127xf32>, vector<16x1xf32> -> vector<16x128xf32>
    %gt3A_428 = arith.cmpf ogt, %concatenate3A_427, %get3A_1 : vector<16x128xf32>
    %eq3A_429 = arith.cmpf oeq, %concatenate3A_427, %get3A_1 : vector<16x128xf32>
    %ge3A_430 = arith.constant 100 : i32
    %ge3A_431 = vector.broadcast %ge3A_430 : i32 to vector<16x128xi32>
    %ge3A_432 = arith.cmpi sge, %iota3A, %ge3A_431 : vector<16x128xi32>
    %and3A_433 = arith.andi %eq3A_429, %ge3A_432 : vector<16x128xi1>
    %or3A_434 = arith.ori %gt3A_428, %and3A_433 : vector<16x128xi1>
    %jit3A_435 = arith.constant 1 : i32
    %jit3A_436 = arith.constant 0 : i32
    %broadcast_in_dim3A_437 = vector.broadcast %jit3A_435 : i32 to vector<16x128xi32>
    %broadcast_in_dim3A_438 = vector.broadcast %jit3A_436 : i32 to vector<16x128xi32>
    %select_n3A_439 = arith.select %or3A_434, %broadcast_in_dim3A_437, %broadcast_in_dim3A_438 : vector<16x128xi1>, vector<16x128xi32>
    %add3A_440 = arith.addi %add3A_424, %select_n3A_439 : vector<16x128xi32>
    %slice3A_441 = vector.extract_strided_slice %concatenate3A_427 {offsets = [0, 1], sizes = [16, 127], strides = [1, 1]} : vector<16x128xf32> to vector<16x127xf32>
    %slice3A_442 = vector.extract_strided_slice %concatenate3A_427 {offsets = [0, 0], sizes = [16, 1], strides = [1, 1]} : vector<16x128xf32> to vector<16x1xf32>
    %concatenate3A_443 = tpu.concatenate %slice3A_441, %slice3A_442 in 1 : vector<16x127xf32>, vector<16x1xf32> -> vector<16x128xf32>
    %gt3A_444 = arith.cmpf ogt, %concatenate3A_443, %get3A_1 : vector<16x128xf32>
    %eq3A_445 = arith.cmpf oeq, %concatenate3A_443, %get3A_1 : vector<16x128xf32>
    %ge3A_446 = arith.constant 99 : i32
    %ge3A_447 = vector.broadcast %ge3A_446 : i32 to vector<16x128xi32>
    %ge3A_448 = arith.cmpi sge, %iota3A, %ge3A_447 : vector<16x128xi32>
    %and3A_449 = arith.andi %eq3A_445, %ge3A_448 : vector<16x128xi1>
    %or3A_450 = arith.ori %gt3A_444, %and3A_449 : vector<16x128xi1>
    %jit3A_451 = arith.constant 1 : i32
    %jit3A_452 = arith.constant 0 : i32
    %broadcast_in_dim3A_453 = vector.broadcast %jit3A_451 : i32 to vector<16x128xi32>
    %broadcast_in_dim3A_454 = vector.broadcast %jit3A_452 : i32 to vector<16x128xi32>
    %select_n3A_455 = arith.select %or3A_450, %broadcast_in_dim3A_453, %broadcast_in_dim3A_454 : vector<16x128xi1>, vector<16x128xi32>
    %add3A_456 = arith.addi %add3A_440, %select_n3A_455 : vector<16x128xi32>
    %slice3A_457 = vector.extract_strided_slice %concatenate3A_443 {offsets = [0, 1], sizes = [16, 127], strides = [1, 1]} : vector<16x128xf32> to vector<16x127xf32>
    %slice3A_458 = vector.extract_strided_slice %concatenate3A_443 {offsets = [0, 0], sizes = [16, 1], strides = [1, 1]} : vector<16x128xf32> to vector<16x1xf32>
    %concatenate3A_459 = tpu.concatenate %slice3A_457, %slice3A_458 in 1 : vector<16x127xf32>, vector<16x1xf32> -> vector<16x128xf32>
    %gt3A_460 = arith.cmpf ogt, %concatenate3A_459, %get3A_1 : vector<16x128xf32>
    %eq3A_461 = arith.cmpf oeq, %concatenate3A_459, %get3A_1 : vector<16x128xf32>
    %ge3A_462 = arith.constant 98 : i32
    %ge3A_463 = vector.broadcast %ge3A_462 : i32 to vector<16x128xi32>
    %ge3A_464 = arith.cmpi sge, %iota3A, %ge3A_463 : vector<16x128xi32>
    %and3A_465 = arith.andi %eq3A_461, %ge3A_464 : vector<16x128xi1>
    %or3A_466 = arith.ori %gt3A_460, %and3A_465 : vector<16x128xi1>
    %jit3A_467 = arith.constant 1 : i32
    %jit3A_468 = arith.constant 0 : i32
    %broadcast_in_dim3A_469 = vector.broadcast %jit3A_467 : i32 to vector<16x128xi32>
    %broadcast_in_dim3A_470 = vector.broadcast %jit3A_468 : i32 to vector<16x128xi32>
    %select_n3A_471 = arith.select %or3A_466, %broadcast_in_dim3A_469, %broadcast_in_dim3A_470 : vector<16x128xi1>, vector<16x128xi32>
    %add3A_472 = arith.addi %add3A_456, %select_n3A_471 : vector<16x128xi32>
    %slice3A_473 = vector.extract_strided_slice %concatenate3A_459 {offsets = [0, 1], sizes = [16, 127], strides = [1, 1]} : vector<16x128xf32> to vector<16x127xf32>
    %slice3A_474 = vector.extract_strided_slice %concatenate3A_459 {offsets = [0, 0], sizes = [16, 1], strides = [1, 1]} : vector<16x128xf32> to vector<16x1xf32>
    %concatenate3A_475 = tpu.concatenate %slice3A_473, %slice3A_474 in 1 : vector<16x127xf32>, vector<16x1xf32> -> vector<16x128xf32>
    %gt3A_476 = arith.cmpf ogt, %concatenate3A_475, %get3A_1 : vector<16x128xf32>
    %eq3A_477 = arith.cmpf oeq, %concatenate3A_475, %get3A_1 : vector<16x128xf32>
    %ge3A_478 = arith.constant 97 : i32
    %ge3A_479 = vector.broadcast %ge3A_478 : i32 to vector<16x128xi32>
    %ge3A_480 = arith.cmpi sge, %iota3A, %ge3A_479 : vector<16x128xi32>
    %and3A_481 = arith.andi %eq3A_477, %ge3A_480 : vector<16x128xi1>
    %or3A_482 = arith.ori %gt3A_476, %and3A_481 : vector<16x128xi1>
    %jit3A_483 = arith.constant 1 : i32
    %jit3A_484 = arith.constant 0 : i32
    %broadcast_in_dim3A_485 = vector.broadcast %jit3A_483 : i32 to vector<16x128xi32>
    %broadcast_in_dim3A_486 = vector.broadcast %jit3A_484 : i32 to vector<16x128xi32>
    %select_n3A_487 = arith.select %or3A_482, %broadcast_in_dim3A_485, %broadcast_in_dim3A_486 : vector<16x128xi1>, vector<16x128xi32>
    %add3A_488 = arith.addi %add3A_472, %select_n3A_487 : vector<16x128xi32>
    %slice3A_489 = vector.extract_strided_slice %concatenate3A_475 {offsets = [0, 1], sizes = [16, 127], strides = [1, 1]} : vector<16x128xf32> to vector<16x127xf32>
    %slice3A_490 = vector.extract_strided_slice %concatenate3A_475 {offsets = [0, 0], sizes = [16, 1], strides = [1, 1]} : vector<16x128xf32> to vector<16x1xf32>
    %concatenate3A_491 = tpu.concatenate %slice3A_489, %slice3A_490 in 1 : vector<16x127xf32>, vector<16x1xf32> -> vector<16x128xf32>
    %gt3A_492 = arith.cmpf ogt, %concatenate3A_491, %get3A_1 : vector<16x128xf32>
    %eq3A_493 = arith.cmpf oeq, %concatenate3A_491, %get3A_1 : vector<16x128xf32>
    %ge3A_494 = arith.constant 96 : i32
    %ge3A_495 = vector.broadcast %ge3A_494 : i32 to vector<16x128xi32>
    %ge3A_496 = arith.cmpi sge, %iota3A, %ge3A_495 : vector<16x128xi32>
    %and3A_497 = arith.andi %eq3A_493, %ge3A_496 : vector<16x128xi1>
    %or3A_498 = arith.ori %gt3A_492, %and3A_497 : vector<16x128xi1>
    %jit3A_499 = arith.constant 1 : i32
    %jit3A_500 = arith.constant 0 : i32
    %broadcast_in_dim3A_501 = vector.broadcast %jit3A_499 : i32 to vector<16x128xi32>
    %broadcast_in_dim3A_502 = vector.broadcast %jit3A_500 : i32 to vector<16x128xi32>
    %select_n3A_503 = arith.select %or3A_498, %broadcast_in_dim3A_501, %broadcast_in_dim3A_502 : vector<16x128xi1>, vector<16x128xi32>
    %add3A_504 = arith.addi %add3A_488, %select_n3A_503 : vector<16x128xi32>
    %slice3A_505 = vector.extract_strided_slice %concatenate3A_491 {offsets = [0, 1], sizes = [16, 127], strides = [1, 1]} : vector<16x128xf32> to vector<16x127xf32>
    %slice3A_506 = vector.extract_strided_slice %concatenate3A_491 {offsets = [0, 0], sizes = [16, 1], strides = [1, 1]} : vector<16x128xf32> to vector<16x1xf32>
    %concatenate3A_507 = tpu.concatenate %slice3A_505, %slice3A_506 in 1 : vector<16x127xf32>, vector<16x1xf32> -> vector<16x128xf32>
    %gt3A_508 = arith.cmpf ogt, %concatenate3A_507, %get3A_1 : vector<16x128xf32>
    %eq3A_509 = arith.cmpf oeq, %concatenate3A_507, %get3A_1 : vector<16x128xf32>
    %ge3A_510 = arith.constant 95 : i32
    %ge3A_511 = vector.broadcast %ge3A_510 : i32 to vector<16x128xi32>
    %ge3A_512 = arith.cmpi sge, %iota3A, %ge3A_511 : vector<16x128xi32>
    %and3A_513 = arith.andi %eq3A_509, %ge3A_512 : vector<16x128xi1>
    %or3A_514 = arith.ori %gt3A_508, %and3A_513 : vector<16x128xi1>
    %jit3A_515 = arith.constant 1 : i32
    %jit3A_516 = arith.constant 0 : i32
    %broadcast_in_dim3A_517 = vector.broadcast %jit3A_515 : i32 to vector<16x128xi32>
    %broadcast_in_dim3A_518 = vector.broadcast %jit3A_516 : i32 to vector<16x128xi32>
    %select_n3A_519 = arith.select %or3A_514, %broadcast_in_dim3A_517, %broadcast_in_dim3A_518 : vector<16x128xi1>, vector<16x128xi32>
    %add3A_520 = arith.addi %add3A_504, %select_n3A_519 : vector<16x128xi32>
    %slice3A_521 = vector.extract_strided_slice %concatenate3A_507 {offsets = [0, 1], sizes = [16, 127], strides = [1, 1]} : vector<16x128xf32> to vector<16x127xf32>
    %slice3A_522 = vector.extract_strided_slice %concatenate3A_507 {offsets = [0, 0], sizes = [16, 1], strides = [1, 1]} : vector<16x128xf32> to vector<16x1xf32>
    %concatenate3A_523 = tpu.concatenate %slice3A_521, %slice3A_522 in 1 : vector<16x127xf32>, vector<16x1xf32> -> vector<16x128xf32>
    %gt3A_524 = arith.cmpf ogt, %concatenate3A_523, %get3A_1 : vector<16x128xf32>
    %eq3A_525 = arith.cmpf oeq, %concatenate3A_523, %get3A_1 : vector<16x128xf32>
    %ge3A_526 = arith.constant 94 : i32
    %ge3A_527 = vector.broadcast %ge3A_526 : i32 to vector<16x128xi32>
    %ge3A_528 = arith.cmpi sge, %iota3A, %ge3A_527 : vector<16x128xi32>
    %and3A_529 = arith.andi %eq3A_525, %ge3A_528 : vector<16x128xi1>
    %or3A_530 = arith.ori %gt3A_524, %and3A_529 : vector<16x128xi1>
    %jit3A_531 = arith.constant 1 : i32
    %jit3A_532 = arith.constant 0 : i32
    %broadcast_in_dim3A_533 = vector.broadcast %jit3A_531 : i32 to vector<16x128xi32>
    %broadcast_in_dim3A_534 = vector.broadcast %jit3A_532 : i32 to vector<16x128xi32>
    %select_n3A_535 = arith.select %or3A_530, %broadcast_in_dim3A_533, %broadcast_in_dim3A_534 : vector<16x128xi1>, vector<16x128xi32>
    %add3A_536 = arith.addi %add3A_520, %select_n3A_535 : vector<16x128xi32>
    %slice3A_537 = vector.extract_strided_slice %concatenate3A_523 {offsets = [0, 1], sizes = [16, 127], strides = [1, 1]} : vector<16x128xf32> to vector<16x127xf32>
    %slice3A_538 = vector.extract_strided_slice %concatenate3A_523 {offsets = [0, 0], sizes = [16, 1], strides = [1, 1]} : vector<16x128xf32> to vector<16x1xf32>
    %concatenate3A_539 = tpu.concatenate %slice3A_537, %slice3A_538 in 1 : vector<16x127xf32>, vector<16x1xf32> -> vector<16x128xf32>
    %gt3A_540 = arith.cmpf ogt, %concatenate3A_539, %get3A_1 : vector<16x128xf32>
    %eq3A_541 = arith.cmpf oeq, %concatenate3A_539, %get3A_1 : vector<16x128xf32>
    %ge3A_542 = arith.constant 93 : i32
    %ge3A_543 = vector.broadcast %ge3A_542 : i32 to vector<16x128xi32>
    %ge3A_544 = arith.cmpi sge, %iota3A, %ge3A_543 : vector<16x128xi32>
    %and3A_545 = arith.andi %eq3A_541, %ge3A_544 : vector<16x128xi1>
    %or3A_546 = arith.ori %gt3A_540, %and3A_545 : vector<16x128xi1>
    %jit3A_547 = arith.constant 1 : i32
    %jit3A_548 = arith.constant 0 : i32
    %broadcast_in_dim3A_549 = vector.broadcast %jit3A_547 : i32 to vector<16x128xi32>
    %broadcast_in_dim3A_550 = vector.broadcast %jit3A_548 : i32 to vector<16x128xi32>
    %select_n3A_551 = arith.select %or3A_546, %broadcast_in_dim3A_549, %broadcast_in_dim3A_550 : vector<16x128xi1>, vector<16x128xi32>
    %add3A_552 = arith.addi %add3A_536, %select_n3A_551 : vector<16x128xi32>
    %slice3A_553 = vector.extract_strided_slice %concatenate3A_539 {offsets = [0, 1], sizes = [16, 127], strides = [1, 1]} : vector<16x128xf32> to vector<16x127xf32>
    %slice3A_554 = vector.extract_strided_slice %concatenate3A_539 {offsets = [0, 0], sizes = [16, 1], strides = [1, 1]} : vector<16x128xf32> to vector<16x1xf32>
    %concatenate3A_555 = tpu.concatenate %slice3A_553, %slice3A_554 in 1 : vector<16x127xf32>, vector<16x1xf32> -> vector<16x128xf32>
    %gt3A_556 = arith.cmpf ogt, %concatenate3A_555, %get3A_1 : vector<16x128xf32>
    %eq3A_557 = arith.cmpf oeq, %concatenate3A_555, %get3A_1 : vector<16x128xf32>
    %ge3A_558 = arith.constant 92 : i32
    %ge3A_559 = vector.broadcast %ge3A_558 : i32 to vector<16x128xi32>
    %ge3A_560 = arith.cmpi sge, %iota3A, %ge3A_559 : vector<16x128xi32>
    %and3A_561 = arith.andi %eq3A_557, %ge3A_560 : vector<16x128xi1>
    %or3A_562 = arith.ori %gt3A_556, %and3A_561 : vector<16x128xi1>
    %jit3A_563 = arith.constant 1 : i32
    %jit3A_564 = arith.constant 0 : i32
    %broadcast_in_dim3A_565 = vector.broadcast %jit3A_563 : i32 to vector<16x128xi32>
    %broadcast_in_dim3A_566 = vector.broadcast %jit3A_564 : i32 to vector<16x128xi32>
    %select_n3A_567 = arith.select %or3A_562, %broadcast_in_dim3A_565, %broadcast_in_dim3A_566 : vector<16x128xi1>, vector<16x128xi32>
    %add3A_568 = arith.addi %add3A_552, %select_n3A_567 : vector<16x128xi32>
    %slice3A_569 = vector.extract_strided_slice %concatenate3A_555 {offsets = [0, 1], sizes = [16, 127], strides = [1, 1]} : vector<16x128xf32> to vector<16x127xf32>
    %slice3A_570 = vector.extract_strided_slice %concatenate3A_555 {offsets = [0, 0], sizes = [16, 1], strides = [1, 1]} : vector<16x128xf32> to vector<16x1xf32>
    %concatenate3A_571 = tpu.concatenate %slice3A_569, %slice3A_570 in 1 : vector<16x127xf32>, vector<16x1xf32> -> vector<16x128xf32>
    %gt3A_572 = arith.cmpf ogt, %concatenate3A_571, %get3A_1 : vector<16x128xf32>
    %eq3A_573 = arith.cmpf oeq, %concatenate3A_571, %get3A_1 : vector<16x128xf32>
    %ge3A_574 = arith.constant 91 : i32
    %ge3A_575 = vector.broadcast %ge3A_574 : i32 to vector<16x128xi32>
    %ge3A_576 = arith.cmpi sge, %iota3A, %ge3A_575 : vector<16x128xi32>
    %and3A_577 = arith.andi %eq3A_573, %ge3A_576 : vector<16x128xi1>
    %or3A_578 = arith.ori %gt3A_572, %and3A_577 : vector<16x128xi1>
    %jit3A_579 = arith.constant 1 : i32
    %jit3A_580 = arith.constant 0 : i32
    %broadcast_in_dim3A_581 = vector.broadcast %jit3A_579 : i32 to vector<16x128xi32>
    %broadcast_in_dim3A_582 = vector.broadcast %jit3A_580 : i32 to vector<16x128xi32>
    %select_n3A_583 = arith.select %or3A_578, %broadcast_in_dim3A_581, %broadcast_in_dim3A_582 : vector<16x128xi1>, vector<16x128xi32>
    %add3A_584 = arith.addi %add3A_568, %select_n3A_583 : vector<16x128xi32>
    %slice3A_585 = vector.extract_strided_slice %concatenate3A_571 {offsets = [0, 1], sizes = [16, 127], strides = [1, 1]} : vector<16x128xf32> to vector<16x127xf32>
    %slice3A_586 = vector.extract_strided_slice %concatenate3A_571 {offsets = [0, 0], sizes = [16, 1], strides = [1, 1]} : vector<16x128xf32> to vector<16x1xf32>
    %concatenate3A_587 = tpu.concatenate %slice3A_585, %slice3A_586 in 1 : vector<16x127xf32>, vector<16x1xf32> -> vector<16x128xf32>
    %gt3A_588 = arith.cmpf ogt, %concatenate3A_587, %get3A_1 : vector<16x128xf32>
    %eq3A_589 = arith.cmpf oeq, %concatenate3A_587, %get3A_1 : vector<16x128xf32>
    %ge3A_590 = arith.constant 90 : i32
    %ge3A_591 = vector.broadcast %ge3A_590 : i32 to vector<16x128xi32>
    %ge3A_592 = arith.cmpi sge, %iota3A, %ge3A_591 : vector<16x128xi32>
    %and3A_593 = arith.andi %eq3A_589, %ge3A_592 : vector<16x128xi1>
    %or3A_594 = arith.ori %gt3A_588, %and3A_593 : vector<16x128xi1>
    %jit3A_595 = arith.constant 1 : i32
    %jit3A_596 = arith.constant 0 : i32
    %broadcast_in_dim3A_597 = vector.broadcast %jit3A_595 : i32 to vector<16x128xi32>
    %broadcast_in_dim3A_598 = vector.broadcast %jit3A_596 : i32 to vector<16x128xi32>
    %select_n3A_599 = arith.select %or3A_594, %broadcast_in_dim3A_597, %broadcast_in_dim3A_598 : vector<16x128xi1>, vector<16x128xi32>
    %add3A_600 = arith.addi %add3A_584, %select_n3A_599 : vector<16x128xi32>
    %slice3A_601 = vector.extract_strided_slice %concatenate3A_587 {offsets = [0, 1], sizes = [16, 127], strides = [1, 1]} : vector<16x128xf32> to vector<16x127xf32>
    %slice3A_602 = vector.extract_strided_slice %concatenate3A_587 {offsets = [0, 0], sizes = [16, 1], strides = [1, 1]} : vector<16x128xf32> to vector<16x1xf32>
    %concatenate3A_603 = tpu.concatenate %slice3A_601, %slice3A_602 in 1 : vector<16x127xf32>, vector<16x1xf32> -> vector<16x128xf32>
    %gt3A_604 = arith.cmpf ogt, %concatenate3A_603, %get3A_1 : vector<16x128xf32>
    %eq3A_605 = arith.cmpf oeq, %concatenate3A_603, %get3A_1 : vector<16x128xf32>
    %ge3A_606 = arith.constant 89 : i32
    %ge3A_607 = vector.broadcast %ge3A_606 : i32 to vector<16x128xi32>
    %ge3A_608 = arith.cmpi sge, %iota3A, %ge3A_607 : vector<16x128xi32>
    %and3A_609 = arith.andi %eq3A_605, %ge3A_608 : vector<16x128xi1>
    %or3A_610 = arith.ori %gt3A_604, %and3A_609 : vector<16x128xi1>
    %jit3A_611 = arith.constant 1 : i32
    %jit3A_612 = arith.constant 0 : i32
    %broadcast_in_dim3A_613 = vector.broadcast %jit3A_611 : i32 to vector<16x128xi32>
    %broadcast_in_dim3A_614 = vector.broadcast %jit3A_612 : i32 to vector<16x128xi32>
    %select_n3A_615 = arith.select %or3A_610, %broadcast_in_dim3A_613, %broadcast_in_dim3A_614 : vector<16x128xi1>, vector<16x128xi32>
    %add3A_616 = arith.addi %add3A_600, %select_n3A_615 : vector<16x128xi32>
    %slice3A_617 = vector.extract_strided_slice %concatenate3A_603 {offsets = [0, 1], sizes = [16, 127], strides = [1, 1]} : vector<16x128xf32> to vector<16x127xf32>
    %slice3A_618 = vector.extract_strided_slice %concatenate3A_603 {offsets = [0, 0], sizes = [16, 1], strides = [1, 1]} : vector<16x128xf32> to vector<16x1xf32>
    %concatenate3A_619 = tpu.concatenate %slice3A_617, %slice3A_618 in 1 : vector<16x127xf32>, vector<16x1xf32> -> vector<16x128xf32>
    %gt3A_620 = arith.cmpf ogt, %concatenate3A_619, %get3A_1 : vector<16x128xf32>
    %eq3A_621 = arith.cmpf oeq, %concatenate3A_619, %get3A_1 : vector<16x128xf32>
    %ge3A_622 = arith.constant 88 : i32
    %ge3A_623 = vector.broadcast %ge3A_622 : i32 to vector<16x128xi32>
    %ge3A_624 = arith.cmpi sge, %iota3A, %ge3A_623 : vector<16x128xi32>
    %and3A_625 = arith.andi %eq3A_621, %ge3A_624 : vector<16x128xi1>
    %or3A_626 = arith.ori %gt3A_620, %and3A_625 : vector<16x128xi1>
    %jit3A_627 = arith.constant 1 : i32
    %jit3A_628 = arith.constant 0 : i32
    %broadcast_in_dim3A_629 = vector.broadcast %jit3A_627 : i32 to vector<16x128xi32>
    %broadcast_in_dim3A_630 = vector.broadcast %jit3A_628 : i32 to vector<16x128xi32>
    %select_n3A_631 = arith.select %or3A_626, %broadcast_in_dim3A_629, %broadcast_in_dim3A_630 : vector<16x128xi1>, vector<16x128xi32>
    %add3A_632 = arith.addi %add3A_616, %select_n3A_631 : vector<16x128xi32>
    %slice3A_633 = vector.extract_strided_slice %concatenate3A_619 {offsets = [0, 1], sizes = [16, 127], strides = [1, 1]} : vector<16x128xf32> to vector<16x127xf32>
    %slice3A_634 = vector.extract_strided_slice %concatenate3A_619 {offsets = [0, 0], sizes = [16, 1], strides = [1, 1]} : vector<16x128xf32> to vector<16x1xf32>
    %concatenate3A_635 = tpu.concatenate %slice3A_633, %slice3A_634 in 1 : vector<16x127xf32>, vector<16x1xf32> -> vector<16x128xf32>
    %gt3A_636 = arith.cmpf ogt, %concatenate3A_635, %get3A_1 : vector<16x128xf32>
    %eq3A_637 = arith.cmpf oeq, %concatenate3A_635, %get3A_1 : vector<16x128xf32>
    %ge3A_638 = arith.constant 87 : i32
    %ge3A_639 = vector.broadcast %ge3A_638 : i32 to vector<16x128xi32>
    %ge3A_640 = arith.cmpi sge, %iota3A, %ge3A_639 : vector<16x128xi32>
    %and3A_641 = arith.andi %eq3A_637, %ge3A_640 : vector<16x128xi1>
    %or3A_642 = arith.ori %gt3A_636, %and3A_641 : vector<16x128xi1>
    %jit3A_643 = arith.constant 1 : i32
    %jit3A_644 = arith.constant 0 : i32
    %broadcast_in_dim3A_645 = vector.broadcast %jit3A_643 : i32 to vector<16x128xi32>
    %broadcast_in_dim3A_646 = vector.broadcast %jit3A_644 : i32 to vector<16x128xi32>
    %select_n3A_647 = arith.select %or3A_642, %broadcast_in_dim3A_645, %broadcast_in_dim3A_646 : vector<16x128xi1>, vector<16x128xi32>
    %add3A_648 = arith.addi %add3A_632, %select_n3A_647 : vector<16x128xi32>
    %slice3A_649 = vector.extract_strided_slice %concatenate3A_635 {offsets = [0, 1], sizes = [16, 127], strides = [1, 1]} : vector<16x128xf32> to vector<16x127xf32>
    %slice3A_650 = vector.extract_strided_slice %concatenate3A_635 {offsets = [0, 0], sizes = [16, 1], strides = [1, 1]} : vector<16x128xf32> to vector<16x1xf32>
    %concatenate3A_651 = tpu.concatenate %slice3A_649, %slice3A_650 in 1 : vector<16x127xf32>, vector<16x1xf32> -> vector<16x128xf32>
    %gt3A_652 = arith.cmpf ogt, %concatenate3A_651, %get3A_1 : vector<16x128xf32>
    %eq3A_653 = arith.cmpf oeq, %concatenate3A_651, %get3A_1 : vector<16x128xf32>
    %ge3A_654 = arith.constant 86 : i32
    %ge3A_655 = vector.broadcast %ge3A_654 : i32 to vector<16x128xi32>
    %ge3A_656 = arith.cmpi sge, %iota3A, %ge3A_655 : vector<16x128xi32>
    %and3A_657 = arith.andi %eq3A_653, %ge3A_656 : vector<16x128xi1>
    %or3A_658 = arith.ori %gt3A_652, %and3A_657 : vector<16x128xi1>
    %jit3A_659 = arith.constant 1 : i32
    %jit3A_660 = arith.constant 0 : i32
    %broadcast_in_dim3A_661 = vector.broadcast %jit3A_659 : i32 to vector<16x128xi32>
    %broadcast_in_dim3A_662 = vector.broadcast %jit3A_660 : i32 to vector<16x128xi32>
    %select_n3A_663 = arith.select %or3A_658, %broadcast_in_dim3A_661, %broadcast_in_dim3A_662 : vector<16x128xi1>, vector<16x128xi32>
    %add3A_664 = arith.addi %add3A_648, %select_n3A_663 : vector<16x128xi32>
    %slice3A_665 = vector.extract_strided_slice %concatenate3A_651 {offsets = [0, 1], sizes = [16, 127], strides = [1, 1]} : vector<16x128xf32> to vector<16x127xf32>
    %slice3A_666 = vector.extract_strided_slice %concatenate3A_651 {offsets = [0, 0], sizes = [16, 1], strides = [1, 1]} : vector<16x128xf32> to vector<16x1xf32>
    %concatenate3A_667 = tpu.concatenate %slice3A_665, %slice3A_666 in 1 : vector<16x127xf32>, vector<16x1xf32> -> vector<16x128xf32>
    %gt3A_668 = arith.cmpf ogt, %concatenate3A_667, %get3A_1 : vector<16x128xf32>
    %eq3A_669 = arith.cmpf oeq, %concatenate3A_667, %get3A_1 : vector<16x128xf32>
    %ge3A_670 = arith.constant 85 : i32
    %ge3A_671 = vector.broadcast %ge3A_670 : i32 to vector<16x128xi32>
    %ge3A_672 = arith.cmpi sge, %iota3A, %ge3A_671 : vector<16x128xi32>
    %and3A_673 = arith.andi %eq3A_669, %ge3A_672 : vector<16x128xi1>
    %or3A_674 = arith.ori %gt3A_668, %and3A_673 : vector<16x128xi1>
    %jit3A_675 = arith.constant 1 : i32
    %jit3A_676 = arith.constant 0 : i32
    %broadcast_in_dim3A_677 = vector.broadcast %jit3A_675 : i32 to vector<16x128xi32>
    %broadcast_in_dim3A_678 = vector.broadcast %jit3A_676 : i32 to vector<16x128xi32>
    %select_n3A_679 = arith.select %or3A_674, %broadcast_in_dim3A_677, %broadcast_in_dim3A_678 : vector<16x128xi1>, vector<16x128xi32>
    %add3A_680 = arith.addi %add3A_664, %select_n3A_679 : vector<16x128xi32>
    %slice3A_681 = vector.extract_strided_slice %concatenate3A_667 {offsets = [0, 1], sizes = [16, 127], strides = [1, 1]} : vector<16x128xf32> to vector<16x127xf32>
    %slice3A_682 = vector.extract_strided_slice %concatenate3A_667 {offsets = [0, 0], sizes = [16, 1], strides = [1, 1]} : vector<16x128xf32> to vector<16x1xf32>
    %concatenate3A_683 = tpu.concatenate %slice3A_681, %slice3A_682 in 1 : vector<16x127xf32>, vector<16x1xf32> -> vector<16x128xf32>
    %gt3A_684 = arith.cmpf ogt, %concatenate3A_683, %get3A_1 : vector<16x128xf32>
    %eq3A_685 = arith.cmpf oeq, %concatenate3A_683, %get3A_1 : vector<16x128xf32>
    %ge3A_686 = arith.constant 84 : i32
    %ge3A_687 = vector.broadcast %ge3A_686 : i32 to vector<16x128xi32>
    %ge3A_688 = arith.cmpi sge, %iota3A, %ge3A_687 : vector<16x128xi32>
    %and3A_689 = arith.andi %eq3A_685, %ge3A_688 : vector<16x128xi1>
    %or3A_690 = arith.ori %gt3A_684, %and3A_689 : vector<16x128xi1>
    %jit3A_691 = arith.constant 1 : i32
    %jit3A_692 = arith.constant 0 : i32
    %broadcast_in_dim3A_693 = vector.broadcast %jit3A_691 : i32 to vector<16x128xi32>
    %broadcast_in_dim3A_694 = vector.broadcast %jit3A_692 : i32 to vector<16x128xi32>
    %select_n3A_695 = arith.select %or3A_690, %broadcast_in_dim3A_693, %broadcast_in_dim3A_694 : vector<16x128xi1>, vector<16x128xi32>
    %add3A_696 = arith.addi %add3A_680, %select_n3A_695 : vector<16x128xi32>
    %slice3A_697 = vector.extract_strided_slice %concatenate3A_683 {offsets = [0, 1], sizes = [16, 127], strides = [1, 1]} : vector<16x128xf32> to vector<16x127xf32>
    %slice3A_698 = vector.extract_strided_slice %concatenate3A_683 {offsets = [0, 0], sizes = [16, 1], strides = [1, 1]} : vector<16x128xf32> to vector<16x1xf32>
    %concatenate3A_699 = tpu.concatenate %slice3A_697, %slice3A_698 in 1 : vector<16x127xf32>, vector<16x1xf32> -> vector<16x128xf32>
    %gt3A_700 = arith.cmpf ogt, %concatenate3A_699, %get3A_1 : vector<16x128xf32>
    %eq3A_701 = arith.cmpf oeq, %concatenate3A_699, %get3A_1 : vector<16x128xf32>
    %ge3A_702 = arith.constant 83 : i32
    %ge3A_703 = vector.broadcast %ge3A_702 : i32 to vector<16x128xi32>
    %ge3A_704 = arith.cmpi sge, %iota3A, %ge3A_703 : vector<16x128xi32>
    %and3A_705 = arith.andi %eq3A_701, %ge3A_704 : vector<16x128xi1>
    %or3A_706 = arith.ori %gt3A_700, %and3A_705 : vector<16x128xi1>
    %jit3A_707 = arith.constant 1 : i32
    %jit3A_708 = arith.constant 0 : i32
    %broadcast_in_dim3A_709 = vector.broadcast %jit3A_707 : i32 to vector<16x128xi32>
    %broadcast_in_dim3A_710 = vector.broadcast %jit3A_708 : i32 to vector<16x128xi32>
    %select_n3A_711 = arith.select %or3A_706, %broadcast_in_dim3A_709, %broadcast_in_dim3A_710 : vector<16x128xi1>, vector<16x128xi32>
    %add3A_712 = arith.addi %add3A_696, %select_n3A_711 : vector<16x128xi32>
    %slice3A_713 = vector.extract_strided_slice %concatenate3A_699 {offsets = [0, 1], sizes = [16, 127], strides = [1, 1]} : vector<16x128xf32> to vector<16x127xf32>
    %slice3A_714 = vector.extract_strided_slice %concatenate3A_699 {offsets = [0, 0], sizes = [16, 1], strides = [1, 1]} : vector<16x128xf32> to vector<16x1xf32>
    %concatenate3A_715 = tpu.concatenate %slice3A_713, %slice3A_714 in 1 : vector<16x127xf32>, vector<16x1xf32> -> vector<16x128xf32>
    %gt3A_716 = arith.cmpf ogt, %concatenate3A_715, %get3A_1 : vector<16x128xf32>
    %eq3A_717 = arith.cmpf oeq, %concatenate3A_715, %get3A_1 : vector<16x128xf32>
    %ge3A_718 = arith.constant 82 : i32
    %ge3A_719 = vector.broadcast %ge3A_718 : i32 to vector<16x128xi32>
    %ge3A_720 = arith.cmpi sge, %iota3A, %ge3A_719 : vector<16x128xi32>
    %and3A_721 = arith.andi %eq3A_717, %ge3A_720 : vector<16x128xi1>
    %or3A_722 = arith.ori %gt3A_716, %and3A_721 : vector<16x128xi1>
    %jit3A_723 = arith.constant 1 : i32
    %jit3A_724 = arith.constant 0 : i32
    %broadcast_in_dim3A_725 = vector.broadcast %jit3A_723 : i32 to vector<16x128xi32>
    %broadcast_in_dim3A_726 = vector.broadcast %jit3A_724 : i32 to vector<16x128xi32>
    %select_n3A_727 = arith.select %or3A_722, %broadcast_in_dim3A_725, %broadcast_in_dim3A_726 : vector<16x128xi1>, vector<16x128xi32>
    %add3A_728 = arith.addi %add3A_712, %select_n3A_727 : vector<16x128xi32>
    %slice3A_729 = vector.extract_strided_slice %concatenate3A_715 {offsets = [0, 1], sizes = [16, 127], strides = [1, 1]} : vector<16x128xf32> to vector<16x127xf32>
    %slice3A_730 = vector.extract_strided_slice %concatenate3A_715 {offsets = [0, 0], sizes = [16, 1], strides = [1, 1]} : vector<16x128xf32> to vector<16x1xf32>
    %concatenate3A_731 = tpu.concatenate %slice3A_729, %slice3A_730 in 1 : vector<16x127xf32>, vector<16x1xf32> -> vector<16x128xf32>
    %gt3A_732 = arith.cmpf ogt, %concatenate3A_731, %get3A_1 : vector<16x128xf32>
    %eq3A_733 = arith.cmpf oeq, %concatenate3A_731, %get3A_1 : vector<16x128xf32>
    %ge3A_734 = arith.constant 81 : i32
    %ge3A_735 = vector.broadcast %ge3A_734 : i32 to vector<16x128xi32>
    %ge3A_736 = arith.cmpi sge, %iota3A, %ge3A_735 : vector<16x128xi32>
    %and3A_737 = arith.andi %eq3A_733, %ge3A_736 : vector<16x128xi1>
    %or3A_738 = arith.ori %gt3A_732, %and3A_737 : vector<16x128xi1>
    %jit3A_739 = arith.constant 1 : i32
    %jit3A_740 = arith.constant 0 : i32
    %broadcast_in_dim3A_741 = vector.broadcast %jit3A_739 : i32 to vector<16x128xi32>
    %broadcast_in_dim3A_742 = vector.broadcast %jit3A_740 : i32 to vector<16x128xi32>
    %select_n3A_743 = arith.select %or3A_738, %broadcast_in_dim3A_741, %broadcast_in_dim3A_742 : vector<16x128xi1>, vector<16x128xi32>
    %add3A_744 = arith.addi %add3A_728, %select_n3A_743 : vector<16x128xi32>
    %slice3A_745 = vector.extract_strided_slice %concatenate3A_731 {offsets = [0, 1], sizes = [16, 127], strides = [1, 1]} : vector<16x128xf32> to vector<16x127xf32>
    %slice3A_746 = vector.extract_strided_slice %concatenate3A_731 {offsets = [0, 0], sizes = [16, 1], strides = [1, 1]} : vector<16x128xf32> to vector<16x1xf32>
    %concatenate3A_747 = tpu.concatenate %slice3A_745, %slice3A_746 in 1 : vector<16x127xf32>, vector<16x1xf32> -> vector<16x128xf32>
    %gt3A_748 = arith.cmpf ogt, %concatenate3A_747, %get3A_1 : vector<16x128xf32>
    %eq3A_749 = arith.cmpf oeq, %concatenate3A_747, %get3A_1 : vector<16x128xf32>
    %ge3A_750 = arith.constant 80 : i32
    %ge3A_751 = vector.broadcast %ge3A_750 : i32 to vector<16x128xi32>
    %ge3A_752 = arith.cmpi sge, %iota3A, %ge3A_751 : vector<16x128xi32>
    %and3A_753 = arith.andi %eq3A_749, %ge3A_752 : vector<16x128xi1>
    %or3A_754 = arith.ori %gt3A_748, %and3A_753 : vector<16x128xi1>
    %jit3A_755 = arith.constant 1 : i32
    %jit3A_756 = arith.constant 0 : i32
    %broadcast_in_dim3A_757 = vector.broadcast %jit3A_755 : i32 to vector<16x128xi32>
    %broadcast_in_dim3A_758 = vector.broadcast %jit3A_756 : i32 to vector<16x128xi32>
    %select_n3A_759 = arith.select %or3A_754, %broadcast_in_dim3A_757, %broadcast_in_dim3A_758 : vector<16x128xi1>, vector<16x128xi32>
    %add3A_760 = arith.addi %add3A_744, %select_n3A_759 : vector<16x128xi32>
    %slice3A_761 = vector.extract_strided_slice %concatenate3A_747 {offsets = [0, 1], sizes = [16, 127], strides = [1, 1]} : vector<16x128xf32> to vector<16x127xf32>
    %slice3A_762 = vector.extract_strided_slice %concatenate3A_747 {offsets = [0, 0], sizes = [16, 1], strides = [1, 1]} : vector<16x128xf32> to vector<16x1xf32>
    %concatenate3A_763 = tpu.concatenate %slice3A_761, %slice3A_762 in 1 : vector<16x127xf32>, vector<16x1xf32> -> vector<16x128xf32>
    %gt3A_764 = arith.cmpf ogt, %concatenate3A_763, %get3A_1 : vector<16x128xf32>
    %eq3A_765 = arith.cmpf oeq, %concatenate3A_763, %get3A_1 : vector<16x128xf32>
    %ge3A_766 = arith.constant 79 : i32
    %ge3A_767 = vector.broadcast %ge3A_766 : i32 to vector<16x128xi32>
    %ge3A_768 = arith.cmpi sge, %iota3A, %ge3A_767 : vector<16x128xi32>
    %and3A_769 = arith.andi %eq3A_765, %ge3A_768 : vector<16x128xi1>
    %or3A_770 = arith.ori %gt3A_764, %and3A_769 : vector<16x128xi1>
    %jit3A_771 = arith.constant 1 : i32
    %jit3A_772 = arith.constant 0 : i32
    %broadcast_in_dim3A_773 = vector.broadcast %jit3A_771 : i32 to vector<16x128xi32>
    %broadcast_in_dim3A_774 = vector.broadcast %jit3A_772 : i32 to vector<16x128xi32>
    %select_n3A_775 = arith.select %or3A_770, %broadcast_in_dim3A_773, %broadcast_in_dim3A_774 : vector<16x128xi1>, vector<16x128xi32>
    %add3A_776 = arith.addi %add3A_760, %select_n3A_775 : vector<16x128xi32>
    %slice3A_777 = vector.extract_strided_slice %concatenate3A_763 {offsets = [0, 1], sizes = [16, 127], strides = [1, 1]} : vector<16x128xf32> to vector<16x127xf32>
    %slice3A_778 = vector.extract_strided_slice %concatenate3A_763 {offsets = [0, 0], sizes = [16, 1], strides = [1, 1]} : vector<16x128xf32> to vector<16x1xf32>
    %concatenate3A_779 = tpu.concatenate %slice3A_777, %slice3A_778 in 1 : vector<16x127xf32>, vector<16x1xf32> -> vector<16x128xf32>
    %gt3A_780 = arith.cmpf ogt, %concatenate3A_779, %get3A_1 : vector<16x128xf32>
    %eq3A_781 = arith.cmpf oeq, %concatenate3A_779, %get3A_1 : vector<16x128xf32>
    %ge3A_782 = arith.constant 78 : i32
    %ge3A_783 = vector.broadcast %ge3A_782 : i32 to vector<16x128xi32>
    %ge3A_784 = arith.cmpi sge, %iota3A, %ge3A_783 : vector<16x128xi32>
    %and3A_785 = arith.andi %eq3A_781, %ge3A_784 : vector<16x128xi1>
    %or3A_786 = arith.ori %gt3A_780, %and3A_785 : vector<16x128xi1>
    %jit3A_787 = arith.constant 1 : i32
    %jit3A_788 = arith.constant 0 : i32
    %broadcast_in_dim3A_789 = vector.broadcast %jit3A_787 : i32 to vector<16x128xi32>
    %broadcast_in_dim3A_790 = vector.broadcast %jit3A_788 : i32 to vector<16x128xi32>
    %select_n3A_791 = arith.select %or3A_786, %broadcast_in_dim3A_789, %broadcast_in_dim3A_790 : vector<16x128xi1>, vector<16x128xi32>
    %add3A_792 = arith.addi %add3A_776, %select_n3A_791 : vector<16x128xi32>
    %slice3A_793 = vector.extract_strided_slice %concatenate3A_779 {offsets = [0, 1], sizes = [16, 127], strides = [1, 1]} : vector<16x128xf32> to vector<16x127xf32>
    %slice3A_794 = vector.extract_strided_slice %concatenate3A_779 {offsets = [0, 0], sizes = [16, 1], strides = [1, 1]} : vector<16x128xf32> to vector<16x1xf32>
    %concatenate3A_795 = tpu.concatenate %slice3A_793, %slice3A_794 in 1 : vector<16x127xf32>, vector<16x1xf32> -> vector<16x128xf32>
    %gt3A_796 = arith.cmpf ogt, %concatenate3A_795, %get3A_1 : vector<16x128xf32>
    %eq3A_797 = arith.cmpf oeq, %concatenate3A_795, %get3A_1 : vector<16x128xf32>
    %ge3A_798 = arith.constant 77 : i32
    %ge3A_799 = vector.broadcast %ge3A_798 : i32 to vector<16x128xi32>
    %ge3A_800 = arith.cmpi sge, %iota3A, %ge3A_799 : vector<16x128xi32>
    %and3A_801 = arith.andi %eq3A_797, %ge3A_800 : vector<16x128xi1>
    %or3A_802 = arith.ori %gt3A_796, %and3A_801 : vector<16x128xi1>
    %jit3A_803 = arith.constant 1 : i32
    %jit3A_804 = arith.constant 0 : i32
    %broadcast_in_dim3A_805 = vector.broadcast %jit3A_803 : i32 to vector<16x128xi32>
    %broadcast_in_dim3A_806 = vector.broadcast %jit3A_804 : i32 to vector<16x128xi32>
    %select_n3A_807 = arith.select %or3A_802, %broadcast_in_dim3A_805, %broadcast_in_dim3A_806 : vector<16x128xi1>, vector<16x128xi32>
    %add3A_808 = arith.addi %add3A_792, %select_n3A_807 : vector<16x128xi32>
    %slice3A_809 = vector.extract_strided_slice %concatenate3A_795 {offsets = [0, 1], sizes = [16, 127], strides = [1, 1]} : vector<16x128xf32> to vector<16x127xf32>
    %slice3A_810 = vector.extract_strided_slice %concatenate3A_795 {offsets = [0, 0], sizes = [16, 1], strides = [1, 1]} : vector<16x128xf32> to vector<16x1xf32>
    %concatenate3A_811 = tpu.concatenate %slice3A_809, %slice3A_810 in 1 : vector<16x127xf32>, vector<16x1xf32> -> vector<16x128xf32>
    %gt3A_812 = arith.cmpf ogt, %concatenate3A_811, %get3A_1 : vector<16x128xf32>
    %eq3A_813 = arith.cmpf oeq, %concatenate3A_811, %get3A_1 : vector<16x128xf32>
    %ge3A_814 = arith.constant 76 : i32
    %ge3A_815 = vector.broadcast %ge3A_814 : i32 to vector<16x128xi32>
    %ge3A_816 = arith.cmpi sge, %iota3A, %ge3A_815 : vector<16x128xi32>
    %and3A_817 = arith.andi %eq3A_813, %ge3A_816 : vector<16x128xi1>
    %or3A_818 = arith.ori %gt3A_812, %and3A_817 : vector<16x128xi1>
    %jit3A_819 = arith.constant 1 : i32
    %jit3A_820 = arith.constant 0 : i32
    %broadcast_in_dim3A_821 = vector.broadcast %jit3A_819 : i32 to vector<16x128xi32>
    %broadcast_in_dim3A_822 = vector.broadcast %jit3A_820 : i32 to vector<16x128xi32>
    %select_n3A_823 = arith.select %or3A_818, %broadcast_in_dim3A_821, %broadcast_in_dim3A_822 : vector<16x128xi1>, vector<16x128xi32>
    %add3A_824 = arith.addi %add3A_808, %select_n3A_823 : vector<16x128xi32>
    %slice3A_825 = vector.extract_strided_slice %concatenate3A_811 {offsets = [0, 1], sizes = [16, 127], strides = [1, 1]} : vector<16x128xf32> to vector<16x127xf32>
    %slice3A_826 = vector.extract_strided_slice %concatenate3A_811 {offsets = [0, 0], sizes = [16, 1], strides = [1, 1]} : vector<16x128xf32> to vector<16x1xf32>
    %concatenate3A_827 = tpu.concatenate %slice3A_825, %slice3A_826 in 1 : vector<16x127xf32>, vector<16x1xf32> -> vector<16x128xf32>
    %gt3A_828 = arith.cmpf ogt, %concatenate3A_827, %get3A_1 : vector<16x128xf32>
    %eq3A_829 = arith.cmpf oeq, %concatenate3A_827, %get3A_1 : vector<16x128xf32>
    %ge3A_830 = arith.constant 75 : i32
    %ge3A_831 = vector.broadcast %ge3A_830 : i32 to vector<16x128xi32>
    %ge3A_832 = arith.cmpi sge, %iota3A, %ge3A_831 : vector<16x128xi32>
    %and3A_833 = arith.andi %eq3A_829, %ge3A_832 : vector<16x128xi1>
    %or3A_834 = arith.ori %gt3A_828, %and3A_833 : vector<16x128xi1>
    %jit3A_835 = arith.constant 1 : i32
    %jit3A_836 = arith.constant 0 : i32
    %broadcast_in_dim3A_837 = vector.broadcast %jit3A_835 : i32 to vector<16x128xi32>
    %broadcast_in_dim3A_838 = vector.broadcast %jit3A_836 : i32 to vector<16x128xi32>
    %select_n3A_839 = arith.select %or3A_834, %broadcast_in_dim3A_837, %broadcast_in_dim3A_838 : vector<16x128xi1>, vector<16x128xi32>
    %add3A_840 = arith.addi %add3A_824, %select_n3A_839 : vector<16x128xi32>
    %slice3A_841 = vector.extract_strided_slice %concatenate3A_827 {offsets = [0, 1], sizes = [16, 127], strides = [1, 1]} : vector<16x128xf32> to vector<16x127xf32>
    %slice3A_842 = vector.extract_strided_slice %concatenate3A_827 {offsets = [0, 0], sizes = [16, 1], strides = [1, 1]} : vector<16x128xf32> to vector<16x1xf32>
    %concatenate3A_843 = tpu.concatenate %slice3A_841, %slice3A_842 in 1 : vector<16x127xf32>, vector<16x1xf32> -> vector<16x128xf32>
    %gt3A_844 = arith.cmpf ogt, %concatenate3A_843, %get3A_1 : vector<16x128xf32>
    %eq3A_845 = arith.cmpf oeq, %concatenate3A_843, %get3A_1 : vector<16x128xf32>
    %ge3A_846 = arith.constant 74 : i32
    %ge3A_847 = vector.broadcast %ge3A_846 : i32 to vector<16x128xi32>
    %ge3A_848 = arith.cmpi sge, %iota3A, %ge3A_847 : vector<16x128xi32>
    %and3A_849 = arith.andi %eq3A_845, %ge3A_848 : vector<16x128xi1>
    %or3A_850 = arith.ori %gt3A_844, %and3A_849 : vector<16x128xi1>
    %jit3A_851 = arith.constant 1 : i32
    %jit3A_852 = arith.constant 0 : i32
    %broadcast_in_dim3A_853 = vector.broadcast %jit3A_851 : i32 to vector<16x128xi32>
    %broadcast_in_dim3A_854 = vector.broadcast %jit3A_852 : i32 to vector<16x128xi32>
    %select_n3A_855 = arith.select %or3A_850, %broadcast_in_dim3A_853, %broadcast_in_dim3A_854 : vector<16x128xi1>, vector<16x128xi32>
    %add3A_856 = arith.addi %add3A_840, %select_n3A_855 : vector<16x128xi32>
    %slice3A_857 = vector.extract_strided_slice %concatenate3A_843 {offsets = [0, 1], sizes = [16, 127], strides = [1, 1]} : vector<16x128xf32> to vector<16x127xf32>
    %slice3A_858 = vector.extract_strided_slice %concatenate3A_843 {offsets = [0, 0], sizes = [16, 1], strides = [1, 1]} : vector<16x128xf32> to vector<16x1xf32>
    %concatenate3A_859 = tpu.concatenate %slice3A_857, %slice3A_858 in 1 : vector<16x127xf32>, vector<16x1xf32> -> vector<16x128xf32>
    %gt3A_860 = arith.cmpf ogt, %concatenate3A_859, %get3A_1 : vector<16x128xf32>
    %eq3A_861 = arith.cmpf oeq, %concatenate3A_859, %get3A_1 : vector<16x128xf32>
    %ge3A_862 = arith.constant 73 : i32
    %ge3A_863 = vector.broadcast %ge3A_862 : i32 to vector<16x128xi32>
    %ge3A_864 = arith.cmpi sge, %iota3A, %ge3A_863 : vector<16x128xi32>
    %and3A_865 = arith.andi %eq3A_861, %ge3A_864 : vector<16x128xi1>
    %or3A_866 = arith.ori %gt3A_860, %and3A_865 : vector<16x128xi1>
    %jit3A_867 = arith.constant 1 : i32
    %jit3A_868 = arith.constant 0 : i32
    %broadcast_in_dim3A_869 = vector.broadcast %jit3A_867 : i32 to vector<16x128xi32>
    %broadcast_in_dim3A_870 = vector.broadcast %jit3A_868 : i32 to vector<16x128xi32>
    %select_n3A_871 = arith.select %or3A_866, %broadcast_in_dim3A_869, %broadcast_in_dim3A_870 : vector<16x128xi1>, vector<16x128xi32>
    %add3A_872 = arith.addi %add3A_856, %select_n3A_871 : vector<16x128xi32>
    %slice3A_873 = vector.extract_strided_slice %concatenate3A_859 {offsets = [0, 1], sizes = [16, 127], strides = [1, 1]} : vector<16x128xf32> to vector<16x127xf32>
    %slice3A_874 = vector.extract_strided_slice %concatenate3A_859 {offsets = [0, 0], sizes = [16, 1], strides = [1, 1]} : vector<16x128xf32> to vector<16x1xf32>
    %concatenate3A_875 = tpu.concatenate %slice3A_873, %slice3A_874 in 1 : vector<16x127xf32>, vector<16x1xf32> -> vector<16x128xf32>
    %gt3A_876 = arith.cmpf ogt, %concatenate3A_875, %get3A_1 : vector<16x128xf32>
    %eq3A_877 = arith.cmpf oeq, %concatenate3A_875, %get3A_1 : vector<16x128xf32>
    %ge3A_878 = arith.constant 72 : i32
    %ge3A_879 = vector.broadcast %ge3A_878 : i32 to vector<16x128xi32>
    %ge3A_880 = arith.cmpi sge, %iota3A, %ge3A_879 : vector<16x128xi32>
    %and3A_881 = arith.andi %eq3A_877, %ge3A_880 : vector<16x128xi1>
    %or3A_882 = arith.ori %gt3A_876, %and3A_881 : vector<16x128xi1>
    %jit3A_883 = arith.constant 1 : i32
    %jit3A_884 = arith.constant 0 : i32
    %broadcast_in_dim3A_885 = vector.broadcast %jit3A_883 : i32 to vector<16x128xi32>
    %broadcast_in_dim3A_886 = vector.broadcast %jit3A_884 : i32 to vector<16x128xi32>
    %select_n3A_887 = arith.select %or3A_882, %broadcast_in_dim3A_885, %broadcast_in_dim3A_886 : vector<16x128xi1>, vector<16x128xi32>
    %add3A_888 = arith.addi %add3A_872, %select_n3A_887 : vector<16x128xi32>
    %slice3A_889 = vector.extract_strided_slice %concatenate3A_875 {offsets = [0, 1], sizes = [16, 127], strides = [1, 1]} : vector<16x128xf32> to vector<16x127xf32>
    %slice3A_890 = vector.extract_strided_slice %concatenate3A_875 {offsets = [0, 0], sizes = [16, 1], strides = [1, 1]} : vector<16x128xf32> to vector<16x1xf32>
    %concatenate3A_891 = tpu.concatenate %slice3A_889, %slice3A_890 in 1 : vector<16x127xf32>, vector<16x1xf32> -> vector<16x128xf32>
    %gt3A_892 = arith.cmpf ogt, %concatenate3A_891, %get3A_1 : vector<16x128xf32>
    %eq3A_893 = arith.cmpf oeq, %concatenate3A_891, %get3A_1 : vector<16x128xf32>
    %ge3A_894 = arith.constant 71 : i32
    %ge3A_895 = vector.broadcast %ge3A_894 : i32 to vector<16x128xi32>
    %ge3A_896 = arith.cmpi sge, %iota3A, %ge3A_895 : vector<16x128xi32>
    %and3A_897 = arith.andi %eq3A_893, %ge3A_896 : vector<16x128xi1>
    %or3A_898 = arith.ori %gt3A_892, %and3A_897 : vector<16x128xi1>
    %jit3A_899 = arith.constant 1 : i32
    %jit3A_900 = arith.constant 0 : i32
    %broadcast_in_dim3A_901 = vector.broadcast %jit3A_899 : i32 to vector<16x128xi32>
    %broadcast_in_dim3A_902 = vector.broadcast %jit3A_900 : i32 to vector<16x128xi32>
    %select_n3A_903 = arith.select %or3A_898, %broadcast_in_dim3A_901, %broadcast_in_dim3A_902 : vector<16x128xi1>, vector<16x128xi32>
    %add3A_904 = arith.addi %add3A_888, %select_n3A_903 : vector<16x128xi32>
    %slice3A_905 = vector.extract_strided_slice %concatenate3A_891 {offsets = [0, 1], sizes = [16, 127], strides = [1, 1]} : vector<16x128xf32> to vector<16x127xf32>
    %slice3A_906 = vector.extract_strided_slice %concatenate3A_891 {offsets = [0, 0], sizes = [16, 1], strides = [1, 1]} : vector<16x128xf32> to vector<16x1xf32>
    %concatenate3A_907 = tpu.concatenate %slice3A_905, %slice3A_906 in 1 : vector<16x127xf32>, vector<16x1xf32> -> vector<16x128xf32>
    %gt3A_908 = arith.cmpf ogt, %concatenate3A_907, %get3A_1 : vector<16x128xf32>
    %eq3A_909 = arith.cmpf oeq, %concatenate3A_907, %get3A_1 : vector<16x128xf32>
    %ge3A_910 = arith.constant 70 : i32
    %ge3A_911 = vector.broadcast %ge3A_910 : i32 to vector<16x128xi32>
    %ge3A_912 = arith.cmpi sge, %iota3A, %ge3A_911 : vector<16x128xi32>
    %and3A_913 = arith.andi %eq3A_909, %ge3A_912 : vector<16x128xi1>
    %or3A_914 = arith.ori %gt3A_908, %and3A_913 : vector<16x128xi1>
    %jit3A_915 = arith.constant 1 : i32
    %jit3A_916 = arith.constant 0 : i32
    %broadcast_in_dim3A_917 = vector.broadcast %jit3A_915 : i32 to vector<16x128xi32>
    %broadcast_in_dim3A_918 = vector.broadcast %jit3A_916 : i32 to vector<16x128xi32>
    %select_n3A_919 = arith.select %or3A_914, %broadcast_in_dim3A_917, %broadcast_in_dim3A_918 : vector<16x128xi1>, vector<16x128xi32>
    %add3A_920 = arith.addi %add3A_904, %select_n3A_919 : vector<16x128xi32>
    %slice3A_921 = vector.extract_strided_slice %concatenate3A_907 {offsets = [0, 1], sizes = [16, 127], strides = [1, 1]} : vector<16x128xf32> to vector<16x127xf32>
    %slice3A_922 = vector.extract_strided_slice %concatenate3A_907 {offsets = [0, 0], sizes = [16, 1], strides = [1, 1]} : vector<16x128xf32> to vector<16x1xf32>
    %concatenate3A_923 = tpu.concatenate %slice3A_921, %slice3A_922 in 1 : vector<16x127xf32>, vector<16x1xf32> -> vector<16x128xf32>
    %gt3A_924 = arith.cmpf ogt, %concatenate3A_923, %get3A_1 : vector<16x128xf32>
    %eq3A_925 = arith.cmpf oeq, %concatenate3A_923, %get3A_1 : vector<16x128xf32>
    %ge3A_926 = arith.constant 69 : i32
    %ge3A_927 = vector.broadcast %ge3A_926 : i32 to vector<16x128xi32>
    %ge3A_928 = arith.cmpi sge, %iota3A, %ge3A_927 : vector<16x128xi32>
    %and3A_929 = arith.andi %eq3A_925, %ge3A_928 : vector<16x128xi1>
    %or3A_930 = arith.ori %gt3A_924, %and3A_929 : vector<16x128xi1>
    %jit3A_931 = arith.constant 1 : i32
    %jit3A_932 = arith.constant 0 : i32
    %broadcast_in_dim3A_933 = vector.broadcast %jit3A_931 : i32 to vector<16x128xi32>
    %broadcast_in_dim3A_934 = vector.broadcast %jit3A_932 : i32 to vector<16x128xi32>
    %select_n3A_935 = arith.select %or3A_930, %broadcast_in_dim3A_933, %broadcast_in_dim3A_934 : vector<16x128xi1>, vector<16x128xi32>
    %add3A_936 = arith.addi %add3A_920, %select_n3A_935 : vector<16x128xi32>
    %slice3A_937 = vector.extract_strided_slice %concatenate3A_923 {offsets = [0, 1], sizes = [16, 127], strides = [1, 1]} : vector<16x128xf32> to vector<16x127xf32>
    %slice3A_938 = vector.extract_strided_slice %concatenate3A_923 {offsets = [0, 0], sizes = [16, 1], strides = [1, 1]} : vector<16x128xf32> to vector<16x1xf32>
    %concatenate3A_939 = tpu.concatenate %slice3A_937, %slice3A_938 in 1 : vector<16x127xf32>, vector<16x1xf32> -> vector<16x128xf32>
    %gt3A_940 = arith.cmpf ogt, %concatenate3A_939, %get3A_1 : vector<16x128xf32>
    %eq3A_941 = arith.cmpf oeq, %concatenate3A_939, %get3A_1 : vector<16x128xf32>
    %ge3A_942 = arith.constant 68 : i32
    %ge3A_943 = vector.broadcast %ge3A_942 : i32 to vector<16x128xi32>
    %ge3A_944 = arith.cmpi sge, %iota3A, %ge3A_943 : vector<16x128xi32>
    %and3A_945 = arith.andi %eq3A_941, %ge3A_944 : vector<16x128xi1>
    %or3A_946 = arith.ori %gt3A_940, %and3A_945 : vector<16x128xi1>
    %jit3A_947 = arith.constant 1 : i32
    %jit3A_948 = arith.constant 0 : i32
    %broadcast_in_dim3A_949 = vector.broadcast %jit3A_947 : i32 to vector<16x128xi32>
    %broadcast_in_dim3A_950 = vector.broadcast %jit3A_948 : i32 to vector<16x128xi32>
    %select_n3A_951 = arith.select %or3A_946, %broadcast_in_dim3A_949, %broadcast_in_dim3A_950 : vector<16x128xi1>, vector<16x128xi32>
    %add3A_952 = arith.addi %add3A_936, %select_n3A_951 : vector<16x128xi32>
    %slice3A_953 = vector.extract_strided_slice %concatenate3A_939 {offsets = [0, 1], sizes = [16, 127], strides = [1, 1]} : vector<16x128xf32> to vector<16x127xf32>
    %slice3A_954 = vector.extract_strided_slice %concatenate3A_939 {offsets = [0, 0], sizes = [16, 1], strides = [1, 1]} : vector<16x128xf32> to vector<16x1xf32>
    %concatenate3A_955 = tpu.concatenate %slice3A_953, %slice3A_954 in 1 : vector<16x127xf32>, vector<16x1xf32> -> vector<16x128xf32>
    %gt3A_956 = arith.cmpf ogt, %concatenate3A_955, %get3A_1 : vector<16x128xf32>
    %eq3A_957 = arith.cmpf oeq, %concatenate3A_955, %get3A_1 : vector<16x128xf32>
    %ge3A_958 = arith.constant 67 : i32
    %ge3A_959 = vector.broadcast %ge3A_958 : i32 to vector<16x128xi32>
    %ge3A_960 = arith.cmpi sge, %iota3A, %ge3A_959 : vector<16x128xi32>
    %and3A_961 = arith.andi %eq3A_957, %ge3A_960 : vector<16x128xi1>
    %or3A_962 = arith.ori %gt3A_956, %and3A_961 : vector<16x128xi1>
    %jit3A_963 = arith.constant 1 : i32
    %jit3A_964 = arith.constant 0 : i32
    %broadcast_in_dim3A_965 = vector.broadcast %jit3A_963 : i32 to vector<16x128xi32>
    %broadcast_in_dim3A_966 = vector.broadcast %jit3A_964 : i32 to vector<16x128xi32>
    %select_n3A_967 = arith.select %or3A_962, %broadcast_in_dim3A_965, %broadcast_in_dim3A_966 : vector<16x128xi1>, vector<16x128xi32>
    %add3A_968 = arith.addi %add3A_952, %select_n3A_967 : vector<16x128xi32>
    %slice3A_969 = vector.extract_strided_slice %concatenate3A_955 {offsets = [0, 1], sizes = [16, 127], strides = [1, 1]} : vector<16x128xf32> to vector<16x127xf32>
    %slice3A_970 = vector.extract_strided_slice %concatenate3A_955 {offsets = [0, 0], sizes = [16, 1], strides = [1, 1]} : vector<16x128xf32> to vector<16x1xf32>
    %concatenate3A_971 = tpu.concatenate %slice3A_969, %slice3A_970 in 1 : vector<16x127xf32>, vector<16x1xf32> -> vector<16x128xf32>
    %gt3A_972 = arith.cmpf ogt, %concatenate3A_971, %get3A_1 : vector<16x128xf32>
    %eq3A_973 = arith.cmpf oeq, %concatenate3A_971, %get3A_1 : vector<16x128xf32>
    %ge3A_974 = arith.constant 66 : i32
    %ge3A_975 = vector.broadcast %ge3A_974 : i32 to vector<16x128xi32>
    %ge3A_976 = arith.cmpi sge, %iota3A, %ge3A_975 : vector<16x128xi32>
    %and3A_977 = arith.andi %eq3A_973, %ge3A_976 : vector<16x128xi1>
    %or3A_978 = arith.ori %gt3A_972, %and3A_977 : vector<16x128xi1>
    %jit3A_979 = arith.constant 1 : i32
    %jit3A_980 = arith.constant 0 : i32
    %broadcast_in_dim3A_981 = vector.broadcast %jit3A_979 : i32 to vector<16x128xi32>
    %broadcast_in_dim3A_982 = vector.broadcast %jit3A_980 : i32 to vector<16x128xi32>
    %select_n3A_983 = arith.select %or3A_978, %broadcast_in_dim3A_981, %broadcast_in_dim3A_982 : vector<16x128xi1>, vector<16x128xi32>
    %add3A_984 = arith.addi %add3A_968, %select_n3A_983 : vector<16x128xi32>
    %slice3A_985 = vector.extract_strided_slice %concatenate3A_971 {offsets = [0, 1], sizes = [16, 127], strides = [1, 1]} : vector<16x128xf32> to vector<16x127xf32>
    %slice3A_986 = vector.extract_strided_slice %concatenate3A_971 {offsets = [0, 0], sizes = [16, 1], strides = [1, 1]} : vector<16x128xf32> to vector<16x1xf32>
    %concatenate3A_987 = tpu.concatenate %slice3A_985, %slice3A_986 in 1 : vector<16x127xf32>, vector<16x1xf32> -> vector<16x128xf32>
    %gt3A_988 = arith.cmpf ogt, %concatenate3A_987, %get3A_1 : vector<16x128xf32>
    %eq3A_989 = arith.cmpf oeq, %concatenate3A_987, %get3A_1 : vector<16x128xf32>
    %ge3A_990 = arith.constant 65 : i32
    %ge3A_991 = vector.broadcast %ge3A_990 : i32 to vector<16x128xi32>
    %ge3A_992 = arith.cmpi sge, %iota3A, %ge3A_991 : vector<16x128xi32>
    %and3A_993 = arith.andi %eq3A_989, %ge3A_992 : vector<16x128xi1>
    %or3A_994 = arith.ori %gt3A_988, %and3A_993 : vector<16x128xi1>
    %jit3A_995 = arith.constant 1 : i32
    %jit3A_996 = arith.constant 0 : i32
    %broadcast_in_dim3A_997 = vector.broadcast %jit3A_995 : i32 to vector<16x128xi32>
    %broadcast_in_dim3A_998 = vector.broadcast %jit3A_996 : i32 to vector<16x128xi32>
    %select_n3A_999 = arith.select %or3A_994, %broadcast_in_dim3A_997, %broadcast_in_dim3A_998 : vector<16x128xi1>, vector<16x128xi32>
    %add3A_1000 = arith.addi %add3A_984, %select_n3A_999 : vector<16x128xi32>
    %slice3A_1001 = vector.extract_strided_slice %concatenate3A_987 {offsets = [0, 1], sizes = [16, 127], strides = [1, 1]} : vector<16x128xf32> to vector<16x127xf32>
    %slice3A_1002 = vector.extract_strided_slice %concatenate3A_987 {offsets = [0, 0], sizes = [16, 1], strides = [1, 1]} : vector<16x128xf32> to vector<16x1xf32>
    %concatenate3A_1003 = tpu.concatenate %slice3A_1001, %slice3A_1002 in 1 : vector<16x127xf32>, vector<16x1xf32> -> vector<16x128xf32>
    %gt3A_1004 = arith.cmpf ogt, %concatenate3A_1003, %get3A_1 : vector<16x128xf32>
    %eq3A_1005 = arith.cmpf oeq, %concatenate3A_1003, %get3A_1 : vector<16x128xf32>
    %ge3A_1006 = arith.constant 64 : i32
    %ge3A_1007 = vector.broadcast %ge3A_1006 : i32 to vector<16x128xi32>
    %ge3A_1008 = arith.cmpi sge, %iota3A, %ge3A_1007 : vector<16x128xi32>
    %and3A_1009 = arith.andi %eq3A_1005, %ge3A_1008 : vector<16x128xi1>
    %or3A_1010 = arith.ori %gt3A_1004, %and3A_1009 : vector<16x128xi1>
    %jit3A_1011 = arith.constant 1 : i32
    %jit3A_1012 = arith.constant 0 : i32
    %broadcast_in_dim3A_1013 = vector.broadcast %jit3A_1011 : i32 to vector<16x128xi32>
    %broadcast_in_dim3A_1014 = vector.broadcast %jit3A_1012 : i32 to vector<16x128xi32>
    %select_n3A_1015 = arith.select %or3A_1010, %broadcast_in_dim3A_1013, %broadcast_in_dim3A_1014 : vector<16x128xi1>, vector<16x128xi32>
    %add3A_1016 = arith.addi %add3A_1000, %select_n3A_1015 : vector<16x128xi32>
    %slice3A_1017 = vector.extract_strided_slice %concatenate3A_1003 {offsets = [0, 1], sizes = [16, 127], strides = [1, 1]} : vector<16x128xf32> to vector<16x127xf32>
    %slice3A_1018 = vector.extract_strided_slice %concatenate3A_1003 {offsets = [0, 0], sizes = [16, 1], strides = [1, 1]} : vector<16x128xf32> to vector<16x1xf32>
    %concatenate3A_1019 = tpu.concatenate %slice3A_1017, %slice3A_1018 in 1 : vector<16x127xf32>, vector<16x1xf32> -> vector<16x128xf32>
    %gt3A_1020 = arith.cmpf ogt, %concatenate3A_1019, %get3A_1 : vector<16x128xf32>
    %eq3A_1021 = arith.cmpf oeq, %concatenate3A_1019, %get3A_1 : vector<16x128xf32>
    %ge3A_1022 = arith.constant 63 : i32
    %ge3A_1023 = vector.broadcast %ge3A_1022 : i32 to vector<16x128xi32>
    %ge3A_1024 = arith.cmpi sge, %iota3A, %ge3A_1023 : vector<16x128xi32>
    %and3A_1025 = arith.andi %eq3A_1021, %ge3A_1024 : vector<16x128xi1>
    %or3A_1026 = arith.ori %gt3A_1020, %and3A_1025 : vector<16x128xi1>
    %jit3A_1027 = arith.constant 1 : i32
    %jit3A_1028 = arith.constant 0 : i32
    %broadcast_in_dim3A_1029 = vector.broadcast %jit3A_1027 : i32 to vector<16x128xi32>
    %broadcast_in_dim3A_1030 = vector.broadcast %jit3A_1028 : i32 to vector<16x128xi32>
    %select_n3A_1031 = arith.select %or3A_1026, %broadcast_in_dim3A_1029, %broadcast_in_dim3A_1030 : vector<16x128xi1>, vector<16x128xi32>
    %add3A_1032 = arith.addi %add3A_1016, %select_n3A_1031 : vector<16x128xi32>
    %slice3A_1033 = vector.extract_strided_slice %concatenate3A_1019 {offsets = [0, 1], sizes = [16, 127], strides = [1, 1]} : vector<16x128xf32> to vector<16x127xf32>
    %slice3A_1034 = vector.extract_strided_slice %concatenate3A_1019 {offsets = [0, 0], sizes = [16, 1], strides = [1, 1]} : vector<16x128xf32> to vector<16x1xf32>
    %concatenate3A_1035 = tpu.concatenate %slice3A_1033, %slice3A_1034 in 1 : vector<16x127xf32>, vector<16x1xf32> -> vector<16x128xf32>
    %gt3A_1036 = arith.cmpf ogt, %concatenate3A_1035, %get3A_1 : vector<16x128xf32>
    %eq3A_1037 = arith.cmpf oeq, %concatenate3A_1035, %get3A_1 : vector<16x128xf32>
    %ge3A_1038 = arith.constant 62 : i32
    %ge3A_1039 = vector.broadcast %ge3A_1038 : i32 to vector<16x128xi32>
    %ge3A_1040 = arith.cmpi sge, %iota3A, %ge3A_1039 : vector<16x128xi32>
    %and3A_1041 = arith.andi %eq3A_1037, %ge3A_1040 : vector<16x128xi1>
    %or3A_1042 = arith.ori %gt3A_1036, %and3A_1041 : vector<16x128xi1>
    %jit3A_1043 = arith.constant 1 : i32
    %jit3A_1044 = arith.constant 0 : i32
    %broadcast_in_dim3A_1045 = vector.broadcast %jit3A_1043 : i32 to vector<16x128xi32>
    %broadcast_in_dim3A_1046 = vector.broadcast %jit3A_1044 : i32 to vector<16x128xi32>
    %select_n3A_1047 = arith.select %or3A_1042, %broadcast_in_dim3A_1045, %broadcast_in_dim3A_1046 : vector<16x128xi1>, vector<16x128xi32>
    %add3A_1048 = arith.addi %add3A_1032, %select_n3A_1047 : vector<16x128xi32>
    %slice3A_1049 = vector.extract_strided_slice %concatenate3A_1035 {offsets = [0, 1], sizes = [16, 127], strides = [1, 1]} : vector<16x128xf32> to vector<16x127xf32>
    %slice3A_1050 = vector.extract_strided_slice %concatenate3A_1035 {offsets = [0, 0], sizes = [16, 1], strides = [1, 1]} : vector<16x128xf32> to vector<16x1xf32>
    %concatenate3A_1051 = tpu.concatenate %slice3A_1049, %slice3A_1050 in 1 : vector<16x127xf32>, vector<16x1xf32> -> vector<16x128xf32>
    %gt3A_1052 = arith.cmpf ogt, %concatenate3A_1051, %get3A_1 : vector<16x128xf32>
    %eq3A_1053 = arith.cmpf oeq, %concatenate3A_1051, %get3A_1 : vector<16x128xf32>
    %ge3A_1054 = arith.constant 61 : i32
    %ge3A_1055 = vector.broadcast %ge3A_1054 : i32 to vector<16x128xi32>
    %ge3A_1056 = arith.cmpi sge, %iota3A, %ge3A_1055 : vector<16x128xi32>
    %and3A_1057 = arith.andi %eq3A_1053, %ge3A_1056 : vector<16x128xi1>
    %or3A_1058 = arith.ori %gt3A_1052, %and3A_1057 : vector<16x128xi1>
    %jit3A_1059 = arith.constant 1 : i32
    %jit3A_1060 = arith.constant 0 : i32
    %broadcast_in_dim3A_1061 = vector.broadcast %jit3A_1059 : i32 to vector<16x128xi32>
    %broadcast_in_dim3A_1062 = vector.broadcast %jit3A_1060 : i32 to vector<16x128xi32>
    %select_n3A_1063 = arith.select %or3A_1058, %broadcast_in_dim3A_1061, %broadcast_in_dim3A_1062 : vector<16x128xi1>, vector<16x128xi32>
    %add3A_1064 = arith.addi %add3A_1048, %select_n3A_1063 : vector<16x128xi32>
    %slice3A_1065 = vector.extract_strided_slice %concatenate3A_1051 {offsets = [0, 1], sizes = [16, 127], strides = [1, 1]} : vector<16x128xf32> to vector<16x127xf32>
    %slice3A_1066 = vector.extract_strided_slice %concatenate3A_1051 {offsets = [0, 0], sizes = [16, 1], strides = [1, 1]} : vector<16x128xf32> to vector<16x1xf32>
    %concatenate3A_1067 = tpu.concatenate %slice3A_1065, %slice3A_1066 in 1 : vector<16x127xf32>, vector<16x1xf32> -> vector<16x128xf32>
    %gt3A_1068 = arith.cmpf ogt, %concatenate3A_1067, %get3A_1 : vector<16x128xf32>
    %eq3A_1069 = arith.cmpf oeq, %concatenate3A_1067, %get3A_1 : vector<16x128xf32>
    %ge3A_1070 = arith.constant 60 : i32
    %ge3A_1071 = vector.broadcast %ge3A_1070 : i32 to vector<16x128xi32>
    %ge3A_1072 = arith.cmpi sge, %iota3A, %ge3A_1071 : vector<16x128xi32>
    %and3A_1073 = arith.andi %eq3A_1069, %ge3A_1072 : vector<16x128xi1>
    %or3A_1074 = arith.ori %gt3A_1068, %and3A_1073 : vector<16x128xi1>
    %jit3A_1075 = arith.constant 1 : i32
    %jit3A_1076 = arith.constant 0 : i32
    %broadcast_in_dim3A_1077 = vector.broadcast %jit3A_1075 : i32 to vector<16x128xi32>
    %broadcast_in_dim3A_1078 = vector.broadcast %jit3A_1076 : i32 to vector<16x128xi32>
    %select_n3A_1079 = arith.select %or3A_1074, %broadcast_in_dim3A_1077, %broadcast_in_dim3A_1078 : vector<16x128xi1>, vector<16x128xi32>
    %add3A_1080 = arith.addi %add3A_1064, %select_n3A_1079 : vector<16x128xi32>
    %slice3A_1081 = vector.extract_strided_slice %concatenate3A_1067 {offsets = [0, 1], sizes = [16, 127], strides = [1, 1]} : vector<16x128xf32> to vector<16x127xf32>
    %slice3A_1082 = vector.extract_strided_slice %concatenate3A_1067 {offsets = [0, 0], sizes = [16, 1], strides = [1, 1]} : vector<16x128xf32> to vector<16x1xf32>
    %concatenate3A_1083 = tpu.concatenate %slice3A_1081, %slice3A_1082 in 1 : vector<16x127xf32>, vector<16x1xf32> -> vector<16x128xf32>
    %gt3A_1084 = arith.cmpf ogt, %concatenate3A_1083, %get3A_1 : vector<16x128xf32>
    %eq3A_1085 = arith.cmpf oeq, %concatenate3A_1083, %get3A_1 : vector<16x128xf32>
    %ge3A_1086 = arith.constant 59 : i32
    %ge3A_1087 = vector.broadcast %ge3A_1086 : i32 to vector<16x128xi32>
    %ge3A_1088 = arith.cmpi sge, %iota3A, %ge3A_1087 : vector<16x128xi32>
    %and3A_1089 = arith.andi %eq3A_1085, %ge3A_1088 : vector<16x128xi1>
    %or3A_1090 = arith.ori %gt3A_1084, %and3A_1089 : vector<16x128xi1>
    %jit3A_1091 = arith.constant 1 : i32
    %jit3A_1092 = arith.constant 0 : i32
    %broadcast_in_dim3A_1093 = vector.broadcast %jit3A_1091 : i32 to vector<16x128xi32>
    %broadcast_in_dim3A_1094 = vector.broadcast %jit3A_1092 : i32 to vector<16x128xi32>
    %select_n3A_1095 = arith.select %or3A_1090, %broadcast_in_dim3A_1093, %broadcast_in_dim3A_1094 : vector<16x128xi1>, vector<16x128xi32>
    %add3A_1096 = arith.addi %add3A_1080, %select_n3A_1095 : vector<16x128xi32>
    %slice3A_1097 = vector.extract_strided_slice %concatenate3A_1083 {offsets = [0, 1], sizes = [16, 127], strides = [1, 1]} : vector<16x128xf32> to vector<16x127xf32>
    %slice3A_1098 = vector.extract_strided_slice %concatenate3A_1083 {offsets = [0, 0], sizes = [16, 1], strides = [1, 1]} : vector<16x128xf32> to vector<16x1xf32>
    %concatenate3A_1099 = tpu.concatenate %slice3A_1097, %slice3A_1098 in 1 : vector<16x127xf32>, vector<16x1xf32> -> vector<16x128xf32>
    %gt3A_1100 = arith.cmpf ogt, %concatenate3A_1099, %get3A_1 : vector<16x128xf32>
    %eq3A_1101 = arith.cmpf oeq, %concatenate3A_1099, %get3A_1 : vector<16x128xf32>
    %ge3A_1102 = arith.constant 58 : i32
    %ge3A_1103 = vector.broadcast %ge3A_1102 : i32 to vector<16x128xi32>
    %ge3A_1104 = arith.cmpi sge, %iota3A, %ge3A_1103 : vector<16x128xi32>
    %and3A_1105 = arith.andi %eq3A_1101, %ge3A_1104 : vector<16x128xi1>
    %or3A_1106 = arith.ori %gt3A_1100, %and3A_1105 : vector<16x128xi1>
    %jit3A_1107 = arith.constant 1 : i32
    %jit3A_1108 = arith.constant 0 : i32
    %broadcast_in_dim3A_1109 = vector.broadcast %jit3A_1107 : i32 to vector<16x128xi32>
    %broadcast_in_dim3A_1110 = vector.broadcast %jit3A_1108 : i32 to vector<16x128xi32>
    %select_n3A_1111 = arith.select %or3A_1106, %broadcast_in_dim3A_1109, %broadcast_in_dim3A_1110 : vector<16x128xi1>, vector<16x128xi32>
    %add3A_1112 = arith.addi %add3A_1096, %select_n3A_1111 : vector<16x128xi32>
    %slice3A_1113 = vector.extract_strided_slice %concatenate3A_1099 {offsets = [0, 1], sizes = [16, 127], strides = [1, 1]} : vector<16x128xf32> to vector<16x127xf32>
    %slice3A_1114 = vector.extract_strided_slice %concatenate3A_1099 {offsets = [0, 0], sizes = [16, 1], strides = [1, 1]} : vector<16x128xf32> to vector<16x1xf32>
    %concatenate3A_1115 = tpu.concatenate %slice3A_1113, %slice3A_1114 in 1 : vector<16x127xf32>, vector<16x1xf32> -> vector<16x128xf32>
    %gt3A_1116 = arith.cmpf ogt, %concatenate3A_1115, %get3A_1 : vector<16x128xf32>
    %eq3A_1117 = arith.cmpf oeq, %concatenate3A_1115, %get3A_1 : vector<16x128xf32>
    %ge3A_1118 = arith.constant 57 : i32
    %ge3A_1119 = vector.broadcast %ge3A_1118 : i32 to vector<16x128xi32>
    %ge3A_1120 = arith.cmpi sge, %iota3A, %ge3A_1119 : vector<16x128xi32>
    %and3A_1121 = arith.andi %eq3A_1117, %ge3A_1120 : vector<16x128xi1>
    %or3A_1122 = arith.ori %gt3A_1116, %and3A_1121 : vector<16x128xi1>
    %jit3A_1123 = arith.constant 1 : i32
    %jit3A_1124 = arith.constant 0 : i32
    %broadcast_in_dim3A_1125 = vector.broadcast %jit3A_1123 : i32 to vector<16x128xi32>
    %broadcast_in_dim3A_1126 = vector.broadcast %jit3A_1124 : i32 to vector<16x128xi32>
    %select_n3A_1127 = arith.select %or3A_1122, %broadcast_in_dim3A_1125, %broadcast_in_dim3A_1126 : vector<16x128xi1>, vector<16x128xi32>
    %add3A_1128 = arith.addi %add3A_1112, %select_n3A_1127 : vector<16x128xi32>
    %slice3A_1129 = vector.extract_strided_slice %concatenate3A_1115 {offsets = [0, 1], sizes = [16, 127], strides = [1, 1]} : vector<16x128xf32> to vector<16x127xf32>
    %slice3A_1130 = vector.extract_strided_slice %concatenate3A_1115 {offsets = [0, 0], sizes = [16, 1], strides = [1, 1]} : vector<16x128xf32> to vector<16x1xf32>
    %concatenate3A_1131 = tpu.concatenate %slice3A_1129, %slice3A_1130 in 1 : vector<16x127xf32>, vector<16x1xf32> -> vector<16x128xf32>
    %gt3A_1132 = arith.cmpf ogt, %concatenate3A_1131, %get3A_1 : vector<16x128xf32>
    %eq3A_1133 = arith.cmpf oeq, %concatenate3A_1131, %get3A_1 : vector<16x128xf32>
    %ge3A_1134 = arith.constant 56 : i32
    %ge3A_1135 = vector.broadcast %ge3A_1134 : i32 to vector<16x128xi32>
    %ge3A_1136 = arith.cmpi sge, %iota3A, %ge3A_1135 : vector<16x128xi32>
    %and3A_1137 = arith.andi %eq3A_1133, %ge3A_1136 : vector<16x128xi1>
    %or3A_1138 = arith.ori %gt3A_1132, %and3A_1137 : vector<16x128xi1>
    %jit3A_1139 = arith.constant 1 : i32
    %jit3A_1140 = arith.constant 0 : i32
    %broadcast_in_dim3A_1141 = vector.broadcast %jit3A_1139 : i32 to vector<16x128xi32>
    %broadcast_in_dim3A_1142 = vector.broadcast %jit3A_1140 : i32 to vector<16x128xi32>
    %select_n3A_1143 = arith.select %or3A_1138, %broadcast_in_dim3A_1141, %broadcast_in_dim3A_1142 : vector<16x128xi1>, vector<16x128xi32>
    %add3A_1144 = arith.addi %add3A_1128, %select_n3A_1143 : vector<16x128xi32>
    %slice3A_1145 = vector.extract_strided_slice %concatenate3A_1131 {offsets = [0, 1], sizes = [16, 127], strides = [1, 1]} : vector<16x128xf32> to vector<16x127xf32>
    %slice3A_1146 = vector.extract_strided_slice %concatenate3A_1131 {offsets = [0, 0], sizes = [16, 1], strides = [1, 1]} : vector<16x128xf32> to vector<16x1xf32>
    %concatenate3A_1147 = tpu.concatenate %slice3A_1145, %slice3A_1146 in 1 : vector<16x127xf32>, vector<16x1xf32> -> vector<16x128xf32>
    %gt3A_1148 = arith.cmpf ogt, %concatenate3A_1147, %get3A_1 : vector<16x128xf32>
    %eq3A_1149 = arith.cmpf oeq, %concatenate3A_1147, %get3A_1 : vector<16x128xf32>
    %ge3A_1150 = arith.constant 55 : i32
    %ge3A_1151 = vector.broadcast %ge3A_1150 : i32 to vector<16x128xi32>
    %ge3A_1152 = arith.cmpi sge, %iota3A, %ge3A_1151 : vector<16x128xi32>
    %and3A_1153 = arith.andi %eq3A_1149, %ge3A_1152 : vector<16x128xi1>
    %or3A_1154 = arith.ori %gt3A_1148, %and3A_1153 : vector<16x128xi1>
    %jit3A_1155 = arith.constant 1 : i32
    %jit3A_1156 = arith.constant 0 : i32
    %broadcast_in_dim3A_1157 = vector.broadcast %jit3A_1155 : i32 to vector<16x128xi32>
    %broadcast_in_dim3A_1158 = vector.broadcast %jit3A_1156 : i32 to vector<16x128xi32>
    %select_n3A_1159 = arith.select %or3A_1154, %broadcast_in_dim3A_1157, %broadcast_in_dim3A_1158 : vector<16x128xi1>, vector<16x128xi32>
    %add3A_1160 = arith.addi %add3A_1144, %select_n3A_1159 : vector<16x128xi32>
    %slice3A_1161 = vector.extract_strided_slice %concatenate3A_1147 {offsets = [0, 1], sizes = [16, 127], strides = [1, 1]} : vector<16x128xf32> to vector<16x127xf32>
    %slice3A_1162 = vector.extract_strided_slice %concatenate3A_1147 {offsets = [0, 0], sizes = [16, 1], strides = [1, 1]} : vector<16x128xf32> to vector<16x1xf32>
    %concatenate3A_1163 = tpu.concatenate %slice3A_1161, %slice3A_1162 in 1 : vector<16x127xf32>, vector<16x1xf32> -> vector<16x128xf32>
    %gt3A_1164 = arith.cmpf ogt, %concatenate3A_1163, %get3A_1 : vector<16x128xf32>
    %eq3A_1165 = arith.cmpf oeq, %concatenate3A_1163, %get3A_1 : vector<16x128xf32>
    %ge3A_1166 = arith.constant 54 : i32
    %ge3A_1167 = vector.broadcast %ge3A_1166 : i32 to vector<16x128xi32>
    %ge3A_1168 = arith.cmpi sge, %iota3A, %ge3A_1167 : vector<16x128xi32>
    %and3A_1169 = arith.andi %eq3A_1165, %ge3A_1168 : vector<16x128xi1>
    %or3A_1170 = arith.ori %gt3A_1164, %and3A_1169 : vector<16x128xi1>
    %jit3A_1171 = arith.constant 1 : i32
    %jit3A_1172 = arith.constant 0 : i32
    %broadcast_in_dim3A_1173 = vector.broadcast %jit3A_1171 : i32 to vector<16x128xi32>
    %broadcast_in_dim3A_1174 = vector.broadcast %jit3A_1172 : i32 to vector<16x128xi32>
    %select_n3A_1175 = arith.select %or3A_1170, %broadcast_in_dim3A_1173, %broadcast_in_dim3A_1174 : vector<16x128xi1>, vector<16x128xi32>
    %add3A_1176 = arith.addi %add3A_1160, %select_n3A_1175 : vector<16x128xi32>
    %slice3A_1177 = vector.extract_strided_slice %concatenate3A_1163 {offsets = [0, 1], sizes = [16, 127], strides = [1, 1]} : vector<16x128xf32> to vector<16x127xf32>
    %slice3A_1178 = vector.extract_strided_slice %concatenate3A_1163 {offsets = [0, 0], sizes = [16, 1], strides = [1, 1]} : vector<16x128xf32> to vector<16x1xf32>
    %concatenate3A_1179 = tpu.concatenate %slice3A_1177, %slice3A_1178 in 1 : vector<16x127xf32>, vector<16x1xf32> -> vector<16x128xf32>
    %gt3A_1180 = arith.cmpf ogt, %concatenate3A_1179, %get3A_1 : vector<16x128xf32>
    %eq3A_1181 = arith.cmpf oeq, %concatenate3A_1179, %get3A_1 : vector<16x128xf32>
    %ge3A_1182 = arith.constant 53 : i32
    %ge3A_1183 = vector.broadcast %ge3A_1182 : i32 to vector<16x128xi32>
    %ge3A_1184 = arith.cmpi sge, %iota3A, %ge3A_1183 : vector<16x128xi32>
    %and3A_1185 = arith.andi %eq3A_1181, %ge3A_1184 : vector<16x128xi1>
    %or3A_1186 = arith.ori %gt3A_1180, %and3A_1185 : vector<16x128xi1>
    %jit3A_1187 = arith.constant 1 : i32
    %jit3A_1188 = arith.constant 0 : i32
    %broadcast_in_dim3A_1189 = vector.broadcast %jit3A_1187 : i32 to vector<16x128xi32>
    %broadcast_in_dim3A_1190 = vector.broadcast %jit3A_1188 : i32 to vector<16x128xi32>
    %select_n3A_1191 = arith.select %or3A_1186, %broadcast_in_dim3A_1189, %broadcast_in_dim3A_1190 : vector<16x128xi1>, vector<16x128xi32>
    %add3A_1192 = arith.addi %add3A_1176, %select_n3A_1191 : vector<16x128xi32>
    %slice3A_1193 = vector.extract_strided_slice %concatenate3A_1179 {offsets = [0, 1], sizes = [16, 127], strides = [1, 1]} : vector<16x128xf32> to vector<16x127xf32>
    %slice3A_1194 = vector.extract_strided_slice %concatenate3A_1179 {offsets = [0, 0], sizes = [16, 1], strides = [1, 1]} : vector<16x128xf32> to vector<16x1xf32>
    %concatenate3A_1195 = tpu.concatenate %slice3A_1193, %slice3A_1194 in 1 : vector<16x127xf32>, vector<16x1xf32> -> vector<16x128xf32>
    %gt3A_1196 = arith.cmpf ogt, %concatenate3A_1195, %get3A_1 : vector<16x128xf32>
    %eq3A_1197 = arith.cmpf oeq, %concatenate3A_1195, %get3A_1 : vector<16x128xf32>
    %ge3A_1198 = arith.constant 52 : i32
    %ge3A_1199 = vector.broadcast %ge3A_1198 : i32 to vector<16x128xi32>
    %ge3A_1200 = arith.cmpi sge, %iota3A, %ge3A_1199 : vector<16x128xi32>
    %and3A_1201 = arith.andi %eq3A_1197, %ge3A_1200 : vector<16x128xi1>
    %or3A_1202 = arith.ori %gt3A_1196, %and3A_1201 : vector<16x128xi1>
    %jit3A_1203 = arith.constant 1 : i32
    %jit3A_1204 = arith.constant 0 : i32
    %broadcast_in_dim3A_1205 = vector.broadcast %jit3A_1203 : i32 to vector<16x128xi32>
    %broadcast_in_dim3A_1206 = vector.broadcast %jit3A_1204 : i32 to vector<16x128xi32>
    %select_n3A_1207 = arith.select %or3A_1202, %broadcast_in_dim3A_1205, %broadcast_in_dim3A_1206 : vector<16x128xi1>, vector<16x128xi32>
    %add3A_1208 = arith.addi %add3A_1192, %select_n3A_1207 : vector<16x128xi32>
    %slice3A_1209 = vector.extract_strided_slice %concatenate3A_1195 {offsets = [0, 1], sizes = [16, 127], strides = [1, 1]} : vector<16x128xf32> to vector<16x127xf32>
    %slice3A_1210 = vector.extract_strided_slice %concatenate3A_1195 {offsets = [0, 0], sizes = [16, 1], strides = [1, 1]} : vector<16x128xf32> to vector<16x1xf32>
    %concatenate3A_1211 = tpu.concatenate %slice3A_1209, %slice3A_1210 in 1 : vector<16x127xf32>, vector<16x1xf32> -> vector<16x128xf32>
    %gt3A_1212 = arith.cmpf ogt, %concatenate3A_1211, %get3A_1 : vector<16x128xf32>
    %eq3A_1213 = arith.cmpf oeq, %concatenate3A_1211, %get3A_1 : vector<16x128xf32>
    %ge3A_1214 = arith.constant 51 : i32
    %ge3A_1215 = vector.broadcast %ge3A_1214 : i32 to vector<16x128xi32>
    %ge3A_1216 = arith.cmpi sge, %iota3A, %ge3A_1215 : vector<16x128xi32>
    %and3A_1217 = arith.andi %eq3A_1213, %ge3A_1216 : vector<16x128xi1>
    %or3A_1218 = arith.ori %gt3A_1212, %and3A_1217 : vector<16x128xi1>
    %jit3A_1219 = arith.constant 1 : i32
    %jit3A_1220 = arith.constant 0 : i32
    %broadcast_in_dim3A_1221 = vector.broadcast %jit3A_1219 : i32 to vector<16x128xi32>
    %broadcast_in_dim3A_1222 = vector.broadcast %jit3A_1220 : i32 to vector<16x128xi32>
    %select_n3A_1223 = arith.select %or3A_1218, %broadcast_in_dim3A_1221, %broadcast_in_dim3A_1222 : vector<16x128xi1>, vector<16x128xi32>
    %add3A_1224 = arith.addi %add3A_1208, %select_n3A_1223 : vector<16x128xi32>
    %slice3A_1225 = vector.extract_strided_slice %concatenate3A_1211 {offsets = [0, 1], sizes = [16, 127], strides = [1, 1]} : vector<16x128xf32> to vector<16x127xf32>
    %slice3A_1226 = vector.extract_strided_slice %concatenate3A_1211 {offsets = [0, 0], sizes = [16, 1], strides = [1, 1]} : vector<16x128xf32> to vector<16x1xf32>
    %concatenate3A_1227 = tpu.concatenate %slice3A_1225, %slice3A_1226 in 1 : vector<16x127xf32>, vector<16x1xf32> -> vector<16x128xf32>
    %gt3A_1228 = arith.cmpf ogt, %concatenate3A_1227, %get3A_1 : vector<16x128xf32>
    %eq3A_1229 = arith.cmpf oeq, %concatenate3A_1227, %get3A_1 : vector<16x128xf32>
    %ge3A_1230 = arith.constant 50 : i32
    %ge3A_1231 = vector.broadcast %ge3A_1230 : i32 to vector<16x128xi32>
    %ge3A_1232 = arith.cmpi sge, %iota3A, %ge3A_1231 : vector<16x128xi32>
    %and3A_1233 = arith.andi %eq3A_1229, %ge3A_1232 : vector<16x128xi1>
    %or3A_1234 = arith.ori %gt3A_1228, %and3A_1233 : vector<16x128xi1>
    %jit3A_1235 = arith.constant 1 : i32
    %jit3A_1236 = arith.constant 0 : i32
    %broadcast_in_dim3A_1237 = vector.broadcast %jit3A_1235 : i32 to vector<16x128xi32>
    %broadcast_in_dim3A_1238 = vector.broadcast %jit3A_1236 : i32 to vector<16x128xi32>
    %select_n3A_1239 = arith.select %or3A_1234, %broadcast_in_dim3A_1237, %broadcast_in_dim3A_1238 : vector<16x128xi1>, vector<16x128xi32>
    %add3A_1240 = arith.addi %add3A_1224, %select_n3A_1239 : vector<16x128xi32>
    %slice3A_1241 = vector.extract_strided_slice %concatenate3A_1227 {offsets = [0, 1], sizes = [16, 127], strides = [1, 1]} : vector<16x128xf32> to vector<16x127xf32>
    %slice3A_1242 = vector.extract_strided_slice %concatenate3A_1227 {offsets = [0, 0], sizes = [16, 1], strides = [1, 1]} : vector<16x128xf32> to vector<16x1xf32>
    %concatenate3A_1243 = tpu.concatenate %slice3A_1241, %slice3A_1242 in 1 : vector<16x127xf32>, vector<16x1xf32> -> vector<16x128xf32>
    %gt3A_1244 = arith.cmpf ogt, %concatenate3A_1243, %get3A_1 : vector<16x128xf32>
    %eq3A_1245 = arith.cmpf oeq, %concatenate3A_1243, %get3A_1 : vector<16x128xf32>
    %ge3A_1246 = arith.constant 49 : i32
    %ge3A_1247 = vector.broadcast %ge3A_1246 : i32 to vector<16x128xi32>
    %ge3A_1248 = arith.cmpi sge, %iota3A, %ge3A_1247 : vector<16x128xi32>
    %and3A_1249 = arith.andi %eq3A_1245, %ge3A_1248 : vector<16x128xi1>
    %or3A_1250 = arith.ori %gt3A_1244, %and3A_1249 : vector<16x128xi1>
    %jit3A_1251 = arith.constant 1 : i32
    %jit3A_1252 = arith.constant 0 : i32
    %broadcast_in_dim3A_1253 = vector.broadcast %jit3A_1251 : i32 to vector<16x128xi32>
    %broadcast_in_dim3A_1254 = vector.broadcast %jit3A_1252 : i32 to vector<16x128xi32>
    %select_n3A_1255 = arith.select %or3A_1250, %broadcast_in_dim3A_1253, %broadcast_in_dim3A_1254 : vector<16x128xi1>, vector<16x128xi32>
    %add3A_1256 = arith.addi %add3A_1240, %select_n3A_1255 : vector<16x128xi32>
    %slice3A_1257 = vector.extract_strided_slice %concatenate3A_1243 {offsets = [0, 1], sizes = [16, 127], strides = [1, 1]} : vector<16x128xf32> to vector<16x127xf32>
    %slice3A_1258 = vector.extract_strided_slice %concatenate3A_1243 {offsets = [0, 0], sizes = [16, 1], strides = [1, 1]} : vector<16x128xf32> to vector<16x1xf32>
    %concatenate3A_1259 = tpu.concatenate %slice3A_1257, %slice3A_1258 in 1 : vector<16x127xf32>, vector<16x1xf32> -> vector<16x128xf32>
    %gt3A_1260 = arith.cmpf ogt, %concatenate3A_1259, %get3A_1 : vector<16x128xf32>
    %eq3A_1261 = arith.cmpf oeq, %concatenate3A_1259, %get3A_1 : vector<16x128xf32>
    %ge3A_1262 = arith.constant 48 : i32
    %ge3A_1263 = vector.broadcast %ge3A_1262 : i32 to vector<16x128xi32>
    %ge3A_1264 = arith.cmpi sge, %iota3A, %ge3A_1263 : vector<16x128xi32>
    %and3A_1265 = arith.andi %eq3A_1261, %ge3A_1264 : vector<16x128xi1>
    %or3A_1266 = arith.ori %gt3A_1260, %and3A_1265 : vector<16x128xi1>
    %jit3A_1267 = arith.constant 1 : i32
    %jit3A_1268 = arith.constant 0 : i32
    %broadcast_in_dim3A_1269 = vector.broadcast %jit3A_1267 : i32 to vector<16x128xi32>
    %broadcast_in_dim3A_1270 = vector.broadcast %jit3A_1268 : i32 to vector<16x128xi32>
    %select_n3A_1271 = arith.select %or3A_1266, %broadcast_in_dim3A_1269, %broadcast_in_dim3A_1270 : vector<16x128xi1>, vector<16x128xi32>
    %add3A_1272 = arith.addi %add3A_1256, %select_n3A_1271 : vector<16x128xi32>
    %slice3A_1273 = vector.extract_strided_slice %concatenate3A_1259 {offsets = [0, 1], sizes = [16, 127], strides = [1, 1]} : vector<16x128xf32> to vector<16x127xf32>
    %slice3A_1274 = vector.extract_strided_slice %concatenate3A_1259 {offsets = [0, 0], sizes = [16, 1], strides = [1, 1]} : vector<16x128xf32> to vector<16x1xf32>
    %concatenate3A_1275 = tpu.concatenate %slice3A_1273, %slice3A_1274 in 1 : vector<16x127xf32>, vector<16x1xf32> -> vector<16x128xf32>
    %gt3A_1276 = arith.cmpf ogt, %concatenate3A_1275, %get3A_1 : vector<16x128xf32>
    %eq3A_1277 = arith.cmpf oeq, %concatenate3A_1275, %get3A_1 : vector<16x128xf32>
    %ge3A_1278 = arith.constant 47 : i32
    %ge3A_1279 = vector.broadcast %ge3A_1278 : i32 to vector<16x128xi32>
    %ge3A_1280 = arith.cmpi sge, %iota3A, %ge3A_1279 : vector<16x128xi32>
    %and3A_1281 = arith.andi %eq3A_1277, %ge3A_1280 : vector<16x128xi1>
    %or3A_1282 = arith.ori %gt3A_1276, %and3A_1281 : vector<16x128xi1>
    %jit3A_1283 = arith.constant 1 : i32
    %jit3A_1284 = arith.constant 0 : i32
    %broadcast_in_dim3A_1285 = vector.broadcast %jit3A_1283 : i32 to vector<16x128xi32>
    %broadcast_in_dim3A_1286 = vector.broadcast %jit3A_1284 : i32 to vector<16x128xi32>
    %select_n3A_1287 = arith.select %or3A_1282, %broadcast_in_dim3A_1285, %broadcast_in_dim3A_1286 : vector<16x128xi1>, vector<16x128xi32>
    %add3A_1288 = arith.addi %add3A_1272, %select_n3A_1287 : vector<16x128xi32>
    %slice3A_1289 = vector.extract_strided_slice %concatenate3A_1275 {offsets = [0, 1], sizes = [16, 127], strides = [1, 1]} : vector<16x128xf32> to vector<16x127xf32>
    %slice3A_1290 = vector.extract_strided_slice %concatenate3A_1275 {offsets = [0, 0], sizes = [16, 1], strides = [1, 1]} : vector<16x128xf32> to vector<16x1xf32>
    %concatenate3A_1291 = tpu.concatenate %slice3A_1289, %slice3A_1290 in 1 : vector<16x127xf32>, vector<16x1xf32> -> vector<16x128xf32>
    %gt3A_1292 = arith.cmpf ogt, %concatenate3A_1291, %get3A_1 : vector<16x128xf32>
    %eq3A_1293 = arith.cmpf oeq, %concatenate3A_1291, %get3A_1 : vector<16x128xf32>
    %ge3A_1294 = arith.constant 46 : i32
    %ge3A_1295 = vector.broadcast %ge3A_1294 : i32 to vector<16x128xi32>
    %ge3A_1296 = arith.cmpi sge, %iota3A, %ge3A_1295 : vector<16x128xi32>
    %and3A_1297 = arith.andi %eq3A_1293, %ge3A_1296 : vector<16x128xi1>
    %or3A_1298 = arith.ori %gt3A_1292, %and3A_1297 : vector<16x128xi1>
    %jit3A_1299 = arith.constant 1 : i32
    %jit3A_1300 = arith.constant 0 : i32
    %broadcast_in_dim3A_1301 = vector.broadcast %jit3A_1299 : i32 to vector<16x128xi32>
    %broadcast_in_dim3A_1302 = vector.broadcast %jit3A_1300 : i32 to vector<16x128xi32>
    %select_n3A_1303 = arith.select %or3A_1298, %broadcast_in_dim3A_1301, %broadcast_in_dim3A_1302 : vector<16x128xi1>, vector<16x128xi32>
    %add3A_1304 = arith.addi %add3A_1288, %select_n3A_1303 : vector<16x128xi32>
    %slice3A_1305 = vector.extract_strided_slice %concatenate3A_1291 {offsets = [0, 1], sizes = [16, 127], strides = [1, 1]} : vector<16x128xf32> to vector<16x127xf32>
    %slice3A_1306 = vector.extract_strided_slice %concatenate3A_1291 {offsets = [0, 0], sizes = [16, 1], strides = [1, 1]} : vector<16x128xf32> to vector<16x1xf32>
    %concatenate3A_1307 = tpu.concatenate %slice3A_1305, %slice3A_1306 in 1 : vector<16x127xf32>, vector<16x1xf32> -> vector<16x128xf32>
    %gt3A_1308 = arith.cmpf ogt, %concatenate3A_1307, %get3A_1 : vector<16x128xf32>
    %eq3A_1309 = arith.cmpf oeq, %concatenate3A_1307, %get3A_1 : vector<16x128xf32>
    %ge3A_1310 = arith.constant 45 : i32
    %ge3A_1311 = vector.broadcast %ge3A_1310 : i32 to vector<16x128xi32>
    %ge3A_1312 = arith.cmpi sge, %iota3A, %ge3A_1311 : vector<16x128xi32>
    %and3A_1313 = arith.andi %eq3A_1309, %ge3A_1312 : vector<16x128xi1>
    %or3A_1314 = arith.ori %gt3A_1308, %and3A_1313 : vector<16x128xi1>
    %jit3A_1315 = arith.constant 1 : i32
    %jit3A_1316 = arith.constant 0 : i32
    %broadcast_in_dim3A_1317 = vector.broadcast %jit3A_1315 : i32 to vector<16x128xi32>
    %broadcast_in_dim3A_1318 = vector.broadcast %jit3A_1316 : i32 to vector<16x128xi32>
    %select_n3A_1319 = arith.select %or3A_1314, %broadcast_in_dim3A_1317, %broadcast_in_dim3A_1318 : vector<16x128xi1>, vector<16x128xi32>
    %add3A_1320 = arith.addi %add3A_1304, %select_n3A_1319 : vector<16x128xi32>
    %slice3A_1321 = vector.extract_strided_slice %concatenate3A_1307 {offsets = [0, 1], sizes = [16, 127], strides = [1, 1]} : vector<16x128xf32> to vector<16x127xf32>
    %slice3A_1322 = vector.extract_strided_slice %concatenate3A_1307 {offsets = [0, 0], sizes = [16, 1], strides = [1, 1]} : vector<16x128xf32> to vector<16x1xf32>
    %concatenate3A_1323 = tpu.concatenate %slice3A_1321, %slice3A_1322 in 1 : vector<16x127xf32>, vector<16x1xf32> -> vector<16x128xf32>
    %gt3A_1324 = arith.cmpf ogt, %concatenate3A_1323, %get3A_1 : vector<16x128xf32>
    %eq3A_1325 = arith.cmpf oeq, %concatenate3A_1323, %get3A_1 : vector<16x128xf32>
    %ge3A_1326 = arith.constant 44 : i32
    %ge3A_1327 = vector.broadcast %ge3A_1326 : i32 to vector<16x128xi32>
    %ge3A_1328 = arith.cmpi sge, %iota3A, %ge3A_1327 : vector<16x128xi32>
    %and3A_1329 = arith.andi %eq3A_1325, %ge3A_1328 : vector<16x128xi1>
    %or3A_1330 = arith.ori %gt3A_1324, %and3A_1329 : vector<16x128xi1>
    %jit3A_1331 = arith.constant 1 : i32
    %jit3A_1332 = arith.constant 0 : i32
    %broadcast_in_dim3A_1333 = vector.broadcast %jit3A_1331 : i32 to vector<16x128xi32>
    %broadcast_in_dim3A_1334 = vector.broadcast %jit3A_1332 : i32 to vector<16x128xi32>
    %select_n3A_1335 = arith.select %or3A_1330, %broadcast_in_dim3A_1333, %broadcast_in_dim3A_1334 : vector<16x128xi1>, vector<16x128xi32>
    %add3A_1336 = arith.addi %add3A_1320, %select_n3A_1335 : vector<16x128xi32>
    %slice3A_1337 = vector.extract_strided_slice %concatenate3A_1323 {offsets = [0, 1], sizes = [16, 127], strides = [1, 1]} : vector<16x128xf32> to vector<16x127xf32>
    %slice3A_1338 = vector.extract_strided_slice %concatenate3A_1323 {offsets = [0, 0], sizes = [16, 1], strides = [1, 1]} : vector<16x128xf32> to vector<16x1xf32>
    %concatenate3A_1339 = tpu.concatenate %slice3A_1337, %slice3A_1338 in 1 : vector<16x127xf32>, vector<16x1xf32> -> vector<16x128xf32>
    %gt3A_1340 = arith.cmpf ogt, %concatenate3A_1339, %get3A_1 : vector<16x128xf32>
    %eq3A_1341 = arith.cmpf oeq, %concatenate3A_1339, %get3A_1 : vector<16x128xf32>
    %ge3A_1342 = arith.constant 43 : i32
    %ge3A_1343 = vector.broadcast %ge3A_1342 : i32 to vector<16x128xi32>
    %ge3A_1344 = arith.cmpi sge, %iota3A, %ge3A_1343 : vector<16x128xi32>
    %and3A_1345 = arith.andi %eq3A_1341, %ge3A_1344 : vector<16x128xi1>
    %or3A_1346 = arith.ori %gt3A_1340, %and3A_1345 : vector<16x128xi1>
    %jit3A_1347 = arith.constant 1 : i32
    %jit3A_1348 = arith.constant 0 : i32
    %broadcast_in_dim3A_1349 = vector.broadcast %jit3A_1347 : i32 to vector<16x128xi32>
    %broadcast_in_dim3A_1350 = vector.broadcast %jit3A_1348 : i32 to vector<16x128xi32>
    %select_n3A_1351 = arith.select %or3A_1346, %broadcast_in_dim3A_1349, %broadcast_in_dim3A_1350 : vector<16x128xi1>, vector<16x128xi32>
    %add3A_1352 = arith.addi %add3A_1336, %select_n3A_1351 : vector<16x128xi32>
    %slice3A_1353 = vector.extract_strided_slice %concatenate3A_1339 {offsets = [0, 1], sizes = [16, 127], strides = [1, 1]} : vector<16x128xf32> to vector<16x127xf32>
    %slice3A_1354 = vector.extract_strided_slice %concatenate3A_1339 {offsets = [0, 0], sizes = [16, 1], strides = [1, 1]} : vector<16x128xf32> to vector<16x1xf32>
    %concatenate3A_1355 = tpu.concatenate %slice3A_1353, %slice3A_1354 in 1 : vector<16x127xf32>, vector<16x1xf32> -> vector<16x128xf32>
    %gt3A_1356 = arith.cmpf ogt, %concatenate3A_1355, %get3A_1 : vector<16x128xf32>
    %eq3A_1357 = arith.cmpf oeq, %concatenate3A_1355, %get3A_1 : vector<16x128xf32>
    %ge3A_1358 = arith.constant 42 : i32
    %ge3A_1359 = vector.broadcast %ge3A_1358 : i32 to vector<16x128xi32>
    %ge3A_1360 = arith.cmpi sge, %iota3A, %ge3A_1359 : vector<16x128xi32>
    %and3A_1361 = arith.andi %eq3A_1357, %ge3A_1360 : vector<16x128xi1>
    %or3A_1362 = arith.ori %gt3A_1356, %and3A_1361 : vector<16x128xi1>
    %jit3A_1363 = arith.constant 1 : i32
    %jit3A_1364 = arith.constant 0 : i32
    %broadcast_in_dim3A_1365 = vector.broadcast %jit3A_1363 : i32 to vector<16x128xi32>
    %broadcast_in_dim3A_1366 = vector.broadcast %jit3A_1364 : i32 to vector<16x128xi32>
    %select_n3A_1367 = arith.select %or3A_1362, %broadcast_in_dim3A_1365, %broadcast_in_dim3A_1366 : vector<16x128xi1>, vector<16x128xi32>
    %add3A_1368 = arith.addi %add3A_1352, %select_n3A_1367 : vector<16x128xi32>
    %slice3A_1369 = vector.extract_strided_slice %concatenate3A_1355 {offsets = [0, 1], sizes = [16, 127], strides = [1, 1]} : vector<16x128xf32> to vector<16x127xf32>
    %slice3A_1370 = vector.extract_strided_slice %concatenate3A_1355 {offsets = [0, 0], sizes = [16, 1], strides = [1, 1]} : vector<16x128xf32> to vector<16x1xf32>
    %concatenate3A_1371 = tpu.concatenate %slice3A_1369, %slice3A_1370 in 1 : vector<16x127xf32>, vector<16x1xf32> -> vector<16x128xf32>
    %gt3A_1372 = arith.cmpf ogt, %concatenate3A_1371, %get3A_1 : vector<16x128xf32>
    %eq3A_1373 = arith.cmpf oeq, %concatenate3A_1371, %get3A_1 : vector<16x128xf32>
    %ge3A_1374 = arith.constant 41 : i32
    %ge3A_1375 = vector.broadcast %ge3A_1374 : i32 to vector<16x128xi32>
    %ge3A_1376 = arith.cmpi sge, %iota3A, %ge3A_1375 : vector<16x128xi32>
    %and3A_1377 = arith.andi %eq3A_1373, %ge3A_1376 : vector<16x128xi1>
    %or3A_1378 = arith.ori %gt3A_1372, %and3A_1377 : vector<16x128xi1>
    %jit3A_1379 = arith.constant 1 : i32
    %jit3A_1380 = arith.constant 0 : i32
    %broadcast_in_dim3A_1381 = vector.broadcast %jit3A_1379 : i32 to vector<16x128xi32>
    %broadcast_in_dim3A_1382 = vector.broadcast %jit3A_1380 : i32 to vector<16x128xi32>
    %select_n3A_1383 = arith.select %or3A_1378, %broadcast_in_dim3A_1381, %broadcast_in_dim3A_1382 : vector<16x128xi1>, vector<16x128xi32>
    %add3A_1384 = arith.addi %add3A_1368, %select_n3A_1383 : vector<16x128xi32>
    %slice3A_1385 = vector.extract_strided_slice %concatenate3A_1371 {offsets = [0, 1], sizes = [16, 127], strides = [1, 1]} : vector<16x128xf32> to vector<16x127xf32>
    %slice3A_1386 = vector.extract_strided_slice %concatenate3A_1371 {offsets = [0, 0], sizes = [16, 1], strides = [1, 1]} : vector<16x128xf32> to vector<16x1xf32>
    %concatenate3A_1387 = tpu.concatenate %slice3A_1385, %slice3A_1386 in 1 : vector<16x127xf32>, vector<16x1xf32> -> vector<16x128xf32>
    %gt3A_1388 = arith.cmpf ogt, %concatenate3A_1387, %get3A_1 : vector<16x128xf32>
    %eq3A_1389 = arith.cmpf oeq, %concatenate3A_1387, %get3A_1 : vector<16x128xf32>
    %ge3A_1390 = arith.constant 40 : i32
    %ge3A_1391 = vector.broadcast %ge3A_1390 : i32 to vector<16x128xi32>
    %ge3A_1392 = arith.cmpi sge, %iota3A, %ge3A_1391 : vector<16x128xi32>
    %and3A_1393 = arith.andi %eq3A_1389, %ge3A_1392 : vector<16x128xi1>
    %or3A_1394 = arith.ori %gt3A_1388, %and3A_1393 : vector<16x128xi1>
    %jit3A_1395 = arith.constant 1 : i32
    %jit3A_1396 = arith.constant 0 : i32
    %broadcast_in_dim3A_1397 = vector.broadcast %jit3A_1395 : i32 to vector<16x128xi32>
    %broadcast_in_dim3A_1398 = vector.broadcast %jit3A_1396 : i32 to vector<16x128xi32>
    %select_n3A_1399 = arith.select %or3A_1394, %broadcast_in_dim3A_1397, %broadcast_in_dim3A_1398 : vector<16x128xi1>, vector<16x128xi32>
    %add3A_1400 = arith.addi %add3A_1384, %select_n3A_1399 : vector<16x128xi32>
    %slice3A_1401 = vector.extract_strided_slice %concatenate3A_1387 {offsets = [0, 1], sizes = [16, 127], strides = [1, 1]} : vector<16x128xf32> to vector<16x127xf32>
    %slice3A_1402 = vector.extract_strided_slice %concatenate3A_1387 {offsets = [0, 0], sizes = [16, 1], strides = [1, 1]} : vector<16x128xf32> to vector<16x1xf32>
    %concatenate3A_1403 = tpu.concatenate %slice3A_1401, %slice3A_1402 in 1 : vector<16x127xf32>, vector<16x1xf32> -> vector<16x128xf32>
    %gt3A_1404 = arith.cmpf ogt, %concatenate3A_1403, %get3A_1 : vector<16x128xf32>
    %eq3A_1405 = arith.cmpf oeq, %concatenate3A_1403, %get3A_1 : vector<16x128xf32>
    %ge3A_1406 = arith.constant 39 : i32
    %ge3A_1407 = vector.broadcast %ge3A_1406 : i32 to vector<16x128xi32>
    %ge3A_1408 = arith.cmpi sge, %iota3A, %ge3A_1407 : vector<16x128xi32>
    %and3A_1409 = arith.andi %eq3A_1405, %ge3A_1408 : vector<16x128xi1>
    %or3A_1410 = arith.ori %gt3A_1404, %and3A_1409 : vector<16x128xi1>
    %jit3A_1411 = arith.constant 1 : i32
    %jit3A_1412 = arith.constant 0 : i32
    %broadcast_in_dim3A_1413 = vector.broadcast %jit3A_1411 : i32 to vector<16x128xi32>
    %broadcast_in_dim3A_1414 = vector.broadcast %jit3A_1412 : i32 to vector<16x128xi32>
    %select_n3A_1415 = arith.select %or3A_1410, %broadcast_in_dim3A_1413, %broadcast_in_dim3A_1414 : vector<16x128xi1>, vector<16x128xi32>
    %add3A_1416 = arith.addi %add3A_1400, %select_n3A_1415 : vector<16x128xi32>
    %slice3A_1417 = vector.extract_strided_slice %concatenate3A_1403 {offsets = [0, 1], sizes = [16, 127], strides = [1, 1]} : vector<16x128xf32> to vector<16x127xf32>
    %slice3A_1418 = vector.extract_strided_slice %concatenate3A_1403 {offsets = [0, 0], sizes = [16, 1], strides = [1, 1]} : vector<16x128xf32> to vector<16x1xf32>
    %concatenate3A_1419 = tpu.concatenate %slice3A_1417, %slice3A_1418 in 1 : vector<16x127xf32>, vector<16x1xf32> -> vector<16x128xf32>
    %gt3A_1420 = arith.cmpf ogt, %concatenate3A_1419, %get3A_1 : vector<16x128xf32>
    %eq3A_1421 = arith.cmpf oeq, %concatenate3A_1419, %get3A_1 : vector<16x128xf32>
    %ge3A_1422 = arith.constant 38 : i32
    %ge3A_1423 = vector.broadcast %ge3A_1422 : i32 to vector<16x128xi32>
    %ge3A_1424 = arith.cmpi sge, %iota3A, %ge3A_1423 : vector<16x128xi32>
    %and3A_1425 = arith.andi %eq3A_1421, %ge3A_1424 : vector<16x128xi1>
    %or3A_1426 = arith.ori %gt3A_1420, %and3A_1425 : vector<16x128xi1>
    %jit3A_1427 = arith.constant 1 : i32
    %jit3A_1428 = arith.constant 0 : i32
    %broadcast_in_dim3A_1429 = vector.broadcast %jit3A_1427 : i32 to vector<16x128xi32>
    %broadcast_in_dim3A_1430 = vector.broadcast %jit3A_1428 : i32 to vector<16x128xi32>
    %select_n3A_1431 = arith.select %or3A_1426, %broadcast_in_dim3A_1429, %broadcast_in_dim3A_1430 : vector<16x128xi1>, vector<16x128xi32>
    %add3A_1432 = arith.addi %add3A_1416, %select_n3A_1431 : vector<16x128xi32>
    %slice3A_1433 = vector.extract_strided_slice %concatenate3A_1419 {offsets = [0, 1], sizes = [16, 127], strides = [1, 1]} : vector<16x128xf32> to vector<16x127xf32>
    %slice3A_1434 = vector.extract_strided_slice %concatenate3A_1419 {offsets = [0, 0], sizes = [16, 1], strides = [1, 1]} : vector<16x128xf32> to vector<16x1xf32>
    %concatenate3A_1435 = tpu.concatenate %slice3A_1433, %slice3A_1434 in 1 : vector<16x127xf32>, vector<16x1xf32> -> vector<16x128xf32>
    %gt3A_1436 = arith.cmpf ogt, %concatenate3A_1435, %get3A_1 : vector<16x128xf32>
    %eq3A_1437 = arith.cmpf oeq, %concatenate3A_1435, %get3A_1 : vector<16x128xf32>
    %ge3A_1438 = arith.constant 37 : i32
    %ge3A_1439 = vector.broadcast %ge3A_1438 : i32 to vector<16x128xi32>
    %ge3A_1440 = arith.cmpi sge, %iota3A, %ge3A_1439 : vector<16x128xi32>
    %and3A_1441 = arith.andi %eq3A_1437, %ge3A_1440 : vector<16x128xi1>
    %or3A_1442 = arith.ori %gt3A_1436, %and3A_1441 : vector<16x128xi1>
    %jit3A_1443 = arith.constant 1 : i32
    %jit3A_1444 = arith.constant 0 : i32
    %broadcast_in_dim3A_1445 = vector.broadcast %jit3A_1443 : i32 to vector<16x128xi32>
    %broadcast_in_dim3A_1446 = vector.broadcast %jit3A_1444 : i32 to vector<16x128xi32>
    %select_n3A_1447 = arith.select %or3A_1442, %broadcast_in_dim3A_1445, %broadcast_in_dim3A_1446 : vector<16x128xi1>, vector<16x128xi32>
    %add3A_1448 = arith.addi %add3A_1432, %select_n3A_1447 : vector<16x128xi32>
    %slice3A_1449 = vector.extract_strided_slice %concatenate3A_1435 {offsets = [0, 1], sizes = [16, 127], strides = [1, 1]} : vector<16x128xf32> to vector<16x127xf32>
    %slice3A_1450 = vector.extract_strided_slice %concatenate3A_1435 {offsets = [0, 0], sizes = [16, 1], strides = [1, 1]} : vector<16x128xf32> to vector<16x1xf32>
    %concatenate3A_1451 = tpu.concatenate %slice3A_1449, %slice3A_1450 in 1 : vector<16x127xf32>, vector<16x1xf32> -> vector<16x128xf32>
    %gt3A_1452 = arith.cmpf ogt, %concatenate3A_1451, %get3A_1 : vector<16x128xf32>
    %eq3A_1453 = arith.cmpf oeq, %concatenate3A_1451, %get3A_1 : vector<16x128xf32>
    %ge3A_1454 = arith.constant 36 : i32
    %ge3A_1455 = vector.broadcast %ge3A_1454 : i32 to vector<16x128xi32>
    %ge3A_1456 = arith.cmpi sge, %iota3A, %ge3A_1455 : vector<16x128xi32>
    %and3A_1457 = arith.andi %eq3A_1453, %ge3A_1456 : vector<16x128xi1>
    %or3A_1458 = arith.ori %gt3A_1452, %and3A_1457 : vector<16x128xi1>
    %jit3A_1459 = arith.constant 1 : i32
    %jit3A_1460 = arith.constant 0 : i32
    %broadcast_in_dim3A_1461 = vector.broadcast %jit3A_1459 : i32 to vector<16x128xi32>
    %broadcast_in_dim3A_1462 = vector.broadcast %jit3A_1460 : i32 to vector<16x128xi32>
    %select_n3A_1463 = arith.select %or3A_1458, %broadcast_in_dim3A_1461, %broadcast_in_dim3A_1462 : vector<16x128xi1>, vector<16x128xi32>
    %add3A_1464 = arith.addi %add3A_1448, %select_n3A_1463 : vector<16x128xi32>
    %slice3A_1465 = vector.extract_strided_slice %concatenate3A_1451 {offsets = [0, 1], sizes = [16, 127], strides = [1, 1]} : vector<16x128xf32> to vector<16x127xf32>
    %slice3A_1466 = vector.extract_strided_slice %concatenate3A_1451 {offsets = [0, 0], sizes = [16, 1], strides = [1, 1]} : vector<16x128xf32> to vector<16x1xf32>
    %concatenate3A_1467 = tpu.concatenate %slice3A_1465, %slice3A_1466 in 1 : vector<16x127xf32>, vector<16x1xf32> -> vector<16x128xf32>
    %gt3A_1468 = arith.cmpf ogt, %concatenate3A_1467, %get3A_1 : vector<16x128xf32>
    %eq3A_1469 = arith.cmpf oeq, %concatenate3A_1467, %get3A_1 : vector<16x128xf32>
    %ge3A_1470 = arith.constant 35 : i32
    %ge3A_1471 = vector.broadcast %ge3A_1470 : i32 to vector<16x128xi32>
    %ge3A_1472 = arith.cmpi sge, %iota3A, %ge3A_1471 : vector<16x128xi32>
    %and3A_1473 = arith.andi %eq3A_1469, %ge3A_1472 : vector<16x128xi1>
    %or3A_1474 = arith.ori %gt3A_1468, %and3A_1473 : vector<16x128xi1>
    %jit3A_1475 = arith.constant 1 : i32
    %jit3A_1476 = arith.constant 0 : i32
    %broadcast_in_dim3A_1477 = vector.broadcast %jit3A_1475 : i32 to vector<16x128xi32>
    %broadcast_in_dim3A_1478 = vector.broadcast %jit3A_1476 : i32 to vector<16x128xi32>
    %select_n3A_1479 = arith.select %or3A_1474, %broadcast_in_dim3A_1477, %broadcast_in_dim3A_1478 : vector<16x128xi1>, vector<16x128xi32>
    %add3A_1480 = arith.addi %add3A_1464, %select_n3A_1479 : vector<16x128xi32>
    %slice3A_1481 = vector.extract_strided_slice %concatenate3A_1467 {offsets = [0, 1], sizes = [16, 127], strides = [1, 1]} : vector<16x128xf32> to vector<16x127xf32>
    %slice3A_1482 = vector.extract_strided_slice %concatenate3A_1467 {offsets = [0, 0], sizes = [16, 1], strides = [1, 1]} : vector<16x128xf32> to vector<16x1xf32>
    %concatenate3A_1483 = tpu.concatenate %slice3A_1481, %slice3A_1482 in 1 : vector<16x127xf32>, vector<16x1xf32> -> vector<16x128xf32>
    %gt3A_1484 = arith.cmpf ogt, %concatenate3A_1483, %get3A_1 : vector<16x128xf32>
    %eq3A_1485 = arith.cmpf oeq, %concatenate3A_1483, %get3A_1 : vector<16x128xf32>
    %ge3A_1486 = arith.constant 34 : i32
    %ge3A_1487 = vector.broadcast %ge3A_1486 : i32 to vector<16x128xi32>
    %ge3A_1488 = arith.cmpi sge, %iota3A, %ge3A_1487 : vector<16x128xi32>
    %and3A_1489 = arith.andi %eq3A_1485, %ge3A_1488 : vector<16x128xi1>
    %or3A_1490 = arith.ori %gt3A_1484, %and3A_1489 : vector<16x128xi1>
    %jit3A_1491 = arith.constant 1 : i32
    %jit3A_1492 = arith.constant 0 : i32
    %broadcast_in_dim3A_1493 = vector.broadcast %jit3A_1491 : i32 to vector<16x128xi32>
    %broadcast_in_dim3A_1494 = vector.broadcast %jit3A_1492 : i32 to vector<16x128xi32>
    %select_n3A_1495 = arith.select %or3A_1490, %broadcast_in_dim3A_1493, %broadcast_in_dim3A_1494 : vector<16x128xi1>, vector<16x128xi32>
    %add3A_1496 = arith.addi %add3A_1480, %select_n3A_1495 : vector<16x128xi32>
    %slice3A_1497 = vector.extract_strided_slice %concatenate3A_1483 {offsets = [0, 1], sizes = [16, 127], strides = [1, 1]} : vector<16x128xf32> to vector<16x127xf32>
    %slice3A_1498 = vector.extract_strided_slice %concatenate3A_1483 {offsets = [0, 0], sizes = [16, 1], strides = [1, 1]} : vector<16x128xf32> to vector<16x1xf32>
    %concatenate3A_1499 = tpu.concatenate %slice3A_1497, %slice3A_1498 in 1 : vector<16x127xf32>, vector<16x1xf32> -> vector<16x128xf32>
    %gt3A_1500 = arith.cmpf ogt, %concatenate3A_1499, %get3A_1 : vector<16x128xf32>
    %eq3A_1501 = arith.cmpf oeq, %concatenate3A_1499, %get3A_1 : vector<16x128xf32>
    %ge3A_1502 = arith.constant 33 : i32
    %ge3A_1503 = vector.broadcast %ge3A_1502 : i32 to vector<16x128xi32>
    %ge3A_1504 = arith.cmpi sge, %iota3A, %ge3A_1503 : vector<16x128xi32>
    %and3A_1505 = arith.andi %eq3A_1501, %ge3A_1504 : vector<16x128xi1>
    %or3A_1506 = arith.ori %gt3A_1500, %and3A_1505 : vector<16x128xi1>
    %jit3A_1507 = arith.constant 1 : i32
    %jit3A_1508 = arith.constant 0 : i32
    %broadcast_in_dim3A_1509 = vector.broadcast %jit3A_1507 : i32 to vector<16x128xi32>
    %broadcast_in_dim3A_1510 = vector.broadcast %jit3A_1508 : i32 to vector<16x128xi32>
    %select_n3A_1511 = arith.select %or3A_1506, %broadcast_in_dim3A_1509, %broadcast_in_dim3A_1510 : vector<16x128xi1>, vector<16x128xi32>
    %add3A_1512 = arith.addi %add3A_1496, %select_n3A_1511 : vector<16x128xi32>
    %slice3A_1513 = vector.extract_strided_slice %concatenate3A_1499 {offsets = [0, 1], sizes = [16, 127], strides = [1, 1]} : vector<16x128xf32> to vector<16x127xf32>
    %slice3A_1514 = vector.extract_strided_slice %concatenate3A_1499 {offsets = [0, 0], sizes = [16, 1], strides = [1, 1]} : vector<16x128xf32> to vector<16x1xf32>
    %concatenate3A_1515 = tpu.concatenate %slice3A_1513, %slice3A_1514 in 1 : vector<16x127xf32>, vector<16x1xf32> -> vector<16x128xf32>
    %gt3A_1516 = arith.cmpf ogt, %concatenate3A_1515, %get3A_1 : vector<16x128xf32>
    %eq3A_1517 = arith.cmpf oeq, %concatenate3A_1515, %get3A_1 : vector<16x128xf32>
    %ge3A_1518 = arith.constant 32 : i32
    %ge3A_1519 = vector.broadcast %ge3A_1518 : i32 to vector<16x128xi32>
    %ge3A_1520 = arith.cmpi sge, %iota3A, %ge3A_1519 : vector<16x128xi32>
    %and3A_1521 = arith.andi %eq3A_1517, %ge3A_1520 : vector<16x128xi1>
    %or3A_1522 = arith.ori %gt3A_1516, %and3A_1521 : vector<16x128xi1>
    %jit3A_1523 = arith.constant 1 : i32
    %jit3A_1524 = arith.constant 0 : i32
    %broadcast_in_dim3A_1525 = vector.broadcast %jit3A_1523 : i32 to vector<16x128xi32>
    %broadcast_in_dim3A_1526 = vector.broadcast %jit3A_1524 : i32 to vector<16x128xi32>
    %select_n3A_1527 = arith.select %or3A_1522, %broadcast_in_dim3A_1525, %broadcast_in_dim3A_1526 : vector<16x128xi1>, vector<16x128xi32>
    %add3A_1528 = arith.addi %add3A_1512, %select_n3A_1527 : vector<16x128xi32>
    %slice3A_1529 = vector.extract_strided_slice %concatenate3A_1515 {offsets = [0, 1], sizes = [16, 127], strides = [1, 1]} : vector<16x128xf32> to vector<16x127xf32>
    %slice3A_1530 = vector.extract_strided_slice %concatenate3A_1515 {offsets = [0, 0], sizes = [16, 1], strides = [1, 1]} : vector<16x128xf32> to vector<16x1xf32>
    %concatenate3A_1531 = tpu.concatenate %slice3A_1529, %slice3A_1530 in 1 : vector<16x127xf32>, vector<16x1xf32> -> vector<16x128xf32>
    %gt3A_1532 = arith.cmpf ogt, %concatenate3A_1531, %get3A_1 : vector<16x128xf32>
    %eq3A_1533 = arith.cmpf oeq, %concatenate3A_1531, %get3A_1 : vector<16x128xf32>
    %ge3A_1534 = arith.constant 31 : i32
    %ge3A_1535 = vector.broadcast %ge3A_1534 : i32 to vector<16x128xi32>
    %ge3A_1536 = arith.cmpi sge, %iota3A, %ge3A_1535 : vector<16x128xi32>
    %and3A_1537 = arith.andi %eq3A_1533, %ge3A_1536 : vector<16x128xi1>
    %or3A_1538 = arith.ori %gt3A_1532, %and3A_1537 : vector<16x128xi1>
    %jit3A_1539 = arith.constant 1 : i32
    %jit3A_1540 = arith.constant 0 : i32
    %broadcast_in_dim3A_1541 = vector.broadcast %jit3A_1539 : i32 to vector<16x128xi32>
    %broadcast_in_dim3A_1542 = vector.broadcast %jit3A_1540 : i32 to vector<16x128xi32>
    %select_n3A_1543 = arith.select %or3A_1538, %broadcast_in_dim3A_1541, %broadcast_in_dim3A_1542 : vector<16x128xi1>, vector<16x128xi32>
    %add3A_1544 = arith.addi %add3A_1528, %select_n3A_1543 : vector<16x128xi32>
    %slice3A_1545 = vector.extract_strided_slice %concatenate3A_1531 {offsets = [0, 1], sizes = [16, 127], strides = [1, 1]} : vector<16x128xf32> to vector<16x127xf32>
    %slice3A_1546 = vector.extract_strided_slice %concatenate3A_1531 {offsets = [0, 0], sizes = [16, 1], strides = [1, 1]} : vector<16x128xf32> to vector<16x1xf32>
    %concatenate3A_1547 = tpu.concatenate %slice3A_1545, %slice3A_1546 in 1 : vector<16x127xf32>, vector<16x1xf32> -> vector<16x128xf32>
    %gt3A_1548 = arith.cmpf ogt, %concatenate3A_1547, %get3A_1 : vector<16x128xf32>
    %eq3A_1549 = arith.cmpf oeq, %concatenate3A_1547, %get3A_1 : vector<16x128xf32>
    %ge3A_1550 = arith.constant 30 : i32
    %ge3A_1551 = vector.broadcast %ge3A_1550 : i32 to vector<16x128xi32>
    %ge3A_1552 = arith.cmpi sge, %iota3A, %ge3A_1551 : vector<16x128xi32>
    %and3A_1553 = arith.andi %eq3A_1549, %ge3A_1552 : vector<16x128xi1>
    %or3A_1554 = arith.ori %gt3A_1548, %and3A_1553 : vector<16x128xi1>
    %jit3A_1555 = arith.constant 1 : i32
    %jit3A_1556 = arith.constant 0 : i32
    %broadcast_in_dim3A_1557 = vector.broadcast %jit3A_1555 : i32 to vector<16x128xi32>
    %broadcast_in_dim3A_1558 = vector.broadcast %jit3A_1556 : i32 to vector<16x128xi32>
    %select_n3A_1559 = arith.select %or3A_1554, %broadcast_in_dim3A_1557, %broadcast_in_dim3A_1558 : vector<16x128xi1>, vector<16x128xi32>
    %add3A_1560 = arith.addi %add3A_1544, %select_n3A_1559 : vector<16x128xi32>
    %slice3A_1561 = vector.extract_strided_slice %concatenate3A_1547 {offsets = [0, 1], sizes = [16, 127], strides = [1, 1]} : vector<16x128xf32> to vector<16x127xf32>
    %slice3A_1562 = vector.extract_strided_slice %concatenate3A_1547 {offsets = [0, 0], sizes = [16, 1], strides = [1, 1]} : vector<16x128xf32> to vector<16x1xf32>
    %concatenate3A_1563 = tpu.concatenate %slice3A_1561, %slice3A_1562 in 1 : vector<16x127xf32>, vector<16x1xf32> -> vector<16x128xf32>
    %gt3A_1564 = arith.cmpf ogt, %concatenate3A_1563, %get3A_1 : vector<16x128xf32>
    %eq3A_1565 = arith.cmpf oeq, %concatenate3A_1563, %get3A_1 : vector<16x128xf32>
    %ge3A_1566 = arith.constant 29 : i32
    %ge3A_1567 = vector.broadcast %ge3A_1566 : i32 to vector<16x128xi32>
    %ge3A_1568 = arith.cmpi sge, %iota3A, %ge3A_1567 : vector<16x128xi32>
    %and3A_1569 = arith.andi %eq3A_1565, %ge3A_1568 : vector<16x128xi1>
    %or3A_1570 = arith.ori %gt3A_1564, %and3A_1569 : vector<16x128xi1>
    %jit3A_1571 = arith.constant 1 : i32
    %jit3A_1572 = arith.constant 0 : i32
    %broadcast_in_dim3A_1573 = vector.broadcast %jit3A_1571 : i32 to vector<16x128xi32>
    %broadcast_in_dim3A_1574 = vector.broadcast %jit3A_1572 : i32 to vector<16x128xi32>
    %select_n3A_1575 = arith.select %or3A_1570, %broadcast_in_dim3A_1573, %broadcast_in_dim3A_1574 : vector<16x128xi1>, vector<16x128xi32>
    %add3A_1576 = arith.addi %add3A_1560, %select_n3A_1575 : vector<16x128xi32>
    %slice3A_1577 = vector.extract_strided_slice %concatenate3A_1563 {offsets = [0, 1], sizes = [16, 127], strides = [1, 1]} : vector<16x128xf32> to vector<16x127xf32>
    %slice3A_1578 = vector.extract_strided_slice %concatenate3A_1563 {offsets = [0, 0], sizes = [16, 1], strides = [1, 1]} : vector<16x128xf32> to vector<16x1xf32>
    %concatenate3A_1579 = tpu.concatenate %slice3A_1577, %slice3A_1578 in 1 : vector<16x127xf32>, vector<16x1xf32> -> vector<16x128xf32>
    %gt3A_1580 = arith.cmpf ogt, %concatenate3A_1579, %get3A_1 : vector<16x128xf32>
    %eq3A_1581 = arith.cmpf oeq, %concatenate3A_1579, %get3A_1 : vector<16x128xf32>
    %ge3A_1582 = arith.constant 28 : i32
    %ge3A_1583 = vector.broadcast %ge3A_1582 : i32 to vector<16x128xi32>
    %ge3A_1584 = arith.cmpi sge, %iota3A, %ge3A_1583 : vector<16x128xi32>
    %and3A_1585 = arith.andi %eq3A_1581, %ge3A_1584 : vector<16x128xi1>
    %or3A_1586 = arith.ori %gt3A_1580, %and3A_1585 : vector<16x128xi1>
    %jit3A_1587 = arith.constant 1 : i32
    %jit3A_1588 = arith.constant 0 : i32
    %broadcast_in_dim3A_1589 = vector.broadcast %jit3A_1587 : i32 to vector<16x128xi32>
    %broadcast_in_dim3A_1590 = vector.broadcast %jit3A_1588 : i32 to vector<16x128xi32>
    %select_n3A_1591 = arith.select %or3A_1586, %broadcast_in_dim3A_1589, %broadcast_in_dim3A_1590 : vector<16x128xi1>, vector<16x128xi32>
    %add3A_1592 = arith.addi %add3A_1576, %select_n3A_1591 : vector<16x128xi32>
    %slice3A_1593 = vector.extract_strided_slice %concatenate3A_1579 {offsets = [0, 1], sizes = [16, 127], strides = [1, 1]} : vector<16x128xf32> to vector<16x127xf32>
    %slice3A_1594 = vector.extract_strided_slice %concatenate3A_1579 {offsets = [0, 0], sizes = [16, 1], strides = [1, 1]} : vector<16x128xf32> to vector<16x1xf32>
    %concatenate3A_1595 = tpu.concatenate %slice3A_1593, %slice3A_1594 in 1 : vector<16x127xf32>, vector<16x1xf32> -> vector<16x128xf32>
    %gt3A_1596 = arith.cmpf ogt, %concatenate3A_1595, %get3A_1 : vector<16x128xf32>
    %eq3A_1597 = arith.cmpf oeq, %concatenate3A_1595, %get3A_1 : vector<16x128xf32>
    %ge3A_1598 = arith.constant 27 : i32
    %ge3A_1599 = vector.broadcast %ge3A_1598 : i32 to vector<16x128xi32>
    %ge3A_1600 = arith.cmpi sge, %iota3A, %ge3A_1599 : vector<16x128xi32>
    %and3A_1601 = arith.andi %eq3A_1597, %ge3A_1600 : vector<16x128xi1>
    %or3A_1602 = arith.ori %gt3A_1596, %and3A_1601 : vector<16x128xi1>
    %jit3A_1603 = arith.constant 1 : i32
    %jit3A_1604 = arith.constant 0 : i32
    %broadcast_in_dim3A_1605 = vector.broadcast %jit3A_1603 : i32 to vector<16x128xi32>
    %broadcast_in_dim3A_1606 = vector.broadcast %jit3A_1604 : i32 to vector<16x128xi32>
    %select_n3A_1607 = arith.select %or3A_1602, %broadcast_in_dim3A_1605, %broadcast_in_dim3A_1606 : vector<16x128xi1>, vector<16x128xi32>
    %add3A_1608 = arith.addi %add3A_1592, %select_n3A_1607 : vector<16x128xi32>
    %slice3A_1609 = vector.extract_strided_slice %concatenate3A_1595 {offsets = [0, 1], sizes = [16, 127], strides = [1, 1]} : vector<16x128xf32> to vector<16x127xf32>
    %slice3A_1610 = vector.extract_strided_slice %concatenate3A_1595 {offsets = [0, 0], sizes = [16, 1], strides = [1, 1]} : vector<16x128xf32> to vector<16x1xf32>
    %concatenate3A_1611 = tpu.concatenate %slice3A_1609, %slice3A_1610 in 1 : vector<16x127xf32>, vector<16x1xf32> -> vector<16x128xf32>
    %gt3A_1612 = arith.cmpf ogt, %concatenate3A_1611, %get3A_1 : vector<16x128xf32>
    %eq3A_1613 = arith.cmpf oeq, %concatenate3A_1611, %get3A_1 : vector<16x128xf32>
    %ge3A_1614 = arith.constant 26 : i32
    %ge3A_1615 = vector.broadcast %ge3A_1614 : i32 to vector<16x128xi32>
    %ge3A_1616 = arith.cmpi sge, %iota3A, %ge3A_1615 : vector<16x128xi32>
    %and3A_1617 = arith.andi %eq3A_1613, %ge3A_1616 : vector<16x128xi1>
    %or3A_1618 = arith.ori %gt3A_1612, %and3A_1617 : vector<16x128xi1>
    %jit3A_1619 = arith.constant 1 : i32
    %jit3A_1620 = arith.constant 0 : i32
    %broadcast_in_dim3A_1621 = vector.broadcast %jit3A_1619 : i32 to vector<16x128xi32>
    %broadcast_in_dim3A_1622 = vector.broadcast %jit3A_1620 : i32 to vector<16x128xi32>
    %select_n3A_1623 = arith.select %or3A_1618, %broadcast_in_dim3A_1621, %broadcast_in_dim3A_1622 : vector<16x128xi1>, vector<16x128xi32>
    %add3A_1624 = arith.addi %add3A_1608, %select_n3A_1623 : vector<16x128xi32>
    %slice3A_1625 = vector.extract_strided_slice %concatenate3A_1611 {offsets = [0, 1], sizes = [16, 127], strides = [1, 1]} : vector<16x128xf32> to vector<16x127xf32>
    %slice3A_1626 = vector.extract_strided_slice %concatenate3A_1611 {offsets = [0, 0], sizes = [16, 1], strides = [1, 1]} : vector<16x128xf32> to vector<16x1xf32>
    %concatenate3A_1627 = tpu.concatenate %slice3A_1625, %slice3A_1626 in 1 : vector<16x127xf32>, vector<16x1xf32> -> vector<16x128xf32>
    %gt3A_1628 = arith.cmpf ogt, %concatenate3A_1627, %get3A_1 : vector<16x128xf32>
    %eq3A_1629 = arith.cmpf oeq, %concatenate3A_1627, %get3A_1 : vector<16x128xf32>
    %ge3A_1630 = arith.constant 25 : i32
    %ge3A_1631 = vector.broadcast %ge3A_1630 : i32 to vector<16x128xi32>
    %ge3A_1632 = arith.cmpi sge, %iota3A, %ge3A_1631 : vector<16x128xi32>
    %and3A_1633 = arith.andi %eq3A_1629, %ge3A_1632 : vector<16x128xi1>
    %or3A_1634 = arith.ori %gt3A_1628, %and3A_1633 : vector<16x128xi1>
    %jit3A_1635 = arith.constant 1 : i32
    %jit3A_1636 = arith.constant 0 : i32
    %broadcast_in_dim3A_1637 = vector.broadcast %jit3A_1635 : i32 to vector<16x128xi32>
    %broadcast_in_dim3A_1638 = vector.broadcast %jit3A_1636 : i32 to vector<16x128xi32>
    %select_n3A_1639 = arith.select %or3A_1634, %broadcast_in_dim3A_1637, %broadcast_in_dim3A_1638 : vector<16x128xi1>, vector<16x128xi32>
    %add3A_1640 = arith.addi %add3A_1624, %select_n3A_1639 : vector<16x128xi32>
    %slice3A_1641 = vector.extract_strided_slice %concatenate3A_1627 {offsets = [0, 1], sizes = [16, 127], strides = [1, 1]} : vector<16x128xf32> to vector<16x127xf32>
    %slice3A_1642 = vector.extract_strided_slice %concatenate3A_1627 {offsets = [0, 0], sizes = [16, 1], strides = [1, 1]} : vector<16x128xf32> to vector<16x1xf32>
    %concatenate3A_1643 = tpu.concatenate %slice3A_1641, %slice3A_1642 in 1 : vector<16x127xf32>, vector<16x1xf32> -> vector<16x128xf32>
    %gt3A_1644 = arith.cmpf ogt, %concatenate3A_1643, %get3A_1 : vector<16x128xf32>
    %eq3A_1645 = arith.cmpf oeq, %concatenate3A_1643, %get3A_1 : vector<16x128xf32>
    %ge3A_1646 = arith.constant 24 : i32
    %ge3A_1647 = vector.broadcast %ge3A_1646 : i32 to vector<16x128xi32>
    %ge3A_1648 = arith.cmpi sge, %iota3A, %ge3A_1647 : vector<16x128xi32>
    %and3A_1649 = arith.andi %eq3A_1645, %ge3A_1648 : vector<16x128xi1>
    %or3A_1650 = arith.ori %gt3A_1644, %and3A_1649 : vector<16x128xi1>
    %jit3A_1651 = arith.constant 1 : i32
    %jit3A_1652 = arith.constant 0 : i32
    %broadcast_in_dim3A_1653 = vector.broadcast %jit3A_1651 : i32 to vector<16x128xi32>
    %broadcast_in_dim3A_1654 = vector.broadcast %jit3A_1652 : i32 to vector<16x128xi32>
    %select_n3A_1655 = arith.select %or3A_1650, %broadcast_in_dim3A_1653, %broadcast_in_dim3A_1654 : vector<16x128xi1>, vector<16x128xi32>
    %add3A_1656 = arith.addi %add3A_1640, %select_n3A_1655 : vector<16x128xi32>
    %slice3A_1657 = vector.extract_strided_slice %concatenate3A_1643 {offsets = [0, 1], sizes = [16, 127], strides = [1, 1]} : vector<16x128xf32> to vector<16x127xf32>
    %slice3A_1658 = vector.extract_strided_slice %concatenate3A_1643 {offsets = [0, 0], sizes = [16, 1], strides = [1, 1]} : vector<16x128xf32> to vector<16x1xf32>
    %concatenate3A_1659 = tpu.concatenate %slice3A_1657, %slice3A_1658 in 1 : vector<16x127xf32>, vector<16x1xf32> -> vector<16x128xf32>
    %gt3A_1660 = arith.cmpf ogt, %concatenate3A_1659, %get3A_1 : vector<16x128xf32>
    %eq3A_1661 = arith.cmpf oeq, %concatenate3A_1659, %get3A_1 : vector<16x128xf32>
    %ge3A_1662 = arith.constant 23 : i32
    %ge3A_1663 = vector.broadcast %ge3A_1662 : i32 to vector<16x128xi32>
    %ge3A_1664 = arith.cmpi sge, %iota3A, %ge3A_1663 : vector<16x128xi32>
    %and3A_1665 = arith.andi %eq3A_1661, %ge3A_1664 : vector<16x128xi1>
    %or3A_1666 = arith.ori %gt3A_1660, %and3A_1665 : vector<16x128xi1>
    %jit3A_1667 = arith.constant 1 : i32
    %jit3A_1668 = arith.constant 0 : i32
    %broadcast_in_dim3A_1669 = vector.broadcast %jit3A_1667 : i32 to vector<16x128xi32>
    %broadcast_in_dim3A_1670 = vector.broadcast %jit3A_1668 : i32 to vector<16x128xi32>
    %select_n3A_1671 = arith.select %or3A_1666, %broadcast_in_dim3A_1669, %broadcast_in_dim3A_1670 : vector<16x128xi1>, vector<16x128xi32>
    %add3A_1672 = arith.addi %add3A_1656, %select_n3A_1671 : vector<16x128xi32>
    %slice3A_1673 = vector.extract_strided_slice %concatenate3A_1659 {offsets = [0, 1], sizes = [16, 127], strides = [1, 1]} : vector<16x128xf32> to vector<16x127xf32>
    %slice3A_1674 = vector.extract_strided_slice %concatenate3A_1659 {offsets = [0, 0], sizes = [16, 1], strides = [1, 1]} : vector<16x128xf32> to vector<16x1xf32>
    %concatenate3A_1675 = tpu.concatenate %slice3A_1673, %slice3A_1674 in 1 : vector<16x127xf32>, vector<16x1xf32> -> vector<16x128xf32>
    %gt3A_1676 = arith.cmpf ogt, %concatenate3A_1675, %get3A_1 : vector<16x128xf32>
    %eq3A_1677 = arith.cmpf oeq, %concatenate3A_1675, %get3A_1 : vector<16x128xf32>
    %ge3A_1678 = arith.constant 22 : i32
    %ge3A_1679 = vector.broadcast %ge3A_1678 : i32 to vector<16x128xi32>
    %ge3A_1680 = arith.cmpi sge, %iota3A, %ge3A_1679 : vector<16x128xi32>
    %and3A_1681 = arith.andi %eq3A_1677, %ge3A_1680 : vector<16x128xi1>
    %or3A_1682 = arith.ori %gt3A_1676, %and3A_1681 : vector<16x128xi1>
    %jit3A_1683 = arith.constant 1 : i32
    %jit3A_1684 = arith.constant 0 : i32
    %broadcast_in_dim3A_1685 = vector.broadcast %jit3A_1683 : i32 to vector<16x128xi32>
    %broadcast_in_dim3A_1686 = vector.broadcast %jit3A_1684 : i32 to vector<16x128xi32>
    %select_n3A_1687 = arith.select %or3A_1682, %broadcast_in_dim3A_1685, %broadcast_in_dim3A_1686 : vector<16x128xi1>, vector<16x128xi32>
    %add3A_1688 = arith.addi %add3A_1672, %select_n3A_1687 : vector<16x128xi32>
    %slice3A_1689 = vector.extract_strided_slice %concatenate3A_1675 {offsets = [0, 1], sizes = [16, 127], strides = [1, 1]} : vector<16x128xf32> to vector<16x127xf32>
    %slice3A_1690 = vector.extract_strided_slice %concatenate3A_1675 {offsets = [0, 0], sizes = [16, 1], strides = [1, 1]} : vector<16x128xf32> to vector<16x1xf32>
    %concatenate3A_1691 = tpu.concatenate %slice3A_1689, %slice3A_1690 in 1 : vector<16x127xf32>, vector<16x1xf32> -> vector<16x128xf32>
    %gt3A_1692 = arith.cmpf ogt, %concatenate3A_1691, %get3A_1 : vector<16x128xf32>
    %eq3A_1693 = arith.cmpf oeq, %concatenate3A_1691, %get3A_1 : vector<16x128xf32>
    %ge3A_1694 = arith.constant 21 : i32
    %ge3A_1695 = vector.broadcast %ge3A_1694 : i32 to vector<16x128xi32>
    %ge3A_1696 = arith.cmpi sge, %iota3A, %ge3A_1695 : vector<16x128xi32>
    %and3A_1697 = arith.andi %eq3A_1693, %ge3A_1696 : vector<16x128xi1>
    %or3A_1698 = arith.ori %gt3A_1692, %and3A_1697 : vector<16x128xi1>
    %jit3A_1699 = arith.constant 1 : i32
    %jit3A_1700 = arith.constant 0 : i32
    %broadcast_in_dim3A_1701 = vector.broadcast %jit3A_1699 : i32 to vector<16x128xi32>
    %broadcast_in_dim3A_1702 = vector.broadcast %jit3A_1700 : i32 to vector<16x128xi32>
    %select_n3A_1703 = arith.select %or3A_1698, %broadcast_in_dim3A_1701, %broadcast_in_dim3A_1702 : vector<16x128xi1>, vector<16x128xi32>
    %add3A_1704 = arith.addi %add3A_1688, %select_n3A_1703 : vector<16x128xi32>
    %slice3A_1705 = vector.extract_strided_slice %concatenate3A_1691 {offsets = [0, 1], sizes = [16, 127], strides = [1, 1]} : vector<16x128xf32> to vector<16x127xf32>
    %slice3A_1706 = vector.extract_strided_slice %concatenate3A_1691 {offsets = [0, 0], sizes = [16, 1], strides = [1, 1]} : vector<16x128xf32> to vector<16x1xf32>
    %concatenate3A_1707 = tpu.concatenate %slice3A_1705, %slice3A_1706 in 1 : vector<16x127xf32>, vector<16x1xf32> -> vector<16x128xf32>
    %gt3A_1708 = arith.cmpf ogt, %concatenate3A_1707, %get3A_1 : vector<16x128xf32>
    %eq3A_1709 = arith.cmpf oeq, %concatenate3A_1707, %get3A_1 : vector<16x128xf32>
    %ge3A_1710 = arith.constant 20 : i32
    %ge3A_1711 = vector.broadcast %ge3A_1710 : i32 to vector<16x128xi32>
    %ge3A_1712 = arith.cmpi sge, %iota3A, %ge3A_1711 : vector<16x128xi32>
    %and3A_1713 = arith.andi %eq3A_1709, %ge3A_1712 : vector<16x128xi1>
    %or3A_1714 = arith.ori %gt3A_1708, %and3A_1713 : vector<16x128xi1>
    %jit3A_1715 = arith.constant 1 : i32
    %jit3A_1716 = arith.constant 0 : i32
    %broadcast_in_dim3A_1717 = vector.broadcast %jit3A_1715 : i32 to vector<16x128xi32>
    %broadcast_in_dim3A_1718 = vector.broadcast %jit3A_1716 : i32 to vector<16x128xi32>
    %select_n3A_1719 = arith.select %or3A_1714, %broadcast_in_dim3A_1717, %broadcast_in_dim3A_1718 : vector<16x128xi1>, vector<16x128xi32>
    %add3A_1720 = arith.addi %add3A_1704, %select_n3A_1719 : vector<16x128xi32>
    %slice3A_1721 = vector.extract_strided_slice %concatenate3A_1707 {offsets = [0, 1], sizes = [16, 127], strides = [1, 1]} : vector<16x128xf32> to vector<16x127xf32>
    %slice3A_1722 = vector.extract_strided_slice %concatenate3A_1707 {offsets = [0, 0], sizes = [16, 1], strides = [1, 1]} : vector<16x128xf32> to vector<16x1xf32>
    %concatenate3A_1723 = tpu.concatenate %slice3A_1721, %slice3A_1722 in 1 : vector<16x127xf32>, vector<16x1xf32> -> vector<16x128xf32>
    %gt3A_1724 = arith.cmpf ogt, %concatenate3A_1723, %get3A_1 : vector<16x128xf32>
    %eq3A_1725 = arith.cmpf oeq, %concatenate3A_1723, %get3A_1 : vector<16x128xf32>
    %ge3A_1726 = arith.constant 19 : i32
    %ge3A_1727 = vector.broadcast %ge3A_1726 : i32 to vector<16x128xi32>
    %ge3A_1728 = arith.cmpi sge, %iota3A, %ge3A_1727 : vector<16x128xi32>
    %and3A_1729 = arith.andi %eq3A_1725, %ge3A_1728 : vector<16x128xi1>
    %or3A_1730 = arith.ori %gt3A_1724, %and3A_1729 : vector<16x128xi1>
    %jit3A_1731 = arith.constant 1 : i32
    %jit3A_1732 = arith.constant 0 : i32
    %broadcast_in_dim3A_1733 = vector.broadcast %jit3A_1731 : i32 to vector<16x128xi32>
    %broadcast_in_dim3A_1734 = vector.broadcast %jit3A_1732 : i32 to vector<16x128xi32>
    %select_n3A_1735 = arith.select %or3A_1730, %broadcast_in_dim3A_1733, %broadcast_in_dim3A_1734 : vector<16x128xi1>, vector<16x128xi32>
    %add3A_1736 = arith.addi %add3A_1720, %select_n3A_1735 : vector<16x128xi32>
    %slice3A_1737 = vector.extract_strided_slice %concatenate3A_1723 {offsets = [0, 1], sizes = [16, 127], strides = [1, 1]} : vector<16x128xf32> to vector<16x127xf32>
    %slice3A_1738 = vector.extract_strided_slice %concatenate3A_1723 {offsets = [0, 0], sizes = [16, 1], strides = [1, 1]} : vector<16x128xf32> to vector<16x1xf32>
    %concatenate3A_1739 = tpu.concatenate %slice3A_1737, %slice3A_1738 in 1 : vector<16x127xf32>, vector<16x1xf32> -> vector<16x128xf32>
    %gt3A_1740 = arith.cmpf ogt, %concatenate3A_1739, %get3A_1 : vector<16x128xf32>
    %eq3A_1741 = arith.cmpf oeq, %concatenate3A_1739, %get3A_1 : vector<16x128xf32>
    %ge3A_1742 = arith.constant 18 : i32
    %ge3A_1743 = vector.broadcast %ge3A_1742 : i32 to vector<16x128xi32>
    %ge3A_1744 = arith.cmpi sge, %iota3A, %ge3A_1743 : vector<16x128xi32>
    %and3A_1745 = arith.andi %eq3A_1741, %ge3A_1744 : vector<16x128xi1>
    %or3A_1746 = arith.ori %gt3A_1740, %and3A_1745 : vector<16x128xi1>
    %jit3A_1747 = arith.constant 1 : i32
    %jit3A_1748 = arith.constant 0 : i32
    %broadcast_in_dim3A_1749 = vector.broadcast %jit3A_1747 : i32 to vector<16x128xi32>
    %broadcast_in_dim3A_1750 = vector.broadcast %jit3A_1748 : i32 to vector<16x128xi32>
    %select_n3A_1751 = arith.select %or3A_1746, %broadcast_in_dim3A_1749, %broadcast_in_dim3A_1750 : vector<16x128xi1>, vector<16x128xi32>
    %add3A_1752 = arith.addi %add3A_1736, %select_n3A_1751 : vector<16x128xi32>
    %slice3A_1753 = vector.extract_strided_slice %concatenate3A_1739 {offsets = [0, 1], sizes = [16, 127], strides = [1, 1]} : vector<16x128xf32> to vector<16x127xf32>
    %slice3A_1754 = vector.extract_strided_slice %concatenate3A_1739 {offsets = [0, 0], sizes = [16, 1], strides = [1, 1]} : vector<16x128xf32> to vector<16x1xf32>
    %concatenate3A_1755 = tpu.concatenate %slice3A_1753, %slice3A_1754 in 1 : vector<16x127xf32>, vector<16x1xf32> -> vector<16x128xf32>
    %gt3A_1756 = arith.cmpf ogt, %concatenate3A_1755, %get3A_1 : vector<16x128xf32>
    %eq3A_1757 = arith.cmpf oeq, %concatenate3A_1755, %get3A_1 : vector<16x128xf32>
    %ge3A_1758 = arith.constant 17 : i32
    %ge3A_1759 = vector.broadcast %ge3A_1758 : i32 to vector<16x128xi32>
    %ge3A_1760 = arith.cmpi sge, %iota3A, %ge3A_1759 : vector<16x128xi32>
    %and3A_1761 = arith.andi %eq3A_1757, %ge3A_1760 : vector<16x128xi1>
    %or3A_1762 = arith.ori %gt3A_1756, %and3A_1761 : vector<16x128xi1>
    %jit3A_1763 = arith.constant 1 : i32
    %jit3A_1764 = arith.constant 0 : i32
    %broadcast_in_dim3A_1765 = vector.broadcast %jit3A_1763 : i32 to vector<16x128xi32>
    %broadcast_in_dim3A_1766 = vector.broadcast %jit3A_1764 : i32 to vector<16x128xi32>
    %select_n3A_1767 = arith.select %or3A_1762, %broadcast_in_dim3A_1765, %broadcast_in_dim3A_1766 : vector<16x128xi1>, vector<16x128xi32>
    %add3A_1768 = arith.addi %add3A_1752, %select_n3A_1767 : vector<16x128xi32>
    %slice3A_1769 = vector.extract_strided_slice %concatenate3A_1755 {offsets = [0, 1], sizes = [16, 127], strides = [1, 1]} : vector<16x128xf32> to vector<16x127xf32>
    %slice3A_1770 = vector.extract_strided_slice %concatenate3A_1755 {offsets = [0, 0], sizes = [16, 1], strides = [1, 1]} : vector<16x128xf32> to vector<16x1xf32>
    %concatenate3A_1771 = tpu.concatenate %slice3A_1769, %slice3A_1770 in 1 : vector<16x127xf32>, vector<16x1xf32> -> vector<16x128xf32>
    %gt3A_1772 = arith.cmpf ogt, %concatenate3A_1771, %get3A_1 : vector<16x128xf32>
    %eq3A_1773 = arith.cmpf oeq, %concatenate3A_1771, %get3A_1 : vector<16x128xf32>
    %ge3A_1774 = arith.constant 16 : i32
    %ge3A_1775 = vector.broadcast %ge3A_1774 : i32 to vector<16x128xi32>
    %ge3A_1776 = arith.cmpi sge, %iota3A, %ge3A_1775 : vector<16x128xi32>
    %and3A_1777 = arith.andi %eq3A_1773, %ge3A_1776 : vector<16x128xi1>
    %or3A_1778 = arith.ori %gt3A_1772, %and3A_1777 : vector<16x128xi1>
    %jit3A_1779 = arith.constant 1 : i32
    %jit3A_1780 = arith.constant 0 : i32
    %broadcast_in_dim3A_1781 = vector.broadcast %jit3A_1779 : i32 to vector<16x128xi32>
    %broadcast_in_dim3A_1782 = vector.broadcast %jit3A_1780 : i32 to vector<16x128xi32>
    %select_n3A_1783 = arith.select %or3A_1778, %broadcast_in_dim3A_1781, %broadcast_in_dim3A_1782 : vector<16x128xi1>, vector<16x128xi32>
    %add3A_1784 = arith.addi %add3A_1768, %select_n3A_1783 : vector<16x128xi32>
    %slice3A_1785 = vector.extract_strided_slice %concatenate3A_1771 {offsets = [0, 1], sizes = [16, 127], strides = [1, 1]} : vector<16x128xf32> to vector<16x127xf32>
    %slice3A_1786 = vector.extract_strided_slice %concatenate3A_1771 {offsets = [0, 0], sizes = [16, 1], strides = [1, 1]} : vector<16x128xf32> to vector<16x1xf32>
    %concatenate3A_1787 = tpu.concatenate %slice3A_1785, %slice3A_1786 in 1 : vector<16x127xf32>, vector<16x1xf32> -> vector<16x128xf32>
    %gt3A_1788 = arith.cmpf ogt, %concatenate3A_1787, %get3A_1 : vector<16x128xf32>
    %eq3A_1789 = arith.cmpf oeq, %concatenate3A_1787, %get3A_1 : vector<16x128xf32>
    %ge3A_1790 = arith.constant 15 : i32
    %ge3A_1791 = vector.broadcast %ge3A_1790 : i32 to vector<16x128xi32>
    %ge3A_1792 = arith.cmpi sge, %iota3A, %ge3A_1791 : vector<16x128xi32>
    %and3A_1793 = arith.andi %eq3A_1789, %ge3A_1792 : vector<16x128xi1>
    %or3A_1794 = arith.ori %gt3A_1788, %and3A_1793 : vector<16x128xi1>
    %jit3A_1795 = arith.constant 1 : i32
    %jit3A_1796 = arith.constant 0 : i32
    %broadcast_in_dim3A_1797 = vector.broadcast %jit3A_1795 : i32 to vector<16x128xi32>
    %broadcast_in_dim3A_1798 = vector.broadcast %jit3A_1796 : i32 to vector<16x128xi32>
    %select_n3A_1799 = arith.select %or3A_1794, %broadcast_in_dim3A_1797, %broadcast_in_dim3A_1798 : vector<16x128xi1>, vector<16x128xi32>
    %add3A_1800 = arith.addi %add3A_1784, %select_n3A_1799 : vector<16x128xi32>
    %slice3A_1801 = vector.extract_strided_slice %concatenate3A_1787 {offsets = [0, 1], sizes = [16, 127], strides = [1, 1]} : vector<16x128xf32> to vector<16x127xf32>
    %slice3A_1802 = vector.extract_strided_slice %concatenate3A_1787 {offsets = [0, 0], sizes = [16, 1], strides = [1, 1]} : vector<16x128xf32> to vector<16x1xf32>
    %concatenate3A_1803 = tpu.concatenate %slice3A_1801, %slice3A_1802 in 1 : vector<16x127xf32>, vector<16x1xf32> -> vector<16x128xf32>
    %gt3A_1804 = arith.cmpf ogt, %concatenate3A_1803, %get3A_1 : vector<16x128xf32>
    %eq3A_1805 = arith.cmpf oeq, %concatenate3A_1803, %get3A_1 : vector<16x128xf32>
    %ge3A_1806 = arith.constant 14 : i32
    %ge3A_1807 = vector.broadcast %ge3A_1806 : i32 to vector<16x128xi32>
    %ge3A_1808 = arith.cmpi sge, %iota3A, %ge3A_1807 : vector<16x128xi32>
    %and3A_1809 = arith.andi %eq3A_1805, %ge3A_1808 : vector<16x128xi1>
    %or3A_1810 = arith.ori %gt3A_1804, %and3A_1809 : vector<16x128xi1>
    %jit3A_1811 = arith.constant 1 : i32
    %jit3A_1812 = arith.constant 0 : i32
    %broadcast_in_dim3A_1813 = vector.broadcast %jit3A_1811 : i32 to vector<16x128xi32>
    %broadcast_in_dim3A_1814 = vector.broadcast %jit3A_1812 : i32 to vector<16x128xi32>
    %select_n3A_1815 = arith.select %or3A_1810, %broadcast_in_dim3A_1813, %broadcast_in_dim3A_1814 : vector<16x128xi1>, vector<16x128xi32>
    %add3A_1816 = arith.addi %add3A_1800, %select_n3A_1815 : vector<16x128xi32>
    %slice3A_1817 = vector.extract_strided_slice %concatenate3A_1803 {offsets = [0, 1], sizes = [16, 127], strides = [1, 1]} : vector<16x128xf32> to vector<16x127xf32>
    %slice3A_1818 = vector.extract_strided_slice %concatenate3A_1803 {offsets = [0, 0], sizes = [16, 1], strides = [1, 1]} : vector<16x128xf32> to vector<16x1xf32>
    %concatenate3A_1819 = tpu.concatenate %slice3A_1817, %slice3A_1818 in 1 : vector<16x127xf32>, vector<16x1xf32> -> vector<16x128xf32>
    %gt3A_1820 = arith.cmpf ogt, %concatenate3A_1819, %get3A_1 : vector<16x128xf32>
    %eq3A_1821 = arith.cmpf oeq, %concatenate3A_1819, %get3A_1 : vector<16x128xf32>
    %ge3A_1822 = arith.constant 13 : i32
    %ge3A_1823 = vector.broadcast %ge3A_1822 : i32 to vector<16x128xi32>
    %ge3A_1824 = arith.cmpi sge, %iota3A, %ge3A_1823 : vector<16x128xi32>
    %and3A_1825 = arith.andi %eq3A_1821, %ge3A_1824 : vector<16x128xi1>
    %or3A_1826 = arith.ori %gt3A_1820, %and3A_1825 : vector<16x128xi1>
    %jit3A_1827 = arith.constant 1 : i32
    %jit3A_1828 = arith.constant 0 : i32
    %broadcast_in_dim3A_1829 = vector.broadcast %jit3A_1827 : i32 to vector<16x128xi32>
    %broadcast_in_dim3A_1830 = vector.broadcast %jit3A_1828 : i32 to vector<16x128xi32>
    %select_n3A_1831 = arith.select %or3A_1826, %broadcast_in_dim3A_1829, %broadcast_in_dim3A_1830 : vector<16x128xi1>, vector<16x128xi32>
    %add3A_1832 = arith.addi %add3A_1816, %select_n3A_1831 : vector<16x128xi32>
    %slice3A_1833 = vector.extract_strided_slice %concatenate3A_1819 {offsets = [0, 1], sizes = [16, 127], strides = [1, 1]} : vector<16x128xf32> to vector<16x127xf32>
    %slice3A_1834 = vector.extract_strided_slice %concatenate3A_1819 {offsets = [0, 0], sizes = [16, 1], strides = [1, 1]} : vector<16x128xf32> to vector<16x1xf32>
    %concatenate3A_1835 = tpu.concatenate %slice3A_1833, %slice3A_1834 in 1 : vector<16x127xf32>, vector<16x1xf32> -> vector<16x128xf32>
    %gt3A_1836 = arith.cmpf ogt, %concatenate3A_1835, %get3A_1 : vector<16x128xf32>
    %eq3A_1837 = arith.cmpf oeq, %concatenate3A_1835, %get3A_1 : vector<16x128xf32>
    %ge3A_1838 = arith.constant 12 : i32
    %ge3A_1839 = vector.broadcast %ge3A_1838 : i32 to vector<16x128xi32>
    %ge3A_1840 = arith.cmpi sge, %iota3A, %ge3A_1839 : vector<16x128xi32>
    %and3A_1841 = arith.andi %eq3A_1837, %ge3A_1840 : vector<16x128xi1>
    %or3A_1842 = arith.ori %gt3A_1836, %and3A_1841 : vector<16x128xi1>
    %jit3A_1843 = arith.constant 1 : i32
    %jit3A_1844 = arith.constant 0 : i32
    %broadcast_in_dim3A_1845 = vector.broadcast %jit3A_1843 : i32 to vector<16x128xi32>
    %broadcast_in_dim3A_1846 = vector.broadcast %jit3A_1844 : i32 to vector<16x128xi32>
    %select_n3A_1847 = arith.select %or3A_1842, %broadcast_in_dim3A_1845, %broadcast_in_dim3A_1846 : vector<16x128xi1>, vector<16x128xi32>
    %add3A_1848 = arith.addi %add3A_1832, %select_n3A_1847 : vector<16x128xi32>
    %slice3A_1849 = vector.extract_strided_slice %concatenate3A_1835 {offsets = [0, 1], sizes = [16, 127], strides = [1, 1]} : vector<16x128xf32> to vector<16x127xf32>
    %slice3A_1850 = vector.extract_strided_slice %concatenate3A_1835 {offsets = [0, 0], sizes = [16, 1], strides = [1, 1]} : vector<16x128xf32> to vector<16x1xf32>
    %concatenate3A_1851 = tpu.concatenate %slice3A_1849, %slice3A_1850 in 1 : vector<16x127xf32>, vector<16x1xf32> -> vector<16x128xf32>
    %gt3A_1852 = arith.cmpf ogt, %concatenate3A_1851, %get3A_1 : vector<16x128xf32>
    %eq3A_1853 = arith.cmpf oeq, %concatenate3A_1851, %get3A_1 : vector<16x128xf32>
    %ge3A_1854 = arith.constant 11 : i32
    %ge3A_1855 = vector.broadcast %ge3A_1854 : i32 to vector<16x128xi32>
    %ge3A_1856 = arith.cmpi sge, %iota3A, %ge3A_1855 : vector<16x128xi32>
    %and3A_1857 = arith.andi %eq3A_1853, %ge3A_1856 : vector<16x128xi1>
    %or3A_1858 = arith.ori %gt3A_1852, %and3A_1857 : vector<16x128xi1>
    %jit3A_1859 = arith.constant 1 : i32
    %jit3A_1860 = arith.constant 0 : i32
    %broadcast_in_dim3A_1861 = vector.broadcast %jit3A_1859 : i32 to vector<16x128xi32>
    %broadcast_in_dim3A_1862 = vector.broadcast %jit3A_1860 : i32 to vector<16x128xi32>
    %select_n3A_1863 = arith.select %or3A_1858, %broadcast_in_dim3A_1861, %broadcast_in_dim3A_1862 : vector<16x128xi1>, vector<16x128xi32>
    %add3A_1864 = arith.addi %add3A_1848, %select_n3A_1863 : vector<16x128xi32>
    %slice3A_1865 = vector.extract_strided_slice %concatenate3A_1851 {offsets = [0, 1], sizes = [16, 127], strides = [1, 1]} : vector<16x128xf32> to vector<16x127xf32>
    %slice3A_1866 = vector.extract_strided_slice %concatenate3A_1851 {offsets = [0, 0], sizes = [16, 1], strides = [1, 1]} : vector<16x128xf32> to vector<16x1xf32>
    %concatenate3A_1867 = tpu.concatenate %slice3A_1865, %slice3A_1866 in 1 : vector<16x127xf32>, vector<16x1xf32> -> vector<16x128xf32>
    %gt3A_1868 = arith.cmpf ogt, %concatenate3A_1867, %get3A_1 : vector<16x128xf32>
    %eq3A_1869 = arith.cmpf oeq, %concatenate3A_1867, %get3A_1 : vector<16x128xf32>
    %ge3A_1870 = arith.constant 10 : i32
    %ge3A_1871 = vector.broadcast %ge3A_1870 : i32 to vector<16x128xi32>
    %ge3A_1872 = arith.cmpi sge, %iota3A, %ge3A_1871 : vector<16x128xi32>
    %and3A_1873 = arith.andi %eq3A_1869, %ge3A_1872 : vector<16x128xi1>
    %or3A_1874 = arith.ori %gt3A_1868, %and3A_1873 : vector<16x128xi1>
    %jit3A_1875 = arith.constant 1 : i32
    %jit3A_1876 = arith.constant 0 : i32
    %broadcast_in_dim3A_1877 = vector.broadcast %jit3A_1875 : i32 to vector<16x128xi32>
    %broadcast_in_dim3A_1878 = vector.broadcast %jit3A_1876 : i32 to vector<16x128xi32>
    %select_n3A_1879 = arith.select %or3A_1874, %broadcast_in_dim3A_1877, %broadcast_in_dim3A_1878 : vector<16x128xi1>, vector<16x128xi32>
    %add3A_1880 = arith.addi %add3A_1864, %select_n3A_1879 : vector<16x128xi32>
    %slice3A_1881 = vector.extract_strided_slice %concatenate3A_1867 {offsets = [0, 1], sizes = [16, 127], strides = [1, 1]} : vector<16x128xf32> to vector<16x127xf32>
    %slice3A_1882 = vector.extract_strided_slice %concatenate3A_1867 {offsets = [0, 0], sizes = [16, 1], strides = [1, 1]} : vector<16x128xf32> to vector<16x1xf32>
    %concatenate3A_1883 = tpu.concatenate %slice3A_1881, %slice3A_1882 in 1 : vector<16x127xf32>, vector<16x1xf32> -> vector<16x128xf32>
    %gt3A_1884 = arith.cmpf ogt, %concatenate3A_1883, %get3A_1 : vector<16x128xf32>
    %eq3A_1885 = arith.cmpf oeq, %concatenate3A_1883, %get3A_1 : vector<16x128xf32>
    %ge3A_1886 = arith.constant 9 : i32
    %ge3A_1887 = vector.broadcast %ge3A_1886 : i32 to vector<16x128xi32>
    %ge3A_1888 = arith.cmpi sge, %iota3A, %ge3A_1887 : vector<16x128xi32>
    %and3A_1889 = arith.andi %eq3A_1885, %ge3A_1888 : vector<16x128xi1>
    %or3A_1890 = arith.ori %gt3A_1884, %and3A_1889 : vector<16x128xi1>
    %jit3A_1891 = arith.constant 1 : i32
    %jit3A_1892 = arith.constant 0 : i32
    %broadcast_in_dim3A_1893 = vector.broadcast %jit3A_1891 : i32 to vector<16x128xi32>
    %broadcast_in_dim3A_1894 = vector.broadcast %jit3A_1892 : i32 to vector<16x128xi32>
    %select_n3A_1895 = arith.select %or3A_1890, %broadcast_in_dim3A_1893, %broadcast_in_dim3A_1894 : vector<16x128xi1>, vector<16x128xi32>
    %add3A_1896 = arith.addi %add3A_1880, %select_n3A_1895 : vector<16x128xi32>
    %slice3A_1897 = vector.extract_strided_slice %concatenate3A_1883 {offsets = [0, 1], sizes = [16, 127], strides = [1, 1]} : vector<16x128xf32> to vector<16x127xf32>
    %slice3A_1898 = vector.extract_strided_slice %concatenate3A_1883 {offsets = [0, 0], sizes = [16, 1], strides = [1, 1]} : vector<16x128xf32> to vector<16x1xf32>
    %concatenate3A_1899 = tpu.concatenate %slice3A_1897, %slice3A_1898 in 1 : vector<16x127xf32>, vector<16x1xf32> -> vector<16x128xf32>
    %gt3A_1900 = arith.cmpf ogt, %concatenate3A_1899, %get3A_1 : vector<16x128xf32>
    %eq3A_1901 = arith.cmpf oeq, %concatenate3A_1899, %get3A_1 : vector<16x128xf32>
    %ge3A_1902 = arith.constant 8 : i32
    %ge3A_1903 = vector.broadcast %ge3A_1902 : i32 to vector<16x128xi32>
    %ge3A_1904 = arith.cmpi sge, %iota3A, %ge3A_1903 : vector<16x128xi32>
    %and3A_1905 = arith.andi %eq3A_1901, %ge3A_1904 : vector<16x128xi1>
    %or3A_1906 = arith.ori %gt3A_1900, %and3A_1905 : vector<16x128xi1>
    %jit3A_1907 = arith.constant 1 : i32
    %jit3A_1908 = arith.constant 0 : i32
    %broadcast_in_dim3A_1909 = vector.broadcast %jit3A_1907 : i32 to vector<16x128xi32>
    %broadcast_in_dim3A_1910 = vector.broadcast %jit3A_1908 : i32 to vector<16x128xi32>
    %select_n3A_1911 = arith.select %or3A_1906, %broadcast_in_dim3A_1909, %broadcast_in_dim3A_1910 : vector<16x128xi1>, vector<16x128xi32>
    %add3A_1912 = arith.addi %add3A_1896, %select_n3A_1911 : vector<16x128xi32>
    %slice3A_1913 = vector.extract_strided_slice %concatenate3A_1899 {offsets = [0, 1], sizes = [16, 127], strides = [1, 1]} : vector<16x128xf32> to vector<16x127xf32>
    %slice3A_1914 = vector.extract_strided_slice %concatenate3A_1899 {offsets = [0, 0], sizes = [16, 1], strides = [1, 1]} : vector<16x128xf32> to vector<16x1xf32>
    %concatenate3A_1915 = tpu.concatenate %slice3A_1913, %slice3A_1914 in 1 : vector<16x127xf32>, vector<16x1xf32> -> vector<16x128xf32>
    %gt3A_1916 = arith.cmpf ogt, %concatenate3A_1915, %get3A_1 : vector<16x128xf32>
    %eq3A_1917 = arith.cmpf oeq, %concatenate3A_1915, %get3A_1 : vector<16x128xf32>
    %ge3A_1918 = arith.constant 7 : i32
    %ge3A_1919 = vector.broadcast %ge3A_1918 : i32 to vector<16x128xi32>
    %ge3A_1920 = arith.cmpi sge, %iota3A, %ge3A_1919 : vector<16x128xi32>
    %and3A_1921 = arith.andi %eq3A_1917, %ge3A_1920 : vector<16x128xi1>
    %or3A_1922 = arith.ori %gt3A_1916, %and3A_1921 : vector<16x128xi1>
    %jit3A_1923 = arith.constant 1 : i32
    %jit3A_1924 = arith.constant 0 : i32
    %broadcast_in_dim3A_1925 = vector.broadcast %jit3A_1923 : i32 to vector<16x128xi32>
    %broadcast_in_dim3A_1926 = vector.broadcast %jit3A_1924 : i32 to vector<16x128xi32>
    %select_n3A_1927 = arith.select %or3A_1922, %broadcast_in_dim3A_1925, %broadcast_in_dim3A_1926 : vector<16x128xi1>, vector<16x128xi32>
    %add3A_1928 = arith.addi %add3A_1912, %select_n3A_1927 : vector<16x128xi32>
    %slice3A_1929 = vector.extract_strided_slice %concatenate3A_1915 {offsets = [0, 1], sizes = [16, 127], strides = [1, 1]} : vector<16x128xf32> to vector<16x127xf32>
    %slice3A_1930 = vector.extract_strided_slice %concatenate3A_1915 {offsets = [0, 0], sizes = [16, 1], strides = [1, 1]} : vector<16x128xf32> to vector<16x1xf32>
    %concatenate3A_1931 = tpu.concatenate %slice3A_1929, %slice3A_1930 in 1 : vector<16x127xf32>, vector<16x1xf32> -> vector<16x128xf32>
    %gt3A_1932 = arith.cmpf ogt, %concatenate3A_1931, %get3A_1 : vector<16x128xf32>
    %eq3A_1933 = arith.cmpf oeq, %concatenate3A_1931, %get3A_1 : vector<16x128xf32>
    %ge3A_1934 = arith.constant 6 : i32
    %ge3A_1935 = vector.broadcast %ge3A_1934 : i32 to vector<16x128xi32>
    %ge3A_1936 = arith.cmpi sge, %iota3A, %ge3A_1935 : vector<16x128xi32>
    %and3A_1937 = arith.andi %eq3A_1933, %ge3A_1936 : vector<16x128xi1>
    %or3A_1938 = arith.ori %gt3A_1932, %and3A_1937 : vector<16x128xi1>
    %jit3A_1939 = arith.constant 1 : i32
    %jit3A_1940 = arith.constant 0 : i32
    %broadcast_in_dim3A_1941 = vector.broadcast %jit3A_1939 : i32 to vector<16x128xi32>
    %broadcast_in_dim3A_1942 = vector.broadcast %jit3A_1940 : i32 to vector<16x128xi32>
    %select_n3A_1943 = arith.select %or3A_1938, %broadcast_in_dim3A_1941, %broadcast_in_dim3A_1942 : vector<16x128xi1>, vector<16x128xi32>
    %add3A_1944 = arith.addi %add3A_1928, %select_n3A_1943 : vector<16x128xi32>
    %slice3A_1945 = vector.extract_strided_slice %concatenate3A_1931 {offsets = [0, 1], sizes = [16, 127], strides = [1, 1]} : vector<16x128xf32> to vector<16x127xf32>
    %slice3A_1946 = vector.extract_strided_slice %concatenate3A_1931 {offsets = [0, 0], sizes = [16, 1], strides = [1, 1]} : vector<16x128xf32> to vector<16x1xf32>
    %concatenate3A_1947 = tpu.concatenate %slice3A_1945, %slice3A_1946 in 1 : vector<16x127xf32>, vector<16x1xf32> -> vector<16x128xf32>
    %gt3A_1948 = arith.cmpf ogt, %concatenate3A_1947, %get3A_1 : vector<16x128xf32>
    %eq3A_1949 = arith.cmpf oeq, %concatenate3A_1947, %get3A_1 : vector<16x128xf32>
    %ge3A_1950 = arith.constant 5 : i32
    %ge3A_1951 = vector.broadcast %ge3A_1950 : i32 to vector<16x128xi32>
    %ge3A_1952 = arith.cmpi sge, %iota3A, %ge3A_1951 : vector<16x128xi32>
    %and3A_1953 = arith.andi %eq3A_1949, %ge3A_1952 : vector<16x128xi1>
    %or3A_1954 = arith.ori %gt3A_1948, %and3A_1953 : vector<16x128xi1>
    %jit3A_1955 = arith.constant 1 : i32
    %jit3A_1956 = arith.constant 0 : i32
    %broadcast_in_dim3A_1957 = vector.broadcast %jit3A_1955 : i32 to vector<16x128xi32>
    %broadcast_in_dim3A_1958 = vector.broadcast %jit3A_1956 : i32 to vector<16x128xi32>
    %select_n3A_1959 = arith.select %or3A_1954, %broadcast_in_dim3A_1957, %broadcast_in_dim3A_1958 : vector<16x128xi1>, vector<16x128xi32>
    %add3A_1960 = arith.addi %add3A_1944, %select_n3A_1959 : vector<16x128xi32>
    %slice3A_1961 = vector.extract_strided_slice %concatenate3A_1947 {offsets = [0, 1], sizes = [16, 127], strides = [1, 1]} : vector<16x128xf32> to vector<16x127xf32>
    %slice3A_1962 = vector.extract_strided_slice %concatenate3A_1947 {offsets = [0, 0], sizes = [16, 1], strides = [1, 1]} : vector<16x128xf32> to vector<16x1xf32>
    %concatenate3A_1963 = tpu.concatenate %slice3A_1961, %slice3A_1962 in 1 : vector<16x127xf32>, vector<16x1xf32> -> vector<16x128xf32>
    %gt3A_1964 = arith.cmpf ogt, %concatenate3A_1963, %get3A_1 : vector<16x128xf32>
    %eq3A_1965 = arith.cmpf oeq, %concatenate3A_1963, %get3A_1 : vector<16x128xf32>
    %ge3A_1966 = arith.constant 4 : i32
    %ge3A_1967 = vector.broadcast %ge3A_1966 : i32 to vector<16x128xi32>
    %ge3A_1968 = arith.cmpi sge, %iota3A, %ge3A_1967 : vector<16x128xi32>
    %and3A_1969 = arith.andi %eq3A_1965, %ge3A_1968 : vector<16x128xi1>
    %or3A_1970 = arith.ori %gt3A_1964, %and3A_1969 : vector<16x128xi1>
    %jit3A_1971 = arith.constant 1 : i32
    %jit3A_1972 = arith.constant 0 : i32
    %broadcast_in_dim3A_1973 = vector.broadcast %jit3A_1971 : i32 to vector<16x128xi32>
    %broadcast_in_dim3A_1974 = vector.broadcast %jit3A_1972 : i32 to vector<16x128xi32>
    %select_n3A_1975 = arith.select %or3A_1970, %broadcast_in_dim3A_1973, %broadcast_in_dim3A_1974 : vector<16x128xi1>, vector<16x128xi32>
    %add3A_1976 = arith.addi %add3A_1960, %select_n3A_1975 : vector<16x128xi32>
    %slice3A_1977 = vector.extract_strided_slice %concatenate3A_1963 {offsets = [0, 1], sizes = [16, 127], strides = [1, 1]} : vector<16x128xf32> to vector<16x127xf32>
    %slice3A_1978 = vector.extract_strided_slice %concatenate3A_1963 {offsets = [0, 0], sizes = [16, 1], strides = [1, 1]} : vector<16x128xf32> to vector<16x1xf32>
    %concatenate3A_1979 = tpu.concatenate %slice3A_1977, %slice3A_1978 in 1 : vector<16x127xf32>, vector<16x1xf32> -> vector<16x128xf32>
    %gt3A_1980 = arith.cmpf ogt, %concatenate3A_1979, %get3A_1 : vector<16x128xf32>
    %eq3A_1981 = arith.cmpf oeq, %concatenate3A_1979, %get3A_1 : vector<16x128xf32>
    %ge3A_1982 = arith.constant 3 : i32
    %ge3A_1983 = vector.broadcast %ge3A_1982 : i32 to vector<16x128xi32>
    %ge3A_1984 = arith.cmpi sge, %iota3A, %ge3A_1983 : vector<16x128xi32>
    %and3A_1985 = arith.andi %eq3A_1981, %ge3A_1984 : vector<16x128xi1>
    %or3A_1986 = arith.ori %gt3A_1980, %and3A_1985 : vector<16x128xi1>
    %jit3A_1987 = arith.constant 1 : i32
    %jit3A_1988 = arith.constant 0 : i32
    %broadcast_in_dim3A_1989 = vector.broadcast %jit3A_1987 : i32 to vector<16x128xi32>
    %broadcast_in_dim3A_1990 = vector.broadcast %jit3A_1988 : i32 to vector<16x128xi32>
    %select_n3A_1991 = arith.select %or3A_1986, %broadcast_in_dim3A_1989, %broadcast_in_dim3A_1990 : vector<16x128xi1>, vector<16x128xi32>
    %add3A_1992 = arith.addi %add3A_1976, %select_n3A_1991 : vector<16x128xi32>
    %slice3A_1993 = vector.extract_strided_slice %concatenate3A_1979 {offsets = [0, 1], sizes = [16, 127], strides = [1, 1]} : vector<16x128xf32> to vector<16x127xf32>
    %slice3A_1994 = vector.extract_strided_slice %concatenate3A_1979 {offsets = [0, 0], sizes = [16, 1], strides = [1, 1]} : vector<16x128xf32> to vector<16x1xf32>
    %concatenate3A_1995 = tpu.concatenate %slice3A_1993, %slice3A_1994 in 1 : vector<16x127xf32>, vector<16x1xf32> -> vector<16x128xf32>
    %gt3A_1996 = arith.cmpf ogt, %concatenate3A_1995, %get3A_1 : vector<16x128xf32>
    %eq3A_1997 = arith.cmpf oeq, %concatenate3A_1995, %get3A_1 : vector<16x128xf32>
    %ge3A_1998 = arith.constant 2 : i32
    %ge3A_1999 = vector.broadcast %ge3A_1998 : i32 to vector<16x128xi32>
    %ge3A_2000 = arith.cmpi sge, %iota3A, %ge3A_1999 : vector<16x128xi32>
    %and3A_2001 = arith.andi %eq3A_1997, %ge3A_2000 : vector<16x128xi1>
    %or3A_2002 = arith.ori %gt3A_1996, %and3A_2001 : vector<16x128xi1>
    %jit3A_2003 = arith.constant 1 : i32
    %jit3A_2004 = arith.constant 0 : i32
    %broadcast_in_dim3A_2005 = vector.broadcast %jit3A_2003 : i32 to vector<16x128xi32>
    %broadcast_in_dim3A_2006 = vector.broadcast %jit3A_2004 : i32 to vector<16x128xi32>
    %select_n3A_2007 = arith.select %or3A_2002, %broadcast_in_dim3A_2005, %broadcast_in_dim3A_2006 : vector<16x128xi1>, vector<16x128xi32>
    %add3A_2008 = arith.addi %add3A_1992, %select_n3A_2007 : vector<16x128xi32>
    %slice3A_2009 = vector.extract_strided_slice %concatenate3A_1995 {offsets = [0, 1], sizes = [16, 127], strides = [1, 1]} : vector<16x128xf32> to vector<16x127xf32>
    %slice3A_2010 = vector.extract_strided_slice %concatenate3A_1995 {offsets = [0, 0], sizes = [16, 1], strides = [1, 1]} : vector<16x128xf32> to vector<16x1xf32>
    %concatenate3A_2011 = tpu.concatenate %slice3A_2009, %slice3A_2010 in 1 : vector<16x127xf32>, vector<16x1xf32> -> vector<16x128xf32>
    %gt3A_2012 = arith.cmpf ogt, %concatenate3A_2011, %get3A_1 : vector<16x128xf32>
    %eq3A_2013 = arith.cmpf oeq, %concatenate3A_2011, %get3A_1 : vector<16x128xf32>
    %ge3A_2014 = arith.constant 1 : i32
    %ge3A_2015 = vector.broadcast %ge3A_2014 : i32 to vector<16x128xi32>
    %ge3A_2016 = arith.cmpi sge, %iota3A, %ge3A_2015 : vector<16x128xi32>
    %and3A_2017 = arith.andi %eq3A_2013, %ge3A_2016 : vector<16x128xi1>
    %or3A_2018 = arith.ori %gt3A_2012, %and3A_2017 : vector<16x128xi1>
    %jit3A_2019 = arith.constant 1 : i32
    %jit3A_2020 = arith.constant 0 : i32
    %broadcast_in_dim3A_2021 = vector.broadcast %jit3A_2019 : i32 to vector<16x128xi32>
    %broadcast_in_dim3A_2022 = vector.broadcast %jit3A_2020 : i32 to vector<16x128xi32>
    %select_n3A_2023 = arith.select %or3A_2018, %broadcast_in_dim3A_2021, %broadcast_in_dim3A_2022 : vector<16x128xi1>, vector<16x128xi32>
    %add3A_2024 = arith.addi %add3A_2008, %select_n3A_2023 : vector<16x128xi32>
    %eq3A_2025 = arith.cmpi eq, %add3A_2024, %iota3A : vector<16x128xi32>
    %jit3A_2026 = arith.constant 0.000000e+00 : f32
    %broadcast_in_dim3A_2027 = vector.broadcast %jit3A_2026 : f32 to vector<16x128xf32>
    %select_n3A_2028 = arith.select %eq3A_2025, %get3A_1, %broadcast_in_dim3A_2027 : vector<16x128xi1>, vector<16x128xf32>
    %slice3A_2029 = vector.extract_strided_slice %get3A_1 {offsets = [0, 1], sizes = [16, 127], strides = [1, 1]} : vector<16x128xf32> to vector<16x127xf32>
    %slice3A_2030 = vector.extract_strided_slice %get3A_1 {offsets = [0, 0], sizes = [16, 1], strides = [1, 1]} : vector<16x128xf32> to vector<16x1xf32>
    %concatenate3A_2031 = tpu.concatenate %slice3A_2029, %slice3A_2030 in 1 : vector<16x127xf32>, vector<16x1xf32> -> vector<16x128xf32>
    %slice3A_2032 = vector.extract_strided_slice %add3A_2024 {offsets = [0, 1], sizes = [16, 127], strides = [1, 1]} : vector<16x128xi32> to vector<16x127xi32>
    %slice3A_2033 = vector.extract_strided_slice %add3A_2024 {offsets = [0, 0], sizes = [16, 1], strides = [1, 1]} : vector<16x128xi32> to vector<16x1xi32>
    %concatenate3A_2034 = tpu.concatenate %slice3A_2032, %slice3A_2033 in 1 : vector<16x127xi32>, vector<16x1xi32> -> vector<16x128xi32>
    %eq3A_2035 = arith.cmpi eq, %concatenate3A_2034, %iota3A : vector<16x128xi32>
    %jit3A_2036 = arith.constant 0.000000e+00 : f32
    %broadcast_in_dim3A_2037 = vector.broadcast %jit3A_2036 : f32 to vector<16x128xf32>
    %select_n3A_2038 = arith.select %eq3A_2035, %concatenate3A_2031, %broadcast_in_dim3A_2037 : vector<16x128xi1>, vector<16x128xf32>
    %add3A_2039 = arith.addf %select_n3A_2028, %select_n3A_2038 : vector<16x128xf32>
    %slice3A_2040 = vector.extract_strided_slice %concatenate3A_2031 {offsets = [0, 1], sizes = [16, 127], strides = [1, 1]} : vector<16x128xf32> to vector<16x127xf32>
    %slice3A_2041 = vector.extract_strided_slice %concatenate3A_2031 {offsets = [0, 0], sizes = [16, 1], strides = [1, 1]} : vector<16x128xf32> to vector<16x1xf32>
    %concatenate3A_2042 = tpu.concatenate %slice3A_2040, %slice3A_2041 in 1 : vector<16x127xf32>, vector<16x1xf32> -> vector<16x128xf32>
    %slice3A_2043 = vector.extract_strided_slice %concatenate3A_2034 {offsets = [0, 1], sizes = [16, 127], strides = [1, 1]} : vector<16x128xi32> to vector<16x127xi32>
    %slice3A_2044 = vector.extract_strided_slice %concatenate3A_2034 {offsets = [0, 0], sizes = [16, 1], strides = [1, 1]} : vector<16x128xi32> to vector<16x1xi32>
    %concatenate3A_2045 = tpu.concatenate %slice3A_2043, %slice3A_2044 in 1 : vector<16x127xi32>, vector<16x1xi32> -> vector<16x128xi32>
    %eq3A_2046 = arith.cmpi eq, %concatenate3A_2045, %iota3A : vector<16x128xi32>
    %jit3A_2047 = arith.constant 0.000000e+00 : f32
    %broadcast_in_dim3A_2048 = vector.broadcast %jit3A_2047 : f32 to vector<16x128xf32>
    %select_n3A_2049 = arith.select %eq3A_2046, %concatenate3A_2042, %broadcast_in_dim3A_2048 : vector<16x128xi1>, vector<16x128xf32>
    %add3A_2050 = arith.addf %add3A_2039, %select_n3A_2049 : vector<16x128xf32>
    %slice3A_2051 = vector.extract_strided_slice %concatenate3A_2042 {offsets = [0, 1], sizes = [16, 127], strides = [1, 1]} : vector<16x128xf32> to vector<16x127xf32>
    %slice3A_2052 = vector.extract_strided_slice %concatenate3A_2042 {offsets = [0, 0], sizes = [16, 1], strides = [1, 1]} : vector<16x128xf32> to vector<16x1xf32>
    %concatenate3A_2053 = tpu.concatenate %slice3A_2051, %slice3A_2052 in 1 : vector<16x127xf32>, vector<16x1xf32> -> vector<16x128xf32>
    %slice3A_2054 = vector.extract_strided_slice %concatenate3A_2045 {offsets = [0, 1], sizes = [16, 127], strides = [1, 1]} : vector<16x128xi32> to vector<16x127xi32>
    %slice3A_2055 = vector.extract_strided_slice %concatenate3A_2045 {offsets = [0, 0], sizes = [16, 1], strides = [1, 1]} : vector<16x128xi32> to vector<16x1xi32>
    %concatenate3A_2056 = tpu.concatenate %slice3A_2054, %slice3A_2055 in 1 : vector<16x127xi32>, vector<16x1xi32> -> vector<16x128xi32>
    %eq3A_2057 = arith.cmpi eq, %concatenate3A_2056, %iota3A : vector<16x128xi32>
    %jit3A_2058 = arith.constant 0.000000e+00 : f32
    %broadcast_in_dim3A_2059 = vector.broadcast %jit3A_2058 : f32 to vector<16x128xf32>
    %select_n3A_2060 = arith.select %eq3A_2057, %concatenate3A_2053, %broadcast_in_dim3A_2059 : vector<16x128xi1>, vector<16x128xf32>
    %add3A_2061 = arith.addf %add3A_2050, %select_n3A_2060 : vector<16x128xf32>
    %slice3A_2062 = vector.extract_strided_slice %concatenate3A_2053 {offsets = [0, 1], sizes = [16, 127], strides = [1, 1]} : vector<16x128xf32> to vector<16x127xf32>
    %slice3A_2063 = vector.extract_strided_slice %concatenate3A_2053 {offsets = [0, 0], sizes = [16, 1], strides = [1, 1]} : vector<16x128xf32> to vector<16x1xf32>
    %concatenate3A_2064 = tpu.concatenate %slice3A_2062, %slice3A_2063 in 1 : vector<16x127xf32>, vector<16x1xf32> -> vector<16x128xf32>
    %slice3A_2065 = vector.extract_strided_slice %concatenate3A_2056 {offsets = [0, 1], sizes = [16, 127], strides = [1, 1]} : vector<16x128xi32> to vector<16x127xi32>
    %slice3A_2066 = vector.extract_strided_slice %concatenate3A_2056 {offsets = [0, 0], sizes = [16, 1], strides = [1, 1]} : vector<16x128xi32> to vector<16x1xi32>
    %concatenate3A_2067 = tpu.concatenate %slice3A_2065, %slice3A_2066 in 1 : vector<16x127xi32>, vector<16x1xi32> -> vector<16x128xi32>
    %eq3A_2068 = arith.cmpi eq, %concatenate3A_2067, %iota3A : vector<16x128xi32>
    %jit3A_2069 = arith.constant 0.000000e+00 : f32
    %broadcast_in_dim3A_2070 = vector.broadcast %jit3A_2069 : f32 to vector<16x128xf32>
    %select_n3A_2071 = arith.select %eq3A_2068, %concatenate3A_2064, %broadcast_in_dim3A_2070 : vector<16x128xi1>, vector<16x128xf32>
    %add3A_2072 = arith.addf %add3A_2061, %select_n3A_2071 : vector<16x128xf32>
    %slice3A_2073 = vector.extract_strided_slice %concatenate3A_2064 {offsets = [0, 1], sizes = [16, 127], strides = [1, 1]} : vector<16x128xf32> to vector<16x127xf32>
    %slice3A_2074 = vector.extract_strided_slice %concatenate3A_2064 {offsets = [0, 0], sizes = [16, 1], strides = [1, 1]} : vector<16x128xf32> to vector<16x1xf32>
    %concatenate3A_2075 = tpu.concatenate %slice3A_2073, %slice3A_2074 in 1 : vector<16x127xf32>, vector<16x1xf32> -> vector<16x128xf32>
    %slice3A_2076 = vector.extract_strided_slice %concatenate3A_2067 {offsets = [0, 1], sizes = [16, 127], strides = [1, 1]} : vector<16x128xi32> to vector<16x127xi32>
    %slice3A_2077 = vector.extract_strided_slice %concatenate3A_2067 {offsets = [0, 0], sizes = [16, 1], strides = [1, 1]} : vector<16x128xi32> to vector<16x1xi32>
    %concatenate3A_2078 = tpu.concatenate %slice3A_2076, %slice3A_2077 in 1 : vector<16x127xi32>, vector<16x1xi32> -> vector<16x128xi32>
    %eq3A_2079 = arith.cmpi eq, %concatenate3A_2078, %iota3A : vector<16x128xi32>
    %jit3A_2080 = arith.constant 0.000000e+00 : f32
    %broadcast_in_dim3A_2081 = vector.broadcast %jit3A_2080 : f32 to vector<16x128xf32>
    %select_n3A_2082 = arith.select %eq3A_2079, %concatenate3A_2075, %broadcast_in_dim3A_2081 : vector<16x128xi1>, vector<16x128xf32>
    %add3A_2083 = arith.addf %add3A_2072, %select_n3A_2082 : vector<16x128xf32>
    %slice3A_2084 = vector.extract_strided_slice %concatenate3A_2075 {offsets = [0, 1], sizes = [16, 127], strides = [1, 1]} : vector<16x128xf32> to vector<16x127xf32>
    %slice3A_2085 = vector.extract_strided_slice %concatenate3A_2075 {offsets = [0, 0], sizes = [16, 1], strides = [1, 1]} : vector<16x128xf32> to vector<16x1xf32>
    %concatenate3A_2086 = tpu.concatenate %slice3A_2084, %slice3A_2085 in 1 : vector<16x127xf32>, vector<16x1xf32> -> vector<16x128xf32>
    %slice3A_2087 = vector.extract_strided_slice %concatenate3A_2078 {offsets = [0, 1], sizes = [16, 127], strides = [1, 1]} : vector<16x128xi32> to vector<16x127xi32>
    %slice3A_2088 = vector.extract_strided_slice %concatenate3A_2078 {offsets = [0, 0], sizes = [16, 1], strides = [1, 1]} : vector<16x128xi32> to vector<16x1xi32>
    %concatenate3A_2089 = tpu.concatenate %slice3A_2087, %slice3A_2088 in 1 : vector<16x127xi32>, vector<16x1xi32> -> vector<16x128xi32>
    %eq3A_2090 = arith.cmpi eq, %concatenate3A_2089, %iota3A : vector<16x128xi32>
    %jit3A_2091 = arith.constant 0.000000e+00 : f32
    %broadcast_in_dim3A_2092 = vector.broadcast %jit3A_2091 : f32 to vector<16x128xf32>
    %select_n3A_2093 = arith.select %eq3A_2090, %concatenate3A_2086, %broadcast_in_dim3A_2092 : vector<16x128xi1>, vector<16x128xf32>
    %add3A_2094 = arith.addf %add3A_2083, %select_n3A_2093 : vector<16x128xf32>
    %slice3A_2095 = vector.extract_strided_slice %concatenate3A_2086 {offsets = [0, 1], sizes = [16, 127], strides = [1, 1]} : vector<16x128xf32> to vector<16x127xf32>
    %slice3A_2096 = vector.extract_strided_slice %concatenate3A_2086 {offsets = [0, 0], sizes = [16, 1], strides = [1, 1]} : vector<16x128xf32> to vector<16x1xf32>
    %concatenate3A_2097 = tpu.concatenate %slice3A_2095, %slice3A_2096 in 1 : vector<16x127xf32>, vector<16x1xf32> -> vector<16x128xf32>
    %slice3A_2098 = vector.extract_strided_slice %concatenate3A_2089 {offsets = [0, 1], sizes = [16, 127], strides = [1, 1]} : vector<16x128xi32> to vector<16x127xi32>
    %slice3A_2099 = vector.extract_strided_slice %concatenate3A_2089 {offsets = [0, 0], sizes = [16, 1], strides = [1, 1]} : vector<16x128xi32> to vector<16x1xi32>
    %concatenate3A_2100 = tpu.concatenate %slice3A_2098, %slice3A_2099 in 1 : vector<16x127xi32>, vector<16x1xi32> -> vector<16x128xi32>
    %eq3A_2101 = arith.cmpi eq, %concatenate3A_2100, %iota3A : vector<16x128xi32>
    %jit3A_2102 = arith.constant 0.000000e+00 : f32
    %broadcast_in_dim3A_2103 = vector.broadcast %jit3A_2102 : f32 to vector<16x128xf32>
    %select_n3A_2104 = arith.select %eq3A_2101, %concatenate3A_2097, %broadcast_in_dim3A_2103 : vector<16x128xi1>, vector<16x128xf32>
    %add3A_2105 = arith.addf %add3A_2094, %select_n3A_2104 : vector<16x128xf32>
    %slice3A_2106 = vector.extract_strided_slice %concatenate3A_2097 {offsets = [0, 1], sizes = [16, 127], strides = [1, 1]} : vector<16x128xf32> to vector<16x127xf32>
    %slice3A_2107 = vector.extract_strided_slice %concatenate3A_2097 {offsets = [0, 0], sizes = [16, 1], strides = [1, 1]} : vector<16x128xf32> to vector<16x1xf32>
    %concatenate3A_2108 = tpu.concatenate %slice3A_2106, %slice3A_2107 in 1 : vector<16x127xf32>, vector<16x1xf32> -> vector<16x128xf32>
    %slice3A_2109 = vector.extract_strided_slice %concatenate3A_2100 {offsets = [0, 1], sizes = [16, 127], strides = [1, 1]} : vector<16x128xi32> to vector<16x127xi32>
    %slice3A_2110 = vector.extract_strided_slice %concatenate3A_2100 {offsets = [0, 0], sizes = [16, 1], strides = [1, 1]} : vector<16x128xi32> to vector<16x1xi32>
    %concatenate3A_2111 = tpu.concatenate %slice3A_2109, %slice3A_2110 in 1 : vector<16x127xi32>, vector<16x1xi32> -> vector<16x128xi32>
    %eq3A_2112 = arith.cmpi eq, %concatenate3A_2111, %iota3A : vector<16x128xi32>
    %jit3A_2113 = arith.constant 0.000000e+00 : f32
    %broadcast_in_dim3A_2114 = vector.broadcast %jit3A_2113 : f32 to vector<16x128xf32>
    %select_n3A_2115 = arith.select %eq3A_2112, %concatenate3A_2108, %broadcast_in_dim3A_2114 : vector<16x128xi1>, vector<16x128xf32>
    %add3A_2116 = arith.addf %add3A_2105, %select_n3A_2115 : vector<16x128xf32>
    %slice3A_2117 = vector.extract_strided_slice %concatenate3A_2108 {offsets = [0, 1], sizes = [16, 127], strides = [1, 1]} : vector<16x128xf32> to vector<16x127xf32>
    %slice3A_2118 = vector.extract_strided_slice %concatenate3A_2108 {offsets = [0, 0], sizes = [16, 1], strides = [1, 1]} : vector<16x128xf32> to vector<16x1xf32>
    %concatenate3A_2119 = tpu.concatenate %slice3A_2117, %slice3A_2118 in 1 : vector<16x127xf32>, vector<16x1xf32> -> vector<16x128xf32>
    %slice3A_2120 = vector.extract_strided_slice %concatenate3A_2111 {offsets = [0, 1], sizes = [16, 127], strides = [1, 1]} : vector<16x128xi32> to vector<16x127xi32>
    %slice3A_2121 = vector.extract_strided_slice %concatenate3A_2111 {offsets = [0, 0], sizes = [16, 1], strides = [1, 1]} : vector<16x128xi32> to vector<16x1xi32>
    %concatenate3A_2122 = tpu.concatenate %slice3A_2120, %slice3A_2121 in 1 : vector<16x127xi32>, vector<16x1xi32> -> vector<16x128xi32>
    %eq3A_2123 = arith.cmpi eq, %concatenate3A_2122, %iota3A : vector<16x128xi32>
    %jit3A_2124 = arith.constant 0.000000e+00 : f32
    %broadcast_in_dim3A_2125 = vector.broadcast %jit3A_2124 : f32 to vector<16x128xf32>
    %select_n3A_2126 = arith.select %eq3A_2123, %concatenate3A_2119, %broadcast_in_dim3A_2125 : vector<16x128xi1>, vector<16x128xf32>
    %add3A_2127 = arith.addf %add3A_2116, %select_n3A_2126 : vector<16x128xf32>
    %slice3A_2128 = vector.extract_strided_slice %concatenate3A_2119 {offsets = [0, 1], sizes = [16, 127], strides = [1, 1]} : vector<16x128xf32> to vector<16x127xf32>
    %slice3A_2129 = vector.extract_strided_slice %concatenate3A_2119 {offsets = [0, 0], sizes = [16, 1], strides = [1, 1]} : vector<16x128xf32> to vector<16x1xf32>
    %concatenate3A_2130 = tpu.concatenate %slice3A_2128, %slice3A_2129 in 1 : vector<16x127xf32>, vector<16x1xf32> -> vector<16x128xf32>
    %slice3A_2131 = vector.extract_strided_slice %concatenate3A_2122 {offsets = [0, 1], sizes = [16, 127], strides = [1, 1]} : vector<16x128xi32> to vector<16x127xi32>
    %slice3A_2132 = vector.extract_strided_slice %concatenate3A_2122 {offsets = [0, 0], sizes = [16, 1], strides = [1, 1]} : vector<16x128xi32> to vector<16x1xi32>
    %concatenate3A_2133 = tpu.concatenate %slice3A_2131, %slice3A_2132 in 1 : vector<16x127xi32>, vector<16x1xi32> -> vector<16x128xi32>
    %eq3A_2134 = arith.cmpi eq, %concatenate3A_2133, %iota3A : vector<16x128xi32>
    %jit3A_2135 = arith.constant 0.000000e+00 : f32
    %broadcast_in_dim3A_2136 = vector.broadcast %jit3A_2135 : f32 to vector<16x128xf32>
    %select_n3A_2137 = arith.select %eq3A_2134, %concatenate3A_2130, %broadcast_in_dim3A_2136 : vector<16x128xi1>, vector<16x128xf32>
    %add3A_2138 = arith.addf %add3A_2127, %select_n3A_2137 : vector<16x128xf32>
    %slice3A_2139 = vector.extract_strided_slice %concatenate3A_2130 {offsets = [0, 1], sizes = [16, 127], strides = [1, 1]} : vector<16x128xf32> to vector<16x127xf32>
    %slice3A_2140 = vector.extract_strided_slice %concatenate3A_2130 {offsets = [0, 0], sizes = [16, 1], strides = [1, 1]} : vector<16x128xf32> to vector<16x1xf32>
    %concatenate3A_2141 = tpu.concatenate %slice3A_2139, %slice3A_2140 in 1 : vector<16x127xf32>, vector<16x1xf32> -> vector<16x128xf32>
    %slice3A_2142 = vector.extract_strided_slice %concatenate3A_2133 {offsets = [0, 1], sizes = [16, 127], strides = [1, 1]} : vector<16x128xi32> to vector<16x127xi32>
    %slice3A_2143 = vector.extract_strided_slice %concatenate3A_2133 {offsets = [0, 0], sizes = [16, 1], strides = [1, 1]} : vector<16x128xi32> to vector<16x1xi32>
    %concatenate3A_2144 = tpu.concatenate %slice3A_2142, %slice3A_2143 in 1 : vector<16x127xi32>, vector<16x1xi32> -> vector<16x128xi32>
    %eq3A_2145 = arith.cmpi eq, %concatenate3A_2144, %iota3A : vector<16x128xi32>
    %jit3A_2146 = arith.constant 0.000000e+00 : f32
    %broadcast_in_dim3A_2147 = vector.broadcast %jit3A_2146 : f32 to vector<16x128xf32>
    %select_n3A_2148 = arith.select %eq3A_2145, %concatenate3A_2141, %broadcast_in_dim3A_2147 : vector<16x128xi1>, vector<16x128xf32>
    %add3A_2149 = arith.addf %add3A_2138, %select_n3A_2148 : vector<16x128xf32>
    %slice3A_2150 = vector.extract_strided_slice %concatenate3A_2141 {offsets = [0, 1], sizes = [16, 127], strides = [1, 1]} : vector<16x128xf32> to vector<16x127xf32>
    %slice3A_2151 = vector.extract_strided_slice %concatenate3A_2141 {offsets = [0, 0], sizes = [16, 1], strides = [1, 1]} : vector<16x128xf32> to vector<16x1xf32>
    %concatenate3A_2152 = tpu.concatenate %slice3A_2150, %slice3A_2151 in 1 : vector<16x127xf32>, vector<16x1xf32> -> vector<16x128xf32>
    %slice3A_2153 = vector.extract_strided_slice %concatenate3A_2144 {offsets = [0, 1], sizes = [16, 127], strides = [1, 1]} : vector<16x128xi32> to vector<16x127xi32>
    %slice3A_2154 = vector.extract_strided_slice %concatenate3A_2144 {offsets = [0, 0], sizes = [16, 1], strides = [1, 1]} : vector<16x128xi32> to vector<16x1xi32>
    %concatenate3A_2155 = tpu.concatenate %slice3A_2153, %slice3A_2154 in 1 : vector<16x127xi32>, vector<16x1xi32> -> vector<16x128xi32>
    %eq3A_2156 = arith.cmpi eq, %concatenate3A_2155, %iota3A : vector<16x128xi32>
    %jit3A_2157 = arith.constant 0.000000e+00 : f32
    %broadcast_in_dim3A_2158 = vector.broadcast %jit3A_2157 : f32 to vector<16x128xf32>
    %select_n3A_2159 = arith.select %eq3A_2156, %concatenate3A_2152, %broadcast_in_dim3A_2158 : vector<16x128xi1>, vector<16x128xf32>
    %add3A_2160 = arith.addf %add3A_2149, %select_n3A_2159 : vector<16x128xf32>
    %slice3A_2161 = vector.extract_strided_slice %concatenate3A_2152 {offsets = [0, 1], sizes = [16, 127], strides = [1, 1]} : vector<16x128xf32> to vector<16x127xf32>
    %slice3A_2162 = vector.extract_strided_slice %concatenate3A_2152 {offsets = [0, 0], sizes = [16, 1], strides = [1, 1]} : vector<16x128xf32> to vector<16x1xf32>
    %concatenate3A_2163 = tpu.concatenate %slice3A_2161, %slice3A_2162 in 1 : vector<16x127xf32>, vector<16x1xf32> -> vector<16x128xf32>
    %slice3A_2164 = vector.extract_strided_slice %concatenate3A_2155 {offsets = [0, 1], sizes = [16, 127], strides = [1, 1]} : vector<16x128xi32> to vector<16x127xi32>
    %slice3A_2165 = vector.extract_strided_slice %concatenate3A_2155 {offsets = [0, 0], sizes = [16, 1], strides = [1, 1]} : vector<16x128xi32> to vector<16x1xi32>
    %concatenate3A_2166 = tpu.concatenate %slice3A_2164, %slice3A_2165 in 1 : vector<16x127xi32>, vector<16x1xi32> -> vector<16x128xi32>
    %eq3A_2167 = arith.cmpi eq, %concatenate3A_2166, %iota3A : vector<16x128xi32>
    %jit3A_2168 = arith.constant 0.000000e+00 : f32
    %broadcast_in_dim3A_2169 = vector.broadcast %jit3A_2168 : f32 to vector<16x128xf32>
    %select_n3A_2170 = arith.select %eq3A_2167, %concatenate3A_2163, %broadcast_in_dim3A_2169 : vector<16x128xi1>, vector<16x128xf32>
    %add3A_2171 = arith.addf %add3A_2160, %select_n3A_2170 : vector<16x128xf32>
    %slice3A_2172 = vector.extract_strided_slice %concatenate3A_2163 {offsets = [0, 1], sizes = [16, 127], strides = [1, 1]} : vector<16x128xf32> to vector<16x127xf32>
    %slice3A_2173 = vector.extract_strided_slice %concatenate3A_2163 {offsets = [0, 0], sizes = [16, 1], strides = [1, 1]} : vector<16x128xf32> to vector<16x1xf32>
    %concatenate3A_2174 = tpu.concatenate %slice3A_2172, %slice3A_2173 in 1 : vector<16x127xf32>, vector<16x1xf32> -> vector<16x128xf32>
    %slice3A_2175 = vector.extract_strided_slice %concatenate3A_2166 {offsets = [0, 1], sizes = [16, 127], strides = [1, 1]} : vector<16x128xi32> to vector<16x127xi32>
    %slice3A_2176 = vector.extract_strided_slice %concatenate3A_2166 {offsets = [0, 0], sizes = [16, 1], strides = [1, 1]} : vector<16x128xi32> to vector<16x1xi32>
    %concatenate3A_2177 = tpu.concatenate %slice3A_2175, %slice3A_2176 in 1 : vector<16x127xi32>, vector<16x1xi32> -> vector<16x128xi32>
    %eq3A_2178 = arith.cmpi eq, %concatenate3A_2177, %iota3A : vector<16x128xi32>
    %jit3A_2179 = arith.constant 0.000000e+00 : f32
    %broadcast_in_dim3A_2180 = vector.broadcast %jit3A_2179 : f32 to vector<16x128xf32>
    %select_n3A_2181 = arith.select %eq3A_2178, %concatenate3A_2174, %broadcast_in_dim3A_2180 : vector<16x128xi1>, vector<16x128xf32>
    %add3A_2182 = arith.addf %add3A_2171, %select_n3A_2181 : vector<16x128xf32>
    %slice3A_2183 = vector.extract_strided_slice %concatenate3A_2174 {offsets = [0, 1], sizes = [16, 127], strides = [1, 1]} : vector<16x128xf32> to vector<16x127xf32>
    %slice3A_2184 = vector.extract_strided_slice %concatenate3A_2174 {offsets = [0, 0], sizes = [16, 1], strides = [1, 1]} : vector<16x128xf32> to vector<16x1xf32>
    %concatenate3A_2185 = tpu.concatenate %slice3A_2183, %slice3A_2184 in 1 : vector<16x127xf32>, vector<16x1xf32> -> vector<16x128xf32>
    %slice3A_2186 = vector.extract_strided_slice %concatenate3A_2177 {offsets = [0, 1], sizes = [16, 127], strides = [1, 1]} : vector<16x128xi32> to vector<16x127xi32>
    %slice3A_2187 = vector.extract_strided_slice %concatenate3A_2177 {offsets = [0, 0], sizes = [16, 1], strides = [1, 1]} : vector<16x128xi32> to vector<16x1xi32>
    %concatenate3A_2188 = tpu.concatenate %slice3A_2186, %slice3A_2187 in 1 : vector<16x127xi32>, vector<16x1xi32> -> vector<16x128xi32>
    %eq3A_2189 = arith.cmpi eq, %concatenate3A_2188, %iota3A : vector<16x128xi32>
    %jit3A_2190 = arith.constant 0.000000e+00 : f32
    %broadcast_in_dim3A_2191 = vector.broadcast %jit3A_2190 : f32 to vector<16x128xf32>
    %select_n3A_2192 = arith.select %eq3A_2189, %concatenate3A_2185, %broadcast_in_dim3A_2191 : vector<16x128xi1>, vector<16x128xf32>
    %add3A_2193 = arith.addf %add3A_2182, %select_n3A_2192 : vector<16x128xf32>
    %slice3A_2194 = vector.extract_strided_slice %concatenate3A_2185 {offsets = [0, 1], sizes = [16, 127], strides = [1, 1]} : vector<16x128xf32> to vector<16x127xf32>
    %slice3A_2195 = vector.extract_strided_slice %concatenate3A_2185 {offsets = [0, 0], sizes = [16, 1], strides = [1, 1]} : vector<16x128xf32> to vector<16x1xf32>
    %concatenate3A_2196 = tpu.concatenate %slice3A_2194, %slice3A_2195 in 1 : vector<16x127xf32>, vector<16x1xf32> -> vector<16x128xf32>
    %slice3A_2197 = vector.extract_strided_slice %concatenate3A_2188 {offsets = [0, 1], sizes = [16, 127], strides = [1, 1]} : vector<16x128xi32> to vector<16x127xi32>
    %slice3A_2198 = vector.extract_strided_slice %concatenate3A_2188 {offsets = [0, 0], sizes = [16, 1], strides = [1, 1]} : vector<16x128xi32> to vector<16x1xi32>
    %concatenate3A_2199 = tpu.concatenate %slice3A_2197, %slice3A_2198 in 1 : vector<16x127xi32>, vector<16x1xi32> -> vector<16x128xi32>
    %eq3A_2200 = arith.cmpi eq, %concatenate3A_2199, %iota3A : vector<16x128xi32>
    %jit3A_2201 = arith.constant 0.000000e+00 : f32
    %broadcast_in_dim3A_2202 = vector.broadcast %jit3A_2201 : f32 to vector<16x128xf32>
    %select_n3A_2203 = arith.select %eq3A_2200, %concatenate3A_2196, %broadcast_in_dim3A_2202 : vector<16x128xi1>, vector<16x128xf32>
    %add3A_2204 = arith.addf %add3A_2193, %select_n3A_2203 : vector<16x128xf32>
    %slice3A_2205 = vector.extract_strided_slice %concatenate3A_2196 {offsets = [0, 1], sizes = [16, 127], strides = [1, 1]} : vector<16x128xf32> to vector<16x127xf32>
    %slice3A_2206 = vector.extract_strided_slice %concatenate3A_2196 {offsets = [0, 0], sizes = [16, 1], strides = [1, 1]} : vector<16x128xf32> to vector<16x1xf32>
    %concatenate3A_2207 = tpu.concatenate %slice3A_2205, %slice3A_2206 in 1 : vector<16x127xf32>, vector<16x1xf32> -> vector<16x128xf32>
    %slice3A_2208 = vector.extract_strided_slice %concatenate3A_2199 {offsets = [0, 1], sizes = [16, 127], strides = [1, 1]} : vector<16x128xi32> to vector<16x127xi32>
    %slice3A_2209 = vector.extract_strided_slice %concatenate3A_2199 {offsets = [0, 0], sizes = [16, 1], strides = [1, 1]} : vector<16x128xi32> to vector<16x1xi32>
    %concatenate3A_2210 = tpu.concatenate %slice3A_2208, %slice3A_2209 in 1 : vector<16x127xi32>, vector<16x1xi32> -> vector<16x128xi32>
    %eq3A_2211 = arith.cmpi eq, %concatenate3A_2210, %iota3A : vector<16x128xi32>
    %jit3A_2212 = arith.constant 0.000000e+00 : f32
    %broadcast_in_dim3A_2213 = vector.broadcast %jit3A_2212 : f32 to vector<16x128xf32>
    %select_n3A_2214 = arith.select %eq3A_2211, %concatenate3A_2207, %broadcast_in_dim3A_2213 : vector<16x128xi1>, vector<16x128xf32>
    %add3A_2215 = arith.addf %add3A_2204, %select_n3A_2214 : vector<16x128xf32>
    %slice3A_2216 = vector.extract_strided_slice %concatenate3A_2207 {offsets = [0, 1], sizes = [16, 127], strides = [1, 1]} : vector<16x128xf32> to vector<16x127xf32>
    %slice3A_2217 = vector.extract_strided_slice %concatenate3A_2207 {offsets = [0, 0], sizes = [16, 1], strides = [1, 1]} : vector<16x128xf32> to vector<16x1xf32>
    %concatenate3A_2218 = tpu.concatenate %slice3A_2216, %slice3A_2217 in 1 : vector<16x127xf32>, vector<16x1xf32> -> vector<16x128xf32>
    %slice3A_2219 = vector.extract_strided_slice %concatenate3A_2210 {offsets = [0, 1], sizes = [16, 127], strides = [1, 1]} : vector<16x128xi32> to vector<16x127xi32>
    %slice3A_2220 = vector.extract_strided_slice %concatenate3A_2210 {offsets = [0, 0], sizes = [16, 1], strides = [1, 1]} : vector<16x128xi32> to vector<16x1xi32>
    %concatenate3A_2221 = tpu.concatenate %slice3A_2219, %slice3A_2220 in 1 : vector<16x127xi32>, vector<16x1xi32> -> vector<16x128xi32>
    %eq3A_2222 = arith.cmpi eq, %concatenate3A_2221, %iota3A : vector<16x128xi32>
    %jit3A_2223 = arith.constant 0.000000e+00 : f32
    %broadcast_in_dim3A_2224 = vector.broadcast %jit3A_2223 : f32 to vector<16x128xf32>
    %select_n3A_2225 = arith.select %eq3A_2222, %concatenate3A_2218, %broadcast_in_dim3A_2224 : vector<16x128xi1>, vector<16x128xf32>
    %add3A_2226 = arith.addf %add3A_2215, %select_n3A_2225 : vector<16x128xf32>
    %slice3A_2227 = vector.extract_strided_slice %concatenate3A_2218 {offsets = [0, 1], sizes = [16, 127], strides = [1, 1]} : vector<16x128xf32> to vector<16x127xf32>
    %slice3A_2228 = vector.extract_strided_slice %concatenate3A_2218 {offsets = [0, 0], sizes = [16, 1], strides = [1, 1]} : vector<16x128xf32> to vector<16x1xf32>
    %concatenate3A_2229 = tpu.concatenate %slice3A_2227, %slice3A_2228 in 1 : vector<16x127xf32>, vector<16x1xf32> -> vector<16x128xf32>
    %slice3A_2230 = vector.extract_strided_slice %concatenate3A_2221 {offsets = [0, 1], sizes = [16, 127], strides = [1, 1]} : vector<16x128xi32> to vector<16x127xi32>
    %slice3A_2231 = vector.extract_strided_slice %concatenate3A_2221 {offsets = [0, 0], sizes = [16, 1], strides = [1, 1]} : vector<16x128xi32> to vector<16x1xi32>
    %concatenate3A_2232 = tpu.concatenate %slice3A_2230, %slice3A_2231 in 1 : vector<16x127xi32>, vector<16x1xi32> -> vector<16x128xi32>
    %eq3A_2233 = arith.cmpi eq, %concatenate3A_2232, %iota3A : vector<16x128xi32>
    %jit3A_2234 = arith.constant 0.000000e+00 : f32
    %broadcast_in_dim3A_2235 = vector.broadcast %jit3A_2234 : f32 to vector<16x128xf32>
    %select_n3A_2236 = arith.select %eq3A_2233, %concatenate3A_2229, %broadcast_in_dim3A_2235 : vector<16x128xi1>, vector<16x128xf32>
    %add3A_2237 = arith.addf %add3A_2226, %select_n3A_2236 : vector<16x128xf32>
    %slice3A_2238 = vector.extract_strided_slice %concatenate3A_2229 {offsets = [0, 1], sizes = [16, 127], strides = [1, 1]} : vector<16x128xf32> to vector<16x127xf32>
    %slice3A_2239 = vector.extract_strided_slice %concatenate3A_2229 {offsets = [0, 0], sizes = [16, 1], strides = [1, 1]} : vector<16x128xf32> to vector<16x1xf32>
    %concatenate3A_2240 = tpu.concatenate %slice3A_2238, %slice3A_2239 in 1 : vector<16x127xf32>, vector<16x1xf32> -> vector<16x128xf32>
    %slice3A_2241 = vector.extract_strided_slice %concatenate3A_2232 {offsets = [0, 1], sizes = [16, 127], strides = [1, 1]} : vector<16x128xi32> to vector<16x127xi32>
    %slice3A_2242 = vector.extract_strided_slice %concatenate3A_2232 {offsets = [0, 0], sizes = [16, 1], strides = [1, 1]} : vector<16x128xi32> to vector<16x1xi32>
    %concatenate3A_2243 = tpu.concatenate %slice3A_2241, %slice3A_2242 in 1 : vector<16x127xi32>, vector<16x1xi32> -> vector<16x128xi32>
    %eq3A_2244 = arith.cmpi eq, %concatenate3A_2243, %iota3A : vector<16x128xi32>
    %jit3A_2245 = arith.constant 0.000000e+00 : f32
    %broadcast_in_dim3A_2246 = vector.broadcast %jit3A_2245 : f32 to vector<16x128xf32>
    %select_n3A_2247 = arith.select %eq3A_2244, %concatenate3A_2240, %broadcast_in_dim3A_2246 : vector<16x128xi1>, vector<16x128xf32>
    %add3A_2248 = arith.addf %add3A_2237, %select_n3A_2247 : vector<16x128xf32>
    %slice3A_2249 = vector.extract_strided_slice %concatenate3A_2240 {offsets = [0, 1], sizes = [16, 127], strides = [1, 1]} : vector<16x128xf32> to vector<16x127xf32>
    %slice3A_2250 = vector.extract_strided_slice %concatenate3A_2240 {offsets = [0, 0], sizes = [16, 1], strides = [1, 1]} : vector<16x128xf32> to vector<16x1xf32>
    %concatenate3A_2251 = tpu.concatenate %slice3A_2249, %slice3A_2250 in 1 : vector<16x127xf32>, vector<16x1xf32> -> vector<16x128xf32>
    %slice3A_2252 = vector.extract_strided_slice %concatenate3A_2243 {offsets = [0, 1], sizes = [16, 127], strides = [1, 1]} : vector<16x128xi32> to vector<16x127xi32>
    %slice3A_2253 = vector.extract_strided_slice %concatenate3A_2243 {offsets = [0, 0], sizes = [16, 1], strides = [1, 1]} : vector<16x128xi32> to vector<16x1xi32>
    %concatenate3A_2254 = tpu.concatenate %slice3A_2252, %slice3A_2253 in 1 : vector<16x127xi32>, vector<16x1xi32> -> vector<16x128xi32>
    %eq3A_2255 = arith.cmpi eq, %concatenate3A_2254, %iota3A : vector<16x128xi32>
    %jit3A_2256 = arith.constant 0.000000e+00 : f32
    %broadcast_in_dim3A_2257 = vector.broadcast %jit3A_2256 : f32 to vector<16x128xf32>
    %select_n3A_2258 = arith.select %eq3A_2255, %concatenate3A_2251, %broadcast_in_dim3A_2257 : vector<16x128xi1>, vector<16x128xf32>
    %add3A_2259 = arith.addf %add3A_2248, %select_n3A_2258 : vector<16x128xf32>
    %slice3A_2260 = vector.extract_strided_slice %concatenate3A_2251 {offsets = [0, 1], sizes = [16, 127], strides = [1, 1]} : vector<16x128xf32> to vector<16x127xf32>
    %slice3A_2261 = vector.extract_strided_slice %concatenate3A_2251 {offsets = [0, 0], sizes = [16, 1], strides = [1, 1]} : vector<16x128xf32> to vector<16x1xf32>
    %concatenate3A_2262 = tpu.concatenate %slice3A_2260, %slice3A_2261 in 1 : vector<16x127xf32>, vector<16x1xf32> -> vector<16x128xf32>
    %slice3A_2263 = vector.extract_strided_slice %concatenate3A_2254 {offsets = [0, 1], sizes = [16, 127], strides = [1, 1]} : vector<16x128xi32> to vector<16x127xi32>
    %slice3A_2264 = vector.extract_strided_slice %concatenate3A_2254 {offsets = [0, 0], sizes = [16, 1], strides = [1, 1]} : vector<16x128xi32> to vector<16x1xi32>
    %concatenate3A_2265 = tpu.concatenate %slice3A_2263, %slice3A_2264 in 1 : vector<16x127xi32>, vector<16x1xi32> -> vector<16x128xi32>
    %eq3A_2266 = arith.cmpi eq, %concatenate3A_2265, %iota3A : vector<16x128xi32>
    %jit3A_2267 = arith.constant 0.000000e+00 : f32
    %broadcast_in_dim3A_2268 = vector.broadcast %jit3A_2267 : f32 to vector<16x128xf32>
    %select_n3A_2269 = arith.select %eq3A_2266, %concatenate3A_2262, %broadcast_in_dim3A_2268 : vector<16x128xi1>, vector<16x128xf32>
    %add3A_2270 = arith.addf %add3A_2259, %select_n3A_2269 : vector<16x128xf32>
    %slice3A_2271 = vector.extract_strided_slice %concatenate3A_2262 {offsets = [0, 1], sizes = [16, 127], strides = [1, 1]} : vector<16x128xf32> to vector<16x127xf32>
    %slice3A_2272 = vector.extract_strided_slice %concatenate3A_2262 {offsets = [0, 0], sizes = [16, 1], strides = [1, 1]} : vector<16x128xf32> to vector<16x1xf32>
    %concatenate3A_2273 = tpu.concatenate %slice3A_2271, %slice3A_2272 in 1 : vector<16x127xf32>, vector<16x1xf32> -> vector<16x128xf32>
    %slice3A_2274 = vector.extract_strided_slice %concatenate3A_2265 {offsets = [0, 1], sizes = [16, 127], strides = [1, 1]} : vector<16x128xi32> to vector<16x127xi32>
    %slice3A_2275 = vector.extract_strided_slice %concatenate3A_2265 {offsets = [0, 0], sizes = [16, 1], strides = [1, 1]} : vector<16x128xi32> to vector<16x1xi32>
    %concatenate3A_2276 = tpu.concatenate %slice3A_2274, %slice3A_2275 in 1 : vector<16x127xi32>, vector<16x1xi32> -> vector<16x128xi32>
    %eq3A_2277 = arith.cmpi eq, %concatenate3A_2276, %iota3A : vector<16x128xi32>
    %jit3A_2278 = arith.constant 0.000000e+00 : f32
    %broadcast_in_dim3A_2279 = vector.broadcast %jit3A_2278 : f32 to vector<16x128xf32>
    %select_n3A_2280 = arith.select %eq3A_2277, %concatenate3A_2273, %broadcast_in_dim3A_2279 : vector<16x128xi1>, vector<16x128xf32>
    %add3A_2281 = arith.addf %add3A_2270, %select_n3A_2280 : vector<16x128xf32>
    %slice3A_2282 = vector.extract_strided_slice %concatenate3A_2273 {offsets = [0, 1], sizes = [16, 127], strides = [1, 1]} : vector<16x128xf32> to vector<16x127xf32>
    %slice3A_2283 = vector.extract_strided_slice %concatenate3A_2273 {offsets = [0, 0], sizes = [16, 1], strides = [1, 1]} : vector<16x128xf32> to vector<16x1xf32>
    %concatenate3A_2284 = tpu.concatenate %slice3A_2282, %slice3A_2283 in 1 : vector<16x127xf32>, vector<16x1xf32> -> vector<16x128xf32>
    %slice3A_2285 = vector.extract_strided_slice %concatenate3A_2276 {offsets = [0, 1], sizes = [16, 127], strides = [1, 1]} : vector<16x128xi32> to vector<16x127xi32>
    %slice3A_2286 = vector.extract_strided_slice %concatenate3A_2276 {offsets = [0, 0], sizes = [16, 1], strides = [1, 1]} : vector<16x128xi32> to vector<16x1xi32>
    %concatenate3A_2287 = tpu.concatenate %slice3A_2285, %slice3A_2286 in 1 : vector<16x127xi32>, vector<16x1xi32> -> vector<16x128xi32>
    %eq3A_2288 = arith.cmpi eq, %concatenate3A_2287, %iota3A : vector<16x128xi32>
    %jit3A_2289 = arith.constant 0.000000e+00 : f32
    %broadcast_in_dim3A_2290 = vector.broadcast %jit3A_2289 : f32 to vector<16x128xf32>
    %select_n3A_2291 = arith.select %eq3A_2288, %concatenate3A_2284, %broadcast_in_dim3A_2290 : vector<16x128xi1>, vector<16x128xf32>
    %add3A_2292 = arith.addf %add3A_2281, %select_n3A_2291 : vector<16x128xf32>
    %slice3A_2293 = vector.extract_strided_slice %concatenate3A_2284 {offsets = [0, 1], sizes = [16, 127], strides = [1, 1]} : vector<16x128xf32> to vector<16x127xf32>
    %slice3A_2294 = vector.extract_strided_slice %concatenate3A_2284 {offsets = [0, 0], sizes = [16, 1], strides = [1, 1]} : vector<16x128xf32> to vector<16x1xf32>
    %concatenate3A_2295 = tpu.concatenate %slice3A_2293, %slice3A_2294 in 1 : vector<16x127xf32>, vector<16x1xf32> -> vector<16x128xf32>
    %slice3A_2296 = vector.extract_strided_slice %concatenate3A_2287 {offsets = [0, 1], sizes = [16, 127], strides = [1, 1]} : vector<16x128xi32> to vector<16x127xi32>
    %slice3A_2297 = vector.extract_strided_slice %concatenate3A_2287 {offsets = [0, 0], sizes = [16, 1], strides = [1, 1]} : vector<16x128xi32> to vector<16x1xi32>
    %concatenate3A_2298 = tpu.concatenate %slice3A_2296, %slice3A_2297 in 1 : vector<16x127xi32>, vector<16x1xi32> -> vector<16x128xi32>
    %eq3A_2299 = arith.cmpi eq, %concatenate3A_2298, %iota3A : vector<16x128xi32>
    %jit3A_2300 = arith.constant 0.000000e+00 : f32
    %broadcast_in_dim3A_2301 = vector.broadcast %jit3A_2300 : f32 to vector<16x128xf32>
    %select_n3A_2302 = arith.select %eq3A_2299, %concatenate3A_2295, %broadcast_in_dim3A_2301 : vector<16x128xi1>, vector<16x128xf32>
    %add3A_2303 = arith.addf %add3A_2292, %select_n3A_2302 : vector<16x128xf32>
    %slice3A_2304 = vector.extract_strided_slice %concatenate3A_2295 {offsets = [0, 1], sizes = [16, 127], strides = [1, 1]} : vector<16x128xf32> to vector<16x127xf32>
    %slice3A_2305 = vector.extract_strided_slice %concatenate3A_2295 {offsets = [0, 0], sizes = [16, 1], strides = [1, 1]} : vector<16x128xf32> to vector<16x1xf32>
    %concatenate3A_2306 = tpu.concatenate %slice3A_2304, %slice3A_2305 in 1 : vector<16x127xf32>, vector<16x1xf32> -> vector<16x128xf32>
    %slice3A_2307 = vector.extract_strided_slice %concatenate3A_2298 {offsets = [0, 1], sizes = [16, 127], strides = [1, 1]} : vector<16x128xi32> to vector<16x127xi32>
    %slice3A_2308 = vector.extract_strided_slice %concatenate3A_2298 {offsets = [0, 0], sizes = [16, 1], strides = [1, 1]} : vector<16x128xi32> to vector<16x1xi32>
    %concatenate3A_2309 = tpu.concatenate %slice3A_2307, %slice3A_2308 in 1 : vector<16x127xi32>, vector<16x1xi32> -> vector<16x128xi32>
    %eq3A_2310 = arith.cmpi eq, %concatenate3A_2309, %iota3A : vector<16x128xi32>
    %jit3A_2311 = arith.constant 0.000000e+00 : f32
    %broadcast_in_dim3A_2312 = vector.broadcast %jit3A_2311 : f32 to vector<16x128xf32>
    %select_n3A_2313 = arith.select %eq3A_2310, %concatenate3A_2306, %broadcast_in_dim3A_2312 : vector<16x128xi1>, vector<16x128xf32>
    %add3A_2314 = arith.addf %add3A_2303, %select_n3A_2313 : vector<16x128xf32>
    %slice3A_2315 = vector.extract_strided_slice %concatenate3A_2306 {offsets = [0, 1], sizes = [16, 127], strides = [1, 1]} : vector<16x128xf32> to vector<16x127xf32>
    %slice3A_2316 = vector.extract_strided_slice %concatenate3A_2306 {offsets = [0, 0], sizes = [16, 1], strides = [1, 1]} : vector<16x128xf32> to vector<16x1xf32>
    %concatenate3A_2317 = tpu.concatenate %slice3A_2315, %slice3A_2316 in 1 : vector<16x127xf32>, vector<16x1xf32> -> vector<16x128xf32>
    %slice3A_2318 = vector.extract_strided_slice %concatenate3A_2309 {offsets = [0, 1], sizes = [16, 127], strides = [1, 1]} : vector<16x128xi32> to vector<16x127xi32>
    %slice3A_2319 = vector.extract_strided_slice %concatenate3A_2309 {offsets = [0, 0], sizes = [16, 1], strides = [1, 1]} : vector<16x128xi32> to vector<16x1xi32>
    %concatenate3A_2320 = tpu.concatenate %slice3A_2318, %slice3A_2319 in 1 : vector<16x127xi32>, vector<16x1xi32> -> vector<16x128xi32>
    %eq3A_2321 = arith.cmpi eq, %concatenate3A_2320, %iota3A : vector<16x128xi32>
    %jit3A_2322 = arith.constant 0.000000e+00 : f32
    %broadcast_in_dim3A_2323 = vector.broadcast %jit3A_2322 : f32 to vector<16x128xf32>
    %select_n3A_2324 = arith.select %eq3A_2321, %concatenate3A_2317, %broadcast_in_dim3A_2323 : vector<16x128xi1>, vector<16x128xf32>
    %add3A_2325 = arith.addf %add3A_2314, %select_n3A_2324 : vector<16x128xf32>
    %slice3A_2326 = vector.extract_strided_slice %concatenate3A_2317 {offsets = [0, 1], sizes = [16, 127], strides = [1, 1]} : vector<16x128xf32> to vector<16x127xf32>
    %slice3A_2327 = vector.extract_strided_slice %concatenate3A_2317 {offsets = [0, 0], sizes = [16, 1], strides = [1, 1]} : vector<16x128xf32> to vector<16x1xf32>
    %concatenate3A_2328 = tpu.concatenate %slice3A_2326, %slice3A_2327 in 1 : vector<16x127xf32>, vector<16x1xf32> -> vector<16x128xf32>
    %slice3A_2329 = vector.extract_strided_slice %concatenate3A_2320 {offsets = [0, 1], sizes = [16, 127], strides = [1, 1]} : vector<16x128xi32> to vector<16x127xi32>
    %slice3A_2330 = vector.extract_strided_slice %concatenate3A_2320 {offsets = [0, 0], sizes = [16, 1], strides = [1, 1]} : vector<16x128xi32> to vector<16x1xi32>
    %concatenate3A_2331 = tpu.concatenate %slice3A_2329, %slice3A_2330 in 1 : vector<16x127xi32>, vector<16x1xi32> -> vector<16x128xi32>
    %eq3A_2332 = arith.cmpi eq, %concatenate3A_2331, %iota3A : vector<16x128xi32>
    %jit3A_2333 = arith.constant 0.000000e+00 : f32
    %broadcast_in_dim3A_2334 = vector.broadcast %jit3A_2333 : f32 to vector<16x128xf32>
    %select_n3A_2335 = arith.select %eq3A_2332, %concatenate3A_2328, %broadcast_in_dim3A_2334 : vector<16x128xi1>, vector<16x128xf32>
    %add3A_2336 = arith.addf %add3A_2325, %select_n3A_2335 : vector<16x128xf32>
    %slice3A_2337 = vector.extract_strided_slice %concatenate3A_2328 {offsets = [0, 1], sizes = [16, 127], strides = [1, 1]} : vector<16x128xf32> to vector<16x127xf32>
    %slice3A_2338 = vector.extract_strided_slice %concatenate3A_2328 {offsets = [0, 0], sizes = [16, 1], strides = [1, 1]} : vector<16x128xf32> to vector<16x1xf32>
    %concatenate3A_2339 = tpu.concatenate %slice3A_2337, %slice3A_2338 in 1 : vector<16x127xf32>, vector<16x1xf32> -> vector<16x128xf32>
    %slice3A_2340 = vector.extract_strided_slice %concatenate3A_2331 {offsets = [0, 1], sizes = [16, 127], strides = [1, 1]} : vector<16x128xi32> to vector<16x127xi32>
    %slice3A_2341 = vector.extract_strided_slice %concatenate3A_2331 {offsets = [0, 0], sizes = [16, 1], strides = [1, 1]} : vector<16x128xi32> to vector<16x1xi32>
    %concatenate3A_2342 = tpu.concatenate %slice3A_2340, %slice3A_2341 in 1 : vector<16x127xi32>, vector<16x1xi32> -> vector<16x128xi32>
    %eq3A_2343 = arith.cmpi eq, %concatenate3A_2342, %iota3A : vector<16x128xi32>
    %jit3A_2344 = arith.constant 0.000000e+00 : f32
    %broadcast_in_dim3A_2345 = vector.broadcast %jit3A_2344 : f32 to vector<16x128xf32>
    %select_n3A_2346 = arith.select %eq3A_2343, %concatenate3A_2339, %broadcast_in_dim3A_2345 : vector<16x128xi1>, vector<16x128xf32>
    %add3A_2347 = arith.addf %add3A_2336, %select_n3A_2346 : vector<16x128xf32>
    %slice3A_2348 = vector.extract_strided_slice %concatenate3A_2339 {offsets = [0, 1], sizes = [16, 127], strides = [1, 1]} : vector<16x128xf32> to vector<16x127xf32>
    %slice3A_2349 = vector.extract_strided_slice %concatenate3A_2339 {offsets = [0, 0], sizes = [16, 1], strides = [1, 1]} : vector<16x128xf32> to vector<16x1xf32>
    %concatenate3A_2350 = tpu.concatenate %slice3A_2348, %slice3A_2349 in 1 : vector<16x127xf32>, vector<16x1xf32> -> vector<16x128xf32>
    %slice3A_2351 = vector.extract_strided_slice %concatenate3A_2342 {offsets = [0, 1], sizes = [16, 127], strides = [1, 1]} : vector<16x128xi32> to vector<16x127xi32>
    %slice3A_2352 = vector.extract_strided_slice %concatenate3A_2342 {offsets = [0, 0], sizes = [16, 1], strides = [1, 1]} : vector<16x128xi32> to vector<16x1xi32>
    %concatenate3A_2353 = tpu.concatenate %slice3A_2351, %slice3A_2352 in 1 : vector<16x127xi32>, vector<16x1xi32> -> vector<16x128xi32>
    %eq3A_2354 = arith.cmpi eq, %concatenate3A_2353, %iota3A : vector<16x128xi32>
    %jit3A_2355 = arith.constant 0.000000e+00 : f32
    %broadcast_in_dim3A_2356 = vector.broadcast %jit3A_2355 : f32 to vector<16x128xf32>
    %select_n3A_2357 = arith.select %eq3A_2354, %concatenate3A_2350, %broadcast_in_dim3A_2356 : vector<16x128xi1>, vector<16x128xf32>
    %add3A_2358 = arith.addf %add3A_2347, %select_n3A_2357 : vector<16x128xf32>
    %slice3A_2359 = vector.extract_strided_slice %concatenate3A_2350 {offsets = [0, 1], sizes = [16, 127], strides = [1, 1]} : vector<16x128xf32> to vector<16x127xf32>
    %slice3A_2360 = vector.extract_strided_slice %concatenate3A_2350 {offsets = [0, 0], sizes = [16, 1], strides = [1, 1]} : vector<16x128xf32> to vector<16x1xf32>
    %concatenate3A_2361 = tpu.concatenate %slice3A_2359, %slice3A_2360 in 1 : vector<16x127xf32>, vector<16x1xf32> -> vector<16x128xf32>
    %slice3A_2362 = vector.extract_strided_slice %concatenate3A_2353 {offsets = [0, 1], sizes = [16, 127], strides = [1, 1]} : vector<16x128xi32> to vector<16x127xi32>
    %slice3A_2363 = vector.extract_strided_slice %concatenate3A_2353 {offsets = [0, 0], sizes = [16, 1], strides = [1, 1]} : vector<16x128xi32> to vector<16x1xi32>
    %concatenate3A_2364 = tpu.concatenate %slice3A_2362, %slice3A_2363 in 1 : vector<16x127xi32>, vector<16x1xi32> -> vector<16x128xi32>
    %eq3A_2365 = arith.cmpi eq, %concatenate3A_2364, %iota3A : vector<16x128xi32>
    %jit3A_2366 = arith.constant 0.000000e+00 : f32
    %broadcast_in_dim3A_2367 = vector.broadcast %jit3A_2366 : f32 to vector<16x128xf32>
    %select_n3A_2368 = arith.select %eq3A_2365, %concatenate3A_2361, %broadcast_in_dim3A_2367 : vector<16x128xi1>, vector<16x128xf32>
    %add3A_2369 = arith.addf %add3A_2358, %select_n3A_2368 : vector<16x128xf32>
    %slice3A_2370 = vector.extract_strided_slice %concatenate3A_2361 {offsets = [0, 1], sizes = [16, 127], strides = [1, 1]} : vector<16x128xf32> to vector<16x127xf32>
    %slice3A_2371 = vector.extract_strided_slice %concatenate3A_2361 {offsets = [0, 0], sizes = [16, 1], strides = [1, 1]} : vector<16x128xf32> to vector<16x1xf32>
    %concatenate3A_2372 = tpu.concatenate %slice3A_2370, %slice3A_2371 in 1 : vector<16x127xf32>, vector<16x1xf32> -> vector<16x128xf32>
    %slice3A_2373 = vector.extract_strided_slice %concatenate3A_2364 {offsets = [0, 1], sizes = [16, 127], strides = [1, 1]} : vector<16x128xi32> to vector<16x127xi32>
    %slice3A_2374 = vector.extract_strided_slice %concatenate3A_2364 {offsets = [0, 0], sizes = [16, 1], strides = [1, 1]} : vector<16x128xi32> to vector<16x1xi32>
    %concatenate3A_2375 = tpu.concatenate %slice3A_2373, %slice3A_2374 in 1 : vector<16x127xi32>, vector<16x1xi32> -> vector<16x128xi32>
    %eq3A_2376 = arith.cmpi eq, %concatenate3A_2375, %iota3A : vector<16x128xi32>
    %jit3A_2377 = arith.constant 0.000000e+00 : f32
    %broadcast_in_dim3A_2378 = vector.broadcast %jit3A_2377 : f32 to vector<16x128xf32>
    %select_n3A_2379 = arith.select %eq3A_2376, %concatenate3A_2372, %broadcast_in_dim3A_2378 : vector<16x128xi1>, vector<16x128xf32>
    %add3A_2380 = arith.addf %add3A_2369, %select_n3A_2379 : vector<16x128xf32>
    %slice3A_2381 = vector.extract_strided_slice %concatenate3A_2372 {offsets = [0, 1], sizes = [16, 127], strides = [1, 1]} : vector<16x128xf32> to vector<16x127xf32>
    %slice3A_2382 = vector.extract_strided_slice %concatenate3A_2372 {offsets = [0, 0], sizes = [16, 1], strides = [1, 1]} : vector<16x128xf32> to vector<16x1xf32>
    %concatenate3A_2383 = tpu.concatenate %slice3A_2381, %slice3A_2382 in 1 : vector<16x127xf32>, vector<16x1xf32> -> vector<16x128xf32>
    %slice3A_2384 = vector.extract_strided_slice %concatenate3A_2375 {offsets = [0, 1], sizes = [16, 127], strides = [1, 1]} : vector<16x128xi32> to vector<16x127xi32>
    %slice3A_2385 = vector.extract_strided_slice %concatenate3A_2375 {offsets = [0, 0], sizes = [16, 1], strides = [1, 1]} : vector<16x128xi32> to vector<16x1xi32>
    %concatenate3A_2386 = tpu.concatenate %slice3A_2384, %slice3A_2385 in 1 : vector<16x127xi32>, vector<16x1xi32> -> vector<16x128xi32>
    %eq3A_2387 = arith.cmpi eq, %concatenate3A_2386, %iota3A : vector<16x128xi32>
    %jit3A_2388 = arith.constant 0.000000e+00 : f32
    %broadcast_in_dim3A_2389 = vector.broadcast %jit3A_2388 : f32 to vector<16x128xf32>
    %select_n3A_2390 = arith.select %eq3A_2387, %concatenate3A_2383, %broadcast_in_dim3A_2389 : vector<16x128xi1>, vector<16x128xf32>
    %add3A_2391 = arith.addf %add3A_2380, %select_n3A_2390 : vector<16x128xf32>
    %slice3A_2392 = vector.extract_strided_slice %concatenate3A_2383 {offsets = [0, 1], sizes = [16, 127], strides = [1, 1]} : vector<16x128xf32> to vector<16x127xf32>
    %slice3A_2393 = vector.extract_strided_slice %concatenate3A_2383 {offsets = [0, 0], sizes = [16, 1], strides = [1, 1]} : vector<16x128xf32> to vector<16x1xf32>
    %concatenate3A_2394 = tpu.concatenate %slice3A_2392, %slice3A_2393 in 1 : vector<16x127xf32>, vector<16x1xf32> -> vector<16x128xf32>
    %slice3A_2395 = vector.extract_strided_slice %concatenate3A_2386 {offsets = [0, 1], sizes = [16, 127], strides = [1, 1]} : vector<16x128xi32> to vector<16x127xi32>
    %slice3A_2396 = vector.extract_strided_slice %concatenate3A_2386 {offsets = [0, 0], sizes = [16, 1], strides = [1, 1]} : vector<16x128xi32> to vector<16x1xi32>
    %concatenate3A_2397 = tpu.concatenate %slice3A_2395, %slice3A_2396 in 1 : vector<16x127xi32>, vector<16x1xi32> -> vector<16x128xi32>
    %eq3A_2398 = arith.cmpi eq, %concatenate3A_2397, %iota3A : vector<16x128xi32>
    %jit3A_2399 = arith.constant 0.000000e+00 : f32
    %broadcast_in_dim3A_2400 = vector.broadcast %jit3A_2399 : f32 to vector<16x128xf32>
    %select_n3A_2401 = arith.select %eq3A_2398, %concatenate3A_2394, %broadcast_in_dim3A_2400 : vector<16x128xi1>, vector<16x128xf32>
    %add3A_2402 = arith.addf %add3A_2391, %select_n3A_2401 : vector<16x128xf32>
    %slice3A_2403 = vector.extract_strided_slice %concatenate3A_2394 {offsets = [0, 1], sizes = [16, 127], strides = [1, 1]} : vector<16x128xf32> to vector<16x127xf32>
    %slice3A_2404 = vector.extract_strided_slice %concatenate3A_2394 {offsets = [0, 0], sizes = [16, 1], strides = [1, 1]} : vector<16x128xf32> to vector<16x1xf32>
    %concatenate3A_2405 = tpu.concatenate %slice3A_2403, %slice3A_2404 in 1 : vector<16x127xf32>, vector<16x1xf32> -> vector<16x128xf32>
    %slice3A_2406 = vector.extract_strided_slice %concatenate3A_2397 {offsets = [0, 1], sizes = [16, 127], strides = [1, 1]} : vector<16x128xi32> to vector<16x127xi32>
    %slice3A_2407 = vector.extract_strided_slice %concatenate3A_2397 {offsets = [0, 0], sizes = [16, 1], strides = [1, 1]} : vector<16x128xi32> to vector<16x1xi32>
    %concatenate3A_2408 = tpu.concatenate %slice3A_2406, %slice3A_2407 in 1 : vector<16x127xi32>, vector<16x1xi32> -> vector<16x128xi32>
    %eq3A_2409 = arith.cmpi eq, %concatenate3A_2408, %iota3A : vector<16x128xi32>
    %jit3A_2410 = arith.constant 0.000000e+00 : f32
    %broadcast_in_dim3A_2411 = vector.broadcast %jit3A_2410 : f32 to vector<16x128xf32>
    %select_n3A_2412 = arith.select %eq3A_2409, %concatenate3A_2405, %broadcast_in_dim3A_2411 : vector<16x128xi1>, vector<16x128xf32>
    %add3A_2413 = arith.addf %add3A_2402, %select_n3A_2412 : vector<16x128xf32>
    %slice3A_2414 = vector.extract_strided_slice %concatenate3A_2405 {offsets = [0, 1], sizes = [16, 127], strides = [1, 1]} : vector<16x128xf32> to vector<16x127xf32>
    %slice3A_2415 = vector.extract_strided_slice %concatenate3A_2405 {offsets = [0, 0], sizes = [16, 1], strides = [1, 1]} : vector<16x128xf32> to vector<16x1xf32>
    %concatenate3A_2416 = tpu.concatenate %slice3A_2414, %slice3A_2415 in 1 : vector<16x127xf32>, vector<16x1xf32> -> vector<16x128xf32>
    %slice3A_2417 = vector.extract_strided_slice %concatenate3A_2408 {offsets = [0, 1], sizes = [16, 127], strides = [1, 1]} : vector<16x128xi32> to vector<16x127xi32>
    %slice3A_2418 = vector.extract_strided_slice %concatenate3A_2408 {offsets = [0, 0], sizes = [16, 1], strides = [1, 1]} : vector<16x128xi32> to vector<16x1xi32>
    %concatenate3A_2419 = tpu.concatenate %slice3A_2417, %slice3A_2418 in 1 : vector<16x127xi32>, vector<16x1xi32> -> vector<16x128xi32>
    %eq3A_2420 = arith.cmpi eq, %concatenate3A_2419, %iota3A : vector<16x128xi32>
    %jit3A_2421 = arith.constant 0.000000e+00 : f32
    %broadcast_in_dim3A_2422 = vector.broadcast %jit3A_2421 : f32 to vector<16x128xf32>
    %select_n3A_2423 = arith.select %eq3A_2420, %concatenate3A_2416, %broadcast_in_dim3A_2422 : vector<16x128xi1>, vector<16x128xf32>
    %add3A_2424 = arith.addf %add3A_2413, %select_n3A_2423 : vector<16x128xf32>
    %slice3A_2425 = vector.extract_strided_slice %concatenate3A_2416 {offsets = [0, 1], sizes = [16, 127], strides = [1, 1]} : vector<16x128xf32> to vector<16x127xf32>
    %slice3A_2426 = vector.extract_strided_slice %concatenate3A_2416 {offsets = [0, 0], sizes = [16, 1], strides = [1, 1]} : vector<16x128xf32> to vector<16x1xf32>
    %concatenate3A_2427 = tpu.concatenate %slice3A_2425, %slice3A_2426 in 1 : vector<16x127xf32>, vector<16x1xf32> -> vector<16x128xf32>
    %slice3A_2428 = vector.extract_strided_slice %concatenate3A_2419 {offsets = [0, 1], sizes = [16, 127], strides = [1, 1]} : vector<16x128xi32> to vector<16x127xi32>
    %slice3A_2429 = vector.extract_strided_slice %concatenate3A_2419 {offsets = [0, 0], sizes = [16, 1], strides = [1, 1]} : vector<16x128xi32> to vector<16x1xi32>
    %concatenate3A_2430 = tpu.concatenate %slice3A_2428, %slice3A_2429 in 1 : vector<16x127xi32>, vector<16x1xi32> -> vector<16x128xi32>
    %eq3A_2431 = arith.cmpi eq, %concatenate3A_2430, %iota3A : vector<16x128xi32>
    %jit3A_2432 = arith.constant 0.000000e+00 : f32
    %broadcast_in_dim3A_2433 = vector.broadcast %jit3A_2432 : f32 to vector<16x128xf32>
    %select_n3A_2434 = arith.select %eq3A_2431, %concatenate3A_2427, %broadcast_in_dim3A_2433 : vector<16x128xi1>, vector<16x128xf32>
    %add3A_2435 = arith.addf %add3A_2424, %select_n3A_2434 : vector<16x128xf32>
    %slice3A_2436 = vector.extract_strided_slice %concatenate3A_2427 {offsets = [0, 1], sizes = [16, 127], strides = [1, 1]} : vector<16x128xf32> to vector<16x127xf32>
    %slice3A_2437 = vector.extract_strided_slice %concatenate3A_2427 {offsets = [0, 0], sizes = [16, 1], strides = [1, 1]} : vector<16x128xf32> to vector<16x1xf32>
    %concatenate3A_2438 = tpu.concatenate %slice3A_2436, %slice3A_2437 in 1 : vector<16x127xf32>, vector<16x1xf32> -> vector<16x128xf32>
    %slice3A_2439 = vector.extract_strided_slice %concatenate3A_2430 {offsets = [0, 1], sizes = [16, 127], strides = [1, 1]} : vector<16x128xi32> to vector<16x127xi32>
    %slice3A_2440 = vector.extract_strided_slice %concatenate3A_2430 {offsets = [0, 0], sizes = [16, 1], strides = [1, 1]} : vector<16x128xi32> to vector<16x1xi32>
    %concatenate3A_2441 = tpu.concatenate %slice3A_2439, %slice3A_2440 in 1 : vector<16x127xi32>, vector<16x1xi32> -> vector<16x128xi32>
    %eq3A_2442 = arith.cmpi eq, %concatenate3A_2441, %iota3A : vector<16x128xi32>
    %jit3A_2443 = arith.constant 0.000000e+00 : f32
    %broadcast_in_dim3A_2444 = vector.broadcast %jit3A_2443 : f32 to vector<16x128xf32>
    %select_n3A_2445 = arith.select %eq3A_2442, %concatenate3A_2438, %broadcast_in_dim3A_2444 : vector<16x128xi1>, vector<16x128xf32>
    %add3A_2446 = arith.addf %add3A_2435, %select_n3A_2445 : vector<16x128xf32>
    %slice3A_2447 = vector.extract_strided_slice %concatenate3A_2438 {offsets = [0, 1], sizes = [16, 127], strides = [1, 1]} : vector<16x128xf32> to vector<16x127xf32>
    %slice3A_2448 = vector.extract_strided_slice %concatenate3A_2438 {offsets = [0, 0], sizes = [16, 1], strides = [1, 1]} : vector<16x128xf32> to vector<16x1xf32>
    %concatenate3A_2449 = tpu.concatenate %slice3A_2447, %slice3A_2448 in 1 : vector<16x127xf32>, vector<16x1xf32> -> vector<16x128xf32>
    %slice3A_2450 = vector.extract_strided_slice %concatenate3A_2441 {offsets = [0, 1], sizes = [16, 127], strides = [1, 1]} : vector<16x128xi32> to vector<16x127xi32>
    %slice3A_2451 = vector.extract_strided_slice %concatenate3A_2441 {offsets = [0, 0], sizes = [16, 1], strides = [1, 1]} : vector<16x128xi32> to vector<16x1xi32>
    %concatenate3A_2452 = tpu.concatenate %slice3A_2450, %slice3A_2451 in 1 : vector<16x127xi32>, vector<16x1xi32> -> vector<16x128xi32>
    %eq3A_2453 = arith.cmpi eq, %concatenate3A_2452, %iota3A : vector<16x128xi32>
    %jit3A_2454 = arith.constant 0.000000e+00 : f32
    %broadcast_in_dim3A_2455 = vector.broadcast %jit3A_2454 : f32 to vector<16x128xf32>
    %select_n3A_2456 = arith.select %eq3A_2453, %concatenate3A_2449, %broadcast_in_dim3A_2455 : vector<16x128xi1>, vector<16x128xf32>
    %add3A_2457 = arith.addf %add3A_2446, %select_n3A_2456 : vector<16x128xf32>
    %slice3A_2458 = vector.extract_strided_slice %concatenate3A_2449 {offsets = [0, 1], sizes = [16, 127], strides = [1, 1]} : vector<16x128xf32> to vector<16x127xf32>
    %slice3A_2459 = vector.extract_strided_slice %concatenate3A_2449 {offsets = [0, 0], sizes = [16, 1], strides = [1, 1]} : vector<16x128xf32> to vector<16x1xf32>
    %concatenate3A_2460 = tpu.concatenate %slice3A_2458, %slice3A_2459 in 1 : vector<16x127xf32>, vector<16x1xf32> -> vector<16x128xf32>
    %slice3A_2461 = vector.extract_strided_slice %concatenate3A_2452 {offsets = [0, 1], sizes = [16, 127], strides = [1, 1]} : vector<16x128xi32> to vector<16x127xi32>
    %slice3A_2462 = vector.extract_strided_slice %concatenate3A_2452 {offsets = [0, 0], sizes = [16, 1], strides = [1, 1]} : vector<16x128xi32> to vector<16x1xi32>
    %concatenate3A_2463 = tpu.concatenate %slice3A_2461, %slice3A_2462 in 1 : vector<16x127xi32>, vector<16x1xi32> -> vector<16x128xi32>
    %eq3A_2464 = arith.cmpi eq, %concatenate3A_2463, %iota3A : vector<16x128xi32>
    %jit3A_2465 = arith.constant 0.000000e+00 : f32
    %broadcast_in_dim3A_2466 = vector.broadcast %jit3A_2465 : f32 to vector<16x128xf32>
    %select_n3A_2467 = arith.select %eq3A_2464, %concatenate3A_2460, %broadcast_in_dim3A_2466 : vector<16x128xi1>, vector<16x128xf32>
    %add3A_2468 = arith.addf %add3A_2457, %select_n3A_2467 : vector<16x128xf32>
    %slice3A_2469 = vector.extract_strided_slice %concatenate3A_2460 {offsets = [0, 1], sizes = [16, 127], strides = [1, 1]} : vector<16x128xf32> to vector<16x127xf32>
    %slice3A_2470 = vector.extract_strided_slice %concatenate3A_2460 {offsets = [0, 0], sizes = [16, 1], strides = [1, 1]} : vector<16x128xf32> to vector<16x1xf32>
    %concatenate3A_2471 = tpu.concatenate %slice3A_2469, %slice3A_2470 in 1 : vector<16x127xf32>, vector<16x1xf32> -> vector<16x128xf32>
    %slice3A_2472 = vector.extract_strided_slice %concatenate3A_2463 {offsets = [0, 1], sizes = [16, 127], strides = [1, 1]} : vector<16x128xi32> to vector<16x127xi32>
    %slice3A_2473 = vector.extract_strided_slice %concatenate3A_2463 {offsets = [0, 0], sizes = [16, 1], strides = [1, 1]} : vector<16x128xi32> to vector<16x1xi32>
    %concatenate3A_2474 = tpu.concatenate %slice3A_2472, %slice3A_2473 in 1 : vector<16x127xi32>, vector<16x1xi32> -> vector<16x128xi32>
    %eq3A_2475 = arith.cmpi eq, %concatenate3A_2474, %iota3A : vector<16x128xi32>
    %jit3A_2476 = arith.constant 0.000000e+00 : f32
    %broadcast_in_dim3A_2477 = vector.broadcast %jit3A_2476 : f32 to vector<16x128xf32>
    %select_n3A_2478 = arith.select %eq3A_2475, %concatenate3A_2471, %broadcast_in_dim3A_2477 : vector<16x128xi1>, vector<16x128xf32>
    %add3A_2479 = arith.addf %add3A_2468, %select_n3A_2478 : vector<16x128xf32>
    %slice3A_2480 = vector.extract_strided_slice %concatenate3A_2471 {offsets = [0, 1], sizes = [16, 127], strides = [1, 1]} : vector<16x128xf32> to vector<16x127xf32>
    %slice3A_2481 = vector.extract_strided_slice %concatenate3A_2471 {offsets = [0, 0], sizes = [16, 1], strides = [1, 1]} : vector<16x128xf32> to vector<16x1xf32>
    %concatenate3A_2482 = tpu.concatenate %slice3A_2480, %slice3A_2481 in 1 : vector<16x127xf32>, vector<16x1xf32> -> vector<16x128xf32>
    %slice3A_2483 = vector.extract_strided_slice %concatenate3A_2474 {offsets = [0, 1], sizes = [16, 127], strides = [1, 1]} : vector<16x128xi32> to vector<16x127xi32>
    %slice3A_2484 = vector.extract_strided_slice %concatenate3A_2474 {offsets = [0, 0], sizes = [16, 1], strides = [1, 1]} : vector<16x128xi32> to vector<16x1xi32>
    %concatenate3A_2485 = tpu.concatenate %slice3A_2483, %slice3A_2484 in 1 : vector<16x127xi32>, vector<16x1xi32> -> vector<16x128xi32>
    %eq3A_2486 = arith.cmpi eq, %concatenate3A_2485, %iota3A : vector<16x128xi32>
    %jit3A_2487 = arith.constant 0.000000e+00 : f32
    %broadcast_in_dim3A_2488 = vector.broadcast %jit3A_2487 : f32 to vector<16x128xf32>
    %select_n3A_2489 = arith.select %eq3A_2486, %concatenate3A_2482, %broadcast_in_dim3A_2488 : vector<16x128xi1>, vector<16x128xf32>
    %add3A_2490 = arith.addf %add3A_2479, %select_n3A_2489 : vector<16x128xf32>
    %slice3A_2491 = vector.extract_strided_slice %concatenate3A_2482 {offsets = [0, 1], sizes = [16, 127], strides = [1, 1]} : vector<16x128xf32> to vector<16x127xf32>
    %slice3A_2492 = vector.extract_strided_slice %concatenate3A_2482 {offsets = [0, 0], sizes = [16, 1], strides = [1, 1]} : vector<16x128xf32> to vector<16x1xf32>
    %concatenate3A_2493 = tpu.concatenate %slice3A_2491, %slice3A_2492 in 1 : vector<16x127xf32>, vector<16x1xf32> -> vector<16x128xf32>
    %slice3A_2494 = vector.extract_strided_slice %concatenate3A_2485 {offsets = [0, 1], sizes = [16, 127], strides = [1, 1]} : vector<16x128xi32> to vector<16x127xi32>
    %slice3A_2495 = vector.extract_strided_slice %concatenate3A_2485 {offsets = [0, 0], sizes = [16, 1], strides = [1, 1]} : vector<16x128xi32> to vector<16x1xi32>
    %concatenate3A_2496 = tpu.concatenate %slice3A_2494, %slice3A_2495 in 1 : vector<16x127xi32>, vector<16x1xi32> -> vector<16x128xi32>
    %eq3A_2497 = arith.cmpi eq, %concatenate3A_2496, %iota3A : vector<16x128xi32>
    %jit3A_2498 = arith.constant 0.000000e+00 : f32
    %broadcast_in_dim3A_2499 = vector.broadcast %jit3A_2498 : f32 to vector<16x128xf32>
    %select_n3A_2500 = arith.select %eq3A_2497, %concatenate3A_2493, %broadcast_in_dim3A_2499 : vector<16x128xi1>, vector<16x128xf32>
    %add3A_2501 = arith.addf %add3A_2490, %select_n3A_2500 : vector<16x128xf32>
    %slice3A_2502 = vector.extract_strided_slice %concatenate3A_2493 {offsets = [0, 1], sizes = [16, 127], strides = [1, 1]} : vector<16x128xf32> to vector<16x127xf32>
    %slice3A_2503 = vector.extract_strided_slice %concatenate3A_2493 {offsets = [0, 0], sizes = [16, 1], strides = [1, 1]} : vector<16x128xf32> to vector<16x1xf32>
    %concatenate3A_2504 = tpu.concatenate %slice3A_2502, %slice3A_2503 in 1 : vector<16x127xf32>, vector<16x1xf32> -> vector<16x128xf32>
    %slice3A_2505 = vector.extract_strided_slice %concatenate3A_2496 {offsets = [0, 1], sizes = [16, 127], strides = [1, 1]} : vector<16x128xi32> to vector<16x127xi32>
    %slice3A_2506 = vector.extract_strided_slice %concatenate3A_2496 {offsets = [0, 0], sizes = [16, 1], strides = [1, 1]} : vector<16x128xi32> to vector<16x1xi32>
    %concatenate3A_2507 = tpu.concatenate %slice3A_2505, %slice3A_2506 in 1 : vector<16x127xi32>, vector<16x1xi32> -> vector<16x128xi32>
    %eq3A_2508 = arith.cmpi eq, %concatenate3A_2507, %iota3A : vector<16x128xi32>
    %jit3A_2509 = arith.constant 0.000000e+00 : f32
    %broadcast_in_dim3A_2510 = vector.broadcast %jit3A_2509 : f32 to vector<16x128xf32>
    %select_n3A_2511 = arith.select %eq3A_2508, %concatenate3A_2504, %broadcast_in_dim3A_2510 : vector<16x128xi1>, vector<16x128xf32>
    %add3A_2512 = arith.addf %add3A_2501, %select_n3A_2511 : vector<16x128xf32>
    %slice3A_2513 = vector.extract_strided_slice %concatenate3A_2504 {offsets = [0, 1], sizes = [16, 127], strides = [1, 1]} : vector<16x128xf32> to vector<16x127xf32>
    %slice3A_2514 = vector.extract_strided_slice %concatenate3A_2504 {offsets = [0, 0], sizes = [16, 1], strides = [1, 1]} : vector<16x128xf32> to vector<16x1xf32>
    %concatenate3A_2515 = tpu.concatenate %slice3A_2513, %slice3A_2514 in 1 : vector<16x127xf32>, vector<16x1xf32> -> vector<16x128xf32>
    %slice3A_2516 = vector.extract_strided_slice %concatenate3A_2507 {offsets = [0, 1], sizes = [16, 127], strides = [1, 1]} : vector<16x128xi32> to vector<16x127xi32>
    %slice3A_2517 = vector.extract_strided_slice %concatenate3A_2507 {offsets = [0, 0], sizes = [16, 1], strides = [1, 1]} : vector<16x128xi32> to vector<16x1xi32>
    %concatenate3A_2518 = tpu.concatenate %slice3A_2516, %slice3A_2517 in 1 : vector<16x127xi32>, vector<16x1xi32> -> vector<16x128xi32>
    %eq3A_2519 = arith.cmpi eq, %concatenate3A_2518, %iota3A : vector<16x128xi32>
    %jit3A_2520 = arith.constant 0.000000e+00 : f32
    %broadcast_in_dim3A_2521 = vector.broadcast %jit3A_2520 : f32 to vector<16x128xf32>
    %select_n3A_2522 = arith.select %eq3A_2519, %concatenate3A_2515, %broadcast_in_dim3A_2521 : vector<16x128xi1>, vector<16x128xf32>
    %add3A_2523 = arith.addf %add3A_2512, %select_n3A_2522 : vector<16x128xf32>
    %slice3A_2524 = vector.extract_strided_slice %concatenate3A_2515 {offsets = [0, 1], sizes = [16, 127], strides = [1, 1]} : vector<16x128xf32> to vector<16x127xf32>
    %slice3A_2525 = vector.extract_strided_slice %concatenate3A_2515 {offsets = [0, 0], sizes = [16, 1], strides = [1, 1]} : vector<16x128xf32> to vector<16x1xf32>
    %concatenate3A_2526 = tpu.concatenate %slice3A_2524, %slice3A_2525 in 1 : vector<16x127xf32>, vector<16x1xf32> -> vector<16x128xf32>
    %slice3A_2527 = vector.extract_strided_slice %concatenate3A_2518 {offsets = [0, 1], sizes = [16, 127], strides = [1, 1]} : vector<16x128xi32> to vector<16x127xi32>
    %slice3A_2528 = vector.extract_strided_slice %concatenate3A_2518 {offsets = [0, 0], sizes = [16, 1], strides = [1, 1]} : vector<16x128xi32> to vector<16x1xi32>
    %concatenate3A_2529 = tpu.concatenate %slice3A_2527, %slice3A_2528 in 1 : vector<16x127xi32>, vector<16x1xi32> -> vector<16x128xi32>
    %eq3A_2530 = arith.cmpi eq, %concatenate3A_2529, %iota3A : vector<16x128xi32>
    %jit3A_2531 = arith.constant 0.000000e+00 : f32
    %broadcast_in_dim3A_2532 = vector.broadcast %jit3A_2531 : f32 to vector<16x128xf32>
    %select_n3A_2533 = arith.select %eq3A_2530, %concatenate3A_2526, %broadcast_in_dim3A_2532 : vector<16x128xi1>, vector<16x128xf32>
    %add3A_2534 = arith.addf %add3A_2523, %select_n3A_2533 : vector<16x128xf32>
    %slice3A_2535 = vector.extract_strided_slice %concatenate3A_2526 {offsets = [0, 1], sizes = [16, 127], strides = [1, 1]} : vector<16x128xf32> to vector<16x127xf32>
    %slice3A_2536 = vector.extract_strided_slice %concatenate3A_2526 {offsets = [0, 0], sizes = [16, 1], strides = [1, 1]} : vector<16x128xf32> to vector<16x1xf32>
    %concatenate3A_2537 = tpu.concatenate %slice3A_2535, %slice3A_2536 in 1 : vector<16x127xf32>, vector<16x1xf32> -> vector<16x128xf32>
    %slice3A_2538 = vector.extract_strided_slice %concatenate3A_2529 {offsets = [0, 1], sizes = [16, 127], strides = [1, 1]} : vector<16x128xi32> to vector<16x127xi32>
    %slice3A_2539 = vector.extract_strided_slice %concatenate3A_2529 {offsets = [0, 0], sizes = [16, 1], strides = [1, 1]} : vector<16x128xi32> to vector<16x1xi32>
    %concatenate3A_2540 = tpu.concatenate %slice3A_2538, %slice3A_2539 in 1 : vector<16x127xi32>, vector<16x1xi32> -> vector<16x128xi32>
    %eq3A_2541 = arith.cmpi eq, %concatenate3A_2540, %iota3A : vector<16x128xi32>
    %jit3A_2542 = arith.constant 0.000000e+00 : f32
    %broadcast_in_dim3A_2543 = vector.broadcast %jit3A_2542 : f32 to vector<16x128xf32>
    %select_n3A_2544 = arith.select %eq3A_2541, %concatenate3A_2537, %broadcast_in_dim3A_2543 : vector<16x128xi1>, vector<16x128xf32>
    %add3A_2545 = arith.addf %add3A_2534, %select_n3A_2544 : vector<16x128xf32>
    %slice3A_2546 = vector.extract_strided_slice %concatenate3A_2537 {offsets = [0, 1], sizes = [16, 127], strides = [1, 1]} : vector<16x128xf32> to vector<16x127xf32>
    %slice3A_2547 = vector.extract_strided_slice %concatenate3A_2537 {offsets = [0, 0], sizes = [16, 1], strides = [1, 1]} : vector<16x128xf32> to vector<16x1xf32>
    %concatenate3A_2548 = tpu.concatenate %slice3A_2546, %slice3A_2547 in 1 : vector<16x127xf32>, vector<16x1xf32> -> vector<16x128xf32>
    %slice3A_2549 = vector.extract_strided_slice %concatenate3A_2540 {offsets = [0, 1], sizes = [16, 127], strides = [1, 1]} : vector<16x128xi32> to vector<16x127xi32>
    %slice3A_2550 = vector.extract_strided_slice %concatenate3A_2540 {offsets = [0, 0], sizes = [16, 1], strides = [1, 1]} : vector<16x128xi32> to vector<16x1xi32>
    %concatenate3A_2551 = tpu.concatenate %slice3A_2549, %slice3A_2550 in 1 : vector<16x127xi32>, vector<16x1xi32> -> vector<16x128xi32>
    %eq3A_2552 = arith.cmpi eq, %concatenate3A_2551, %iota3A : vector<16x128xi32>
    %jit3A_2553 = arith.constant 0.000000e+00 : f32
    %broadcast_in_dim3A_2554 = vector.broadcast %jit3A_2553 : f32 to vector<16x128xf32>
    %select_n3A_2555 = arith.select %eq3A_2552, %concatenate3A_2548, %broadcast_in_dim3A_2554 : vector<16x128xi1>, vector<16x128xf32>
    %add3A_2556 = arith.addf %add3A_2545, %select_n3A_2555 : vector<16x128xf32>
    %slice3A_2557 = vector.extract_strided_slice %concatenate3A_2548 {offsets = [0, 1], sizes = [16, 127], strides = [1, 1]} : vector<16x128xf32> to vector<16x127xf32>
    %slice3A_2558 = vector.extract_strided_slice %concatenate3A_2548 {offsets = [0, 0], sizes = [16, 1], strides = [1, 1]} : vector<16x128xf32> to vector<16x1xf32>
    %concatenate3A_2559 = tpu.concatenate %slice3A_2557, %slice3A_2558 in 1 : vector<16x127xf32>, vector<16x1xf32> -> vector<16x128xf32>
    %slice3A_2560 = vector.extract_strided_slice %concatenate3A_2551 {offsets = [0, 1], sizes = [16, 127], strides = [1, 1]} : vector<16x128xi32> to vector<16x127xi32>
    %slice3A_2561 = vector.extract_strided_slice %concatenate3A_2551 {offsets = [0, 0], sizes = [16, 1], strides = [1, 1]} : vector<16x128xi32> to vector<16x1xi32>
    %concatenate3A_2562 = tpu.concatenate %slice3A_2560, %slice3A_2561 in 1 : vector<16x127xi32>, vector<16x1xi32> -> vector<16x128xi32>
    %eq3A_2563 = arith.cmpi eq, %concatenate3A_2562, %iota3A : vector<16x128xi32>
    %jit3A_2564 = arith.constant 0.000000e+00 : f32
    %broadcast_in_dim3A_2565 = vector.broadcast %jit3A_2564 : f32 to vector<16x128xf32>
    %select_n3A_2566 = arith.select %eq3A_2563, %concatenate3A_2559, %broadcast_in_dim3A_2565 : vector<16x128xi1>, vector<16x128xf32>
    %add3A_2567 = arith.addf %add3A_2556, %select_n3A_2566 : vector<16x128xf32>
    %slice3A_2568 = vector.extract_strided_slice %concatenate3A_2559 {offsets = [0, 1], sizes = [16, 127], strides = [1, 1]} : vector<16x128xf32> to vector<16x127xf32>
    %slice3A_2569 = vector.extract_strided_slice %concatenate3A_2559 {offsets = [0, 0], sizes = [16, 1], strides = [1, 1]} : vector<16x128xf32> to vector<16x1xf32>
    %concatenate3A_2570 = tpu.concatenate %slice3A_2568, %slice3A_2569 in 1 : vector<16x127xf32>, vector<16x1xf32> -> vector<16x128xf32>
    %slice3A_2571 = vector.extract_strided_slice %concatenate3A_2562 {offsets = [0, 1], sizes = [16, 127], strides = [1, 1]} : vector<16x128xi32> to vector<16x127xi32>
    %slice3A_2572 = vector.extract_strided_slice %concatenate3A_2562 {offsets = [0, 0], sizes = [16, 1], strides = [1, 1]} : vector<16x128xi32> to vector<16x1xi32>
    %concatenate3A_2573 = tpu.concatenate %slice3A_2571, %slice3A_2572 in 1 : vector<16x127xi32>, vector<16x1xi32> -> vector<16x128xi32>
    %eq3A_2574 = arith.cmpi eq, %concatenate3A_2573, %iota3A : vector<16x128xi32>
    %jit3A_2575 = arith.constant 0.000000e+00 : f32
    %broadcast_in_dim3A_2576 = vector.broadcast %jit3A_2575 : f32 to vector<16x128xf32>
    %select_n3A_2577 = arith.select %eq3A_2574, %concatenate3A_2570, %broadcast_in_dim3A_2576 : vector<16x128xi1>, vector<16x128xf32>
    %add3A_2578 = arith.addf %add3A_2567, %select_n3A_2577 : vector<16x128xf32>
    %slice3A_2579 = vector.extract_strided_slice %concatenate3A_2570 {offsets = [0, 1], sizes = [16, 127], strides = [1, 1]} : vector<16x128xf32> to vector<16x127xf32>
    %slice3A_2580 = vector.extract_strided_slice %concatenate3A_2570 {offsets = [0, 0], sizes = [16, 1], strides = [1, 1]} : vector<16x128xf32> to vector<16x1xf32>
    %concatenate3A_2581 = tpu.concatenate %slice3A_2579, %slice3A_2580 in 1 : vector<16x127xf32>, vector<16x1xf32> -> vector<16x128xf32>
    %slice3A_2582 = vector.extract_strided_slice %concatenate3A_2573 {offsets = [0, 1], sizes = [16, 127], strides = [1, 1]} : vector<16x128xi32> to vector<16x127xi32>
    %slice3A_2583 = vector.extract_strided_slice %concatenate3A_2573 {offsets = [0, 0], sizes = [16, 1], strides = [1, 1]} : vector<16x128xi32> to vector<16x1xi32>
    %concatenate3A_2584 = tpu.concatenate %slice3A_2582, %slice3A_2583 in 1 : vector<16x127xi32>, vector<16x1xi32> -> vector<16x128xi32>
    %eq3A_2585 = arith.cmpi eq, %concatenate3A_2584, %iota3A : vector<16x128xi32>
    %jit3A_2586 = arith.constant 0.000000e+00 : f32
    %broadcast_in_dim3A_2587 = vector.broadcast %jit3A_2586 : f32 to vector<16x128xf32>
    %select_n3A_2588 = arith.select %eq3A_2585, %concatenate3A_2581, %broadcast_in_dim3A_2587 : vector<16x128xi1>, vector<16x128xf32>
    %add3A_2589 = arith.addf %add3A_2578, %select_n3A_2588 : vector<16x128xf32>
    %slice3A_2590 = vector.extract_strided_slice %concatenate3A_2581 {offsets = [0, 1], sizes = [16, 127], strides = [1, 1]} : vector<16x128xf32> to vector<16x127xf32>
    %slice3A_2591 = vector.extract_strided_slice %concatenate3A_2581 {offsets = [0, 0], sizes = [16, 1], strides = [1, 1]} : vector<16x128xf32> to vector<16x1xf32>
    %concatenate3A_2592 = tpu.concatenate %slice3A_2590, %slice3A_2591 in 1 : vector<16x127xf32>, vector<16x1xf32> -> vector<16x128xf32>
    %slice3A_2593 = vector.extract_strided_slice %concatenate3A_2584 {offsets = [0, 1], sizes = [16, 127], strides = [1, 1]} : vector<16x128xi32> to vector<16x127xi32>
    %slice3A_2594 = vector.extract_strided_slice %concatenate3A_2584 {offsets = [0, 0], sizes = [16, 1], strides = [1, 1]} : vector<16x128xi32> to vector<16x1xi32>
    %concatenate3A_2595 = tpu.concatenate %slice3A_2593, %slice3A_2594 in 1 : vector<16x127xi32>, vector<16x1xi32> -> vector<16x128xi32>
    %eq3A_2596 = arith.cmpi eq, %concatenate3A_2595, %iota3A : vector<16x128xi32>
    %jit3A_2597 = arith.constant 0.000000e+00 : f32
    %broadcast_in_dim3A_2598 = vector.broadcast %jit3A_2597 : f32 to vector<16x128xf32>
    %select_n3A_2599 = arith.select %eq3A_2596, %concatenate3A_2592, %broadcast_in_dim3A_2598 : vector<16x128xi1>, vector<16x128xf32>
    %add3A_2600 = arith.addf %add3A_2589, %select_n3A_2599 : vector<16x128xf32>
    %slice3A_2601 = vector.extract_strided_slice %concatenate3A_2592 {offsets = [0, 1], sizes = [16, 127], strides = [1, 1]} : vector<16x128xf32> to vector<16x127xf32>
    %slice3A_2602 = vector.extract_strided_slice %concatenate3A_2592 {offsets = [0, 0], sizes = [16, 1], strides = [1, 1]} : vector<16x128xf32> to vector<16x1xf32>
    %concatenate3A_2603 = tpu.concatenate %slice3A_2601, %slice3A_2602 in 1 : vector<16x127xf32>, vector<16x1xf32> -> vector<16x128xf32>
    %slice3A_2604 = vector.extract_strided_slice %concatenate3A_2595 {offsets = [0, 1], sizes = [16, 127], strides = [1, 1]} : vector<16x128xi32> to vector<16x127xi32>
    %slice3A_2605 = vector.extract_strided_slice %concatenate3A_2595 {offsets = [0, 0], sizes = [16, 1], strides = [1, 1]} : vector<16x128xi32> to vector<16x1xi32>
    %concatenate3A_2606 = tpu.concatenate %slice3A_2604, %slice3A_2605 in 1 : vector<16x127xi32>, vector<16x1xi32> -> vector<16x128xi32>
    %eq3A_2607 = arith.cmpi eq, %concatenate3A_2606, %iota3A : vector<16x128xi32>
    %jit3A_2608 = arith.constant 0.000000e+00 : f32
    %broadcast_in_dim3A_2609 = vector.broadcast %jit3A_2608 : f32 to vector<16x128xf32>
    %select_n3A_2610 = arith.select %eq3A_2607, %concatenate3A_2603, %broadcast_in_dim3A_2609 : vector<16x128xi1>, vector<16x128xf32>
    %add3A_2611 = arith.addf %add3A_2600, %select_n3A_2610 : vector<16x128xf32>
    %slice3A_2612 = vector.extract_strided_slice %concatenate3A_2603 {offsets = [0, 1], sizes = [16, 127], strides = [1, 1]} : vector<16x128xf32> to vector<16x127xf32>
    %slice3A_2613 = vector.extract_strided_slice %concatenate3A_2603 {offsets = [0, 0], sizes = [16, 1], strides = [1, 1]} : vector<16x128xf32> to vector<16x1xf32>
    %concatenate3A_2614 = tpu.concatenate %slice3A_2612, %slice3A_2613 in 1 : vector<16x127xf32>, vector<16x1xf32> -> vector<16x128xf32>
    %slice3A_2615 = vector.extract_strided_slice %concatenate3A_2606 {offsets = [0, 1], sizes = [16, 127], strides = [1, 1]} : vector<16x128xi32> to vector<16x127xi32>
    %slice3A_2616 = vector.extract_strided_slice %concatenate3A_2606 {offsets = [0, 0], sizes = [16, 1], strides = [1, 1]} : vector<16x128xi32> to vector<16x1xi32>
    %concatenate3A_2617 = tpu.concatenate %slice3A_2615, %slice3A_2616 in 1 : vector<16x127xi32>, vector<16x1xi32> -> vector<16x128xi32>
    %eq3A_2618 = arith.cmpi eq, %concatenate3A_2617, %iota3A : vector<16x128xi32>
    %jit3A_2619 = arith.constant 0.000000e+00 : f32
    %broadcast_in_dim3A_2620 = vector.broadcast %jit3A_2619 : f32 to vector<16x128xf32>
    %select_n3A_2621 = arith.select %eq3A_2618, %concatenate3A_2614, %broadcast_in_dim3A_2620 : vector<16x128xi1>, vector<16x128xf32>
    %add3A_2622 = arith.addf %add3A_2611, %select_n3A_2621 : vector<16x128xf32>
    %slice3A_2623 = vector.extract_strided_slice %concatenate3A_2614 {offsets = [0, 1], sizes = [16, 127], strides = [1, 1]} : vector<16x128xf32> to vector<16x127xf32>
    %slice3A_2624 = vector.extract_strided_slice %concatenate3A_2614 {offsets = [0, 0], sizes = [16, 1], strides = [1, 1]} : vector<16x128xf32> to vector<16x1xf32>
    %concatenate3A_2625 = tpu.concatenate %slice3A_2623, %slice3A_2624 in 1 : vector<16x127xf32>, vector<16x1xf32> -> vector<16x128xf32>
    %slice3A_2626 = vector.extract_strided_slice %concatenate3A_2617 {offsets = [0, 1], sizes = [16, 127], strides = [1, 1]} : vector<16x128xi32> to vector<16x127xi32>
    %slice3A_2627 = vector.extract_strided_slice %concatenate3A_2617 {offsets = [0, 0], sizes = [16, 1], strides = [1, 1]} : vector<16x128xi32> to vector<16x1xi32>
    %concatenate3A_2628 = tpu.concatenate %slice3A_2626, %slice3A_2627 in 1 : vector<16x127xi32>, vector<16x1xi32> -> vector<16x128xi32>
    %eq3A_2629 = arith.cmpi eq, %concatenate3A_2628, %iota3A : vector<16x128xi32>
    %jit3A_2630 = arith.constant 0.000000e+00 : f32
    %broadcast_in_dim3A_2631 = vector.broadcast %jit3A_2630 : f32 to vector<16x128xf32>
    %select_n3A_2632 = arith.select %eq3A_2629, %concatenate3A_2625, %broadcast_in_dim3A_2631 : vector<16x128xi1>, vector<16x128xf32>
    %add3A_2633 = arith.addf %add3A_2622, %select_n3A_2632 : vector<16x128xf32>
    %slice3A_2634 = vector.extract_strided_slice %concatenate3A_2625 {offsets = [0, 1], sizes = [16, 127], strides = [1, 1]} : vector<16x128xf32> to vector<16x127xf32>
    %slice3A_2635 = vector.extract_strided_slice %concatenate3A_2625 {offsets = [0, 0], sizes = [16, 1], strides = [1, 1]} : vector<16x128xf32> to vector<16x1xf32>
    %concatenate3A_2636 = tpu.concatenate %slice3A_2634, %slice3A_2635 in 1 : vector<16x127xf32>, vector<16x1xf32> -> vector<16x128xf32>
    %slice3A_2637 = vector.extract_strided_slice %concatenate3A_2628 {offsets = [0, 1], sizes = [16, 127], strides = [1, 1]} : vector<16x128xi32> to vector<16x127xi32>
    %slice3A_2638 = vector.extract_strided_slice %concatenate3A_2628 {offsets = [0, 0], sizes = [16, 1], strides = [1, 1]} : vector<16x128xi32> to vector<16x1xi32>
    %concatenate3A_2639 = tpu.concatenate %slice3A_2637, %slice3A_2638 in 1 : vector<16x127xi32>, vector<16x1xi32> -> vector<16x128xi32>
    %eq3A_2640 = arith.cmpi eq, %concatenate3A_2639, %iota3A : vector<16x128xi32>
    %jit3A_2641 = arith.constant 0.000000e+00 : f32
    %broadcast_in_dim3A_2642 = vector.broadcast %jit3A_2641 : f32 to vector<16x128xf32>
    %select_n3A_2643 = arith.select %eq3A_2640, %concatenate3A_2636, %broadcast_in_dim3A_2642 : vector<16x128xi1>, vector<16x128xf32>
    %add3A_2644 = arith.addf %add3A_2633, %select_n3A_2643 : vector<16x128xf32>
    %slice3A_2645 = vector.extract_strided_slice %concatenate3A_2636 {offsets = [0, 1], sizes = [16, 127], strides = [1, 1]} : vector<16x128xf32> to vector<16x127xf32>
    %slice3A_2646 = vector.extract_strided_slice %concatenate3A_2636 {offsets = [0, 0], sizes = [16, 1], strides = [1, 1]} : vector<16x128xf32> to vector<16x1xf32>
    %concatenate3A_2647 = tpu.concatenate %slice3A_2645, %slice3A_2646 in 1 : vector<16x127xf32>, vector<16x1xf32> -> vector<16x128xf32>
    %slice3A_2648 = vector.extract_strided_slice %concatenate3A_2639 {offsets = [0, 1], sizes = [16, 127], strides = [1, 1]} : vector<16x128xi32> to vector<16x127xi32>
    %slice3A_2649 = vector.extract_strided_slice %concatenate3A_2639 {offsets = [0, 0], sizes = [16, 1], strides = [1, 1]} : vector<16x128xi32> to vector<16x1xi32>
    %concatenate3A_2650 = tpu.concatenate %slice3A_2648, %slice3A_2649 in 1 : vector<16x127xi32>, vector<16x1xi32> -> vector<16x128xi32>
    %eq3A_2651 = arith.cmpi eq, %concatenate3A_2650, %iota3A : vector<16x128xi32>
    %jit3A_2652 = arith.constant 0.000000e+00 : f32
    %broadcast_in_dim3A_2653 = vector.broadcast %jit3A_2652 : f32 to vector<16x128xf32>
    %select_n3A_2654 = arith.select %eq3A_2651, %concatenate3A_2647, %broadcast_in_dim3A_2653 : vector<16x128xi1>, vector<16x128xf32>
    %add3A_2655 = arith.addf %add3A_2644, %select_n3A_2654 : vector<16x128xf32>
    %slice3A_2656 = vector.extract_strided_slice %concatenate3A_2647 {offsets = [0, 1], sizes = [16, 127], strides = [1, 1]} : vector<16x128xf32> to vector<16x127xf32>
    %slice3A_2657 = vector.extract_strided_slice %concatenate3A_2647 {offsets = [0, 0], sizes = [16, 1], strides = [1, 1]} : vector<16x128xf32> to vector<16x1xf32>
    %concatenate3A_2658 = tpu.concatenate %slice3A_2656, %slice3A_2657 in 1 : vector<16x127xf32>, vector<16x1xf32> -> vector<16x128xf32>
    %slice3A_2659 = vector.extract_strided_slice %concatenate3A_2650 {offsets = [0, 1], sizes = [16, 127], strides = [1, 1]} : vector<16x128xi32> to vector<16x127xi32>
    %slice3A_2660 = vector.extract_strided_slice %concatenate3A_2650 {offsets = [0, 0], sizes = [16, 1], strides = [1, 1]} : vector<16x128xi32> to vector<16x1xi32>
    %concatenate3A_2661 = tpu.concatenate %slice3A_2659, %slice3A_2660 in 1 : vector<16x127xi32>, vector<16x1xi32> -> vector<16x128xi32>
    %eq3A_2662 = arith.cmpi eq, %concatenate3A_2661, %iota3A : vector<16x128xi32>
    %jit3A_2663 = arith.constant 0.000000e+00 : f32
    %broadcast_in_dim3A_2664 = vector.broadcast %jit3A_2663 : f32 to vector<16x128xf32>
    %select_n3A_2665 = arith.select %eq3A_2662, %concatenate3A_2658, %broadcast_in_dim3A_2664 : vector<16x128xi1>, vector<16x128xf32>
    %add3A_2666 = arith.addf %add3A_2655, %select_n3A_2665 : vector<16x128xf32>
    %slice3A_2667 = vector.extract_strided_slice %concatenate3A_2658 {offsets = [0, 1], sizes = [16, 127], strides = [1, 1]} : vector<16x128xf32> to vector<16x127xf32>
    %slice3A_2668 = vector.extract_strided_slice %concatenate3A_2658 {offsets = [0, 0], sizes = [16, 1], strides = [1, 1]} : vector<16x128xf32> to vector<16x1xf32>
    %concatenate3A_2669 = tpu.concatenate %slice3A_2667, %slice3A_2668 in 1 : vector<16x127xf32>, vector<16x1xf32> -> vector<16x128xf32>
    %slice3A_2670 = vector.extract_strided_slice %concatenate3A_2661 {offsets = [0, 1], sizes = [16, 127], strides = [1, 1]} : vector<16x128xi32> to vector<16x127xi32>
    %slice3A_2671 = vector.extract_strided_slice %concatenate3A_2661 {offsets = [0, 0], sizes = [16, 1], strides = [1, 1]} : vector<16x128xi32> to vector<16x1xi32>
    %concatenate3A_2672 = tpu.concatenate %slice3A_2670, %slice3A_2671 in 1 : vector<16x127xi32>, vector<16x1xi32> -> vector<16x128xi32>
    %eq3A_2673 = arith.cmpi eq, %concatenate3A_2672, %iota3A : vector<16x128xi32>
    %jit3A_2674 = arith.constant 0.000000e+00 : f32
    %broadcast_in_dim3A_2675 = vector.broadcast %jit3A_2674 : f32 to vector<16x128xf32>
    %select_n3A_2676 = arith.select %eq3A_2673, %concatenate3A_2669, %broadcast_in_dim3A_2675 : vector<16x128xi1>, vector<16x128xf32>
    %add3A_2677 = arith.addf %add3A_2666, %select_n3A_2676 : vector<16x128xf32>
    %slice3A_2678 = vector.extract_strided_slice %concatenate3A_2669 {offsets = [0, 1], sizes = [16, 127], strides = [1, 1]} : vector<16x128xf32> to vector<16x127xf32>
    %slice3A_2679 = vector.extract_strided_slice %concatenate3A_2669 {offsets = [0, 0], sizes = [16, 1], strides = [1, 1]} : vector<16x128xf32> to vector<16x1xf32>
    %concatenate3A_2680 = tpu.concatenate %slice3A_2678, %slice3A_2679 in 1 : vector<16x127xf32>, vector<16x1xf32> -> vector<16x128xf32>
    %slice3A_2681 = vector.extract_strided_slice %concatenate3A_2672 {offsets = [0, 1], sizes = [16, 127], strides = [1, 1]} : vector<16x128xi32> to vector<16x127xi32>
    %slice3A_2682 = vector.extract_strided_slice %concatenate3A_2672 {offsets = [0, 0], sizes = [16, 1], strides = [1, 1]} : vector<16x128xi32> to vector<16x1xi32>
    %concatenate3A_2683 = tpu.concatenate %slice3A_2681, %slice3A_2682 in 1 : vector<16x127xi32>, vector<16x1xi32> -> vector<16x128xi32>
    %eq3A_2684 = arith.cmpi eq, %concatenate3A_2683, %iota3A : vector<16x128xi32>
    %jit3A_2685 = arith.constant 0.000000e+00 : f32
    %broadcast_in_dim3A_2686 = vector.broadcast %jit3A_2685 : f32 to vector<16x128xf32>
    %select_n3A_2687 = arith.select %eq3A_2684, %concatenate3A_2680, %broadcast_in_dim3A_2686 : vector<16x128xi1>, vector<16x128xf32>
    %add3A_2688 = arith.addf %add3A_2677, %select_n3A_2687 : vector<16x128xf32>
    %slice3A_2689 = vector.extract_strided_slice %concatenate3A_2680 {offsets = [0, 1], sizes = [16, 127], strides = [1, 1]} : vector<16x128xf32> to vector<16x127xf32>
    %slice3A_2690 = vector.extract_strided_slice %concatenate3A_2680 {offsets = [0, 0], sizes = [16, 1], strides = [1, 1]} : vector<16x128xf32> to vector<16x1xf32>
    %concatenate3A_2691 = tpu.concatenate %slice3A_2689, %slice3A_2690 in 1 : vector<16x127xf32>, vector<16x1xf32> -> vector<16x128xf32>
    %slice3A_2692 = vector.extract_strided_slice %concatenate3A_2683 {offsets = [0, 1], sizes = [16, 127], strides = [1, 1]} : vector<16x128xi32> to vector<16x127xi32>
    %slice3A_2693 = vector.extract_strided_slice %concatenate3A_2683 {offsets = [0, 0], sizes = [16, 1], strides = [1, 1]} : vector<16x128xi32> to vector<16x1xi32>
    %concatenate3A_2694 = tpu.concatenate %slice3A_2692, %slice3A_2693 in 1 : vector<16x127xi32>, vector<16x1xi32> -> vector<16x128xi32>
    %eq3A_2695 = arith.cmpi eq, %concatenate3A_2694, %iota3A : vector<16x128xi32>
    %jit3A_2696 = arith.constant 0.000000e+00 : f32
    %broadcast_in_dim3A_2697 = vector.broadcast %jit3A_2696 : f32 to vector<16x128xf32>
    %select_n3A_2698 = arith.select %eq3A_2695, %concatenate3A_2691, %broadcast_in_dim3A_2697 : vector<16x128xi1>, vector<16x128xf32>
    %add3A_2699 = arith.addf %add3A_2688, %select_n3A_2698 : vector<16x128xf32>
    %slice3A_2700 = vector.extract_strided_slice %concatenate3A_2691 {offsets = [0, 1], sizes = [16, 127], strides = [1, 1]} : vector<16x128xf32> to vector<16x127xf32>
    %slice3A_2701 = vector.extract_strided_slice %concatenate3A_2691 {offsets = [0, 0], sizes = [16, 1], strides = [1, 1]} : vector<16x128xf32> to vector<16x1xf32>
    %concatenate3A_2702 = tpu.concatenate %slice3A_2700, %slice3A_2701 in 1 : vector<16x127xf32>, vector<16x1xf32> -> vector<16x128xf32>
    %slice3A_2703 = vector.extract_strided_slice %concatenate3A_2694 {offsets = [0, 1], sizes = [16, 127], strides = [1, 1]} : vector<16x128xi32> to vector<16x127xi32>
    %slice3A_2704 = vector.extract_strided_slice %concatenate3A_2694 {offsets = [0, 0], sizes = [16, 1], strides = [1, 1]} : vector<16x128xi32> to vector<16x1xi32>
    %concatenate3A_2705 = tpu.concatenate %slice3A_2703, %slice3A_2704 in 1 : vector<16x127xi32>, vector<16x1xi32> -> vector<16x128xi32>
    %eq3A_2706 = arith.cmpi eq, %concatenate3A_2705, %iota3A : vector<16x128xi32>
    %jit3A_2707 = arith.constant 0.000000e+00 : f32
    %broadcast_in_dim3A_2708 = vector.broadcast %jit3A_2707 : f32 to vector<16x128xf32>
    %select_n3A_2709 = arith.select %eq3A_2706, %concatenate3A_2702, %broadcast_in_dim3A_2708 : vector<16x128xi1>, vector<16x128xf32>
    %add3A_2710 = arith.addf %add3A_2699, %select_n3A_2709 : vector<16x128xf32>
    %slice3A_2711 = vector.extract_strided_slice %concatenate3A_2702 {offsets = [0, 1], sizes = [16, 127], strides = [1, 1]} : vector<16x128xf32> to vector<16x127xf32>
    %slice3A_2712 = vector.extract_strided_slice %concatenate3A_2702 {offsets = [0, 0], sizes = [16, 1], strides = [1, 1]} : vector<16x128xf32> to vector<16x1xf32>
    %concatenate3A_2713 = tpu.concatenate %slice3A_2711, %slice3A_2712 in 1 : vector<16x127xf32>, vector<16x1xf32> -> vector<16x128xf32>
    %slice3A_2714 = vector.extract_strided_slice %concatenate3A_2705 {offsets = [0, 1], sizes = [16, 127], strides = [1, 1]} : vector<16x128xi32> to vector<16x127xi32>
    %slice3A_2715 = vector.extract_strided_slice %concatenate3A_2705 {offsets = [0, 0], sizes = [16, 1], strides = [1, 1]} : vector<16x128xi32> to vector<16x1xi32>
    %concatenate3A_2716 = tpu.concatenate %slice3A_2714, %slice3A_2715 in 1 : vector<16x127xi32>, vector<16x1xi32> -> vector<16x128xi32>
    %eq3A_2717 = arith.cmpi eq, %concatenate3A_2716, %iota3A : vector<16x128xi32>
    %jit3A_2718 = arith.constant 0.000000e+00 : f32
    %broadcast_in_dim3A_2719 = vector.broadcast %jit3A_2718 : f32 to vector<16x128xf32>
    %select_n3A_2720 = arith.select %eq3A_2717, %concatenate3A_2713, %broadcast_in_dim3A_2719 : vector<16x128xi1>, vector<16x128xf32>
    %add3A_2721 = arith.addf %add3A_2710, %select_n3A_2720 : vector<16x128xf32>
    %slice3A_2722 = vector.extract_strided_slice %concatenate3A_2713 {offsets = [0, 1], sizes = [16, 127], strides = [1, 1]} : vector<16x128xf32> to vector<16x127xf32>
    %slice3A_2723 = vector.extract_strided_slice %concatenate3A_2713 {offsets = [0, 0], sizes = [16, 1], strides = [1, 1]} : vector<16x128xf32> to vector<16x1xf32>
    %concatenate3A_2724 = tpu.concatenate %slice3A_2722, %slice3A_2723 in 1 : vector<16x127xf32>, vector<16x1xf32> -> vector<16x128xf32>
    %slice3A_2725 = vector.extract_strided_slice %concatenate3A_2716 {offsets = [0, 1], sizes = [16, 127], strides = [1, 1]} : vector<16x128xi32> to vector<16x127xi32>
    %slice3A_2726 = vector.extract_strided_slice %concatenate3A_2716 {offsets = [0, 0], sizes = [16, 1], strides = [1, 1]} : vector<16x128xi32> to vector<16x1xi32>
    %concatenate3A_2727 = tpu.concatenate %slice3A_2725, %slice3A_2726 in 1 : vector<16x127xi32>, vector<16x1xi32> -> vector<16x128xi32>
    %eq3A_2728 = arith.cmpi eq, %concatenate3A_2727, %iota3A : vector<16x128xi32>
    %jit3A_2729 = arith.constant 0.000000e+00 : f32
    %broadcast_in_dim3A_2730 = vector.broadcast %jit3A_2729 : f32 to vector<16x128xf32>
    %select_n3A_2731 = arith.select %eq3A_2728, %concatenate3A_2724, %broadcast_in_dim3A_2730 : vector<16x128xi1>, vector<16x128xf32>
    %add3A_2732 = arith.addf %add3A_2721, %select_n3A_2731 : vector<16x128xf32>
    %slice3A_2733 = vector.extract_strided_slice %concatenate3A_2724 {offsets = [0, 1], sizes = [16, 127], strides = [1, 1]} : vector<16x128xf32> to vector<16x127xf32>
    %slice3A_2734 = vector.extract_strided_slice %concatenate3A_2724 {offsets = [0, 0], sizes = [16, 1], strides = [1, 1]} : vector<16x128xf32> to vector<16x1xf32>
    %concatenate3A_2735 = tpu.concatenate %slice3A_2733, %slice3A_2734 in 1 : vector<16x127xf32>, vector<16x1xf32> -> vector<16x128xf32>
    %slice3A_2736 = vector.extract_strided_slice %concatenate3A_2727 {offsets = [0, 1], sizes = [16, 127], strides = [1, 1]} : vector<16x128xi32> to vector<16x127xi32>
    %slice3A_2737 = vector.extract_strided_slice %concatenate3A_2727 {offsets = [0, 0], sizes = [16, 1], strides = [1, 1]} : vector<16x128xi32> to vector<16x1xi32>
    %concatenate3A_2738 = tpu.concatenate %slice3A_2736, %slice3A_2737 in 1 : vector<16x127xi32>, vector<16x1xi32> -> vector<16x128xi32>
    %eq3A_2739 = arith.cmpi eq, %concatenate3A_2738, %iota3A : vector<16x128xi32>
    %jit3A_2740 = arith.constant 0.000000e+00 : f32
    %broadcast_in_dim3A_2741 = vector.broadcast %jit3A_2740 : f32 to vector<16x128xf32>
    %select_n3A_2742 = arith.select %eq3A_2739, %concatenate3A_2735, %broadcast_in_dim3A_2741 : vector<16x128xi1>, vector<16x128xf32>
    %add3A_2743 = arith.addf %add3A_2732, %select_n3A_2742 : vector<16x128xf32>
    %slice3A_2744 = vector.extract_strided_slice %concatenate3A_2735 {offsets = [0, 1], sizes = [16, 127], strides = [1, 1]} : vector<16x128xf32> to vector<16x127xf32>
    %slice3A_2745 = vector.extract_strided_slice %concatenate3A_2735 {offsets = [0, 0], sizes = [16, 1], strides = [1, 1]} : vector<16x128xf32> to vector<16x1xf32>
    %concatenate3A_2746 = tpu.concatenate %slice3A_2744, %slice3A_2745 in 1 : vector<16x127xf32>, vector<16x1xf32> -> vector<16x128xf32>
    %slice3A_2747 = vector.extract_strided_slice %concatenate3A_2738 {offsets = [0, 1], sizes = [16, 127], strides = [1, 1]} : vector<16x128xi32> to vector<16x127xi32>
    %slice3A_2748 = vector.extract_strided_slice %concatenate3A_2738 {offsets = [0, 0], sizes = [16, 1], strides = [1, 1]} : vector<16x128xi32> to vector<16x1xi32>
    %concatenate3A_2749 = tpu.concatenate %slice3A_2747, %slice3A_2748 in 1 : vector<16x127xi32>, vector<16x1xi32> -> vector<16x128xi32>
    %eq3A_2750 = arith.cmpi eq, %concatenate3A_2749, %iota3A : vector<16x128xi32>
    %jit3A_2751 = arith.constant 0.000000e+00 : f32
    %broadcast_in_dim3A_2752 = vector.broadcast %jit3A_2751 : f32 to vector<16x128xf32>
    %select_n3A_2753 = arith.select %eq3A_2750, %concatenate3A_2746, %broadcast_in_dim3A_2752 : vector<16x128xi1>, vector<16x128xf32>
    %add3A_2754 = arith.addf %add3A_2743, %select_n3A_2753 : vector<16x128xf32>
    %slice3A_2755 = vector.extract_strided_slice %concatenate3A_2746 {offsets = [0, 1], sizes = [16, 127], strides = [1, 1]} : vector<16x128xf32> to vector<16x127xf32>
    %slice3A_2756 = vector.extract_strided_slice %concatenate3A_2746 {offsets = [0, 0], sizes = [16, 1], strides = [1, 1]} : vector<16x128xf32> to vector<16x1xf32>
    %concatenate3A_2757 = tpu.concatenate %slice3A_2755, %slice3A_2756 in 1 : vector<16x127xf32>, vector<16x1xf32> -> vector<16x128xf32>
    %slice3A_2758 = vector.extract_strided_slice %concatenate3A_2749 {offsets = [0, 1], sizes = [16, 127], strides = [1, 1]} : vector<16x128xi32> to vector<16x127xi32>
    %slice3A_2759 = vector.extract_strided_slice %concatenate3A_2749 {offsets = [0, 0], sizes = [16, 1], strides = [1, 1]} : vector<16x128xi32> to vector<16x1xi32>
    %concatenate3A_2760 = tpu.concatenate %slice3A_2758, %slice3A_2759 in 1 : vector<16x127xi32>, vector<16x1xi32> -> vector<16x128xi32>
    %eq3A_2761 = arith.cmpi eq, %concatenate3A_2760, %iota3A : vector<16x128xi32>
    %jit3A_2762 = arith.constant 0.000000e+00 : f32
    %broadcast_in_dim3A_2763 = vector.broadcast %jit3A_2762 : f32 to vector<16x128xf32>
    %select_n3A_2764 = arith.select %eq3A_2761, %concatenate3A_2757, %broadcast_in_dim3A_2763 : vector<16x128xi1>, vector<16x128xf32>
    %add3A_2765 = arith.addf %add3A_2754, %select_n3A_2764 : vector<16x128xf32>
    %slice3A_2766 = vector.extract_strided_slice %concatenate3A_2757 {offsets = [0, 1], sizes = [16, 127], strides = [1, 1]} : vector<16x128xf32> to vector<16x127xf32>
    %slice3A_2767 = vector.extract_strided_slice %concatenate3A_2757 {offsets = [0, 0], sizes = [16, 1], strides = [1, 1]} : vector<16x128xf32> to vector<16x1xf32>
    %concatenate3A_2768 = tpu.concatenate %slice3A_2766, %slice3A_2767 in 1 : vector<16x127xf32>, vector<16x1xf32> -> vector<16x128xf32>
    %slice3A_2769 = vector.extract_strided_slice %concatenate3A_2760 {offsets = [0, 1], sizes = [16, 127], strides = [1, 1]} : vector<16x128xi32> to vector<16x127xi32>
    %slice3A_2770 = vector.extract_strided_slice %concatenate3A_2760 {offsets = [0, 0], sizes = [16, 1], strides = [1, 1]} : vector<16x128xi32> to vector<16x1xi32>
    %concatenate3A_2771 = tpu.concatenate %slice3A_2769, %slice3A_2770 in 1 : vector<16x127xi32>, vector<16x1xi32> -> vector<16x128xi32>
    %eq3A_2772 = arith.cmpi eq, %concatenate3A_2771, %iota3A : vector<16x128xi32>
    %jit3A_2773 = arith.constant 0.000000e+00 : f32
    %broadcast_in_dim3A_2774 = vector.broadcast %jit3A_2773 : f32 to vector<16x128xf32>
    %select_n3A_2775 = arith.select %eq3A_2772, %concatenate3A_2768, %broadcast_in_dim3A_2774 : vector<16x128xi1>, vector<16x128xf32>
    %add3A_2776 = arith.addf %add3A_2765, %select_n3A_2775 : vector<16x128xf32>
    %slice3A_2777 = vector.extract_strided_slice %concatenate3A_2768 {offsets = [0, 1], sizes = [16, 127], strides = [1, 1]} : vector<16x128xf32> to vector<16x127xf32>
    %slice3A_2778 = vector.extract_strided_slice %concatenate3A_2768 {offsets = [0, 0], sizes = [16, 1], strides = [1, 1]} : vector<16x128xf32> to vector<16x1xf32>
    %concatenate3A_2779 = tpu.concatenate %slice3A_2777, %slice3A_2778 in 1 : vector<16x127xf32>, vector<16x1xf32> -> vector<16x128xf32>
    %slice3A_2780 = vector.extract_strided_slice %concatenate3A_2771 {offsets = [0, 1], sizes = [16, 127], strides = [1, 1]} : vector<16x128xi32> to vector<16x127xi32>
    %slice3A_2781 = vector.extract_strided_slice %concatenate3A_2771 {offsets = [0, 0], sizes = [16, 1], strides = [1, 1]} : vector<16x128xi32> to vector<16x1xi32>
    %concatenate3A_2782 = tpu.concatenate %slice3A_2780, %slice3A_2781 in 1 : vector<16x127xi32>, vector<16x1xi32> -> vector<16x128xi32>
    %eq3A_2783 = arith.cmpi eq, %concatenate3A_2782, %iota3A : vector<16x128xi32>
    %jit3A_2784 = arith.constant 0.000000e+00 : f32
    %broadcast_in_dim3A_2785 = vector.broadcast %jit3A_2784 : f32 to vector<16x128xf32>
    %select_n3A_2786 = arith.select %eq3A_2783, %concatenate3A_2779, %broadcast_in_dim3A_2785 : vector<16x128xi1>, vector<16x128xf32>
    %add3A_2787 = arith.addf %add3A_2776, %select_n3A_2786 : vector<16x128xf32>
    %slice3A_2788 = vector.extract_strided_slice %concatenate3A_2779 {offsets = [0, 1], sizes = [16, 127], strides = [1, 1]} : vector<16x128xf32> to vector<16x127xf32>
    %slice3A_2789 = vector.extract_strided_slice %concatenate3A_2779 {offsets = [0, 0], sizes = [16, 1], strides = [1, 1]} : vector<16x128xf32> to vector<16x1xf32>
    %concatenate3A_2790 = tpu.concatenate %slice3A_2788, %slice3A_2789 in 1 : vector<16x127xf32>, vector<16x1xf32> -> vector<16x128xf32>
    %slice3A_2791 = vector.extract_strided_slice %concatenate3A_2782 {offsets = [0, 1], sizes = [16, 127], strides = [1, 1]} : vector<16x128xi32> to vector<16x127xi32>
    %slice3A_2792 = vector.extract_strided_slice %concatenate3A_2782 {offsets = [0, 0], sizes = [16, 1], strides = [1, 1]} : vector<16x128xi32> to vector<16x1xi32>
    %concatenate3A_2793 = tpu.concatenate %slice3A_2791, %slice3A_2792 in 1 : vector<16x127xi32>, vector<16x1xi32> -> vector<16x128xi32>
    %eq3A_2794 = arith.cmpi eq, %concatenate3A_2793, %iota3A : vector<16x128xi32>
    %jit3A_2795 = arith.constant 0.000000e+00 : f32
    %broadcast_in_dim3A_2796 = vector.broadcast %jit3A_2795 : f32 to vector<16x128xf32>
    %select_n3A_2797 = arith.select %eq3A_2794, %concatenate3A_2790, %broadcast_in_dim3A_2796 : vector<16x128xi1>, vector<16x128xf32>
    %add3A_2798 = arith.addf %add3A_2787, %select_n3A_2797 : vector<16x128xf32>
    %slice3A_2799 = vector.extract_strided_slice %concatenate3A_2790 {offsets = [0, 1], sizes = [16, 127], strides = [1, 1]} : vector<16x128xf32> to vector<16x127xf32>
    %slice3A_2800 = vector.extract_strided_slice %concatenate3A_2790 {offsets = [0, 0], sizes = [16, 1], strides = [1, 1]} : vector<16x128xf32> to vector<16x1xf32>
    %concatenate3A_2801 = tpu.concatenate %slice3A_2799, %slice3A_2800 in 1 : vector<16x127xf32>, vector<16x1xf32> -> vector<16x128xf32>
    %slice3A_2802 = vector.extract_strided_slice %concatenate3A_2793 {offsets = [0, 1], sizes = [16, 127], strides = [1, 1]} : vector<16x128xi32> to vector<16x127xi32>
    %slice3A_2803 = vector.extract_strided_slice %concatenate3A_2793 {offsets = [0, 0], sizes = [16, 1], strides = [1, 1]} : vector<16x128xi32> to vector<16x1xi32>
    %concatenate3A_2804 = tpu.concatenate %slice3A_2802, %slice3A_2803 in 1 : vector<16x127xi32>, vector<16x1xi32> -> vector<16x128xi32>
    %eq3A_2805 = arith.cmpi eq, %concatenate3A_2804, %iota3A : vector<16x128xi32>
    %jit3A_2806 = arith.constant 0.000000e+00 : f32
    %broadcast_in_dim3A_2807 = vector.broadcast %jit3A_2806 : f32 to vector<16x128xf32>
    %select_n3A_2808 = arith.select %eq3A_2805, %concatenate3A_2801, %broadcast_in_dim3A_2807 : vector<16x128xi1>, vector<16x128xf32>
    %add3A_2809 = arith.addf %add3A_2798, %select_n3A_2808 : vector<16x128xf32>
    %slice3A_2810 = vector.extract_strided_slice %concatenate3A_2801 {offsets = [0, 1], sizes = [16, 127], strides = [1, 1]} : vector<16x128xf32> to vector<16x127xf32>
    %slice3A_2811 = vector.extract_strided_slice %concatenate3A_2801 {offsets = [0, 0], sizes = [16, 1], strides = [1, 1]} : vector<16x128xf32> to vector<16x1xf32>
    %concatenate3A_2812 = tpu.concatenate %slice3A_2810, %slice3A_2811 in 1 : vector<16x127xf32>, vector<16x1xf32> -> vector<16x128xf32>
    %slice3A_2813 = vector.extract_strided_slice %concatenate3A_2804 {offsets = [0, 1], sizes = [16, 127], strides = [1, 1]} : vector<16x128xi32> to vector<16x127xi32>
    %slice3A_2814 = vector.extract_strided_slice %concatenate3A_2804 {offsets = [0, 0], sizes = [16, 1], strides = [1, 1]} : vector<16x128xi32> to vector<16x1xi32>
    %concatenate3A_2815 = tpu.concatenate %slice3A_2813, %slice3A_2814 in 1 : vector<16x127xi32>, vector<16x1xi32> -> vector<16x128xi32>
    %eq3A_2816 = arith.cmpi eq, %concatenate3A_2815, %iota3A : vector<16x128xi32>
    %jit3A_2817 = arith.constant 0.000000e+00 : f32
    %broadcast_in_dim3A_2818 = vector.broadcast %jit3A_2817 : f32 to vector<16x128xf32>
    %select_n3A_2819 = arith.select %eq3A_2816, %concatenate3A_2812, %broadcast_in_dim3A_2818 : vector<16x128xi1>, vector<16x128xf32>
    %add3A_2820 = arith.addf %add3A_2809, %select_n3A_2819 : vector<16x128xf32>
    %slice3A_2821 = vector.extract_strided_slice %concatenate3A_2812 {offsets = [0, 1], sizes = [16, 127], strides = [1, 1]} : vector<16x128xf32> to vector<16x127xf32>
    %slice3A_2822 = vector.extract_strided_slice %concatenate3A_2812 {offsets = [0, 0], sizes = [16, 1], strides = [1, 1]} : vector<16x128xf32> to vector<16x1xf32>
    %concatenate3A_2823 = tpu.concatenate %slice3A_2821, %slice3A_2822 in 1 : vector<16x127xf32>, vector<16x1xf32> -> vector<16x128xf32>
    %slice3A_2824 = vector.extract_strided_slice %concatenate3A_2815 {offsets = [0, 1], sizes = [16, 127], strides = [1, 1]} : vector<16x128xi32> to vector<16x127xi32>
    %slice3A_2825 = vector.extract_strided_slice %concatenate3A_2815 {offsets = [0, 0], sizes = [16, 1], strides = [1, 1]} : vector<16x128xi32> to vector<16x1xi32>
    %concatenate3A_2826 = tpu.concatenate %slice3A_2824, %slice3A_2825 in 1 : vector<16x127xi32>, vector<16x1xi32> -> vector<16x128xi32>
    %eq3A_2827 = arith.cmpi eq, %concatenate3A_2826, %iota3A : vector<16x128xi32>
    %jit3A_2828 = arith.constant 0.000000e+00 : f32
    %broadcast_in_dim3A_2829 = vector.broadcast %jit3A_2828 : f32 to vector<16x128xf32>
    %select_n3A_2830 = arith.select %eq3A_2827, %concatenate3A_2823, %broadcast_in_dim3A_2829 : vector<16x128xi1>, vector<16x128xf32>
    %add3A_2831 = arith.addf %add3A_2820, %select_n3A_2830 : vector<16x128xf32>
    %slice3A_2832 = vector.extract_strided_slice %concatenate3A_2823 {offsets = [0, 1], sizes = [16, 127], strides = [1, 1]} : vector<16x128xf32> to vector<16x127xf32>
    %slice3A_2833 = vector.extract_strided_slice %concatenate3A_2823 {offsets = [0, 0], sizes = [16, 1], strides = [1, 1]} : vector<16x128xf32> to vector<16x1xf32>
    %concatenate3A_2834 = tpu.concatenate %slice3A_2832, %slice3A_2833 in 1 : vector<16x127xf32>, vector<16x1xf32> -> vector<16x128xf32>
    %slice3A_2835 = vector.extract_strided_slice %concatenate3A_2826 {offsets = [0, 1], sizes = [16, 127], strides = [1, 1]} : vector<16x128xi32> to vector<16x127xi32>
    %slice3A_2836 = vector.extract_strided_slice %concatenate3A_2826 {offsets = [0, 0], sizes = [16, 1], strides = [1, 1]} : vector<16x128xi32> to vector<16x1xi32>
    %concatenate3A_2837 = tpu.concatenate %slice3A_2835, %slice3A_2836 in 1 : vector<16x127xi32>, vector<16x1xi32> -> vector<16x128xi32>
    %eq3A_2838 = arith.cmpi eq, %concatenate3A_2837, %iota3A : vector<16x128xi32>
    %jit3A_2839 = arith.constant 0.000000e+00 : f32
    %broadcast_in_dim3A_2840 = vector.broadcast %jit3A_2839 : f32 to vector<16x128xf32>
    %select_n3A_2841 = arith.select %eq3A_2838, %concatenate3A_2834, %broadcast_in_dim3A_2840 : vector<16x128xi1>, vector<16x128xf32>
    %add3A_2842 = arith.addf %add3A_2831, %select_n3A_2841 : vector<16x128xf32>
    %slice3A_2843 = vector.extract_strided_slice %concatenate3A_2834 {offsets = [0, 1], sizes = [16, 127], strides = [1, 1]} : vector<16x128xf32> to vector<16x127xf32>
    %slice3A_2844 = vector.extract_strided_slice %concatenate3A_2834 {offsets = [0, 0], sizes = [16, 1], strides = [1, 1]} : vector<16x128xf32> to vector<16x1xf32>
    %concatenate3A_2845 = tpu.concatenate %slice3A_2843, %slice3A_2844 in 1 : vector<16x127xf32>, vector<16x1xf32> -> vector<16x128xf32>
    %slice3A_2846 = vector.extract_strided_slice %concatenate3A_2837 {offsets = [0, 1], sizes = [16, 127], strides = [1, 1]} : vector<16x128xi32> to vector<16x127xi32>
    %slice3A_2847 = vector.extract_strided_slice %concatenate3A_2837 {offsets = [0, 0], sizes = [16, 1], strides = [1, 1]} : vector<16x128xi32> to vector<16x1xi32>
    %concatenate3A_2848 = tpu.concatenate %slice3A_2846, %slice3A_2847 in 1 : vector<16x127xi32>, vector<16x1xi32> -> vector<16x128xi32>
    %eq3A_2849 = arith.cmpi eq, %concatenate3A_2848, %iota3A : vector<16x128xi32>
    %jit3A_2850 = arith.constant 0.000000e+00 : f32
    %broadcast_in_dim3A_2851 = vector.broadcast %jit3A_2850 : f32 to vector<16x128xf32>
    %select_n3A_2852 = arith.select %eq3A_2849, %concatenate3A_2845, %broadcast_in_dim3A_2851 : vector<16x128xi1>, vector<16x128xf32>
    %add3A_2853 = arith.addf %add3A_2842, %select_n3A_2852 : vector<16x128xf32>
    %slice3A_2854 = vector.extract_strided_slice %concatenate3A_2845 {offsets = [0, 1], sizes = [16, 127], strides = [1, 1]} : vector<16x128xf32> to vector<16x127xf32>
    %slice3A_2855 = vector.extract_strided_slice %concatenate3A_2845 {offsets = [0, 0], sizes = [16, 1], strides = [1, 1]} : vector<16x128xf32> to vector<16x1xf32>
    %concatenate3A_2856 = tpu.concatenate %slice3A_2854, %slice3A_2855 in 1 : vector<16x127xf32>, vector<16x1xf32> -> vector<16x128xf32>
    %slice3A_2857 = vector.extract_strided_slice %concatenate3A_2848 {offsets = [0, 1], sizes = [16, 127], strides = [1, 1]} : vector<16x128xi32> to vector<16x127xi32>
    %slice3A_2858 = vector.extract_strided_slice %concatenate3A_2848 {offsets = [0, 0], sizes = [16, 1], strides = [1, 1]} : vector<16x128xi32> to vector<16x1xi32>
    %concatenate3A_2859 = tpu.concatenate %slice3A_2857, %slice3A_2858 in 1 : vector<16x127xi32>, vector<16x1xi32> -> vector<16x128xi32>
    %eq3A_2860 = arith.cmpi eq, %concatenate3A_2859, %iota3A : vector<16x128xi32>
    %jit3A_2861 = arith.constant 0.000000e+00 : f32
    %broadcast_in_dim3A_2862 = vector.broadcast %jit3A_2861 : f32 to vector<16x128xf32>
    %select_n3A_2863 = arith.select %eq3A_2860, %concatenate3A_2856, %broadcast_in_dim3A_2862 : vector<16x128xi1>, vector<16x128xf32>
    %add3A_2864 = arith.addf %add3A_2853, %select_n3A_2863 : vector<16x128xf32>
    %slice3A_2865 = vector.extract_strided_slice %concatenate3A_2856 {offsets = [0, 1], sizes = [16, 127], strides = [1, 1]} : vector<16x128xf32> to vector<16x127xf32>
    %slice3A_2866 = vector.extract_strided_slice %concatenate3A_2856 {offsets = [0, 0], sizes = [16, 1], strides = [1, 1]} : vector<16x128xf32> to vector<16x1xf32>
    %concatenate3A_2867 = tpu.concatenate %slice3A_2865, %slice3A_2866 in 1 : vector<16x127xf32>, vector<16x1xf32> -> vector<16x128xf32>
    %slice3A_2868 = vector.extract_strided_slice %concatenate3A_2859 {offsets = [0, 1], sizes = [16, 127], strides = [1, 1]} : vector<16x128xi32> to vector<16x127xi32>
    %slice3A_2869 = vector.extract_strided_slice %concatenate3A_2859 {offsets = [0, 0], sizes = [16, 1], strides = [1, 1]} : vector<16x128xi32> to vector<16x1xi32>
    %concatenate3A_2870 = tpu.concatenate %slice3A_2868, %slice3A_2869 in 1 : vector<16x127xi32>, vector<16x1xi32> -> vector<16x128xi32>
    %eq3A_2871 = arith.cmpi eq, %concatenate3A_2870, %iota3A : vector<16x128xi32>
    %jit3A_2872 = arith.constant 0.000000e+00 : f32
    %broadcast_in_dim3A_2873 = vector.broadcast %jit3A_2872 : f32 to vector<16x128xf32>
    %select_n3A_2874 = arith.select %eq3A_2871, %concatenate3A_2867, %broadcast_in_dim3A_2873 : vector<16x128xi1>, vector<16x128xf32>
    %add3A_2875 = arith.addf %add3A_2864, %select_n3A_2874 : vector<16x128xf32>
    %slice3A_2876 = vector.extract_strided_slice %concatenate3A_2867 {offsets = [0, 1], sizes = [16, 127], strides = [1, 1]} : vector<16x128xf32> to vector<16x127xf32>
    %slice3A_2877 = vector.extract_strided_slice %concatenate3A_2867 {offsets = [0, 0], sizes = [16, 1], strides = [1, 1]} : vector<16x128xf32> to vector<16x1xf32>
    %concatenate3A_2878 = tpu.concatenate %slice3A_2876, %slice3A_2877 in 1 : vector<16x127xf32>, vector<16x1xf32> -> vector<16x128xf32>
    %slice3A_2879 = vector.extract_strided_slice %concatenate3A_2870 {offsets = [0, 1], sizes = [16, 127], strides = [1, 1]} : vector<16x128xi32> to vector<16x127xi32>
    %slice3A_2880 = vector.extract_strided_slice %concatenate3A_2870 {offsets = [0, 0], sizes = [16, 1], strides = [1, 1]} : vector<16x128xi32> to vector<16x1xi32>
    %concatenate3A_2881 = tpu.concatenate %slice3A_2879, %slice3A_2880 in 1 : vector<16x127xi32>, vector<16x1xi32> -> vector<16x128xi32>
    %eq3A_2882 = arith.cmpi eq, %concatenate3A_2881, %iota3A : vector<16x128xi32>
    %jit3A_2883 = arith.constant 0.000000e+00 : f32
    %broadcast_in_dim3A_2884 = vector.broadcast %jit3A_2883 : f32 to vector<16x128xf32>
    %select_n3A_2885 = arith.select %eq3A_2882, %concatenate3A_2878, %broadcast_in_dim3A_2884 : vector<16x128xi1>, vector<16x128xf32>
    %add3A_2886 = arith.addf %add3A_2875, %select_n3A_2885 : vector<16x128xf32>
    %slice3A_2887 = vector.extract_strided_slice %concatenate3A_2878 {offsets = [0, 1], sizes = [16, 127], strides = [1, 1]} : vector<16x128xf32> to vector<16x127xf32>
    %slice3A_2888 = vector.extract_strided_slice %concatenate3A_2878 {offsets = [0, 0], sizes = [16, 1], strides = [1, 1]} : vector<16x128xf32> to vector<16x1xf32>
    %concatenate3A_2889 = tpu.concatenate %slice3A_2887, %slice3A_2888 in 1 : vector<16x127xf32>, vector<16x1xf32> -> vector<16x128xf32>
    %slice3A_2890 = vector.extract_strided_slice %concatenate3A_2881 {offsets = [0, 1], sizes = [16, 127], strides = [1, 1]} : vector<16x128xi32> to vector<16x127xi32>
    %slice3A_2891 = vector.extract_strided_slice %concatenate3A_2881 {offsets = [0, 0], sizes = [16, 1], strides = [1, 1]} : vector<16x128xi32> to vector<16x1xi32>
    %concatenate3A_2892 = tpu.concatenate %slice3A_2890, %slice3A_2891 in 1 : vector<16x127xi32>, vector<16x1xi32> -> vector<16x128xi32>
    %eq3A_2893 = arith.cmpi eq, %concatenate3A_2892, %iota3A : vector<16x128xi32>
    %jit3A_2894 = arith.constant 0.000000e+00 : f32
    %broadcast_in_dim3A_2895 = vector.broadcast %jit3A_2894 : f32 to vector<16x128xf32>
    %select_n3A_2896 = arith.select %eq3A_2893, %concatenate3A_2889, %broadcast_in_dim3A_2895 : vector<16x128xi1>, vector<16x128xf32>
    %add3A_2897 = arith.addf %add3A_2886, %select_n3A_2896 : vector<16x128xf32>
    %slice3A_2898 = vector.extract_strided_slice %concatenate3A_2889 {offsets = [0, 1], sizes = [16, 127], strides = [1, 1]} : vector<16x128xf32> to vector<16x127xf32>
    %slice3A_2899 = vector.extract_strided_slice %concatenate3A_2889 {offsets = [0, 0], sizes = [16, 1], strides = [1, 1]} : vector<16x128xf32> to vector<16x1xf32>
    %concatenate3A_2900 = tpu.concatenate %slice3A_2898, %slice3A_2899 in 1 : vector<16x127xf32>, vector<16x1xf32> -> vector<16x128xf32>
    %slice3A_2901 = vector.extract_strided_slice %concatenate3A_2892 {offsets = [0, 1], sizes = [16, 127], strides = [1, 1]} : vector<16x128xi32> to vector<16x127xi32>
    %slice3A_2902 = vector.extract_strided_slice %concatenate3A_2892 {offsets = [0, 0], sizes = [16, 1], strides = [1, 1]} : vector<16x128xi32> to vector<16x1xi32>
    %concatenate3A_2903 = tpu.concatenate %slice3A_2901, %slice3A_2902 in 1 : vector<16x127xi32>, vector<16x1xi32> -> vector<16x128xi32>
    %eq3A_2904 = arith.cmpi eq, %concatenate3A_2903, %iota3A : vector<16x128xi32>
    %jit3A_2905 = arith.constant 0.000000e+00 : f32
    %broadcast_in_dim3A_2906 = vector.broadcast %jit3A_2905 : f32 to vector<16x128xf32>
    %select_n3A_2907 = arith.select %eq3A_2904, %concatenate3A_2900, %broadcast_in_dim3A_2906 : vector<16x128xi1>, vector<16x128xf32>
    %add3A_2908 = arith.addf %add3A_2897, %select_n3A_2907 : vector<16x128xf32>
    %slice3A_2909 = vector.extract_strided_slice %concatenate3A_2900 {offsets = [0, 1], sizes = [16, 127], strides = [1, 1]} : vector<16x128xf32> to vector<16x127xf32>
    %slice3A_2910 = vector.extract_strided_slice %concatenate3A_2900 {offsets = [0, 0], sizes = [16, 1], strides = [1, 1]} : vector<16x128xf32> to vector<16x1xf32>
    %concatenate3A_2911 = tpu.concatenate %slice3A_2909, %slice3A_2910 in 1 : vector<16x127xf32>, vector<16x1xf32> -> vector<16x128xf32>
    %slice3A_2912 = vector.extract_strided_slice %concatenate3A_2903 {offsets = [0, 1], sizes = [16, 127], strides = [1, 1]} : vector<16x128xi32> to vector<16x127xi32>
    %slice3A_2913 = vector.extract_strided_slice %concatenate3A_2903 {offsets = [0, 0], sizes = [16, 1], strides = [1, 1]} : vector<16x128xi32> to vector<16x1xi32>
    %concatenate3A_2914 = tpu.concatenate %slice3A_2912, %slice3A_2913 in 1 : vector<16x127xi32>, vector<16x1xi32> -> vector<16x128xi32>
    %eq3A_2915 = arith.cmpi eq, %concatenate3A_2914, %iota3A : vector<16x128xi32>
    %jit3A_2916 = arith.constant 0.000000e+00 : f32
    %broadcast_in_dim3A_2917 = vector.broadcast %jit3A_2916 : f32 to vector<16x128xf32>
    %select_n3A_2918 = arith.select %eq3A_2915, %concatenate3A_2911, %broadcast_in_dim3A_2917 : vector<16x128xi1>, vector<16x128xf32>
    %add3A_2919 = arith.addf %add3A_2908, %select_n3A_2918 : vector<16x128xf32>
    %slice3A_2920 = vector.extract_strided_slice %concatenate3A_2911 {offsets = [0, 1], sizes = [16, 127], strides = [1, 1]} : vector<16x128xf32> to vector<16x127xf32>
    %slice3A_2921 = vector.extract_strided_slice %concatenate3A_2911 {offsets = [0, 0], sizes = [16, 1], strides = [1, 1]} : vector<16x128xf32> to vector<16x1xf32>
    %concatenate3A_2922 = tpu.concatenate %slice3A_2920, %slice3A_2921 in 1 : vector<16x127xf32>, vector<16x1xf32> -> vector<16x128xf32>
    %slice3A_2923 = vector.extract_strided_slice %concatenate3A_2914 {offsets = [0, 1], sizes = [16, 127], strides = [1, 1]} : vector<16x128xi32> to vector<16x127xi32>
    %slice3A_2924 = vector.extract_strided_slice %concatenate3A_2914 {offsets = [0, 0], sizes = [16, 1], strides = [1, 1]} : vector<16x128xi32> to vector<16x1xi32>
    %concatenate3A_2925 = tpu.concatenate %slice3A_2923, %slice3A_2924 in 1 : vector<16x127xi32>, vector<16x1xi32> -> vector<16x128xi32>
    %eq3A_2926 = arith.cmpi eq, %concatenate3A_2925, %iota3A : vector<16x128xi32>
    %jit3A_2927 = arith.constant 0.000000e+00 : f32
    %broadcast_in_dim3A_2928 = vector.broadcast %jit3A_2927 : f32 to vector<16x128xf32>
    %select_n3A_2929 = arith.select %eq3A_2926, %concatenate3A_2922, %broadcast_in_dim3A_2928 : vector<16x128xi1>, vector<16x128xf32>
    %add3A_2930 = arith.addf %add3A_2919, %select_n3A_2929 : vector<16x128xf32>
    %slice3A_2931 = vector.extract_strided_slice %concatenate3A_2922 {offsets = [0, 1], sizes = [16, 127], strides = [1, 1]} : vector<16x128xf32> to vector<16x127xf32>
    %slice3A_2932 = vector.extract_strided_slice %concatenate3A_2922 {offsets = [0, 0], sizes = [16, 1], strides = [1, 1]} : vector<16x128xf32> to vector<16x1xf32>
    %concatenate3A_2933 = tpu.concatenate %slice3A_2931, %slice3A_2932 in 1 : vector<16x127xf32>, vector<16x1xf32> -> vector<16x128xf32>
    %slice3A_2934 = vector.extract_strided_slice %concatenate3A_2925 {offsets = [0, 1], sizes = [16, 127], strides = [1, 1]} : vector<16x128xi32> to vector<16x127xi32>
    %slice3A_2935 = vector.extract_strided_slice %concatenate3A_2925 {offsets = [0, 0], sizes = [16, 1], strides = [1, 1]} : vector<16x128xi32> to vector<16x1xi32>
    %concatenate3A_2936 = tpu.concatenate %slice3A_2934, %slice3A_2935 in 1 : vector<16x127xi32>, vector<16x1xi32> -> vector<16x128xi32>
    %eq3A_2937 = arith.cmpi eq, %concatenate3A_2936, %iota3A : vector<16x128xi32>
    %jit3A_2938 = arith.constant 0.000000e+00 : f32
    %broadcast_in_dim3A_2939 = vector.broadcast %jit3A_2938 : f32 to vector<16x128xf32>
    %select_n3A_2940 = arith.select %eq3A_2937, %concatenate3A_2933, %broadcast_in_dim3A_2939 : vector<16x128xi1>, vector<16x128xf32>
    %add3A_2941 = arith.addf %add3A_2930, %select_n3A_2940 : vector<16x128xf32>
    %slice3A_2942 = vector.extract_strided_slice %concatenate3A_2933 {offsets = [0, 1], sizes = [16, 127], strides = [1, 1]} : vector<16x128xf32> to vector<16x127xf32>
    %slice3A_2943 = vector.extract_strided_slice %concatenate3A_2933 {offsets = [0, 0], sizes = [16, 1], strides = [1, 1]} : vector<16x128xf32> to vector<16x1xf32>
    %concatenate3A_2944 = tpu.concatenate %slice3A_2942, %slice3A_2943 in 1 : vector<16x127xf32>, vector<16x1xf32> -> vector<16x128xf32>
    %slice3A_2945 = vector.extract_strided_slice %concatenate3A_2936 {offsets = [0, 1], sizes = [16, 127], strides = [1, 1]} : vector<16x128xi32> to vector<16x127xi32>
    %slice3A_2946 = vector.extract_strided_slice %concatenate3A_2936 {offsets = [0, 0], sizes = [16, 1], strides = [1, 1]} : vector<16x128xi32> to vector<16x1xi32>
    %concatenate3A_2947 = tpu.concatenate %slice3A_2945, %slice3A_2946 in 1 : vector<16x127xi32>, vector<16x1xi32> -> vector<16x128xi32>
    %eq3A_2948 = arith.cmpi eq, %concatenate3A_2947, %iota3A : vector<16x128xi32>
    %jit3A_2949 = arith.constant 0.000000e+00 : f32
    %broadcast_in_dim3A_2950 = vector.broadcast %jit3A_2949 : f32 to vector<16x128xf32>
    %select_n3A_2951 = arith.select %eq3A_2948, %concatenate3A_2944, %broadcast_in_dim3A_2950 : vector<16x128xi1>, vector<16x128xf32>
    %add3A_2952 = arith.addf %add3A_2941, %select_n3A_2951 : vector<16x128xf32>
    %slice3A_2953 = vector.extract_strided_slice %concatenate3A_2944 {offsets = [0, 1], sizes = [16, 127], strides = [1, 1]} : vector<16x128xf32> to vector<16x127xf32>
    %slice3A_2954 = vector.extract_strided_slice %concatenate3A_2944 {offsets = [0, 0], sizes = [16, 1], strides = [1, 1]} : vector<16x128xf32> to vector<16x1xf32>
    %concatenate3A_2955 = tpu.concatenate %slice3A_2953, %slice3A_2954 in 1 : vector<16x127xf32>, vector<16x1xf32> -> vector<16x128xf32>
    %slice3A_2956 = vector.extract_strided_slice %concatenate3A_2947 {offsets = [0, 1], sizes = [16, 127], strides = [1, 1]} : vector<16x128xi32> to vector<16x127xi32>
    %slice3A_2957 = vector.extract_strided_slice %concatenate3A_2947 {offsets = [0, 0], sizes = [16, 1], strides = [1, 1]} : vector<16x128xi32> to vector<16x1xi32>
    %concatenate3A_2958 = tpu.concatenate %slice3A_2956, %slice3A_2957 in 1 : vector<16x127xi32>, vector<16x1xi32> -> vector<16x128xi32>
    %eq3A_2959 = arith.cmpi eq, %concatenate3A_2958, %iota3A : vector<16x128xi32>
    %jit3A_2960 = arith.constant 0.000000e+00 : f32
    %broadcast_in_dim3A_2961 = vector.broadcast %jit3A_2960 : f32 to vector<16x128xf32>
    %select_n3A_2962 = arith.select %eq3A_2959, %concatenate3A_2955, %broadcast_in_dim3A_2961 : vector<16x128xi1>, vector<16x128xf32>
    %add3A_2963 = arith.addf %add3A_2952, %select_n3A_2962 : vector<16x128xf32>
    %slice3A_2964 = vector.extract_strided_slice %concatenate3A_2955 {offsets = [0, 1], sizes = [16, 127], strides = [1, 1]} : vector<16x128xf32> to vector<16x127xf32>
    %slice3A_2965 = vector.extract_strided_slice %concatenate3A_2955 {offsets = [0, 0], sizes = [16, 1], strides = [1, 1]} : vector<16x128xf32> to vector<16x1xf32>
    %concatenate3A_2966 = tpu.concatenate %slice3A_2964, %slice3A_2965 in 1 : vector<16x127xf32>, vector<16x1xf32> -> vector<16x128xf32>
    %slice3A_2967 = vector.extract_strided_slice %concatenate3A_2958 {offsets = [0, 1], sizes = [16, 127], strides = [1, 1]} : vector<16x128xi32> to vector<16x127xi32>
    %slice3A_2968 = vector.extract_strided_slice %concatenate3A_2958 {offsets = [0, 0], sizes = [16, 1], strides = [1, 1]} : vector<16x128xi32> to vector<16x1xi32>
    %concatenate3A_2969 = tpu.concatenate %slice3A_2967, %slice3A_2968 in 1 : vector<16x127xi32>, vector<16x1xi32> -> vector<16x128xi32>
    %eq3A_2970 = arith.cmpi eq, %concatenate3A_2969, %iota3A : vector<16x128xi32>
    %jit3A_2971 = arith.constant 0.000000e+00 : f32
    %broadcast_in_dim3A_2972 = vector.broadcast %jit3A_2971 : f32 to vector<16x128xf32>
    %select_n3A_2973 = arith.select %eq3A_2970, %concatenate3A_2966, %broadcast_in_dim3A_2972 : vector<16x128xi1>, vector<16x128xf32>
    %add3A_2974 = arith.addf %add3A_2963, %select_n3A_2973 : vector<16x128xf32>
    %slice3A_2975 = vector.extract_strided_slice %concatenate3A_2966 {offsets = [0, 1], sizes = [16, 127], strides = [1, 1]} : vector<16x128xf32> to vector<16x127xf32>
    %slice3A_2976 = vector.extract_strided_slice %concatenate3A_2966 {offsets = [0, 0], sizes = [16, 1], strides = [1, 1]} : vector<16x128xf32> to vector<16x1xf32>
    %concatenate3A_2977 = tpu.concatenate %slice3A_2975, %slice3A_2976 in 1 : vector<16x127xf32>, vector<16x1xf32> -> vector<16x128xf32>
    %slice3A_2978 = vector.extract_strided_slice %concatenate3A_2969 {offsets = [0, 1], sizes = [16, 127], strides = [1, 1]} : vector<16x128xi32> to vector<16x127xi32>
    %slice3A_2979 = vector.extract_strided_slice %concatenate3A_2969 {offsets = [0, 0], sizes = [16, 1], strides = [1, 1]} : vector<16x128xi32> to vector<16x1xi32>
    %concatenate3A_2980 = tpu.concatenate %slice3A_2978, %slice3A_2979 in 1 : vector<16x127xi32>, vector<16x1xi32> -> vector<16x128xi32>
    %eq3A_2981 = arith.cmpi eq, %concatenate3A_2980, %iota3A : vector<16x128xi32>
    %jit3A_2982 = arith.constant 0.000000e+00 : f32
    %broadcast_in_dim3A_2983 = vector.broadcast %jit3A_2982 : f32 to vector<16x128xf32>
    %select_n3A_2984 = arith.select %eq3A_2981, %concatenate3A_2977, %broadcast_in_dim3A_2983 : vector<16x128xi1>, vector<16x128xf32>
    %add3A_2985 = arith.addf %add3A_2974, %select_n3A_2984 : vector<16x128xf32>
    %slice3A_2986 = vector.extract_strided_slice %concatenate3A_2977 {offsets = [0, 1], sizes = [16, 127], strides = [1, 1]} : vector<16x128xf32> to vector<16x127xf32>
    %slice3A_2987 = vector.extract_strided_slice %concatenate3A_2977 {offsets = [0, 0], sizes = [16, 1], strides = [1, 1]} : vector<16x128xf32> to vector<16x1xf32>
    %concatenate3A_2988 = tpu.concatenate %slice3A_2986, %slice3A_2987 in 1 : vector<16x127xf32>, vector<16x1xf32> -> vector<16x128xf32>
    %slice3A_2989 = vector.extract_strided_slice %concatenate3A_2980 {offsets = [0, 1], sizes = [16, 127], strides = [1, 1]} : vector<16x128xi32> to vector<16x127xi32>
    %slice3A_2990 = vector.extract_strided_slice %concatenate3A_2980 {offsets = [0, 0], sizes = [16, 1], strides = [1, 1]} : vector<16x128xi32> to vector<16x1xi32>
    %concatenate3A_2991 = tpu.concatenate %slice3A_2989, %slice3A_2990 in 1 : vector<16x127xi32>, vector<16x1xi32> -> vector<16x128xi32>
    %eq3A_2992 = arith.cmpi eq, %concatenate3A_2991, %iota3A : vector<16x128xi32>
    %jit3A_2993 = arith.constant 0.000000e+00 : f32
    %broadcast_in_dim3A_2994 = vector.broadcast %jit3A_2993 : f32 to vector<16x128xf32>
    %select_n3A_2995 = arith.select %eq3A_2992, %concatenate3A_2988, %broadcast_in_dim3A_2994 : vector<16x128xi1>, vector<16x128xf32>
    %add3A_2996 = arith.addf %add3A_2985, %select_n3A_2995 : vector<16x128xf32>
    %slice3A_2997 = vector.extract_strided_slice %concatenate3A_2988 {offsets = [0, 1], sizes = [16, 127], strides = [1, 1]} : vector<16x128xf32> to vector<16x127xf32>
    %slice3A_2998 = vector.extract_strided_slice %concatenate3A_2988 {offsets = [0, 0], sizes = [16, 1], strides = [1, 1]} : vector<16x128xf32> to vector<16x1xf32>
    %concatenate3A_2999 = tpu.concatenate %slice3A_2997, %slice3A_2998 in 1 : vector<16x127xf32>, vector<16x1xf32> -> vector<16x128xf32>
    %slice3A_3000 = vector.extract_strided_slice %concatenate3A_2991 {offsets = [0, 1], sizes = [16, 127], strides = [1, 1]} : vector<16x128xi32> to vector<16x127xi32>
    %slice3A_3001 = vector.extract_strided_slice %concatenate3A_2991 {offsets = [0, 0], sizes = [16, 1], strides = [1, 1]} : vector<16x128xi32> to vector<16x1xi32>
    %concatenate3A_3002 = tpu.concatenate %slice3A_3000, %slice3A_3001 in 1 : vector<16x127xi32>, vector<16x1xi32> -> vector<16x128xi32>
    %eq3A_3003 = arith.cmpi eq, %concatenate3A_3002, %iota3A : vector<16x128xi32>
    %jit3A_3004 = arith.constant 0.000000e+00 : f32
    %broadcast_in_dim3A_3005 = vector.broadcast %jit3A_3004 : f32 to vector<16x128xf32>
    %select_n3A_3006 = arith.select %eq3A_3003, %concatenate3A_2999, %broadcast_in_dim3A_3005 : vector<16x128xi1>, vector<16x128xf32>
    %add3A_3007 = arith.addf %add3A_2996, %select_n3A_3006 : vector<16x128xf32>
    %slice3A_3008 = vector.extract_strided_slice %concatenate3A_2999 {offsets = [0, 1], sizes = [16, 127], strides = [1, 1]} : vector<16x128xf32> to vector<16x127xf32>
    %slice3A_3009 = vector.extract_strided_slice %concatenate3A_2999 {offsets = [0, 0], sizes = [16, 1], strides = [1, 1]} : vector<16x128xf32> to vector<16x1xf32>
    %concatenate3A_3010 = tpu.concatenate %slice3A_3008, %slice3A_3009 in 1 : vector<16x127xf32>, vector<16x1xf32> -> vector<16x128xf32>
    %slice3A_3011 = vector.extract_strided_slice %concatenate3A_3002 {offsets = [0, 1], sizes = [16, 127], strides = [1, 1]} : vector<16x128xi32> to vector<16x127xi32>
    %slice3A_3012 = vector.extract_strided_slice %concatenate3A_3002 {offsets = [0, 0], sizes = [16, 1], strides = [1, 1]} : vector<16x128xi32> to vector<16x1xi32>
    %concatenate3A_3013 = tpu.concatenate %slice3A_3011, %slice3A_3012 in 1 : vector<16x127xi32>, vector<16x1xi32> -> vector<16x128xi32>
    %eq3A_3014 = arith.cmpi eq, %concatenate3A_3013, %iota3A : vector<16x128xi32>
    %jit3A_3015 = arith.constant 0.000000e+00 : f32
    %broadcast_in_dim3A_3016 = vector.broadcast %jit3A_3015 : f32 to vector<16x128xf32>
    %select_n3A_3017 = arith.select %eq3A_3014, %concatenate3A_3010, %broadcast_in_dim3A_3016 : vector<16x128xi1>, vector<16x128xf32>
    %add3A_3018 = arith.addf %add3A_3007, %select_n3A_3017 : vector<16x128xf32>
    %slice3A_3019 = vector.extract_strided_slice %concatenate3A_3010 {offsets = [0, 1], sizes = [16, 127], strides = [1, 1]} : vector<16x128xf32> to vector<16x127xf32>
    %slice3A_3020 = vector.extract_strided_slice %concatenate3A_3010 {offsets = [0, 0], sizes = [16, 1], strides = [1, 1]} : vector<16x128xf32> to vector<16x1xf32>
    %concatenate3A_3021 = tpu.concatenate %slice3A_3019, %slice3A_3020 in 1 : vector<16x127xf32>, vector<16x1xf32> -> vector<16x128xf32>
    %slice3A_3022 = vector.extract_strided_slice %concatenate3A_3013 {offsets = [0, 1], sizes = [16, 127], strides = [1, 1]} : vector<16x128xi32> to vector<16x127xi32>
    %slice3A_3023 = vector.extract_strided_slice %concatenate3A_3013 {offsets = [0, 0], sizes = [16, 1], strides = [1, 1]} : vector<16x128xi32> to vector<16x1xi32>
    %concatenate3A_3024 = tpu.concatenate %slice3A_3022, %slice3A_3023 in 1 : vector<16x127xi32>, vector<16x1xi32> -> vector<16x128xi32>
    %eq3A_3025 = arith.cmpi eq, %concatenate3A_3024, %iota3A : vector<16x128xi32>
    %jit3A_3026 = arith.constant 0.000000e+00 : f32
    %broadcast_in_dim3A_3027 = vector.broadcast %jit3A_3026 : f32 to vector<16x128xf32>
    %select_n3A_3028 = arith.select %eq3A_3025, %concatenate3A_3021, %broadcast_in_dim3A_3027 : vector<16x128xi1>, vector<16x128xf32>
    %add3A_3029 = arith.addf %add3A_3018, %select_n3A_3028 : vector<16x128xf32>
    %slice3A_3030 = vector.extract_strided_slice %concatenate3A_3021 {offsets = [0, 1], sizes = [16, 127], strides = [1, 1]} : vector<16x128xf32> to vector<16x127xf32>
    %slice3A_3031 = vector.extract_strided_slice %concatenate3A_3021 {offsets = [0, 0], sizes = [16, 1], strides = [1, 1]} : vector<16x128xf32> to vector<16x1xf32>
    %concatenate3A_3032 = tpu.concatenate %slice3A_3030, %slice3A_3031 in 1 : vector<16x127xf32>, vector<16x1xf32> -> vector<16x128xf32>
    %slice3A_3033 = vector.extract_strided_slice %concatenate3A_3024 {offsets = [0, 1], sizes = [16, 127], strides = [1, 1]} : vector<16x128xi32> to vector<16x127xi32>
    %slice3A_3034 = vector.extract_strided_slice %concatenate3A_3024 {offsets = [0, 0], sizes = [16, 1], strides = [1, 1]} : vector<16x128xi32> to vector<16x1xi32>
    %concatenate3A_3035 = tpu.concatenate %slice3A_3033, %slice3A_3034 in 1 : vector<16x127xi32>, vector<16x1xi32> -> vector<16x128xi32>
    %eq3A_3036 = arith.cmpi eq, %concatenate3A_3035, %iota3A : vector<16x128xi32>
    %jit3A_3037 = arith.constant 0.000000e+00 : f32
    %broadcast_in_dim3A_3038 = vector.broadcast %jit3A_3037 : f32 to vector<16x128xf32>
    %select_n3A_3039 = arith.select %eq3A_3036, %concatenate3A_3032, %broadcast_in_dim3A_3038 : vector<16x128xi1>, vector<16x128xf32>
    %add3A_3040 = arith.addf %add3A_3029, %select_n3A_3039 : vector<16x128xf32>
    %slice3A_3041 = vector.extract_strided_slice %concatenate3A_3032 {offsets = [0, 1], sizes = [16, 127], strides = [1, 1]} : vector<16x128xf32> to vector<16x127xf32>
    %slice3A_3042 = vector.extract_strided_slice %concatenate3A_3032 {offsets = [0, 0], sizes = [16, 1], strides = [1, 1]} : vector<16x128xf32> to vector<16x1xf32>
    %concatenate3A_3043 = tpu.concatenate %slice3A_3041, %slice3A_3042 in 1 : vector<16x127xf32>, vector<16x1xf32> -> vector<16x128xf32>
    %slice3A_3044 = vector.extract_strided_slice %concatenate3A_3035 {offsets = [0, 1], sizes = [16, 127], strides = [1, 1]} : vector<16x128xi32> to vector<16x127xi32>
    %slice3A_3045 = vector.extract_strided_slice %concatenate3A_3035 {offsets = [0, 0], sizes = [16, 1], strides = [1, 1]} : vector<16x128xi32> to vector<16x1xi32>
    %concatenate3A_3046 = tpu.concatenate %slice3A_3044, %slice3A_3045 in 1 : vector<16x127xi32>, vector<16x1xi32> -> vector<16x128xi32>
    %eq3A_3047 = arith.cmpi eq, %concatenate3A_3046, %iota3A : vector<16x128xi32>
    %jit3A_3048 = arith.constant 0.000000e+00 : f32
    %broadcast_in_dim3A_3049 = vector.broadcast %jit3A_3048 : f32 to vector<16x128xf32>
    %select_n3A_3050 = arith.select %eq3A_3047, %concatenate3A_3043, %broadcast_in_dim3A_3049 : vector<16x128xi1>, vector<16x128xf32>
    %add3A_3051 = arith.addf %add3A_3040, %select_n3A_3050 : vector<16x128xf32>
    %slice3A_3052 = vector.extract_strided_slice %concatenate3A_3043 {offsets = [0, 1], sizes = [16, 127], strides = [1, 1]} : vector<16x128xf32> to vector<16x127xf32>
    %slice3A_3053 = vector.extract_strided_slice %concatenate3A_3043 {offsets = [0, 0], sizes = [16, 1], strides = [1, 1]} : vector<16x128xf32> to vector<16x1xf32>
    %concatenate3A_3054 = tpu.concatenate %slice3A_3052, %slice3A_3053 in 1 : vector<16x127xf32>, vector<16x1xf32> -> vector<16x128xf32>
    %slice3A_3055 = vector.extract_strided_slice %concatenate3A_3046 {offsets = [0, 1], sizes = [16, 127], strides = [1, 1]} : vector<16x128xi32> to vector<16x127xi32>
    %slice3A_3056 = vector.extract_strided_slice %concatenate3A_3046 {offsets = [0, 0], sizes = [16, 1], strides = [1, 1]} : vector<16x128xi32> to vector<16x1xi32>
    %concatenate3A_3057 = tpu.concatenate %slice3A_3055, %slice3A_3056 in 1 : vector<16x127xi32>, vector<16x1xi32> -> vector<16x128xi32>
    %eq3A_3058 = arith.cmpi eq, %concatenate3A_3057, %iota3A : vector<16x128xi32>
    %jit3A_3059 = arith.constant 0.000000e+00 : f32
    %broadcast_in_dim3A_3060 = vector.broadcast %jit3A_3059 : f32 to vector<16x128xf32>
    %select_n3A_3061 = arith.select %eq3A_3058, %concatenate3A_3054, %broadcast_in_dim3A_3060 : vector<16x128xi1>, vector<16x128xf32>
    %add3A_3062 = arith.addf %add3A_3051, %select_n3A_3061 : vector<16x128xf32>
    %slice3A_3063 = vector.extract_strided_slice %concatenate3A_3054 {offsets = [0, 1], sizes = [16, 127], strides = [1, 1]} : vector<16x128xf32> to vector<16x127xf32>
    %slice3A_3064 = vector.extract_strided_slice %concatenate3A_3054 {offsets = [0, 0], sizes = [16, 1], strides = [1, 1]} : vector<16x128xf32> to vector<16x1xf32>
    %concatenate3A_3065 = tpu.concatenate %slice3A_3063, %slice3A_3064 in 1 : vector<16x127xf32>, vector<16x1xf32> -> vector<16x128xf32>
    %slice3A_3066 = vector.extract_strided_slice %concatenate3A_3057 {offsets = [0, 1], sizes = [16, 127], strides = [1, 1]} : vector<16x128xi32> to vector<16x127xi32>
    %slice3A_3067 = vector.extract_strided_slice %concatenate3A_3057 {offsets = [0, 0], sizes = [16, 1], strides = [1, 1]} : vector<16x128xi32> to vector<16x1xi32>
    %concatenate3A_3068 = tpu.concatenate %slice3A_3066, %slice3A_3067 in 1 : vector<16x127xi32>, vector<16x1xi32> -> vector<16x128xi32>
    %eq3A_3069 = arith.cmpi eq, %concatenate3A_3068, %iota3A : vector<16x128xi32>
    %jit3A_3070 = arith.constant 0.000000e+00 : f32
    %broadcast_in_dim3A_3071 = vector.broadcast %jit3A_3070 : f32 to vector<16x128xf32>
    %select_n3A_3072 = arith.select %eq3A_3069, %concatenate3A_3065, %broadcast_in_dim3A_3071 : vector<16x128xi1>, vector<16x128xf32>
    %add3A_3073 = arith.addf %add3A_3062, %select_n3A_3072 : vector<16x128xf32>
    %slice3A_3074 = vector.extract_strided_slice %concatenate3A_3065 {offsets = [0, 1], sizes = [16, 127], strides = [1, 1]} : vector<16x128xf32> to vector<16x127xf32>
    %slice3A_3075 = vector.extract_strided_slice %concatenate3A_3065 {offsets = [0, 0], sizes = [16, 1], strides = [1, 1]} : vector<16x128xf32> to vector<16x1xf32>
    %concatenate3A_3076 = tpu.concatenate %slice3A_3074, %slice3A_3075 in 1 : vector<16x127xf32>, vector<16x1xf32> -> vector<16x128xf32>
    %slice3A_3077 = vector.extract_strided_slice %concatenate3A_3068 {offsets = [0, 1], sizes = [16, 127], strides = [1, 1]} : vector<16x128xi32> to vector<16x127xi32>
    %slice3A_3078 = vector.extract_strided_slice %concatenate3A_3068 {offsets = [0, 0], sizes = [16, 1], strides = [1, 1]} : vector<16x128xi32> to vector<16x1xi32>
    %concatenate3A_3079 = tpu.concatenate %slice3A_3077, %slice3A_3078 in 1 : vector<16x127xi32>, vector<16x1xi32> -> vector<16x128xi32>
    %eq3A_3080 = arith.cmpi eq, %concatenate3A_3079, %iota3A : vector<16x128xi32>
    %jit3A_3081 = arith.constant 0.000000e+00 : f32
    %broadcast_in_dim3A_3082 = vector.broadcast %jit3A_3081 : f32 to vector<16x128xf32>
    %select_n3A_3083 = arith.select %eq3A_3080, %concatenate3A_3076, %broadcast_in_dim3A_3082 : vector<16x128xi1>, vector<16x128xf32>
    %add3A_3084 = arith.addf %add3A_3073, %select_n3A_3083 : vector<16x128xf32>
    %slice3A_3085 = vector.extract_strided_slice %concatenate3A_3076 {offsets = [0, 1], sizes = [16, 127], strides = [1, 1]} : vector<16x128xf32> to vector<16x127xf32>
    %slice3A_3086 = vector.extract_strided_slice %concatenate3A_3076 {offsets = [0, 0], sizes = [16, 1], strides = [1, 1]} : vector<16x128xf32> to vector<16x1xf32>
    %concatenate3A_3087 = tpu.concatenate %slice3A_3085, %slice3A_3086 in 1 : vector<16x127xf32>, vector<16x1xf32> -> vector<16x128xf32>
    %slice3A_3088 = vector.extract_strided_slice %concatenate3A_3079 {offsets = [0, 1], sizes = [16, 127], strides = [1, 1]} : vector<16x128xi32> to vector<16x127xi32>
    %slice3A_3089 = vector.extract_strided_slice %concatenate3A_3079 {offsets = [0, 0], sizes = [16, 1], strides = [1, 1]} : vector<16x128xi32> to vector<16x1xi32>
    %concatenate3A_3090 = tpu.concatenate %slice3A_3088, %slice3A_3089 in 1 : vector<16x127xi32>, vector<16x1xi32> -> vector<16x128xi32>
    %eq3A_3091 = arith.cmpi eq, %concatenate3A_3090, %iota3A : vector<16x128xi32>
    %jit3A_3092 = arith.constant 0.000000e+00 : f32
    %broadcast_in_dim3A_3093 = vector.broadcast %jit3A_3092 : f32 to vector<16x128xf32>
    %select_n3A_3094 = arith.select %eq3A_3091, %concatenate3A_3087, %broadcast_in_dim3A_3093 : vector<16x128xi1>, vector<16x128xf32>
    %add3A_3095 = arith.addf %add3A_3084, %select_n3A_3094 : vector<16x128xf32>
    %slice3A_3096 = vector.extract_strided_slice %concatenate3A_3087 {offsets = [0, 1], sizes = [16, 127], strides = [1, 1]} : vector<16x128xf32> to vector<16x127xf32>
    %slice3A_3097 = vector.extract_strided_slice %concatenate3A_3087 {offsets = [0, 0], sizes = [16, 1], strides = [1, 1]} : vector<16x128xf32> to vector<16x1xf32>
    %concatenate3A_3098 = tpu.concatenate %slice3A_3096, %slice3A_3097 in 1 : vector<16x127xf32>, vector<16x1xf32> -> vector<16x128xf32>
    %slice3A_3099 = vector.extract_strided_slice %concatenate3A_3090 {offsets = [0, 1], sizes = [16, 127], strides = [1, 1]} : vector<16x128xi32> to vector<16x127xi32>
    %slice3A_3100 = vector.extract_strided_slice %concatenate3A_3090 {offsets = [0, 0], sizes = [16, 1], strides = [1, 1]} : vector<16x128xi32> to vector<16x1xi32>
    %concatenate3A_3101 = tpu.concatenate %slice3A_3099, %slice3A_3100 in 1 : vector<16x127xi32>, vector<16x1xi32> -> vector<16x128xi32>
    %eq3A_3102 = arith.cmpi eq, %concatenate3A_3101, %iota3A : vector<16x128xi32>
    %jit3A_3103 = arith.constant 0.000000e+00 : f32
    %broadcast_in_dim3A_3104 = vector.broadcast %jit3A_3103 : f32 to vector<16x128xf32>
    %select_n3A_3105 = arith.select %eq3A_3102, %concatenate3A_3098, %broadcast_in_dim3A_3104 : vector<16x128xi1>, vector<16x128xf32>
    %add3A_3106 = arith.addf %add3A_3095, %select_n3A_3105 : vector<16x128xf32>
    %slice3A_3107 = vector.extract_strided_slice %concatenate3A_3098 {offsets = [0, 1], sizes = [16, 127], strides = [1, 1]} : vector<16x128xf32> to vector<16x127xf32>
    %slice3A_3108 = vector.extract_strided_slice %concatenate3A_3098 {offsets = [0, 0], sizes = [16, 1], strides = [1, 1]} : vector<16x128xf32> to vector<16x1xf32>
    %concatenate3A_3109 = tpu.concatenate %slice3A_3107, %slice3A_3108 in 1 : vector<16x127xf32>, vector<16x1xf32> -> vector<16x128xf32>
    %slice3A_3110 = vector.extract_strided_slice %concatenate3A_3101 {offsets = [0, 1], sizes = [16, 127], strides = [1, 1]} : vector<16x128xi32> to vector<16x127xi32>
    %slice3A_3111 = vector.extract_strided_slice %concatenate3A_3101 {offsets = [0, 0], sizes = [16, 1], strides = [1, 1]} : vector<16x128xi32> to vector<16x1xi32>
    %concatenate3A_3112 = tpu.concatenate %slice3A_3110, %slice3A_3111 in 1 : vector<16x127xi32>, vector<16x1xi32> -> vector<16x128xi32>
    %eq3A_3113 = arith.cmpi eq, %concatenate3A_3112, %iota3A : vector<16x128xi32>
    %jit3A_3114 = arith.constant 0.000000e+00 : f32
    %broadcast_in_dim3A_3115 = vector.broadcast %jit3A_3114 : f32 to vector<16x128xf32>
    %select_n3A_3116 = arith.select %eq3A_3113, %concatenate3A_3109, %broadcast_in_dim3A_3115 : vector<16x128xi1>, vector<16x128xf32>
    %add3A_3117 = arith.addf %add3A_3106, %select_n3A_3116 : vector<16x128xf32>
    %slice3A_3118 = vector.extract_strided_slice %concatenate3A_3109 {offsets = [0, 1], sizes = [16, 127], strides = [1, 1]} : vector<16x128xf32> to vector<16x127xf32>
    %slice3A_3119 = vector.extract_strided_slice %concatenate3A_3109 {offsets = [0, 0], sizes = [16, 1], strides = [1, 1]} : vector<16x128xf32> to vector<16x1xf32>
    %concatenate3A_3120 = tpu.concatenate %slice3A_3118, %slice3A_3119 in 1 : vector<16x127xf32>, vector<16x1xf32> -> vector<16x128xf32>
    %slice3A_3121 = vector.extract_strided_slice %concatenate3A_3112 {offsets = [0, 1], sizes = [16, 127], strides = [1, 1]} : vector<16x128xi32> to vector<16x127xi32>
    %slice3A_3122 = vector.extract_strided_slice %concatenate3A_3112 {offsets = [0, 0], sizes = [16, 1], strides = [1, 1]} : vector<16x128xi32> to vector<16x1xi32>
    %concatenate3A_3123 = tpu.concatenate %slice3A_3121, %slice3A_3122 in 1 : vector<16x127xi32>, vector<16x1xi32> -> vector<16x128xi32>
    %eq3A_3124 = arith.cmpi eq, %concatenate3A_3123, %iota3A : vector<16x128xi32>
    %jit3A_3125 = arith.constant 0.000000e+00 : f32
    %broadcast_in_dim3A_3126 = vector.broadcast %jit3A_3125 : f32 to vector<16x128xf32>
    %select_n3A_3127 = arith.select %eq3A_3124, %concatenate3A_3120, %broadcast_in_dim3A_3126 : vector<16x128xi1>, vector<16x128xf32>
    %add3A_3128 = arith.addf %add3A_3117, %select_n3A_3127 : vector<16x128xf32>
    %slice3A_3129 = vector.extract_strided_slice %concatenate3A_3120 {offsets = [0, 1], sizes = [16, 127], strides = [1, 1]} : vector<16x128xf32> to vector<16x127xf32>
    %slice3A_3130 = vector.extract_strided_slice %concatenate3A_3120 {offsets = [0, 0], sizes = [16, 1], strides = [1, 1]} : vector<16x128xf32> to vector<16x1xf32>
    %concatenate3A_3131 = tpu.concatenate %slice3A_3129, %slice3A_3130 in 1 : vector<16x127xf32>, vector<16x1xf32> -> vector<16x128xf32>
    %slice3A_3132 = vector.extract_strided_slice %concatenate3A_3123 {offsets = [0, 1], sizes = [16, 127], strides = [1, 1]} : vector<16x128xi32> to vector<16x127xi32>
    %slice3A_3133 = vector.extract_strided_slice %concatenate3A_3123 {offsets = [0, 0], sizes = [16, 1], strides = [1, 1]} : vector<16x128xi32> to vector<16x1xi32>
    %concatenate3A_3134 = tpu.concatenate %slice3A_3132, %slice3A_3133 in 1 : vector<16x127xi32>, vector<16x1xi32> -> vector<16x128xi32>
    %eq3A_3135 = arith.cmpi eq, %concatenate3A_3134, %iota3A : vector<16x128xi32>
    %jit3A_3136 = arith.constant 0.000000e+00 : f32
    %broadcast_in_dim3A_3137 = vector.broadcast %jit3A_3136 : f32 to vector<16x128xf32>
    %select_n3A_3138 = arith.select %eq3A_3135, %concatenate3A_3131, %broadcast_in_dim3A_3137 : vector<16x128xi1>, vector<16x128xf32>
    %add3A_3139 = arith.addf %add3A_3128, %select_n3A_3138 : vector<16x128xf32>
    %slice3A_3140 = vector.extract_strided_slice %concatenate3A_3131 {offsets = [0, 1], sizes = [16, 127], strides = [1, 1]} : vector<16x128xf32> to vector<16x127xf32>
    %slice3A_3141 = vector.extract_strided_slice %concatenate3A_3131 {offsets = [0, 0], sizes = [16, 1], strides = [1, 1]} : vector<16x128xf32> to vector<16x1xf32>
    %concatenate3A_3142 = tpu.concatenate %slice3A_3140, %slice3A_3141 in 1 : vector<16x127xf32>, vector<16x1xf32> -> vector<16x128xf32>
    %slice3A_3143 = vector.extract_strided_slice %concatenate3A_3134 {offsets = [0, 1], sizes = [16, 127], strides = [1, 1]} : vector<16x128xi32> to vector<16x127xi32>
    %slice3A_3144 = vector.extract_strided_slice %concatenate3A_3134 {offsets = [0, 0], sizes = [16, 1], strides = [1, 1]} : vector<16x128xi32> to vector<16x1xi32>
    %concatenate3A_3145 = tpu.concatenate %slice3A_3143, %slice3A_3144 in 1 : vector<16x127xi32>, vector<16x1xi32> -> vector<16x128xi32>
    %eq3A_3146 = arith.cmpi eq, %concatenate3A_3145, %iota3A : vector<16x128xi32>
    %jit3A_3147 = arith.constant 0.000000e+00 : f32
    %broadcast_in_dim3A_3148 = vector.broadcast %jit3A_3147 : f32 to vector<16x128xf32>
    %select_n3A_3149 = arith.select %eq3A_3146, %concatenate3A_3142, %broadcast_in_dim3A_3148 : vector<16x128xi1>, vector<16x128xf32>
    %add3A_3150 = arith.addf %add3A_3139, %select_n3A_3149 : vector<16x128xf32>
    %slice3A_3151 = vector.extract_strided_slice %concatenate3A_3142 {offsets = [0, 1], sizes = [16, 127], strides = [1, 1]} : vector<16x128xf32> to vector<16x127xf32>
    %slice3A_3152 = vector.extract_strided_slice %concatenate3A_3142 {offsets = [0, 0], sizes = [16, 1], strides = [1, 1]} : vector<16x128xf32> to vector<16x1xf32>
    %concatenate3A_3153 = tpu.concatenate %slice3A_3151, %slice3A_3152 in 1 : vector<16x127xf32>, vector<16x1xf32> -> vector<16x128xf32>
    %slice3A_3154 = vector.extract_strided_slice %concatenate3A_3145 {offsets = [0, 1], sizes = [16, 127], strides = [1, 1]} : vector<16x128xi32> to vector<16x127xi32>
    %slice3A_3155 = vector.extract_strided_slice %concatenate3A_3145 {offsets = [0, 0], sizes = [16, 1], strides = [1, 1]} : vector<16x128xi32> to vector<16x1xi32>
    %concatenate3A_3156 = tpu.concatenate %slice3A_3154, %slice3A_3155 in 1 : vector<16x127xi32>, vector<16x1xi32> -> vector<16x128xi32>
    %eq3A_3157 = arith.cmpi eq, %concatenate3A_3156, %iota3A : vector<16x128xi32>
    %jit3A_3158 = arith.constant 0.000000e+00 : f32
    %broadcast_in_dim3A_3159 = vector.broadcast %jit3A_3158 : f32 to vector<16x128xf32>
    %select_n3A_3160 = arith.select %eq3A_3157, %concatenate3A_3153, %broadcast_in_dim3A_3159 : vector<16x128xi1>, vector<16x128xf32>
    %add3A_3161 = arith.addf %add3A_3150, %select_n3A_3160 : vector<16x128xf32>
    %slice3A_3162 = vector.extract_strided_slice %concatenate3A_3153 {offsets = [0, 1], sizes = [16, 127], strides = [1, 1]} : vector<16x128xf32> to vector<16x127xf32>
    %slice3A_3163 = vector.extract_strided_slice %concatenate3A_3153 {offsets = [0, 0], sizes = [16, 1], strides = [1, 1]} : vector<16x128xf32> to vector<16x1xf32>
    %concatenate3A_3164 = tpu.concatenate %slice3A_3162, %slice3A_3163 in 1 : vector<16x127xf32>, vector<16x1xf32> -> vector<16x128xf32>
    %slice3A_3165 = vector.extract_strided_slice %concatenate3A_3156 {offsets = [0, 1], sizes = [16, 127], strides = [1, 1]} : vector<16x128xi32> to vector<16x127xi32>
    %slice3A_3166 = vector.extract_strided_slice %concatenate3A_3156 {offsets = [0, 0], sizes = [16, 1], strides = [1, 1]} : vector<16x128xi32> to vector<16x1xi32>
    %concatenate3A_3167 = tpu.concatenate %slice3A_3165, %slice3A_3166 in 1 : vector<16x127xi32>, vector<16x1xi32> -> vector<16x128xi32>
    %eq3A_3168 = arith.cmpi eq, %concatenate3A_3167, %iota3A : vector<16x128xi32>
    %jit3A_3169 = arith.constant 0.000000e+00 : f32
    %broadcast_in_dim3A_3170 = vector.broadcast %jit3A_3169 : f32 to vector<16x128xf32>
    %select_n3A_3171 = arith.select %eq3A_3168, %concatenate3A_3164, %broadcast_in_dim3A_3170 : vector<16x128xi1>, vector<16x128xf32>
    %add3A_3172 = arith.addf %add3A_3161, %select_n3A_3171 : vector<16x128xf32>
    %slice3A_3173 = vector.extract_strided_slice %concatenate3A_3164 {offsets = [0, 1], sizes = [16, 127], strides = [1, 1]} : vector<16x128xf32> to vector<16x127xf32>
    %slice3A_3174 = vector.extract_strided_slice %concatenate3A_3164 {offsets = [0, 0], sizes = [16, 1], strides = [1, 1]} : vector<16x128xf32> to vector<16x1xf32>
    %concatenate3A_3175 = tpu.concatenate %slice3A_3173, %slice3A_3174 in 1 : vector<16x127xf32>, vector<16x1xf32> -> vector<16x128xf32>
    %slice3A_3176 = vector.extract_strided_slice %concatenate3A_3167 {offsets = [0, 1], sizes = [16, 127], strides = [1, 1]} : vector<16x128xi32> to vector<16x127xi32>
    %slice3A_3177 = vector.extract_strided_slice %concatenate3A_3167 {offsets = [0, 0], sizes = [16, 1], strides = [1, 1]} : vector<16x128xi32> to vector<16x1xi32>
    %concatenate3A_3178 = tpu.concatenate %slice3A_3176, %slice3A_3177 in 1 : vector<16x127xi32>, vector<16x1xi32> -> vector<16x128xi32>
    %eq3A_3179 = arith.cmpi eq, %concatenate3A_3178, %iota3A : vector<16x128xi32>
    %jit3A_3180 = arith.constant 0.000000e+00 : f32
    %broadcast_in_dim3A_3181 = vector.broadcast %jit3A_3180 : f32 to vector<16x128xf32>
    %select_n3A_3182 = arith.select %eq3A_3179, %concatenate3A_3175, %broadcast_in_dim3A_3181 : vector<16x128xi1>, vector<16x128xf32>
    %add3A_3183 = arith.addf %add3A_3172, %select_n3A_3182 : vector<16x128xf32>
    %slice3A_3184 = vector.extract_strided_slice %concatenate3A_3175 {offsets = [0, 1], sizes = [16, 127], strides = [1, 1]} : vector<16x128xf32> to vector<16x127xf32>
    %slice3A_3185 = vector.extract_strided_slice %concatenate3A_3175 {offsets = [0, 0], sizes = [16, 1], strides = [1, 1]} : vector<16x128xf32> to vector<16x1xf32>
    %concatenate3A_3186 = tpu.concatenate %slice3A_3184, %slice3A_3185 in 1 : vector<16x127xf32>, vector<16x1xf32> -> vector<16x128xf32>
    %slice3A_3187 = vector.extract_strided_slice %concatenate3A_3178 {offsets = [0, 1], sizes = [16, 127], strides = [1, 1]} : vector<16x128xi32> to vector<16x127xi32>
    %slice3A_3188 = vector.extract_strided_slice %concatenate3A_3178 {offsets = [0, 0], sizes = [16, 1], strides = [1, 1]} : vector<16x128xi32> to vector<16x1xi32>
    %concatenate3A_3189 = tpu.concatenate %slice3A_3187, %slice3A_3188 in 1 : vector<16x127xi32>, vector<16x1xi32> -> vector<16x128xi32>
    %eq3A_3190 = arith.cmpi eq, %concatenate3A_3189, %iota3A : vector<16x128xi32>
    %jit3A_3191 = arith.constant 0.000000e+00 : f32
    %broadcast_in_dim3A_3192 = vector.broadcast %jit3A_3191 : f32 to vector<16x128xf32>
    %select_n3A_3193 = arith.select %eq3A_3190, %concatenate3A_3186, %broadcast_in_dim3A_3192 : vector<16x128xi1>, vector<16x128xf32>
    %add3A_3194 = arith.addf %add3A_3183, %select_n3A_3193 : vector<16x128xf32>
    %slice3A_3195 = vector.extract_strided_slice %concatenate3A_3186 {offsets = [0, 1], sizes = [16, 127], strides = [1, 1]} : vector<16x128xf32> to vector<16x127xf32>
    %slice3A_3196 = vector.extract_strided_slice %concatenate3A_3186 {offsets = [0, 0], sizes = [16, 1], strides = [1, 1]} : vector<16x128xf32> to vector<16x1xf32>
    %concatenate3A_3197 = tpu.concatenate %slice3A_3195, %slice3A_3196 in 1 : vector<16x127xf32>, vector<16x1xf32> -> vector<16x128xf32>
    %slice3A_3198 = vector.extract_strided_slice %concatenate3A_3189 {offsets = [0, 1], sizes = [16, 127], strides = [1, 1]} : vector<16x128xi32> to vector<16x127xi32>
    %slice3A_3199 = vector.extract_strided_slice %concatenate3A_3189 {offsets = [0, 0], sizes = [16, 1], strides = [1, 1]} : vector<16x128xi32> to vector<16x1xi32>
    %concatenate3A_3200 = tpu.concatenate %slice3A_3198, %slice3A_3199 in 1 : vector<16x127xi32>, vector<16x1xi32> -> vector<16x128xi32>
    %eq3A_3201 = arith.cmpi eq, %concatenate3A_3200, %iota3A : vector<16x128xi32>
    %jit3A_3202 = arith.constant 0.000000e+00 : f32
    %broadcast_in_dim3A_3203 = vector.broadcast %jit3A_3202 : f32 to vector<16x128xf32>
    %select_n3A_3204 = arith.select %eq3A_3201, %concatenate3A_3197, %broadcast_in_dim3A_3203 : vector<16x128xi1>, vector<16x128xf32>
    %add3A_3205 = arith.addf %add3A_3194, %select_n3A_3204 : vector<16x128xf32>
    %slice3A_3206 = vector.extract_strided_slice %concatenate3A_3197 {offsets = [0, 1], sizes = [16, 127], strides = [1, 1]} : vector<16x128xf32> to vector<16x127xf32>
    %slice3A_3207 = vector.extract_strided_slice %concatenate3A_3197 {offsets = [0, 0], sizes = [16, 1], strides = [1, 1]} : vector<16x128xf32> to vector<16x1xf32>
    %concatenate3A_3208 = tpu.concatenate %slice3A_3206, %slice3A_3207 in 1 : vector<16x127xf32>, vector<16x1xf32> -> vector<16x128xf32>
    %slice3A_3209 = vector.extract_strided_slice %concatenate3A_3200 {offsets = [0, 1], sizes = [16, 127], strides = [1, 1]} : vector<16x128xi32> to vector<16x127xi32>
    %slice3A_3210 = vector.extract_strided_slice %concatenate3A_3200 {offsets = [0, 0], sizes = [16, 1], strides = [1, 1]} : vector<16x128xi32> to vector<16x1xi32>
    %concatenate3A_3211 = tpu.concatenate %slice3A_3209, %slice3A_3210 in 1 : vector<16x127xi32>, vector<16x1xi32> -> vector<16x128xi32>
    %eq3A_3212 = arith.cmpi eq, %concatenate3A_3211, %iota3A : vector<16x128xi32>
    %jit3A_3213 = arith.constant 0.000000e+00 : f32
    %broadcast_in_dim3A_3214 = vector.broadcast %jit3A_3213 : f32 to vector<16x128xf32>
    %select_n3A_3215 = arith.select %eq3A_3212, %concatenate3A_3208, %broadcast_in_dim3A_3214 : vector<16x128xi1>, vector<16x128xf32>
    %add3A_3216 = arith.addf %add3A_3205, %select_n3A_3215 : vector<16x128xf32>
    %slice3A_3217 = vector.extract_strided_slice %concatenate3A_3208 {offsets = [0, 1], sizes = [16, 127], strides = [1, 1]} : vector<16x128xf32> to vector<16x127xf32>
    %slice3A_3218 = vector.extract_strided_slice %concatenate3A_3208 {offsets = [0, 0], sizes = [16, 1], strides = [1, 1]} : vector<16x128xf32> to vector<16x1xf32>
    %concatenate3A_3219 = tpu.concatenate %slice3A_3217, %slice3A_3218 in 1 : vector<16x127xf32>, vector<16x1xf32> -> vector<16x128xf32>
    %slice3A_3220 = vector.extract_strided_slice %concatenate3A_3211 {offsets = [0, 1], sizes = [16, 127], strides = [1, 1]} : vector<16x128xi32> to vector<16x127xi32>
    %slice3A_3221 = vector.extract_strided_slice %concatenate3A_3211 {offsets = [0, 0], sizes = [16, 1], strides = [1, 1]} : vector<16x128xi32> to vector<16x1xi32>
    %concatenate3A_3222 = tpu.concatenate %slice3A_3220, %slice3A_3221 in 1 : vector<16x127xi32>, vector<16x1xi32> -> vector<16x128xi32>
    %eq3A_3223 = arith.cmpi eq, %concatenate3A_3222, %iota3A : vector<16x128xi32>
    %jit3A_3224 = arith.constant 0.000000e+00 : f32
    %broadcast_in_dim3A_3225 = vector.broadcast %jit3A_3224 : f32 to vector<16x128xf32>
    %select_n3A_3226 = arith.select %eq3A_3223, %concatenate3A_3219, %broadcast_in_dim3A_3225 : vector<16x128xi1>, vector<16x128xf32>
    %add3A_3227 = arith.addf %add3A_3216, %select_n3A_3226 : vector<16x128xf32>
    %slice3A_3228 = vector.extract_strided_slice %concatenate3A_3219 {offsets = [0, 1], sizes = [16, 127], strides = [1, 1]} : vector<16x128xf32> to vector<16x127xf32>
    %slice3A_3229 = vector.extract_strided_slice %concatenate3A_3219 {offsets = [0, 0], sizes = [16, 1], strides = [1, 1]} : vector<16x128xf32> to vector<16x1xf32>
    %concatenate3A_3230 = tpu.concatenate %slice3A_3228, %slice3A_3229 in 1 : vector<16x127xf32>, vector<16x1xf32> -> vector<16x128xf32>
    %slice3A_3231 = vector.extract_strided_slice %concatenate3A_3222 {offsets = [0, 1], sizes = [16, 127], strides = [1, 1]} : vector<16x128xi32> to vector<16x127xi32>
    %slice3A_3232 = vector.extract_strided_slice %concatenate3A_3222 {offsets = [0, 0], sizes = [16, 1], strides = [1, 1]} : vector<16x128xi32> to vector<16x1xi32>
    %concatenate3A_3233 = tpu.concatenate %slice3A_3231, %slice3A_3232 in 1 : vector<16x127xi32>, vector<16x1xi32> -> vector<16x128xi32>
    %eq3A_3234 = arith.cmpi eq, %concatenate3A_3233, %iota3A : vector<16x128xi32>
    %jit3A_3235 = arith.constant 0.000000e+00 : f32
    %broadcast_in_dim3A_3236 = vector.broadcast %jit3A_3235 : f32 to vector<16x128xf32>
    %select_n3A_3237 = arith.select %eq3A_3234, %concatenate3A_3230, %broadcast_in_dim3A_3236 : vector<16x128xi1>, vector<16x128xf32>
    %add3A_3238 = arith.addf %add3A_3227, %select_n3A_3237 : vector<16x128xf32>
    %slice3A_3239 = vector.extract_strided_slice %concatenate3A_3230 {offsets = [0, 1], sizes = [16, 127], strides = [1, 1]} : vector<16x128xf32> to vector<16x127xf32>
    %slice3A_3240 = vector.extract_strided_slice %concatenate3A_3230 {offsets = [0, 0], sizes = [16, 1], strides = [1, 1]} : vector<16x128xf32> to vector<16x1xf32>
    %concatenate3A_3241 = tpu.concatenate %slice3A_3239, %slice3A_3240 in 1 : vector<16x127xf32>, vector<16x1xf32> -> vector<16x128xf32>
    %slice3A_3242 = vector.extract_strided_slice %concatenate3A_3233 {offsets = [0, 1], sizes = [16, 127], strides = [1, 1]} : vector<16x128xi32> to vector<16x127xi32>
    %slice3A_3243 = vector.extract_strided_slice %concatenate3A_3233 {offsets = [0, 0], sizes = [16, 1], strides = [1, 1]} : vector<16x128xi32> to vector<16x1xi32>
    %concatenate3A_3244 = tpu.concatenate %slice3A_3242, %slice3A_3243 in 1 : vector<16x127xi32>, vector<16x1xi32> -> vector<16x128xi32>
    %eq3A_3245 = arith.cmpi eq, %concatenate3A_3244, %iota3A : vector<16x128xi32>
    %jit3A_3246 = arith.constant 0.000000e+00 : f32
    %broadcast_in_dim3A_3247 = vector.broadcast %jit3A_3246 : f32 to vector<16x128xf32>
    %select_n3A_3248 = arith.select %eq3A_3245, %concatenate3A_3241, %broadcast_in_dim3A_3247 : vector<16x128xi1>, vector<16x128xf32>
    %add3A_3249 = arith.addf %add3A_3238, %select_n3A_3248 : vector<16x128xf32>
    %slice3A_3250 = vector.extract_strided_slice %concatenate3A_3241 {offsets = [0, 1], sizes = [16, 127], strides = [1, 1]} : vector<16x128xf32> to vector<16x127xf32>
    %slice3A_3251 = vector.extract_strided_slice %concatenate3A_3241 {offsets = [0, 0], sizes = [16, 1], strides = [1, 1]} : vector<16x128xf32> to vector<16x1xf32>
    %concatenate3A_3252 = tpu.concatenate %slice3A_3250, %slice3A_3251 in 1 : vector<16x127xf32>, vector<16x1xf32> -> vector<16x128xf32>
    %slice3A_3253 = vector.extract_strided_slice %concatenate3A_3244 {offsets = [0, 1], sizes = [16, 127], strides = [1, 1]} : vector<16x128xi32> to vector<16x127xi32>
    %slice3A_3254 = vector.extract_strided_slice %concatenate3A_3244 {offsets = [0, 0], sizes = [16, 1], strides = [1, 1]} : vector<16x128xi32> to vector<16x1xi32>
    %concatenate3A_3255 = tpu.concatenate %slice3A_3253, %slice3A_3254 in 1 : vector<16x127xi32>, vector<16x1xi32> -> vector<16x128xi32>
    %eq3A_3256 = arith.cmpi eq, %concatenate3A_3255, %iota3A : vector<16x128xi32>
    %jit3A_3257 = arith.constant 0.000000e+00 : f32
    %broadcast_in_dim3A_3258 = vector.broadcast %jit3A_3257 : f32 to vector<16x128xf32>
    %select_n3A_3259 = arith.select %eq3A_3256, %concatenate3A_3252, %broadcast_in_dim3A_3258 : vector<16x128xi1>, vector<16x128xf32>
    %add3A_3260 = arith.addf %add3A_3249, %select_n3A_3259 : vector<16x128xf32>
    %slice3A_3261 = vector.extract_strided_slice %concatenate3A_3252 {offsets = [0, 1], sizes = [16, 127], strides = [1, 1]} : vector<16x128xf32> to vector<16x127xf32>
    %slice3A_3262 = vector.extract_strided_slice %concatenate3A_3252 {offsets = [0, 0], sizes = [16, 1], strides = [1, 1]} : vector<16x128xf32> to vector<16x1xf32>
    %concatenate3A_3263 = tpu.concatenate %slice3A_3261, %slice3A_3262 in 1 : vector<16x127xf32>, vector<16x1xf32> -> vector<16x128xf32>
    %slice3A_3264 = vector.extract_strided_slice %concatenate3A_3255 {offsets = [0, 1], sizes = [16, 127], strides = [1, 1]} : vector<16x128xi32> to vector<16x127xi32>
    %slice3A_3265 = vector.extract_strided_slice %concatenate3A_3255 {offsets = [0, 0], sizes = [16, 1], strides = [1, 1]} : vector<16x128xi32> to vector<16x1xi32>
    %concatenate3A_3266 = tpu.concatenate %slice3A_3264, %slice3A_3265 in 1 : vector<16x127xi32>, vector<16x1xi32> -> vector<16x128xi32>
    %eq3A_3267 = arith.cmpi eq, %concatenate3A_3266, %iota3A : vector<16x128xi32>
    %jit3A_3268 = arith.constant 0.000000e+00 : f32
    %broadcast_in_dim3A_3269 = vector.broadcast %jit3A_3268 : f32 to vector<16x128xf32>
    %select_n3A_3270 = arith.select %eq3A_3267, %concatenate3A_3263, %broadcast_in_dim3A_3269 : vector<16x128xi1>, vector<16x128xf32>
    %add3A_3271 = arith.addf %add3A_3260, %select_n3A_3270 : vector<16x128xf32>
    %slice3A_3272 = vector.extract_strided_slice %concatenate3A_3263 {offsets = [0, 1], sizes = [16, 127], strides = [1, 1]} : vector<16x128xf32> to vector<16x127xf32>
    %slice3A_3273 = vector.extract_strided_slice %concatenate3A_3263 {offsets = [0, 0], sizes = [16, 1], strides = [1, 1]} : vector<16x128xf32> to vector<16x1xf32>
    %concatenate3A_3274 = tpu.concatenate %slice3A_3272, %slice3A_3273 in 1 : vector<16x127xf32>, vector<16x1xf32> -> vector<16x128xf32>
    %slice3A_3275 = vector.extract_strided_slice %concatenate3A_3266 {offsets = [0, 1], sizes = [16, 127], strides = [1, 1]} : vector<16x128xi32> to vector<16x127xi32>
    %slice3A_3276 = vector.extract_strided_slice %concatenate3A_3266 {offsets = [0, 0], sizes = [16, 1], strides = [1, 1]} : vector<16x128xi32> to vector<16x1xi32>
    %concatenate3A_3277 = tpu.concatenate %slice3A_3275, %slice3A_3276 in 1 : vector<16x127xi32>, vector<16x1xi32> -> vector<16x128xi32>
    %eq3A_3278 = arith.cmpi eq, %concatenate3A_3277, %iota3A : vector<16x128xi32>
    %jit3A_3279 = arith.constant 0.000000e+00 : f32
    %broadcast_in_dim3A_3280 = vector.broadcast %jit3A_3279 : f32 to vector<16x128xf32>
    %select_n3A_3281 = arith.select %eq3A_3278, %concatenate3A_3274, %broadcast_in_dim3A_3280 : vector<16x128xi1>, vector<16x128xf32>
    %add3A_3282 = arith.addf %add3A_3271, %select_n3A_3281 : vector<16x128xf32>
    %slice3A_3283 = vector.extract_strided_slice %concatenate3A_3274 {offsets = [0, 1], sizes = [16, 127], strides = [1, 1]} : vector<16x128xf32> to vector<16x127xf32>
    %slice3A_3284 = vector.extract_strided_slice %concatenate3A_3274 {offsets = [0, 0], sizes = [16, 1], strides = [1, 1]} : vector<16x128xf32> to vector<16x1xf32>
    %concatenate3A_3285 = tpu.concatenate %slice3A_3283, %slice3A_3284 in 1 : vector<16x127xf32>, vector<16x1xf32> -> vector<16x128xf32>
    %slice3A_3286 = vector.extract_strided_slice %concatenate3A_3277 {offsets = [0, 1], sizes = [16, 127], strides = [1, 1]} : vector<16x128xi32> to vector<16x127xi32>
    %slice3A_3287 = vector.extract_strided_slice %concatenate3A_3277 {offsets = [0, 0], sizes = [16, 1], strides = [1, 1]} : vector<16x128xi32> to vector<16x1xi32>
    %concatenate3A_3288 = tpu.concatenate %slice3A_3286, %slice3A_3287 in 1 : vector<16x127xi32>, vector<16x1xi32> -> vector<16x128xi32>
    %eq3A_3289 = arith.cmpi eq, %concatenate3A_3288, %iota3A : vector<16x128xi32>
    %jit3A_3290 = arith.constant 0.000000e+00 : f32
    %broadcast_in_dim3A_3291 = vector.broadcast %jit3A_3290 : f32 to vector<16x128xf32>
    %select_n3A_3292 = arith.select %eq3A_3289, %concatenate3A_3285, %broadcast_in_dim3A_3291 : vector<16x128xi1>, vector<16x128xf32>
    %add3A_3293 = arith.addf %add3A_3282, %select_n3A_3292 : vector<16x128xf32>
    %slice3A_3294 = vector.extract_strided_slice %concatenate3A_3285 {offsets = [0, 1], sizes = [16, 127], strides = [1, 1]} : vector<16x128xf32> to vector<16x127xf32>
    %slice3A_3295 = vector.extract_strided_slice %concatenate3A_3285 {offsets = [0, 0], sizes = [16, 1], strides = [1, 1]} : vector<16x128xf32> to vector<16x1xf32>
    %concatenate3A_3296 = tpu.concatenate %slice3A_3294, %slice3A_3295 in 1 : vector<16x127xf32>, vector<16x1xf32> -> vector<16x128xf32>
    %slice3A_3297 = vector.extract_strided_slice %concatenate3A_3288 {offsets = [0, 1], sizes = [16, 127], strides = [1, 1]} : vector<16x128xi32> to vector<16x127xi32>
    %slice3A_3298 = vector.extract_strided_slice %concatenate3A_3288 {offsets = [0, 0], sizes = [16, 1], strides = [1, 1]} : vector<16x128xi32> to vector<16x1xi32>
    %concatenate3A_3299 = tpu.concatenate %slice3A_3297, %slice3A_3298 in 1 : vector<16x127xi32>, vector<16x1xi32> -> vector<16x128xi32>
    %eq3A_3300 = arith.cmpi eq, %concatenate3A_3299, %iota3A : vector<16x128xi32>
    %jit3A_3301 = arith.constant 0.000000e+00 : f32
    %broadcast_in_dim3A_3302 = vector.broadcast %jit3A_3301 : f32 to vector<16x128xf32>
    %select_n3A_3303 = arith.select %eq3A_3300, %concatenate3A_3296, %broadcast_in_dim3A_3302 : vector<16x128xi1>, vector<16x128xf32>
    %add3A_3304 = arith.addf %add3A_3293, %select_n3A_3303 : vector<16x128xf32>
    %slice3A_3305 = vector.extract_strided_slice %concatenate3A_3296 {offsets = [0, 1], sizes = [16, 127], strides = [1, 1]} : vector<16x128xf32> to vector<16x127xf32>
    %slice3A_3306 = vector.extract_strided_slice %concatenate3A_3296 {offsets = [0, 0], sizes = [16, 1], strides = [1, 1]} : vector<16x128xf32> to vector<16x1xf32>
    %concatenate3A_3307 = tpu.concatenate %slice3A_3305, %slice3A_3306 in 1 : vector<16x127xf32>, vector<16x1xf32> -> vector<16x128xf32>
    %slice3A_3308 = vector.extract_strided_slice %concatenate3A_3299 {offsets = [0, 1], sizes = [16, 127], strides = [1, 1]} : vector<16x128xi32> to vector<16x127xi32>
    %slice3A_3309 = vector.extract_strided_slice %concatenate3A_3299 {offsets = [0, 0], sizes = [16, 1], strides = [1, 1]} : vector<16x128xi32> to vector<16x1xi32>
    %concatenate3A_3310 = tpu.concatenate %slice3A_3308, %slice3A_3309 in 1 : vector<16x127xi32>, vector<16x1xi32> -> vector<16x128xi32>
    %eq3A_3311 = arith.cmpi eq, %concatenate3A_3310, %iota3A : vector<16x128xi32>
    %jit3A_3312 = arith.constant 0.000000e+00 : f32
    %broadcast_in_dim3A_3313 = vector.broadcast %jit3A_3312 : f32 to vector<16x128xf32>
    %select_n3A_3314 = arith.select %eq3A_3311, %concatenate3A_3307, %broadcast_in_dim3A_3313 : vector<16x128xi1>, vector<16x128xf32>
    %add3A_3315 = arith.addf %add3A_3304, %select_n3A_3314 : vector<16x128xf32>
    %slice3A_3316 = vector.extract_strided_slice %concatenate3A_3307 {offsets = [0, 1], sizes = [16, 127], strides = [1, 1]} : vector<16x128xf32> to vector<16x127xf32>
    %slice3A_3317 = vector.extract_strided_slice %concatenate3A_3307 {offsets = [0, 0], sizes = [16, 1], strides = [1, 1]} : vector<16x128xf32> to vector<16x1xf32>
    %concatenate3A_3318 = tpu.concatenate %slice3A_3316, %slice3A_3317 in 1 : vector<16x127xf32>, vector<16x1xf32> -> vector<16x128xf32>
    %slice3A_3319 = vector.extract_strided_slice %concatenate3A_3310 {offsets = [0, 1], sizes = [16, 127], strides = [1, 1]} : vector<16x128xi32> to vector<16x127xi32>
    %slice3A_3320 = vector.extract_strided_slice %concatenate3A_3310 {offsets = [0, 0], sizes = [16, 1], strides = [1, 1]} : vector<16x128xi32> to vector<16x1xi32>
    %concatenate3A_3321 = tpu.concatenate %slice3A_3319, %slice3A_3320 in 1 : vector<16x127xi32>, vector<16x1xi32> -> vector<16x128xi32>
    %eq3A_3322 = arith.cmpi eq, %concatenate3A_3321, %iota3A : vector<16x128xi32>
    %jit3A_3323 = arith.constant 0.000000e+00 : f32
    %broadcast_in_dim3A_3324 = vector.broadcast %jit3A_3323 : f32 to vector<16x128xf32>
    %select_n3A_3325 = arith.select %eq3A_3322, %concatenate3A_3318, %broadcast_in_dim3A_3324 : vector<16x128xi1>, vector<16x128xf32>
    %add3A_3326 = arith.addf %add3A_3315, %select_n3A_3325 : vector<16x128xf32>
    %slice3A_3327 = vector.extract_strided_slice %concatenate3A_3318 {offsets = [0, 1], sizes = [16, 127], strides = [1, 1]} : vector<16x128xf32> to vector<16x127xf32>
    %slice3A_3328 = vector.extract_strided_slice %concatenate3A_3318 {offsets = [0, 0], sizes = [16, 1], strides = [1, 1]} : vector<16x128xf32> to vector<16x1xf32>
    %concatenate3A_3329 = tpu.concatenate %slice3A_3327, %slice3A_3328 in 1 : vector<16x127xf32>, vector<16x1xf32> -> vector<16x128xf32>
    %slice3A_3330 = vector.extract_strided_slice %concatenate3A_3321 {offsets = [0, 1], sizes = [16, 127], strides = [1, 1]} : vector<16x128xi32> to vector<16x127xi32>
    %slice3A_3331 = vector.extract_strided_slice %concatenate3A_3321 {offsets = [0, 0], sizes = [16, 1], strides = [1, 1]} : vector<16x128xi32> to vector<16x1xi32>
    %concatenate3A_3332 = tpu.concatenate %slice3A_3330, %slice3A_3331 in 1 : vector<16x127xi32>, vector<16x1xi32> -> vector<16x128xi32>
    %eq3A_3333 = arith.cmpi eq, %concatenate3A_3332, %iota3A : vector<16x128xi32>
    %jit3A_3334 = arith.constant 0.000000e+00 : f32
    %broadcast_in_dim3A_3335 = vector.broadcast %jit3A_3334 : f32 to vector<16x128xf32>
    %select_n3A_3336 = arith.select %eq3A_3333, %concatenate3A_3329, %broadcast_in_dim3A_3335 : vector<16x128xi1>, vector<16x128xf32>
    %add3A_3337 = arith.addf %add3A_3326, %select_n3A_3336 : vector<16x128xf32>
    %slice3A_3338 = vector.extract_strided_slice %concatenate3A_3329 {offsets = [0, 1], sizes = [16, 127], strides = [1, 1]} : vector<16x128xf32> to vector<16x127xf32>
    %slice3A_3339 = vector.extract_strided_slice %concatenate3A_3329 {offsets = [0, 0], sizes = [16, 1], strides = [1, 1]} : vector<16x128xf32> to vector<16x1xf32>
    %concatenate3A_3340 = tpu.concatenate %slice3A_3338, %slice3A_3339 in 1 : vector<16x127xf32>, vector<16x1xf32> -> vector<16x128xf32>
    %slice3A_3341 = vector.extract_strided_slice %concatenate3A_3332 {offsets = [0, 1], sizes = [16, 127], strides = [1, 1]} : vector<16x128xi32> to vector<16x127xi32>
    %slice3A_3342 = vector.extract_strided_slice %concatenate3A_3332 {offsets = [0, 0], sizes = [16, 1], strides = [1, 1]} : vector<16x128xi32> to vector<16x1xi32>
    %concatenate3A_3343 = tpu.concatenate %slice3A_3341, %slice3A_3342 in 1 : vector<16x127xi32>, vector<16x1xi32> -> vector<16x128xi32>
    %eq3A_3344 = arith.cmpi eq, %concatenate3A_3343, %iota3A : vector<16x128xi32>
    %jit3A_3345 = arith.constant 0.000000e+00 : f32
    %broadcast_in_dim3A_3346 = vector.broadcast %jit3A_3345 : f32 to vector<16x128xf32>
    %select_n3A_3347 = arith.select %eq3A_3344, %concatenate3A_3340, %broadcast_in_dim3A_3346 : vector<16x128xi1>, vector<16x128xf32>
    %add3A_3348 = arith.addf %add3A_3337, %select_n3A_3347 : vector<16x128xf32>
    %slice3A_3349 = vector.extract_strided_slice %concatenate3A_3340 {offsets = [0, 1], sizes = [16, 127], strides = [1, 1]} : vector<16x128xf32> to vector<16x127xf32>
    %slice3A_3350 = vector.extract_strided_slice %concatenate3A_3340 {offsets = [0, 0], sizes = [16, 1], strides = [1, 1]} : vector<16x128xf32> to vector<16x1xf32>
    %concatenate3A_3351 = tpu.concatenate %slice3A_3349, %slice3A_3350 in 1 : vector<16x127xf32>, vector<16x1xf32> -> vector<16x128xf32>
    %slice3A_3352 = vector.extract_strided_slice %concatenate3A_3343 {offsets = [0, 1], sizes = [16, 127], strides = [1, 1]} : vector<16x128xi32> to vector<16x127xi32>
    %slice3A_3353 = vector.extract_strided_slice %concatenate3A_3343 {offsets = [0, 0], sizes = [16, 1], strides = [1, 1]} : vector<16x128xi32> to vector<16x1xi32>
    %concatenate3A_3354 = tpu.concatenate %slice3A_3352, %slice3A_3353 in 1 : vector<16x127xi32>, vector<16x1xi32> -> vector<16x128xi32>
    %eq3A_3355 = arith.cmpi eq, %concatenate3A_3354, %iota3A : vector<16x128xi32>
    %jit3A_3356 = arith.constant 0.000000e+00 : f32
    %broadcast_in_dim3A_3357 = vector.broadcast %jit3A_3356 : f32 to vector<16x128xf32>
    %select_n3A_3358 = arith.select %eq3A_3355, %concatenate3A_3351, %broadcast_in_dim3A_3357 : vector<16x128xi1>, vector<16x128xf32>
    %add3A_3359 = arith.addf %add3A_3348, %select_n3A_3358 : vector<16x128xf32>
    %slice3A_3360 = vector.extract_strided_slice %concatenate3A_3351 {offsets = [0, 1], sizes = [16, 127], strides = [1, 1]} : vector<16x128xf32> to vector<16x127xf32>
    %slice3A_3361 = vector.extract_strided_slice %concatenate3A_3351 {offsets = [0, 0], sizes = [16, 1], strides = [1, 1]} : vector<16x128xf32> to vector<16x1xf32>
    %concatenate3A_3362 = tpu.concatenate %slice3A_3360, %slice3A_3361 in 1 : vector<16x127xf32>, vector<16x1xf32> -> vector<16x128xf32>
    %slice3A_3363 = vector.extract_strided_slice %concatenate3A_3354 {offsets = [0, 1], sizes = [16, 127], strides = [1, 1]} : vector<16x128xi32> to vector<16x127xi32>
    %slice3A_3364 = vector.extract_strided_slice %concatenate3A_3354 {offsets = [0, 0], sizes = [16, 1], strides = [1, 1]} : vector<16x128xi32> to vector<16x1xi32>
    %concatenate3A_3365 = tpu.concatenate %slice3A_3363, %slice3A_3364 in 1 : vector<16x127xi32>, vector<16x1xi32> -> vector<16x128xi32>
    %eq3A_3366 = arith.cmpi eq, %concatenate3A_3365, %iota3A : vector<16x128xi32>
    %jit3A_3367 = arith.constant 0.000000e+00 : f32
    %broadcast_in_dim3A_3368 = vector.broadcast %jit3A_3367 : f32 to vector<16x128xf32>
    %select_n3A_3369 = arith.select %eq3A_3366, %concatenate3A_3362, %broadcast_in_dim3A_3368 : vector<16x128xi1>, vector<16x128xf32>
    %add3A_3370 = arith.addf %add3A_3359, %select_n3A_3369 : vector<16x128xf32>
    %slice3A_3371 = vector.extract_strided_slice %concatenate3A_3362 {offsets = [0, 1], sizes = [16, 127], strides = [1, 1]} : vector<16x128xf32> to vector<16x127xf32>
    %slice3A_3372 = vector.extract_strided_slice %concatenate3A_3362 {offsets = [0, 0], sizes = [16, 1], strides = [1, 1]} : vector<16x128xf32> to vector<16x1xf32>
    %concatenate3A_3373 = tpu.concatenate %slice3A_3371, %slice3A_3372 in 1 : vector<16x127xf32>, vector<16x1xf32> -> vector<16x128xf32>
    %slice3A_3374 = vector.extract_strided_slice %concatenate3A_3365 {offsets = [0, 1], sizes = [16, 127], strides = [1, 1]} : vector<16x128xi32> to vector<16x127xi32>
    %slice3A_3375 = vector.extract_strided_slice %concatenate3A_3365 {offsets = [0, 0], sizes = [16, 1], strides = [1, 1]} : vector<16x128xi32> to vector<16x1xi32>
    %concatenate3A_3376 = tpu.concatenate %slice3A_3374, %slice3A_3375 in 1 : vector<16x127xi32>, vector<16x1xi32> -> vector<16x128xi32>
    %eq3A_3377 = arith.cmpi eq, %concatenate3A_3376, %iota3A : vector<16x128xi32>
    %jit3A_3378 = arith.constant 0.000000e+00 : f32
    %broadcast_in_dim3A_3379 = vector.broadcast %jit3A_3378 : f32 to vector<16x128xf32>
    %select_n3A_3380 = arith.select %eq3A_3377, %concatenate3A_3373, %broadcast_in_dim3A_3379 : vector<16x128xi1>, vector<16x128xf32>
    %add3A_3381 = arith.addf %add3A_3370, %select_n3A_3380 : vector<16x128xf32>
    %slice3A_3382 = vector.extract_strided_slice %concatenate3A_3373 {offsets = [0, 1], sizes = [16, 127], strides = [1, 1]} : vector<16x128xf32> to vector<16x127xf32>
    %slice3A_3383 = vector.extract_strided_slice %concatenate3A_3373 {offsets = [0, 0], sizes = [16, 1], strides = [1, 1]} : vector<16x128xf32> to vector<16x1xf32>
    %concatenate3A_3384 = tpu.concatenate %slice3A_3382, %slice3A_3383 in 1 : vector<16x127xf32>, vector<16x1xf32> -> vector<16x128xf32>
    %slice3A_3385 = vector.extract_strided_slice %concatenate3A_3376 {offsets = [0, 1], sizes = [16, 127], strides = [1, 1]} : vector<16x128xi32> to vector<16x127xi32>
    %slice3A_3386 = vector.extract_strided_slice %concatenate3A_3376 {offsets = [0, 0], sizes = [16, 1], strides = [1, 1]} : vector<16x128xi32> to vector<16x1xi32>
    %concatenate3A_3387 = tpu.concatenate %slice3A_3385, %slice3A_3386 in 1 : vector<16x127xi32>, vector<16x1xi32> -> vector<16x128xi32>
    %eq3A_3388 = arith.cmpi eq, %concatenate3A_3387, %iota3A : vector<16x128xi32>
    %jit3A_3389 = arith.constant 0.000000e+00 : f32
    %broadcast_in_dim3A_3390 = vector.broadcast %jit3A_3389 : f32 to vector<16x128xf32>
    %select_n3A_3391 = arith.select %eq3A_3388, %concatenate3A_3384, %broadcast_in_dim3A_3390 : vector<16x128xi1>, vector<16x128xf32>
    %add3A_3392 = arith.addf %add3A_3381, %select_n3A_3391 : vector<16x128xf32>
    %slice3A_3393 = vector.extract_strided_slice %concatenate3A_3384 {offsets = [0, 1], sizes = [16, 127], strides = [1, 1]} : vector<16x128xf32> to vector<16x127xf32>
    %slice3A_3394 = vector.extract_strided_slice %concatenate3A_3384 {offsets = [0, 0], sizes = [16, 1], strides = [1, 1]} : vector<16x128xf32> to vector<16x1xf32>
    %concatenate3A_3395 = tpu.concatenate %slice3A_3393, %slice3A_3394 in 1 : vector<16x127xf32>, vector<16x1xf32> -> vector<16x128xf32>
    %slice3A_3396 = vector.extract_strided_slice %concatenate3A_3387 {offsets = [0, 1], sizes = [16, 127], strides = [1, 1]} : vector<16x128xi32> to vector<16x127xi32>
    %slice3A_3397 = vector.extract_strided_slice %concatenate3A_3387 {offsets = [0, 0], sizes = [16, 1], strides = [1, 1]} : vector<16x128xi32> to vector<16x1xi32>
    %concatenate3A_3398 = tpu.concatenate %slice3A_3396, %slice3A_3397 in 1 : vector<16x127xi32>, vector<16x1xi32> -> vector<16x128xi32>
    %eq3A_3399 = arith.cmpi eq, %concatenate3A_3398, %iota3A : vector<16x128xi32>
    %jit3A_3400 = arith.constant 0.000000e+00 : f32
    %broadcast_in_dim3A_3401 = vector.broadcast %jit3A_3400 : f32 to vector<16x128xf32>
    %select_n3A_3402 = arith.select %eq3A_3399, %concatenate3A_3395, %broadcast_in_dim3A_3401 : vector<16x128xi1>, vector<16x128xf32>
    %add3A_3403 = arith.addf %add3A_3392, %select_n3A_3402 : vector<16x128xf32>
    %slice3A_3404 = vector.extract_strided_slice %concatenate3A_3395 {offsets = [0, 1], sizes = [16, 127], strides = [1, 1]} : vector<16x128xf32> to vector<16x127xf32>
    %slice3A_3405 = vector.extract_strided_slice %concatenate3A_3395 {offsets = [0, 0], sizes = [16, 1], strides = [1, 1]} : vector<16x128xf32> to vector<16x1xf32>
    %concatenate3A_3406 = tpu.concatenate %slice3A_3404, %slice3A_3405 in 1 : vector<16x127xf32>, vector<16x1xf32> -> vector<16x128xf32>
    %slice3A_3407 = vector.extract_strided_slice %concatenate3A_3398 {offsets = [0, 1], sizes = [16, 127], strides = [1, 1]} : vector<16x128xi32> to vector<16x127xi32>
    %slice3A_3408 = vector.extract_strided_slice %concatenate3A_3398 {offsets = [0, 0], sizes = [16, 1], strides = [1, 1]} : vector<16x128xi32> to vector<16x1xi32>
    %concatenate3A_3409 = tpu.concatenate %slice3A_3407, %slice3A_3408 in 1 : vector<16x127xi32>, vector<16x1xi32> -> vector<16x128xi32>
    %eq3A_3410 = arith.cmpi eq, %concatenate3A_3409, %iota3A : vector<16x128xi32>
    %jit3A_3411 = arith.constant 0.000000e+00 : f32
    %broadcast_in_dim3A_3412 = vector.broadcast %jit3A_3411 : f32 to vector<16x128xf32>
    %select_n3A_3413 = arith.select %eq3A_3410, %concatenate3A_3406, %broadcast_in_dim3A_3412 : vector<16x128xi1>, vector<16x128xf32>
    %add3A_3414 = arith.addf %add3A_3403, %select_n3A_3413 : vector<16x128xf32>
    %slice3A_3415 = vector.extract_strided_slice %concatenate3A_3406 {offsets = [0, 1], sizes = [16, 127], strides = [1, 1]} : vector<16x128xf32> to vector<16x127xf32>
    %slice3A_3416 = vector.extract_strided_slice %concatenate3A_3406 {offsets = [0, 0], sizes = [16, 1], strides = [1, 1]} : vector<16x128xf32> to vector<16x1xf32>
    %concatenate3A_3417 = tpu.concatenate %slice3A_3415, %slice3A_3416 in 1 : vector<16x127xf32>, vector<16x1xf32> -> vector<16x128xf32>
    %slice3A_3418 = vector.extract_strided_slice %concatenate3A_3409 {offsets = [0, 1], sizes = [16, 127], strides = [1, 1]} : vector<16x128xi32> to vector<16x127xi32>
    %slice3A_3419 = vector.extract_strided_slice %concatenate3A_3409 {offsets = [0, 0], sizes = [16, 1], strides = [1, 1]} : vector<16x128xi32> to vector<16x1xi32>
    %concatenate3A_3420 = tpu.concatenate %slice3A_3418, %slice3A_3419 in 1 : vector<16x127xi32>, vector<16x1xi32> -> vector<16x128xi32>
    %eq3A_3421 = arith.cmpi eq, %concatenate3A_3420, %iota3A : vector<16x128xi32>
    %jit3A_3422 = arith.constant 0.000000e+00 : f32
    %broadcast_in_dim3A_3423 = vector.broadcast %jit3A_3422 : f32 to vector<16x128xf32>
    %select_n3A_3424 = arith.select %eq3A_3421, %concatenate3A_3417, %broadcast_in_dim3A_3423 : vector<16x128xi1>, vector<16x128xf32>
    %add3A_3425 = arith.addf %add3A_3414, %select_n3A_3424 : vector<16x128xf32>
    %get3A_3426 = arith.constant 0 : index
    %get3A_3427 = arith.constant 0 : index
    %get3A_3428 = vector.load %arg1[%get3A_3426, %get3A_3427] : memref<128x16xf32, #tpu.memory_space<vmem>>, vector<128x16xf32>
    %dot_general3A = arith.constant dense<0.000000e+00> : vector<16x16xf32>
    %dot_general3A_3429 = tpu.matmul %add3A_3425, %get3A_3428, %dot_general3A {dimension_numbers = #tpu.dot_dimension_numbers<[1], [0], [0], [1], [0, 0, 1, 1], [], []>, transpose_lhs_hint = false} : vector<16x128xf32>, vector<128x16xf32>, vector<16x16xf32> -> vector<16x16xf32>
    %get3A_3430 = arith.constant 0 : index
    %get3A_3431 = arith.constant 0 : index
    %get3A_3432 = vector.load %arg2[%get3A_3430, %get3A_3431] : memref<1x16xf32, #tpu.memory_space<vmem>>, vector<1x16xf32>
    %add3A_3433 = vector.broadcast %get3A_3432 : vector<1x16xf32> to vector<16x16xf32>
    %add3A_3434 = arith.addf %dot_general3A_3429, %add3A_3433 : vector<16x16xf32>
    %max3A = arith.constant 0.000000e+00 : f32
    %max3A_3435 = vector.broadcast %max3A : f32 to vector<16x16xf32>
    %max3A_3436 = arith.maximumf %add3A_3434, %max3A_3435 : vector<16x16xf32>
    %get3A_3437 = arith.constant 0 : index
    %get3A_3438 = arith.constant 0 : index
    %get3A_3439 = vector.load %arg3[%get3A_3437, %get3A_3438] : memref<16x1xf32, #tpu.memory_space<vmem>>, vector<16x1xf32>
    %dot_general3A_3440 = arith.constant dense<0.000000e+00> : vector<16x1xf32>
    %dot_general3A_3441 = tpu.matmul %max3A_3436, %get3A_3439, %dot_general3A_3440 {dimension_numbers = #tpu.dot_dimension_numbers<[1], [0], [0], [1], [0, 0, 1, 1], [], []>, transpose_lhs_hint = false} : vector<16x16xf32>, vector<16x1xf32>, vector<16x1xf32> -> vector<16x1xf32>
    %get3A_3442 = arith.constant 0 : index
    %get3A_3443 = arith.constant 0 : index
    %get3A_3444 = vector.load %arg4[%get3A_3442, %get3A_3443] : memref<1x1xf32, #tpu.memory_space<vmem>>, vector<1x1xf32>
    %add3A_3445 = vector.broadcast %get3A_3444 : vector<1x1xf32> to vector<16x1xf32>
    %add3A_3446 = arith.addf %dot_general3A_3441, %add3A_3445 : vector<16x1xf32>
    %swap3A = arith.constant 0 : index
    %swap3A_3447 = arith.constant 0 : index
    %swap3A_3448 = vector.load %arg5[%swap3A, %swap3A_3447] : memref<16x1xf32, #tpu.memory_space<vmem>>, vector<16x1xf32>
    tpu.vector_store %arg5[%swap3A, %swap3A_3447], %add3A_3446 {strides = array<i32>} : memref<16x1xf32, #tpu.memory_space<vmem>>, vector<16x1xf32>,
    return
  }
}

</mosaic_0001>

<sc_bundles>
// kernel: kernel.5.cloned.1.call-start
scs
__scs_entry_jumppad:
0x0: {  	(pc) =	sbr.rel $0x88, $3  }
0x1: {  	(tag) =	ssettag $0x0;
	lr =	simm.s32 $0x1  }
0x2: {  	[smem:$0x3F98] =	sst lr;
	_ =	strace $0xD0000000  }
0x3: {  	_ = 	snop  }
0x4: {  	_ = 	snop  }
0x5: {  	_ = 	snop  }
0x6: {  	_ = 	snop  }
0x7: {  	_ = 	snop  }
__scs_overlays_trampoline_lowered:
0x8: {  	[smem:$0x3FA7] =	sst s0  }
0x9: {  	[smem:$0x3FA8] =	sst s1  }
0xa: {  	[smem:$0x3FA9] =	sst s2  }
0xb: {  	[smem:$0x3FAA] =	sst s3  }
0xc: {  	[smem:$0x3FAB] =	sst s4  }
0xd: {  	[smem:$0x3FAC] =	sst s5  }
0xe: {  	[smem:$0x3FAD] =	sst s6  }
0xf: {  	[smem:$0x3FAE] =	sst s7  }
0x10: {  	[smem:$0x3FAF] =	sst s8  }
0x11: {  	[smem:$0x3FB0] =	sst s9;
	s0 =	simm.s32 @!p0 $0x0  }
0x12: {  	s1 =	sld [smem:$0x3F96];
	s0 =	simm.s32 @p0 $0x1  }
0x13: {  	[smem:$0x3FB1] =	sst s0;
	s0 =	simm.s32 @!p1 $0x0  }
0x14: {  	s2 =	sld [smem:$0x3F95];
	s0 =	simm.s32 @p1 $0x1  }
0x15: {  	[smem:$0x3FB2] =	sst s0;
	s0 =	simm.s32 @!p2 $0x0  }
0x16: {  	s3 =	sld [smem:$0x3FDB];
	s0 =	simm.s32 @p2 $0x1  }
0x17: {  	s4 =	simm.s32 $0x1BF5;
	[smem:$0x3FB4] =	sst s0  }
0x18: {  	s0 =	sld [smem:$0x3F97];
	_ =	swait.ge [sflag:s4], $0x0  }
0x19: {  	s7 =	sld [smem:$0x3F98]  }
0x1a: {  	s8 =	sadd.s32 $0xFFFFE003, lr  }
0x1b: {  	s9 =	sadd.s32 $0xFFFFFEF7, lr;
	s5 =	simm.s32 $0xFFFFFFFF;
	p2 =	slt.u32 s8, $0xFFFFF086  }
0x1c: {  	p1 =	slt.u32 s9, $0xF7A;
	s5 =	simm.s32 @!p2 $0x0  }
0x1d: {  	s5 =	simm.s32 @p1 $0x1;
	p0 =	seq.s32 s7, s2  }
0x1e: {  	s7 =	smul.u32 @!p0 $0xF7A, s2;
	p2 =	seq.s32 @!p0 s5, $0x0  }
0x1f: {  	s9 =	smul.u32 $0xF7A, s1;
	s8 =	simm.s32 @!p0 $0x1BF5;
	p2 =	por !p2, p0  }
0x20: {  	[sflag:s8] =	ssyncset.s32 @!p0 $0xFFFFF086;
	s6 =	sadd.s32 @!p0 s3, s7;
	s7 =	simm.s32 @!p0 $0x108  }
0x21: {  	s3 =	sadd.s32 s3, s9;
	s6 =	sadd.s32 @!p0 $0x88, s6;
	s7 =	simm.s32 @p2 $0x1082  }
0x22: {  	[simem:s7], [sflag:s8] =	dma.local @!p0 [hbm:s6], $0xF7A  }
0x23: {  	s9 =	sor.u32 $0xD0000000, s2;
	s6 =	simm.s32 $0x108;
	_ =	swait.ge @!p0 [sflag:s8], $0x0  }
0x24: {  	s3 =	sadd.s32 $0x88, s3;
	s6 =	simm.s32 @!p1 $0x1082;
	[sflag:s4] =	ssyncset.s32 $0xFFFFF086  }
0x25: {  	[simem:s6], [sflag:s4] =	dma.local [hbm:s3], $0xF7A  }
0x26: {  	[smem:$0x3F98] =	sst s1;
	(tag) =	ssettag s2;
	_ =	strace s9  }
0x27: {  	s1 =	sld [smem:$0x3FA8]  }
0x28: {  	s2 =	sld [smem:$0x3FA9]  }
0x29: {  	s4 =	sld [smem:$0x3FAB]  }
0x2a: {  	p0 =	seq.s32 s5, $0x0;
	s5 =	sld [smem:$0x3FAC]  }
0x2b: {  	s6 =	sld [smem:$0x3FAD]  }
0x2c: {  	s7 =	sld [smem:$0x3FAE]  }
0x2d: {  	s3 =	simm.s32 $0x108;
	s8 =	sld [smem:$0x3FAF]  }
0x2e: {  	s3 =	simm.s32 @!p0 $0x1082;
	s9 =	sld [smem:$0x3FB0]  }
0x2f: {  	lr =	sadd.s32 s0, s3;
	s0 =	sld [smem:$0x3FA7]  }
0x30: {  	s3 =	sld [smem:$0x3FAA]  }
0x31: {  	[smem:$0x3FB3] =	sst s10  }
0x32: {  	s10 =	sld [smem:$0x3FB1];
	_ =	sdelay $0x3  }
0x33: {  	p0 =	seq.s32 s10, $0x1;
	s10 =	sld [smem:$0x3FB3];
	_ =	sdelay $0x3  }
0x34: {  	[smem:$0x3FB3] =	sst s10  }
0x35: {  	s10 =	sld [smem:$0x3FB2];
	_ =	sdelay $0x3  }
0x36: {  	p1 =	seq.s32 s10, $0x1;
	s10 =	sld [smem:$0x3FB3];
	_ =	sdelay $0x3  }
0x37: {  	[smem:$0x3FB3] =	sst s10  }
0x38: {  	s10 =	sld [smem:$0x3FB4]  }
0x39: {  	_ = 	snop;
	(pc) =	sbr.ind lr, $3  }
0x3a: {  	_ = 	snop  }
0x3b: {  	_ = 	snop  }
0x3c: {  	p2 =	seq.s32 s10, $0x1;
	s10 =	sld [smem:$0x3FB3]  }
0x3d: {  	_ =	shalt  }
0x3e: {  	_ =	shalt  }
0x3f: {  	_ =	shalt  }
0x40: {  	_ =	shalt  }
0x41: {  	_ =	shalt  }
0x42: {  	_ =	shalt  }
0x43: {  	_ =	shalt  }
0x44: {  	_ =	shalt  }
0x45: {  	_ =	shalt  }
0x46: {  	_ =	shalt  }
0x47: {  	_ =	shalt  }
0x48: {  	_ =	shalt  }
0x49: {  	_ =	shalt  }
0x4a: {  	_ =	shalt  }
0x4b: {  	_ =	shalt  }
0x4c: {  	_ =	shalt  }
0x4d: {  	_ =	shalt  }
0x4e: {  	_ =	shalt  }
0x4f: {  	_ =	shalt  }
0x50: {  	_ =	shalt  }
0x51: {  	_ =	shalt  }
0x52: {  	_ =	shalt  }
0x53: {  	_ =	shalt  }
0x54: {  	_ =	shalt  }
0x55: {  	_ =	shalt  }
0x56: {  	_ =	shalt  }
0x57: {  	_ =	shalt  }
0x58: {  	_ =	shalt  }
0x59: {  	_ =	shalt  }
0x5a: {  	_ =	shalt  }
0x5b: {  	_ =	shalt  }
0x5c: {  	_ =	shalt  }
0x5d: {  	_ =	shalt  }
0x5e: {  	_ =	shalt  }
0x5f: {  	_ =	shalt  }
0x60: {  	_ =	shalt  }
0x61: {  	_ =	shalt  }
0x62: {  	_ =	shalt  }
0x63: {  	_ =	shalt  }
0x64: {  	_ =	shalt  }
0x65: {  	_ =	shalt  }
0x66: {  	_ =	shalt  }
0x67: {  	_ =	shalt  }
0x68: {  	_ =	shalt  }
0x69: {  	_ =	shalt  }
0x6a: {  	_ =	shalt  }
0x6b: {  	_ =	shalt  }
0x6c: {  	_ =	shalt  }
0x6d: {  	_ =	shalt  }
0x6e: {  	_ =	shalt  }
0x6f: {  	_ =	shalt  }
0x70: {  	_ =	shalt  }
0x71: {  	_ =	shalt  }
0x72: {  	_ =	shalt  }
0x73: {  	_ =	shalt  }
0x74: {  	_ =	shalt  }
0x75: {  	_ =	shalt  }
0x76: {  	_ =	shalt  }
0x77: {  	_ =	shalt  }
0x78: {  	_ =	shalt  }
0x79: {  	_ =	shalt  }
0x7a: {  	_ =	shalt  }
0x7b: {  	_ =	shalt  }
0x7c: {  	_ =	shalt  }
0x7d: {  	_ =	shalt  }
0x7e: {  	_ =	shalt  }
0x7f: {  	_ =	shalt  }
0x80: {  	_ =	shalt  }
0x81: {  	_ =	shalt  }
0x82: {  	_ =	shalt  }
0x83: {  	_ =	shalt  }
0x84: {  	_ =	shalt  }
0x85: {  	_ =	shalt  }
0x86: {  	_ =	shalt  }
0x87: {  	_ =	shalt  }
.Lfunc_end0:
.L_simem_size_0:
called_computation_lowered:
.L_overlay_start_0:
0x88: {  	s2 =	sld [smem:$0x3FD9]  }
0x89: {  	s3 =	sld [smem:$0x3FFE];
	_ =	sdelay $0x1  }
0x8a: {  	s1 =	srdreg.scid  }
0x8b: {  	s0 =	sand.u32 $0x1, s1  }
0x8c: {  	s17 =	sshll.u32 s0, $0xA;
	s2 =	sadd.s32 s3, s2  }
0x8d: {  	s2 =	sadd.s32 s2, s17  }
0x8e: {  	[smem:$0x3FBF] =	sst s2  }
0x8f: {  	_ = 	snop  }
0x90: {  	s2 =	sld [smem:$0x3FD0];
	(tm) =	ssettm $0x1  }
0x91: {  	s18 =	sld [smem:$0x3FFB];
	_ =	sdelay $0x3  }
0x92: {  	_ =	strace s18  }
0x93: {  	s3 =	sld [smem:$0x3FFC];
	_ =	sdelay $0x3  }
0x94: {  	_ =	strace s3  }
0x95: {  	s3 =	sld [smem:$0x3FFD];
	_ =	sdelay $0x3  }
0x96: {  	_ =	strace s3  }
0x97: {  	_ =	strace $0x8FFFFFFF  }
0x98: {  	s19 =	sld [smem:$0x3FDB];
	_ =	sdelay $0x1  }
0x99: {  	s4 =	simm.s32 $_scs_section_size  }
0x9a: {  	s5 =	simm.s32 $_size__tile_overlayer_lowered;
	s6 =	simm.s32 $_tile_overlayer_lowered  }
0x9b: {  	s22 =	simm.s32 $0x1BFF;
	s21 =	sshll.u32 s6, $0x1;
	s3 =	sadd.s32 s4, s19  }
0x9c: {  	s7 =	simm.s32 $0x0;
	s20 =	sshll.u32 s5, $0x1;
	s5 =	sadd.s32 s21, s3  }
0x9d: {  	[timem:s7], [sflag:s22] =	dma.local [hbm:s5], s20  }
0x9e: {  	_ =	swait.ge [sflag:s22], s20  }
0x9f: {  	s4 =	ssub.s32 $0x0, s20;
	[sflag:s22] =	ssyncset.done $0x0  }
0xa0: {  	[sflag:s22] =	ssyncadd.s32 s4;
	_ =	sdelay $0x1  }
0xa1: {  	s23 =	simm.s32 $0x1B8B  }
0xa2: {  	_ =	swait.ge [sflag:s23], $0x1  }
0xa3: {  	[sflag:s23] =	ssyncset.done $0x0  }
0xa4: {  	s25 =	simm.s32 $0x1B8E;
	s24 =	sld [smem:$0x3FFE];
	[sflag:s23] =	ssyncadd.s32 $0xFFFFFFFF  }
0xa5: {  	s26 =	simm.s32 $execute0_lowered;
	[smem:$0x3FD2] =	sst s25  }
0xa6: {  	s5 =	sshll.u32 s26, $0x1;
	_ =	strace $0x80000046;
	[dreg:$0x1] =	wrdreg $0xFFFFFFFF  }
0xa7: {  	s28 =	simm.s32 $_size_execute0_lowered;
	s3 =	sadd.s32 s3, s5;
	[dreg:$0x0] =	wrdreg $0x0  }
0xa8: {  	s5 =	sshll.u32 s28, $0x1;
	[dreg:$0x2] =	wrdreg s3  }
0xa9: {  	[dreg:$0x3] =	wrdreg s5  }
0xaa: {  	[dreg:$0x4] =	wrdreg $0xC0  }
0xab: {  	_ =	task [dreg:s7], $0x5FFFF  }
0xac: {  	[dreg:$0x1] =	wrdreg $0xFFFFFFFF  }
0xad: {  	[dreg:$0x0] =	wrdreg $0x60  }
0xae: {  	[dreg:$0x2] =	wrdreg s24  }
0xaf: {  	[dreg:$0x3] =	wrdreg s2  }
0xb0: {  	[dreg:$0x4] =	wrdreg $0x9  }
0xb1: {  	_ =	task.clear_ibuf [dreg:s7], $0x5FFFF;
	_ =	strace $0x90000046  }
0xb2: {  	s29 =	simm.s32 $0x9;
	_ =	strace $0x80000048  }
0xb3: {  	_ =	swait.ge [sflag:s29], $0x1  }
0xb4: {  	[sflag:s29] =	ssyncadd.s32 $0xFFFFFFFF  }
0xb5: {  	_ =	strace $0x90000048  }
0xb6: {  	_ =	sfence  }
0xb7: {  	s30 =	sld [smem:$0x0];
	_ =	sdelay $0x2  }
0xb8: {  	s31 =	sshll.u32 s1, $0xD;
	s1 =	sshrl.u32 s1, $0x2  }
0xb9: {  	s3 =	sand.u32 $0x4000, s31;
	s1 =	sadd.s32 s1, s30  }
0xba: {  	s0 =	sor.u32 s3, s0;
	s1 =	sshll.u32 s1, $0x11  }
0xbb: {  	s0 =	sor.u32 s1, s0  }
0xbc: {  	s0 =	sadd.s32 $0x8F2B, s0  }
0xbd: {  	[sflag:s0] =	ssyncadd.remote.s32 $0x1  }
0xbe: {  	_ =	sfence.sel $0xFFFF  }
0xbf: {  	[dreg:$0x0] =	wrdreg $0xFFFFFFFF;
	(pc) =	sbr.abs _section_cstart, $3  }
0xc0: {  	[dreg:$0x1] =	wrdreg $0xFFFFFFFF  }
0xc1: {  	_ =	task.clear_ibuf [dreg:s7], $0x2FFFF;
	_ =	strace $0x9FFFFFFF  }
0xc2: {  	(tm) =	ssettm $0x7FFFFFFF  }
0xc3: {  	_ =	shalt  }
tec
execute0_lowered:
.L_overlay_start_1:
0x0: {  	(tag) =	ssettag $0x1  }
0x1: {  	s1 =	stileid.u32  }
0x2: {  	p0 =	sgt.u32 s1, $0x7  }
.Ltmp0:
0x3: {  	_ = 	snop;
	(pc) =	sbr.rel @p0 .LBB2_23-.Ltmp0, $4  }
0x4: {  	s4 =	rddreg [dreg:$0x0]  }
0x5: {  	s2 =	rddreg [dreg:$0x1];
	s3 =	simm.s32 $0x0  }
0x6: {  	[smem:$0x7FF] =	sst s3  }
0x7: {  	s0 =	rddreg [dreg:$0x2];
	_ =	strace $0x80000047  }
0x8: {  	s5 =	srdreg.scid  }
0x9: {  	s6 =	sshll.u32 s1, $0x1;
	s5 =	sand.u32 $0x1, s5  }
0xa: {  	s11 =	sor.u32 s5, s6;
	s7 =	ssub.s32 $0x2, s5  }
0xb: {  	s6 =	sshll.u32 s11, $0x4;
	s31 =	sshrl.u32 s7, $0x1;
	p0 =	seq.s32 s11, $0xF  }
0xc: {  	s30 =	sadd.s32 s6, s4;
	s6 =	ssub.s32 s7, s31;
	s7 =	simm.s32 @!p0 $0x0  }
0xd: {  	s7 =	simm.s32 @p0 $0x1;
	p0 =	seq.s32 s11, $0xE  }
0xe: {  	[smem:$0x7F2] =	sst s7;
	s7 =	simm.s32 @!p0 $0x0  }
0xf: {  	s7 =	simm.s32 @p0 $0x1;
	p0 =	seq.s32 s11, $0xD  }
0x10: {  	[smem:$0x7F3] =	sst s7;
	s7 =	simm.s32 @!p0 $0x0  }
0x11: {  	s7 =	simm.s32 @p0 $0x1;
	p0 =	seq.s32 s11, $0xC  }
0x12: {  	[smem:$0x7F4] =	sst s7;
	s7 =	simm.s32 @!p0 $0x0  }
0x13: {  	s7 =	simm.s32 @p0 $0x1;
	p0 =	seq.s32 s11, $0xB  }
0x14: {  	[smem:$0x7F5] =	sst s7;
	s7 =	simm.s32 @!p0 $0x0  }
0x15: {  	s7 =	simm.s32 @p0 $0x1;
	p0 =	seq.s32 s11, $0xA  }
0x16: {  	[smem:$0x7F6] =	sst s7;
	s7 =	simm.s32 @!p0 $0x0  }
0x17: {  	s7 =	simm.s32 @p0 $0x1;
	p0 =	seq.s32 s11, $0x9  }
0x18: {  	[smem:$0x7F7] =	sst s7;
	s7 =	simm.s32 @!p0 $0x0  }
0x19: {  	s7 =	simm.s32 @p0 $0x1;
	p0 =	seq.s32 s11, $0x8  }
0x1a: {  	s8 =	simm.s32 $0xC400;
	s12 =	simm.s32 @!p0 $0x0  }
0x1b: {  	s9 =	simm.s32 $0xC480;
	s12 =	simm.s32 @p0 $0x1;
	p0 =	seq.s32 s11, $0x7  }
0x1c: {  	s10 =	simm.s32 $0x0;
	[smem:$0x7F9] =	sst s12;
	s12 =	simm.s32 @!p0 $0x0  }
0x1d: {  	p5 =	seq.s32 s11, $0x3;
	s12 =	simm.s32 @p0 $0x1;
	p0 =	seq.s32 s11, $0x6  }
0x1e: {  	p6 =	seq.s32 s11, $0x2;
	[smem:$0x7FA] =	sst s12;
	s12 =	simm.s32 @!p0 $0x0  }
0x1f: {  	p1 =	seq.s32 s11, $0x0;
	s12 =	simm.s32 @p0 $0x1;
	p0 =	seq.s32 s11, $0x5  }
.Ltmp1:
0x20: {  	[smem:$0x7FB] =	sst s12;
	s12 =	simm.s32 @!p0 $0x0;
	(pc) =	sbr.rel .LBB2_2-.Ltmp1, $4  }
0x21: {  	s4 =	sadd.s32 $0x1000, s4;
	s12 =	simm.s32 @p0 $0x1;
	p0 =	seq.s32 s11, $0x4  }
0x22: {  	s5 =	sadd.s32 $0x2A00, s30;
	[smem:$0x7FC] =	sst s12;
	s12 =	simm.s32 @!p0 $0x0  }
0x23: {  	s6 =	smax.u32 s6, $0x1;
	[smem:$0x7F8] =	sst s7;
	s12 =	simm.s32 @p0 $0x1  }
0x24: {  	v0 =	vlaneseq.u32;
	v1 =	vimm.s32 $0x0;
	s7 =	simm.s32 $0x1;
	p0 =	seq.s32 s11, $0x1;
	[smem:$0x7FD] =	sst s12  }
.LBB2_17:
0x25: {  	s12 =	simm.s32 $0x0  }
.LBB2_21:
0x26: {  	vm0 =	vge.s32 v2, v3  }
0x27: {  	v3 =	vmpcnt.ones.xlane vm0;
	_ =	sdelay $0x1  }
0x28: {  	(v2sf) =	vpush v3, $0x0;
	_ =	sdelay $0x1  }
0x29: {  	v3 =	vsel vm0, $0x1, v1  }
0x2a: {  	(xrf0) =	vadd.scan.msk.s32 $0xffff, v3  }
0x2b: {  	s12 =	sadd.s32 @p2 s12, s15  }
0x2c: {  	s11 =	smov.u32 @p2 s12  }
0x2d: {  	v3 =	vmov s11  }
0x2e: {  	v3 =	vadd.s32 $0xFFFFFFFF, v3  }
0x2f: {  	v3 =	vbroadcast v3, $0x0  }
0x30: {  	v4, _, _ =	vpop (xrf0)  }
0x31: {  	v3 =	vadd.s32 v4, v3;
	_ =	sdelay $0x4  }
0x32: {  	[tilespmem:v3+s9+$0x0] =	vst.idx.msk vm0, v2;
	s31 =	spop (v2sf)  }
.LBB2_22:
0x33: {  	s10 =	sadd.s32 $0x1, s10  }
0x34: {  	p2 =	sne.s32 s10, s6  }
.Ltmp2:
0x35: {  	_ = 	snop;
	(pc) =	sbr.rel @!p2 .LBB2_23-.Ltmp2, $4  }
0x36: {  	[hbm4b:s5+s3] =	stream.linear.scatter [tilespmem:s9], [sflag:$0x1], $0x80, $0x38;
	[tilespmem:$0x18900] =	vst v63  }
0x37: {  	_ =	swait.ge [sflag:s7], $0x80  }
0x38: {  	[sflag:s7] =	ssyncset.done $0x0  }
0x39: {  	[sflag:s7] =	ssyncadd.s32 $0xFFFFFF80  }
.LBB2_2:
0x3a: {  	[tilespmem:s3], [sflag:$0x1] =	stream.linear.gather [hbm4b:s4+s3], $0xC400, $0x38;
	[tilespmem:$0x18900] =	vst v63  }
0x3b: {  	_ =	swait.ge [sflag:s7], $0xC400  }
0x3c: {  	[sflag:s7] =	ssyncset.done $0x0  }
0x3d: {  	[sflag:s7] =	ssyncadd.s32 $0xFFFF3C00  }
0x3e: {  	[tilespmem:s8], [sflag:$0x1] =	stream.linear.gather [hbm4b:s2+s3], $0x80, $0x38;
	[tilespmem:$0x18900] =	vst v63  }
0x3f: {  	_ =	swait.ge [sflag:s7], $0x80  }
0x40: {  	[sflag:s7] =	ssyncset.done $0x0  }
0x41: {  	[sflag:s7] =	ssyncadd.s32 $0xFFFFFF80  }
0x42: {  	v2 =	vld [tilespmem:$0xC400];
	_ =	sdelay $0x4  }
0x43: {  	(xrf0) =	vadd.scan.msk.s32 $0xffff, v2;
	_ =	sdelay $0x5  }
0x44: {  	v3, _, _ =	vpop (xrf0)  }
0x45: {  	v2 =	vsub.s32 v3, v2  }
0x46: {  	(v2sf) =	vpush v2, $0x0  }
0x47: {  	(v2sf) =	vpush v3, $0x0  }
0x48: {  	(v2sf) =	vpush v2, $0x1  }
0x49: {  	(v2sf) =	vpush v3, $0x1  }
0x4a: {  	(v2sf) =	vpush v2, $0x2  }
0x4b: {  	(v2sf) =	vpush v3, $0x2  }
0x4c: {  	(v2sf) =	vpush v2, $0x3  }
0x4d: {  	(v2sf) =	vpush v3, $0x3  }
0x4e: {  	(v2sf) =	vpush v2, $0x4  }
0x4f: {  	(v2sf) =	vpush v3, $0x4  }
0x50: {  	(v2sf) =	vpush v2, $0x5  }
0x51: {  	(v2sf) =	vpush v3, $0x5  }
0x52: {  	(v2sf) =	vpush v2, $0x6  }
0x53: {  	(v2sf) =	vpush v3, $0x6  }
0x54: {  	(v2sf) =	vpush v2, $0x7  }
0x55: {  	s11 =	spop (v2sf);
	(v2sf) =	vpush v3, $0x7  }
0x56: {  	s12 =	spop (v2sf);
	(v2sf) =	vpush v2, $0x8  }
0x57: {  	s13 =	spop (v2sf);
	(v2sf) =	vpush v3, $0x8  }
0x58: {  	s14 =	spop (v2sf);
	(v2sf) =	vpush v2, $0x9  }
0x59: {  	s16 =	sld [smem:$0x7FD];
	s11 =	simm.s32 @!p1 $0x0;
	s15 =	spop (v2sf);
	(v2sf) =	vpush v3, $0x9  }
0x5a: {  	s12 =	simm.s32 @!p1 $0x0;
	s11 =	smov.u32 @p0 s13;
	s13 =	spop (v2sf);
	(v2sf) =	vpush v2, $0xA  }
0x5b: {  	s31 =	sld [smem:$0x7FC];
	s12 =	smov.u32 @p0 s14;
	s14 =	spop (v2sf);
	(v2sf) =	vpush v3, $0xA  }
0x5c: {  	s17 =	sld [smem:$0x7FB];
	s11 =	smov.u32 @p6 s15;
	s15 =	spop (v2sf);
	(v2sf) =	vpush v2, $0xB  }
0x5d: {  	s18 =	sld [smem:$0x7F9];
	s12 =	smov.u32 @p6 s13;
	s13 =	spop (v2sf);
	(v2sf) =	vpush v3, $0xB  }
0x5e: {  	s19 =	sld [smem:$0x7F8];
	s11 =	smov.u32 @p5 s14;
	s14 =	spop (v2sf);
	(v2sf) =	vpush v2, $0xC  }
0x5f: {  	p2 =	seq.s32 s16, $0x1;
	s12 =	smov.u32 @p5 s15;
	s15 =	spop (v2sf);
	(v2sf) =	vpush v3, $0xC  }
0x60: {  	s20 =	sld [smem:$0x7F7];
	s11 =	smov.u32 @p2 s13;
	s13 =	spop (v2sf);
	(v2sf) =	vpush v2, $0xD  }
0x61: {  	s12 =	smov.u32 @p2 s14;
	p2 =	seq.s32 s31, $0x1;
	s14 =	spop (v2sf);
	(v2sf) =	vpush v3, $0xD  }
0x62: {  	s11 =	smov.u32 @p2 s15;
	s12 =	smov.u32 @p2 s13;
	s15 =	spop (v2sf);
	(v2sf) =	vpush v2, $0xE  }
0x63: {  	p2 =	seq.s32 s17, $0x1;
	s17 =	sld [smem:$0x7FA];
	s13 =	spop (v2sf);
	(v2sf) =	vpush v3, $0xE  }
0x64: {  	s21 =	sld [smem:$0x7F6];
	s11 =	smov.u32 @p2 s14;
	s14 =	spop (v2sf);
	(v2sf) =	vpush v2, $0xF  }
0x65: {  	s22 =	sld [smem:$0x7F5];
	s16 =	spop (v2sf);
	(v2sf) =	vpush v3, $0xF  }
0x66: {  	s12 =	smov.u32 @p2 s15;
	p2 =	seq.s32 s17, $0x1;
	s15 =	spop (v2sf)  }
0x67: {  	s23 =	sld [smem:$0x7F4];
	s11 =	smov.u32 @p2 s13;
	s13 =	spop (v2sf)  }
0x68: {  	s12 =	smov.u32 @p2 s14;
	p2 =	seq.s32 s18, $0x1;
	s14 =	spop (v2sf)  }
0x69: {  	s24 =	sld [smem:$0x7F3];
	s11 =	smov.u32 @p2 s16;
	s16 =	spop (v2sf)  }
0x6a: {  	s12 =	smov.u32 @p2 s15;
	p2 =	seq.s32 s19, $0x1;
	s15 =	spop (v2sf)  }
0x6b: {  	s25 =	sld [smem:$0x7F2];
	s11 =	smov.u32 @p2 s13;
	s13 =	spop (v2sf)  }
0x6c: {  	s12 =	smov.u32 @p2 s14;
	p2 =	seq.s32 s20, $0x1;
	s14 =	spop (v2sf)  }
0x6d: {  	p3 =	seq.s32 s23, $0x1;
	s11 =	smov.u32 @p2 s16;
	s16 =	spop (v2sf)  }
0x6e: {  	s12 =	smov.u32 @p2 s15;
	p2 =	seq.s32 s21, $0x1;
	s15 =	spop (v2sf)  }
0x6f: {  	p4 =	seq.s32 s25, $0x1;
	s11 =	smov.u32 @p2 s13;
	s13 =	spop (v2sf)  }
0x70: {  	s12 =	smov.u32 @p2 s14;
	p2 =	seq.s32 s22, $0x1;
	s14 =	spop (v2sf)  }
0x71: {  	s11 =	smov.u32 @p2 s16;
	s12 =	smov.u32 @p2 s15;
	s16 =	spop (v2sf)  }
0x72: {  	p2 =	seq.s32 s24, $0x1;
	s11 =	smov.u32 @p3 s13;
	s15 =	spop (v2sf)  }
0x73: {  	s12 =	smov.u32 @p3 s14;
	s11 =	smov.u32 @p2 s16;
	s13 =	spop (v2sf)  }
0x74: {  	s12 =	smov.u32 @p2 s15;
	s11 =	smov.u32 @p4 s13;
	s14 =	spop (v2sf)  }
0x75: {  	s13 =	sand.u32 $0xF, s11;
	p2 =	slt.s32 s11, $0x1;
	s12 =	smov.u32 @p4 s14  }
0x76: {  	s26 =	sshra.s32 s11, $0x1F;
	s14 =	simm.s32 $0x1;
	p3 =	sne.s32 s13, $0x0  }
0x77: {  	s28 =	sadd.s32 $0xF, s12;
	s13 =	sshrl.u32 s26, $0x1C;
	p2 =	por !p2, !p3  }
0x78: {  	s29 =	sand.u32 $0xF, s28;
	s30 =	sshra.s32 s28, $0x1F;
	p4 =	slt.s32 s28, $0x1  }
0x79: {  	s13 =	sadd.s32 s13, s11;
	p2 =	por !p2, !p2;
	p3 =	sne.s32 s29, $0x0  }
0x7a: {  	s16 =	sshrl.u32 s30, $0x1C;
	s14 =	simm.s32 @!p2 $0x0;
	p2 =	por !p4, !p3  }
0x7b: {  	s15 =	sadd.s32 s16, s28;
	s16 =	simm.s32 $0x1;
	p2 =	por !p2, !p2  }
0x7c: {  	s13 =	sshra.s32 s13, $0x4;
	s15 =	sshra.s32 s15, $0x4;
	s16 =	simm.s32 @!p2 $0x0  }
0x7d: {  	s14 =	ssub.s32 s13, s14;
	s31 =	ssub.s32 s15, s16  }
0x7e: {  	s13 =	ssub.s32 s31, s14  }
0x7f: {  	p2 =	slt.s32 s13, $0x1  }
.Ltmp3:
0x80: {  	_ = 	snop;
	(pc) =	sbr.rel @p2 .LBB2_9-.Ltmp3, $1  }
0x81: {  	_ =	sdelay $0x3  }
0x82: {  	p4 =	sne.s32 s13, $0x1  }
.Ltmp4:
0x83: {  	_ = 	snop;
	(pc) =	sbr.rel @!p4 .LBB2_4-.Ltmp4, $4  }
0x84: {  	_ = 	snop  }
0x85: {  	s15 =	sshll.u32 s14, $0x6  }
0x86: {  	s17 =	sadd.s32 $0xFFFFFFFF, s13;
	s16 =	sshra.s32 s15, $0x2  }
0x87: {  	v2 =	vmov s11;
	v3 =	vmov s12;
	p3 =	por $0x0, $0x0;
	s15 =	sshll.u32 s14, $0x4;
	s14 =	simm.s32 $0xC500;
	v4 =	vld [tilespmem:s16+$0x0]  }
0x88: {  	_ = 	snop  }
0x89: {  	v5 =	vor.u32 s15, v0;
	p4 =	sne.s32 s17, $0x1  }
.Ltmp5:
0x8a: {  	vm0 =	vge.s32 v5, v2;
	vm1 =	vlt.s32 v5, v3;
	(pc) =	sbr.rel @!p4 .LBB2_6-.Ltmp5, $4  }
0x8b: {  	vm0 =	vmand vm0, vm1  }
0x8c: {  	v4 =	vnsel vm0, $0xFFFFFFFF, v4  }
0x8d: {  	s18 =	sadd.s32 $0x10, s16;
	s19 =	sadd.s32 $0xFFFFFFFF, s17;
	[tilespmem:s14+$0x0] =	vst v4  }
0x8e: {  	p3 =	por $0x1, $0x1;
	s17 =	smov.u32 s15;
	s16 =	simm.s32 $0xC500;
	v4 =	vld [tilespmem:s18+$0x0]  }
.LBB2_7:
0x8f: {  	p4 =	sne.s32 s19, $0x1;
	s17 =	sadd.s32 $0x10, s17  }
0x90: {  	v5 =	vor.u32 s17, v0  }
.Ltmp6:
0x91: {  	vm0 =	vge.s32 v5, v2;
	vm1 =	vlt.s32 v5, v3;
	(pc) =	sbr.rel @p4 .LBB2_7-.Ltmp6, $4  }
0x92: {  	vm0 =	vmand vm0, vm1  }
0x93: {  	s16 =	sadd.s32 $0x10, s16;
	v4 =	vnsel vm0, $0xFFFFFFFF, v4  }
0x94: {  	s18 =	sadd.s32 $0x10, s18;
	[tilespmem:s16+$0x0] =	vst v4  }
0x95: {  	s19 =	sadd.s32 $0xFFFFFFFF, s19;
	v4 =	vld [tilespmem:s18+$0x0]  }
.LBB2_8:
0x96: {  	s17 =	sadd.s32 @p3 $0x10, s17  }
0x97: {  	s15 =	smov.u32 @p3 s17  }
0x98: {  	v5 =	vor.u32 s15, v0  }
0x99: {  	vm0 =	vge.s32 v5, v2;
	vm1 =	vlt.s32 v5, v3  }
0x9a: {  	s15 =	sadd.s32 @p3 $0x10, s16;
	vm0 =	vmand vm0, vm1  }
0x9b: {  	s14 =	smov.u32 @p3 s15;
	v2 =	vnsel vm0, $0xFFFFFFFF, v4  }
0x9c: {  	[tilespmem:s14+$0x0] =	vst v2  }
.LBB2_9:
.Ltmp7:
0x9d: {  	(pc) =	sbr.rel .LBB2_10-.Ltmp7, $3  }
0x9e: {  	_ =	sdelay $0x1  }
0x9f: {  	s12 =	ssub.s32 s12, s11  }
0xa0: {  	s11 =	simm.s32 $0x0;
	s15 =	simm.s32 $0x7FFFFFFF;
	s14 =	simm.s32 $0x0  }
.LBB2_13:
0xa1: {  	v3 =	vmpcnt.ones.xlane vm0;
	_ =	sdelay $0x1  }
0xa2: {  	v2 =	vadd.s32 v2, v3  }
.LBB2_14:
0xa3: {  	(v2sf) =	vpush v2, $0x0;
	_ =	sdelay $0xb  }
0xa4: {  	s14 =	sadd.s32 $0x1, s14  }
0xa5: {  	p4 =	sne.s32 s14, $0x1F  }
.Ltmp8:
0xa6: {  	_ = 	snop;
	(pc) =	sbr.rel @!p4 .LBB2_15-.Ltmp8, $4  }
0xa7: {  	s17 =	spop (v2sf)  }
0xa8: {  	p3 =	sgt.s32 s17, $0x7F;
	s17 =	sadd.s32 $0xFFFFFFFF, s16  }
0xa9: {  	s17 =	smov.u32 @p3 s15  }
0xaa: {  	s11 =	smov.u32 @p3 s16;
	s15 =	smov.u32 s17  }
.LBB2_10:
0xab: {  	s16 =	ssub.s32 s15, s11;
	p3 =	sne.s32 s15, s11;
	s17 =	simm.s32 $0x1  }
0xac: {  	s18 =	sshra.s32 s16, $0x1F;
	s17 =	simm.s32 @!p3 $0x0;
	s19 =	sshrl.u32 s16, $0x1F  }
0xad: {  	s31 =	sand.u32 $0x1, s16;
	s17 =	sor.u32 s17, s18;
	s16 =	sadd.s32 s19, s16  }
.Ltmp9:
0xae: {  	p4 =	seq.s32 s31, $0x1;
	p3 =	sne.s32 s17, $0x1;
	(pc) =	sbr.rel @p2 .LBB2_14-.Ltmp9, $4  }
0xaf: {  	s16 =	sshra.s32 s16, $0x1;
	p3 =	por !p3, !p4  }
0xb0: {  	s17 =	simm.s32 $0x1;
	s16 =	sadd.s32 s11, s16;
	p3 =	por !p3, !p3  }
0xb1: {  	s16 =	sadd.s32 s31, s16;
	s17 =	simm.s32 @!p3 $0x0  }
0xb2: {  	v2 =	vimm.s32 $0x0;
	s16 =	ssub.s32 s16, s17  }
0xb3: {  	s17 =	simm.s32 $0xC500  }
0xb4: {  	p3 =	sne.s32 s13, $0x1;
	v4 =	vld [tilespmem:s17+$0x0]  }
.Ltmp10:
0xb5: {  	_ = 	snop;
	(pc) =	sbr.rel @!p3 .LBB2_13-.Ltmp10, $3  }
0xb6: {  	_ =	sdelay $0x1  }
0xb7: {  	v3 =	vmov s16  }
0xb8: {  	s18 =	simm.s32 $0xC510;
	s17 =	sadd.s32 $0xFFFFFFFF, s13;
	vm0 =	vge.s32 v4, v3  }
.LBB2_12:
0xb9: {  	v4 =	vld [tilespmem:s18+$0x0];
	p3 =	sne.s32 s17, $0x1;
	s17 =	sadd.s32 $0xFFFFFFFF, s17;
	v5 =	vmpcnt.ones.xlane vm0  }
.Ltmp11:
0xba: {  	(pc) =	sbr.rel @p3 .LBB2_12-.Ltmp11, $2  }
0xbb: {  	v2 =	vadd.s32 v2, v5;
	_ =	sdelay $0x2  }
0xbc: {  	s18 =	sadd.s32 $0x10, s18;
	vm0 =	vge.s32 v4, v3  }
.Ltmp12:
0xbd: {  	_ = 	snop;
	(pc) =	sbr.rel .LBB2_13-.Ltmp12, $1  }
0xbe: {  	_ =	sdelay $0x3  }
.LBB2_15:
0xbf: {  	p3 =	slt.s32 s12, $0x80;
	s12 =	smov.u32 s11  }
0xc0: {  	s12 =	simm.s32 @p3 $0xFF800000  }
0xc1: {  	v2 =	vmov s12  }
0xc2: {  	v2 =	vbroadcast v2, $0x0;
	_ =	sdelay $0x1  }
0xc3: {  	[tilespmem:$0xC480] =	vst v2  }
0xc4: {  	[tilespmem:$0xC490] =	vst v2  }
0xc5: {  	[tilespmem:$0xC4A0] =	vst v2  }
.Ltmp13:
0xc6: {  	[tilespmem:$0xC4B0] =	vst v2;
	(pc) =	sbr.rel @p2 .LBB2_22-.Ltmp13, $4  }
0xc7: {  	[tilespmem:$0xC4C0] =	vst v2  }
0xc8: {  	[tilespmem:$0xC4D0] =	vst v2  }
0xc9: {  	[tilespmem:$0xC4E0] =	vst v2  }
0xca: {  	[tilespmem:$0xC4F0] =	vst v2  }
0xcb: {  	s11 =	sadd.s32 $0x1, s11  }
0xcc: {  	s14 =	simm.s32 $0xC500;
	s11 =	simm.s32 @p3 $0x0;
	p3 =	sne.s32 s13, $0x1  }
.Ltmp14:
0xcd: {  	v2 =	vld [tilespmem:s14+$0x0];
	(pc) =	sbr.rel @!p3 .LBB2_17-.Ltmp14, $2  }
0xce: {  	_ =	sdelay $0x2  }
0xcf: {  	s12 =	sadd.s32 $0xFFFFFFFF, s13;
	p2 =	por $0x0, $0x0;
	v3 =	vmov s11;
	s11 =	simm.s32 $0x0  }
0xd0: {  	vm0 =	vge.s32 v2, v3  }
0xd1: {  	v4 =	vmpcnt.ones.xlane vm0;
	_ =	sdelay $0x1  }
0xd2: {  	(v2sf) =	vpush v4, $0x0;
	v4 =	vsel vm0, $0x1, v1  }
0xd3: {  	(xrf0) =	vadd.scan.msk.s32 $0xffff, v4;
	_ =	sdelay $0x2  }
0xd4: {  	v4 =	vmov s11  }
0xd5: {  	v4 =	vadd.s32 $0xFFFFFFFF, v4  }
0xd6: {  	v4 =	vbroadcast v4, $0x0  }
0xd7: {  	v5, _, _ =	vpop (xrf0)  }
0xd8: {  	v4 =	vadd.s32 v5, v4;
	_ =	sdelay $0x4  }
0xd9: {  	p3 =	sne.s32 s12, $0x1;
	s14 =	simm.s32 $0xC510;
	[tilespmem:v4+s9+$0x0] =	vst.idx.msk vm0, v2  }
.Ltmp15:
0xda: {  	v2 =	vld [tilespmem:s14+$0x0];
	(pc) =	sbr.rel @!p3 .LBB2_19-.Ltmp15, $3  }
0xdb: {  	_ =	sdelay $0x1  }
0xdc: {  	s13 =	sadd.s32 $0xFFFFFFFF, s12  }
0xdd: {  	p2 =	por $0x1, $0x1;
	s12 =	simm.s32 $0x0;
	s15 =	spop (v2sf)  }
.LBB2_20:
0xde: {  	p3 =	sne.s32 s13, $0x1;
	s13 =	sadd.s32 $0xFFFFFFFF, s13;
	s12 =	sadd.s32 s12, s15  }
0xdf: {  	vm0 =	vge.s32 v2, v3;
	v4 =	vmov s12  }
0xe0: {  	v5 =	vsel vm0, $0x1, v1;
	v6 =	vmpcnt.ones.xlane vm0;
	v4 =	vadd.s32 $0xFFFFFFFF, v4  }
0xe1: {  	(xrf0) =	vadd.scan.msk.s32 $0xffff, v5  }
0xe2: {  	(v2sf) =	vpush v6, $0x0;
	_ =	sdelay $0x3  }
0xe3: {  	v4 =	vbroadcast v4, $0x0  }
0xe4: {  	v5, _, _ =	vpop (xrf0)  }
0xe5: {  	v4 =	vadd.s32 v5, v4;
	_ =	sdelay $0x4  }
.Ltmp16:
0xe6: {  	s14 =	sadd.s32 $0x10, s14;
	[tilespmem:v4+s9+$0x0] =	vst.idx.msk vm0, v2;
	(pc) =	sbr.rel @p3 .LBB2_20-.Ltmp16, $2  }
0xe7: {  	v2 =	vld [tilespmem:s14+$0x0];
	_ =	sdelay $0x2  }
0xe8: {  	s15 =	spop (v2sf)  }
.Ltmp17:
0xe9: {  	_ = 	snop;
	(pc) =	sbr.rel .LBB2_21-.Ltmp17, $1  }
0xea: {  	_ =	sdelay $0x3  }
.LBB2_4:
.Ltmp18:
0xeb: {  	(pc) =	sbr.rel .LBB2_8-.Ltmp18, $2  }
0xec: {  	_ =	sdelay $0x2  }
0xed: {  	s17 =	smov.u32 s15;
	s16 =	simm.s32 $0xC500  }
.LBB2_6:
.Ltmp19:
0xee: {  	(pc) =	sbr.rel .LBB2_8-.Ltmp19, $2  }
0xef: {  	_ =	sdelay $0x2  }
0xf0: {  	s17 =	smov.u32 s15;
	s16 =	simm.s32 $0xC500  }
.LBB2_19:
.Ltmp20:
0xf1: {  	(pc) =	sbr.rel .LBB2_21-.Ltmp20, $2  }
0xf2: {  	_ =	sdelay $0x2  }
0xf3: {  	s12 =	simm.s32 $0x0  }
.LBB2_23:
0xf4: {  	_ =	sfence.sel $0x180000  }
0xf5: {  	[bflag:$0x0] =	sbarrier.arrive $0xFFFF  }
0xf6: {  	p0 =	sne.s32 s1, $0x0;
	_ =	strace $0x90000047  }
0xf7: {  	s0 =	sadd.s32 @!p0 $0x100000, s0;
	[bflag:$0x2] =	sbarrier.arrive $0xFFFF  }
0xf8: {  	[sflag:s0] =	ssyncadd.tile.s32 @!p0 $0x1;
	_ =	shalt  }
.Lfunc_end2:
_tile_overlayer_lowered:
.L_overlay_start_2:
0xf9: {  	(tag) =	ssettag $0x2  }
0xfa: {  	s0 =	rddreg [dreg:$0x0];
	s2 =	stileid.u32  }
0xfb: {  	s1 =	rddreg [dreg:$0x1];
	p0 =	sne.s32 s2, $0x0  }
0xfc: {  	s3 =	rddreg [dreg:$0x2];
	[bflag:$0x3] =	sbarrier.arrive $0xFFFF;
	s2 =	simm.s32 @!p0 $0x1C01  }
0xfd: {  	[timem:s3], [sflag:s2] =	dma.local @!p0 [hbm:s0], s1  }
0xfe: {  	s0 =	simm.s32 @!p0 $0x1  }
0xff: {  	_ =	swait.ge @!p0 [sflag:s0], s1  }
0x100: {  	s1 =	ssub.s32 @!p0 $0x0, s1;
	[sflag:s0] =	ssyncset.done @!p0 $0x0  }
0x101: {  	[sflag:s0] =	ssyncadd.s32 @!p0 s1  }
0x102: {  	[bflag:$0x3] =	sbarrier.arrive $0xFFFF  }
0x103: {  	_ =	shalt  }

</sc_bundles>
